<compile_context>
chip_gen: v7x
topology: tpu7x:2x2x1
jax: 0.10.2.dev20260603
libtpu: 0.0.44.dev20260713+nightly
codegen_flags: <defaults>
</compile_context>

<pallas_src>
import jax
import jax.numpy as jnp
from jax import lax
from jax.experimental import pallas as pl
from jax.experimental.pallas import tpu as pltpu
from jax.experimental.pallas import tpu_sc as plsc

NQ = 50000
NSK = 1000
E = 100
EP = 128
QN = 4
SN = 8
B = 256
S = 50
NBS = B * S

NC = 2
NSUB = 16
NW = NC * NSUB
ROWS_W = NBS // NW
N_SFLAT = NSK * SN
N_SPAD = 8192
SROWS_W = N_SPAD // NW

_HP = jax.lax.Precision.HIGHEST


def _dot(a, b):
    return jnp.dot(a, b, precision=_HP, preferred_element_type=jnp.float32)


def _pad_mat(w, rows, cols):
    return jnp.zeros((rows, cols), jnp.float32).at[: w.shape[0], : w.shape[1]].set(w)


def _pack_gate_mat(w_t):
    in_dim = w_t.shape[0]
    w4 = w_t.reshape(in_dim, 4, E)
    return jnp.pad(w4, ((0, 0), (0, 0), (0, EP - E))).reshape(in_dim, 4 * EP)


def _sc1_body(qnf_h, diff_h, embq_h, embs_h, qflat_h, sflat_h,
              gq_h, g1_h, sk_h, idxcol_h, diffg_h,
              qidx_v, base_v, col_v, ncol_v, dval_v, rows_v, rows2_v,
              sidx_v, semq, semg, semd, semn):
    wid = lax.axis_index("s") * NC + lax.axis_index("c")
    b4 = wid * ROWS_W
    b2 = wid * SROWS_W

    pltpu.sync_copy(qflat_h.at[pl.ds(b4, ROWS_W)], qidx_v)
    pltpu.sync_copy(sflat_h.at[pl.ds(b2, SROWS_W)], sidx_v)

    cp_gq = pltpu.async_copy(embq_h.at[qidx_v], rows_v, semq)
    cp_df = pltpu.async_copy(diff_h.at[qidx_v], dval_v, semd)

    for j in range(ROWS_W // 16):
        sl = pl.ds(j * 16, 16)
        base_v[sl] = qidx_v[sl] * QN

    for n in range(QN):
        for j in range(ROWS_W // 16):
            sl = pl.ds(j * 16, 16)
            col_v[pl.ds(n * ROWS_W + j * 16, 16)] = base_v[sl] + n
    cpn = [pltpu.async_copy(
        qnf_h.at[col_v.at[pl.ds(n * ROWS_W, ROWS_W)]],
        ncol_v.at[pl.ds(n * ROWS_W, ROWS_W)], semn) for n in range(QN)]
    for n in range(QN):
        cpn[n].wait()
        pltpu.sync_copy(ncol_v.at[pl.ds(n * ROWS_W, ROWS_W)],
                        idxcol_h.at[pl.ds(n * NBS + b4, ROWS_W)])
    tasks = [(n, h) for n in range(QN) for h in range(2)]
    cps = [None] * len(tasks)

    def _fire_sk(k):
        n, h = tasks[k]
        return pltpu.async_copy(
            embs_h.at[ncol_v.at[pl.ds(n * ROWS_W + h * HB, HB)]],
            rows2_v.at[pl.ds((k % 2) * HB, HB)], semn)

    for k in range(2):
        cps[k] = _fire_sk(k)
    for k in range(len(tasks)):
        n, h = tasks[k]
        cps[k].wait()
        pltpu.sync_copy(rows2_v.at[pl.ds((k % 2) * HB, HB)],
                        sk_h.at[n, pl.ds(b4 + h * HB, HB)])
        if k + 2 < len(tasks):
            cps[k + 2] = _fire_sk(k + 2)

    cp_g1 = pltpu.async_copy(embq_h.at[sidx_v],
                             rows2_v.at[pl.ds(0, SROWS_W)], semg)
    cp_df.wait()
    pltpu.sync_copy(dval_v, diffg_h.at[pl.ds(b4, ROWS_W)])
    cp_gq.wait()
    pltpu.sync_copy(rows_v, gq_h.at[pl.ds(b4, ROWS_W)])
    cp_g1.wait()
    pltpu.sync_copy(rows2_v.at[pl.ds(0, SROWS_W)], g1_h.at[pl.ds(b2, SROWS_W)])


HB = ROWS_W // 2


def _sc2_body(t1_h, idxcol_h, t1g_h, idx_v, rows_v, sems):
    wid = lax.axis_index("s") * NC + lax.axis_index("c")
    b4 = wid * ROWS_W
    for n in range(QN):
        pltpu.sync_copy(idxcol_h.at[pl.ds(n * NBS + b4, ROWS_W)],
                        idx_v.at[pl.ds(n * ROWS_W, ROWS_W)])
    tasks = [(n, h) for n in range(QN) for h in range(2)]
    cps = [None] * len(tasks)

    def _fire(k):
        n, h = tasks[k]
        return pltpu.async_copy(
            t1_h.at[idx_v.at[pl.ds(n * ROWS_W + h * HB, HB)]],
            rows_v.at[k % 2], sems.at[k % 2])

    for k in range(2):
        cps[k] = _fire(k)
    for k in range(len(tasks)):
        n, h = tasks[k]
        cps[k].wait()
        pltpu.sync_copy(rows_v.at[k % 2],
                        t1g_h.at[n, pl.ds(b4 + h * HB, HB)])
        if k + 2 < len(tasks):
            cps[k + 2] = _fire(k + 2)


def _sc_mesh():
    return plsc.VectorSubcoreMesh(core_axis_name="c", subcore_axis_name="s",
                                  num_cores=NC, num_subcores=NSUB)


def _run_sc1(qnf, diffv, emb_q, emb_s, q_flat, s_flat):
    return pl.kernel(
        _sc1_body,
        out_type=[
            jax.ShapeDtypeStruct((NBS, EP), jnp.float32),
            jax.ShapeDtypeStruct((N_SPAD, EP), jnp.float32),
            jax.ShapeDtypeStruct((QN, NBS, EP), jnp.float32),
            jax.ShapeDtypeStruct((QN * NBS,), jnp.int32),
            jax.ShapeDtypeStruct((NBS,), jnp.float32),
        ],
        mesh=_sc_mesh(),
        scratch_types=[
            pltpu.VMEM((ROWS_W,), jnp.int32),
            pltpu.VMEM((ROWS_W,), jnp.int32),
            pltpu.VMEM((QN * ROWS_W,), jnp.int32),
            pltpu.VMEM((QN * ROWS_W,), jnp.int32),
            pltpu.VMEM((ROWS_W,), jnp.float32),
            pltpu.VMEM((ROWS_W, EP), jnp.float32),
            pltpu.VMEM((ROWS_W, EP), jnp.float32),
            pltpu.VMEM((SROWS_W,), jnp.int32),
            pltpu.SemaphoreType.DMA,
            pltpu.SemaphoreType.DMA,
            pltpu.SemaphoreType.DMA,
            pltpu.SemaphoreType.DMA,
        ],
    )(qnf, diffv, emb_q, emb_s, q_flat, s_flat)


def _run_sc2(t1, idxcol):
    return pl.kernel(
        _sc2_body,
        out_type=jax.ShapeDtypeStruct((QN, NBS, EP), jnp.float32),
        mesh=_sc_mesh(),
        scratch_types=[
            pltpu.VMEM((QN * ROWS_W,), jnp.int32),
            pltpu.VMEM((2, HB, EP), jnp.float32),
            pltpu.SemaphoreType.DMA((2,)),
        ],
    )(t1, idxcol)


PADBLK = 2000


def _pad_body(x_ref, o_ref):
    o_ref[:, 0:E] = x_ref[...]
    o_ref[:, E:EP] = jnp.zeros((PADBLK, EP - E), jnp.float32)


def _tc1_body(g1_ref, embs_ref, w1_ref, b1_ref, out_ref):
    m = jnp.mean(g1_ref[...], axis=1)
    out_ref[...] = jnp.tanh(_dot(embs_ref[...] + m, w1_ref[...]) + b1_ref[...])


def _tc2_body(gq_ref, t1g_ref, sk_ref, resp_ref, embr_ref,
              w0_ref, b0_ref, wl_ref, bl_ref,
              wia_ref, wir_ref, bi_ref, wqe_ref, bqt_ref, w1c_ref, bws_ref,
              gx_ref, qp_ref, aq_ref):
    gq = gq_ref[0]
    t1m = (t1g_ref[0, 0] + t1g_ref[1, 0] + t1g_ref[2, 0] + t1g_ref[3, 0]) * 0.25
    h0 = jnp.tanh(_dot(gq + t1m, w0_ref[...]) + b0_ref[...])
    a = jnp.tanh(_dot(h0, wl_ref[...]) + bl_ref[...])
    r = resp_ref[0]
    remb = embr_ref[0:1, :] * (1.0 - r) + embr_ref[1:2, :] * r
    gx_ref[0] = _dot(a, wia_ref[...]) + _dot(remb, wir_ref[...]) + bi_ref[...]
    bws = bws_ref[0, 0]
    qts = [jnp.transpose(a)] + [jnp.transpose(sk_ref[n, 0]) for n in range(QN)]
    qcat = jnp.concatenate(qts, axis=1)
    qp_all = _dot(wqe_ref[...], qcat) + bqt_ref[...]
    for n in range(QN + 1):
        qp_ref[0, n] = qp_all[:, n * B:(n + 1) * B]
        aq_ref[0, n] = jnp.sum(qts[n] * w1c_ref[...], axis=0) + bws


CH = 8
SPAD = 56


def _tc3_body(gx_ref, qp_ref, aq_ref, diff_ref,
              whh_ref, wke_ref, bkt_ref, w2c_ref,
              y_ref, h1_ref, h2_ref, k_ref, c_ref, lg_ref):
    t = pl.program_id(0)

    @pl.when(t == 0)
    def _init():
        h1_ref[...] = jnp.zeros((B, EP), jnp.float32)
        h2_ref[...] = jnp.zeros((B, EP), jnp.float32)
        y_ref[0:1, :] = jnp.zeros((1, B), jnp.float32)

    gates = gx_ref[0] + _dot(h1_ref[...], whh_ref[...])
    i_g = jax.nn.sigmoid(gates[:, 0:EP])
    f_g = jax.nn.sigmoid(gates[:, EP:2 * EP])
    g_g = jnp.tanh(gates[:, 2 * EP:3 * EP])
    o_g = jax.nn.sigmoid(gates[:, 3 * EP:4 * EP])
    cel = f_g * h2_ref[...] + i_g * g_g
    h2_ref[...] = cel
    h1n = o_g * jnp.tanh(cel)
    h1_ref[...] = h1n

    h1n_t = jnp.transpose(h1n)
    kv_t = _dot(wke_ref[...], h1n_t) + bkt_ref[...]
    k_ref[pl.ds(t, 1)] = kv_t[None]
    c_ref[pl.ds(t, 1), :] = jnp.sum(h1n_t * w2c_ref[...], axis=0)[None]

    qvals = [qp_ref[0, q] for q in range(QN + 1)]

    for c in range(SPAD // CH):
        @pl.when(c * CH <= t)
        def _chunk(c=c):
            kc = k_ref[c * CH:(c + 1) * CH]
            for q in range(QN + 1):
                lg_ref[q, c * CH:(c + 1) * CH, :] = jnp.sum(
                    kc * qvals[q][None], axis=1)

    mask2 = lax.broadcasted_iota(jnp.int32, (SPAD, B), 0) <= t
    cm = jnp.where(mask2, c_ref[...], 0.0)
    logits = jnp.where(mask2[None], lg_ref[...], -1e30)
    mx = jnp.max(logits, axis=(0, 1), keepdims=True)
    el = jnp.exp(logits - mx)
    att = el / jnp.sum(el, axis=(0, 1), keepdims=True)
    pm = jax.nn.sigmoid(aq_ref[0][:, None, :] + cm[None, :, :]
                        + diff_ref[0][None, :, :])
    y = jnp.sum(att * pm, axis=(0, 1))
    y_ref[pl.ds(t + 1, 1), :] = y[None]


def kernel(question, response, mask, q_neighbors, s_neighbors, params):
    del mask
    q_flat = question.T.reshape(-1).astype(jnp.int32)
    respf = response.T.astype(jnp.float32).reshape(S, B, 1)
    s_flat = jnp.concatenate(
        [s_neighbors.reshape(-1).astype(jnp.int32),
         jnp.zeros((N_SPAD - N_SFLAT,), jnp.int32)])
    qnf = q_neighbors.reshape(-1).astype(jnp.int32)
    diffv = params['diff_bias'].reshape(-1)
    emb_qp = pl.pallas_call(
        _pad_body,
        grid=(NQ // PADBLK,),
        in_specs=[pl.BlockSpec((PADBLK, E), lambda i: (i, 0))],
        out_specs=pl.BlockSpec((PADBLK, EP), lambda i: (i, 0)),
        out_shape=jax.ShapeDtypeStruct((NQ, EP), jnp.float32),
    )(params['emb_q'])
    emb_sp = jnp.pad(params['emb_s'], ((0, 0), (0, EP - E)))
    emb_rp = jnp.pad(params['emb_resp'], ((0, 0), (0, EP - E)))

    w1p = _pad_mat(params['agg_W'][1].T, EP, EP)
    b1p = _pad_mat(params['agg_b'][1].reshape(1, E), 1, EP)
    w0p = _pad_mat(params['agg_W'][0].T, EP, EP)
    b0p = _pad_mat(params['agg_b'][0].reshape(1, E), 1, EP)
    wlp = _pad_mat(params['agg_last_W'].T, EP, EP)
    blp = _pad_mat(params['agg_last_b'].reshape(1, E), 1, EP)
    wih_t = params['lstm_W_ih'].T
    wia = _pad_mat(_pack_gate_mat(wih_t[:E]), EP, 4 * EP)
    wir = _pad_mat(_pack_gate_mat(wih_t[E:]), EP, 4 * EP)
    bi = (params['lstm_b_ih'] + params['lstm_b_hh']).reshape(4, E)
    bi = jnp.pad(bi, ((0, 0), (0, EP - E))).reshape(1, 4 * EP)
    whh = _pad_mat(_pack_gate_mat(params['lstm_W_hh'].T), EP, 4 * EP)
    wqe = _pad_mat(params['W_query'], EP, EP)
    bqt = _pad_mat(params['b_query'].reshape(E, 1), EP, 1)
    wke = _pad_mat(params['W_key'], EP, EP)
    bkt = _pad_mat(params['b_key'].reshape(E, 1), EP, 1)
    disc = params['disc_gain'].astype(jnp.float32)
    w1c = _pad_mat((params['W_w'][0, :E] * disc).reshape(E, 1), EP, 1)
    w2c = _pad_mat((params['W_w'][0, E:] * disc).reshape(E, 1), EP, 1)
    bws = (params['b_w'] * disc).reshape(1, 1)

    gq, g1, sk, idxcol, diffg = _run_sc1(
        qnf, diffv, emb_qp, emb_sp, q_flat, s_flat)

    t1 = pl.pallas_call(
        _tc1_body,
        out_shape=jax.ShapeDtypeStruct((NSK, EP), jnp.float32),
    )(g1[:N_SFLAT].reshape(NSK, SN, EP), emb_sp, w1p, b1p)

    t1g = jnp.zeros((QN, NBS, EP), jnp.float32) + t1[0, 0]

    rep = lambda blk: pl.BlockSpec(blk, lambda s_: (0,) * len(blk))
    gx, qp, aq = pl.pallas_call(
        _tc2_body,
        grid=(1,),
        in_specs=[
            pl.BlockSpec((1, B, EP), lambda s_: (s_, 0, 0)),
            pl.BlockSpec((QN, 1, B, EP), lambda s_: (0, s_, 0, 0)),
            pl.BlockSpec((QN, 1, B, EP), lambda s_: (0, s_, 0, 0)),
            pl.BlockSpec((1, B, 1), lambda s_: (s_, 0, 0)),
            rep((2, EP)), rep((EP, EP)), rep((1, EP)), rep((EP, EP)),
            rep((1, EP)), rep((EP, 4 * EP)), rep((EP, 4 * EP)), rep((1, 4 * EP)),
            rep((EP, EP)), rep((EP, 1)), rep((EP, 1)),
            pl.BlockSpec(memory_space=pltpu.SMEM),
        ],
        out_specs=[
            pl.BlockSpec((1, B, 4 * EP), lambda s_: (s_, 0, 0)),
            pl.BlockSpec((1, QN + 1, EP, B), lambda s_: (s_, 0, 0, 0)),
            pl.BlockSpec((1, QN + 1, B), lambda s_: (s_, 0, 0)),
        ],
        out_shape=[
            jax.ShapeDtypeStruct((S, B, 4 * EP), jnp.float32),
            jax.ShapeDtypeStruct((S, QN + 1, EP, B), jnp.float32),
            jax.ShapeDtypeStruct((S, QN + 1, B), jnp.float32),
        ],
    )(gq.reshape(S, B, EP), t1g.reshape(QN, S, B, EP),
      sk.reshape(QN, S, B, EP), respf, emb_rp,
      w0p, b0p, wlp, blp, wia, wir, bi, wqe, bqt, w1c, bws)

    difff = diffg.reshape(S, 1, B)

    y_sb = pl.pallas_call(
        _tc3_body,
        grid=(1,),
        in_specs=[
            pl.BlockSpec((1, B, 4 * EP), lambda t: (t, 0, 0)),
            pl.BlockSpec((1, QN + 1, EP, B), lambda t: (t + 1, 0, 0, 0)),
            pl.BlockSpec((1, QN + 1, B), lambda t: (t + 1, 0, 0)),
            pl.BlockSpec((1, 1, B), lambda t: (t + 1, 0, 0)),
            rep((EP, 4 * EP)), rep((EP, EP)), rep((EP, 1)), rep((EP, 1)),
        ],
        out_specs=pl.BlockSpec((S, B), lambda t: (0, 0)),
        out_shape=jax.ShapeDtypeStruct((S, B), jnp.float32),
        scratch_shapes=[
            pltpu.VMEM((B, EP), jnp.float32),
            pltpu.VMEM((B, EP), jnp.float32),
            pltpu.VMEM((SPAD, EP, B), jnp.float32),
            pltpu.VMEM((SPAD, B), jnp.float32),
            pltpu.VMEM((QN + 1, SPAD, B), jnp.float32),
        ],
        compiler_params=pltpu.CompilerParams(
            dimension_semantics=("arbitrary",)),
    )(gx, qp, aq, difff, whh, wke, bkt, w2c)

    return y_sb.T

# --- scband reference (transcript-rebuilt; emitter-appended) ---
"""Pipeline reference for scband-gikt-7215545057916 (READ-ONLY COPY).

The authoritative reference and input builder live on the scoring server;
editing this copy changes nothing except your own understanding.
"""

import jax, jax.numpy as jnp
import numpy as np

NQ = 50000
NS = 1000
EMB = 100
QN = 4
SN = 8
HOPS = 2
B = 256
S = 50

def _glorot(key, shape):
    fan_out, fan_in = shape[0], shape[1]
    lim = float(np.sqrt(6.0 / (fan_in + fan_out)))
    return jax.random.uniform(key, shape, jnp.float32, -lim, lim)

def setup_inputs(seed: int = 0):
    key = jax.random.key(seed)
    ks = jax.random.split(key, 24)
    question = jax.random.randint(ks[0], (B, S), 0, NQ, dtype=jnp.int32)
    response = jax.random.randint(ks[1], (B, S), 0, 2, dtype=jnp.int32)
    mask = jnp.ones((B, S), dtype=jnp.int32)
    q_neighbors = jax.random.randint(ks[2], (NQ, QN), 0, NS, dtype=jnp.int32)
    s_neighbors = jax.random.randint(ks[3], (NS, SN), 0, NQ, dtype=jnp.int32)
    params = {
        'emb_q': jax.random.normal(ks[4], (NQ, EMB), jnp.float32) * 0.1,
        'emb_s': jax.random.normal(ks[5], (NS, EMB), jnp.float32) * 0.1,
        'emb_resp': jax.random.normal(ks[6], (2, EMB), jnp.float32) * 0.1,
        'lstm_W_ih': _glorot(ks[7], (4 * EMB, 2 * EMB)),
        'lstm_W_hh': _glorot(ks[8], (4 * EMB, EMB)),
        'lstm_b_ih': jnp.zeros((4 * EMB,), jnp.float32),
        'lstm_b_hh': jnp.zeros((4 * EMB,), jnp.float32),
        'agg_W': [_glorot(ks[9 + h], (EMB, EMB)) for h in range(HOPS)],
        'agg_b': [jnp.zeros((EMB,), jnp.float32) for _ in range(HOPS)],
        'agg_last_W': _glorot(ks[12], (EMB, EMB)),
        'agg_last_b': jnp.zeros((EMB,), jnp.float32),
        'W_query': _glorot(ks[13], (EMB, EMB)),
        'b_query': jnp.zeros((EMB,), jnp.float32),
        'W_key': _glorot(ks[14], (EMB, EMB)),
        'b_key': jnp.zeros((EMB,), jnp.float32),
        'W_w': _glorot(ks[15], (1, 2 * EMB)),
        'b_w': jnp.zeros((1,), jnp.float32),
        'diff_bias': jnp.zeros((NQ, 1), jnp.float32),
        'disc_gain': jnp.float32(1.0),
    }
    return {'question': question, 'response': response, 'mask': mask,
            'q_neighbors': q_neighbors, 's_neighbors': s_neighbors, 'params': params}

def _aggregate(params, question, q_neighbors, s_neighbors):
    # multi-hop neighbor cache: q -> skills -> questions (alternating), as in GIKT forward
    levels = [question]
    cur = question
    for hop in range(HOPS):
        nxt = q_neighbors[cur] if hop % 2 == 0 else s_neighbors[cur]
        levels.append(nxt)
        cur = nxt
    embs = []
    for i, ids in enumerate(levels):
        table = params['emb_q'] if i % 2 == 0 else params['emb_s']
        embs.append(jnp.take(table, ids, axis=0))
    # GCN-style aggregation from deepest hop inward
    for hop in range(HOPS - 1, -1, -1):
        neigh = jnp.mean(embs[hop + 1], axis=-2)
        embs[hop] = jnp.tanh((embs[hop] + neigh) @ params['agg_W'][hop].T + params['agg_b'][hop])
    return jnp.tanh(embs[0] @ params['agg_last_W'].T + params['agg_last_b'])

def _forward(params, question, response, mask, q_neighbors, s_neighbors):
    bsz, seq_len = question.shape
    emb_q_agg = _aggregate(params, question, q_neighbors, s_neighbors)  # [B,S,E]
    emb_resp = jnp.take(params['emb_resp'], response, axis=0)  # [B,S,E]
    skill_next = jnp.take(params['emb_s'], q_neighbors[question], axis=0)  # [B,S,QN,E]
    h1 = jnp.zeros((bsz, EMB), jnp.float32)
    h2 = jnp.zeros((bsz, EMB), jnp.float32)
    states = []
    ys = [jnp.zeros((bsz,), jnp.float32)]
    for t in range(seq_len - 1):
        # LSTMCell update (dropout is identity in eval)
        x = jnp.concatenate([emb_q_agg[:, t], emb_resp[:, t]], axis=1)
        gates = x @ params['lstm_W_ih'].T + params['lstm_b_ih'] + h1 @ params['lstm_W_hh'].T + params['lstm_b_hh']
        i_g, f_g, g_g, o_g = jnp.split(gates, 4, axis=1)
        i_g = jax.nn.sigmoid(i_g)
        f_g = jax.nn.sigmoid(f_g)
        g_g = jnp.tanh(g_g)
        o_g = jax.nn.sigmoid(o_g)
        h2 = f_g * h2 + i_g * g_g
        h1 = o_g * jnp.tanh(h2)
        states.append(h1)
        # recap attention prediction for question at t+1
        qs = jnp.concatenate([emb_q_agg[:, t + 1][:, None, :], skill_next[:, t + 1]], axis=1)  # [B,1+QN,E]
        hist = jnp.stack(states, axis=1)  # [B,t+1,E]
        query = qs @ params['W_query'].T + params['b_query']
        keyv = hist @ params['W_key'].T + params['b_key']
        att_logits = jnp.einsum('bqe,bke->bqk', query, keyv)
        nq, nk = att_logits.shape[1], att_logits.shape[2]
        att = jax.nn.softmax(att_logits.reshape(bsz, -1), axis=1).reshape(bsz, nq, nk)
        pair = jnp.concatenate([
            jnp.broadcast_to(qs[:, :, None, :], (bsz, nq, nk, EMB)),
            jnp.broadcast_to(hist[:, None, :, :], (bsz, nq, nk, EMB))], axis=-1)
        logit = (pair @ params['W_w'].T + params['b_w'])[..., 0]
        diff = params['diff_bias'][question[:, t + 1], 0]
        p = jax.nn.sigmoid(params['disc_gain'] * logit + diff[:, None, None])
        ys.append(jnp.sum(att * p, axis=(1, 2)))
    return jnp.stack(ys, axis=1)  # [B,S]

def reference(question, response, mask, q_neighbors, s_neighbors, params):
    return _forward(params, question, response, mask, q_neighbors, s_neighbors)

if __name__ == "__main__":
    import jax
    _d = setup_inputs()
    print(jax.jit(kernel)(*tuple(_d.values())))

</pallas_src>

<mosaic_0001>
#map = affine_map<(d0, d1) -> (0)>
#map1 = affine_map<(d0, d1) -> (0, 0)>
#map2 = affine_map<(d0, d1) -> (0, 0, 0)>
module attributes {stable_mosaic.version = 14 : i64} {
  func.func @_sc1_body(%arg0: i32, %arg1: i32, %arg2: memref<200000xi32, #tpu.memory_space<hbm>>, %arg3: memref<50000xf32, #tpu.memory_space<hbm>>, %arg4: memref<50000x128xf32, #tpu.memory_space<hbm>>, %arg5: memref<1000x128xf32, #tpu.memory_space<hbm>>, %arg6: memref<12800xi32, #tpu.memory_space<hbm>>, %arg7: memref<8192xi32, #tpu.memory_space<hbm>>, %arg8: memref<12800x128xf32, #tpu.memory_space<hbm>>, %arg9: memref<8192x128xf32, #tpu.memory_space<hbm>>, %arg10: memref<4x12800x128xf32, #tpu.memory_space<hbm>>, %arg11: memref<51200xi32, #tpu.memory_space<hbm>>, %arg12: memref<12800xf32, #tpu.memory_space<hbm>>, %arg13: memref<400xi32, #tpu.memory_space<vmem>>, %arg14: memref<400xi32, #tpu.memory_space<vmem>>, %arg15: memref<1600xi32, #tpu.memory_space<vmem>>, %arg16: memref<1600xi32, #tpu.memory_space<vmem>>, %arg17: memref<400xf32, #tpu.memory_space<vmem>>, %arg18: memref<400x128xf32, #tpu.memory_space<vmem>>, %arg19: memref<400x128xf32, #tpu.memory_space<vmem>>, %arg20: memref<256xi32, #tpu.memory_space<vmem>>, %arg21: memref<!tpu.dma_semaphore, #tpu.memory_space<semaphore_mem>>, %arg22: memref<!tpu.dma_semaphore, #tpu.memory_space<semaphore_mem>>, %arg23: memref<!tpu.dma_semaphore, #tpu.memory_space<semaphore_mem>>, %arg24: memref<!tpu.dma_semaphore, #tpu.memory_space<semaphore_mem>>) attributes {dimension_semantics = [#tpu.dimension_semantics<core_parallel>, #tpu.dimension_semantics<subcore_parallel>], iteration_bounds = array<i64: 2, 16>, scalar_prefetch = 0 : i64, scratch_operands = 12 : i64, tpu.core_type = #tpu.core_type<sc_vector_subcore>, window_params = [{transform_indices = #map}, {transform_indices = #map}, {transform_indices = #map1}, {transform_indices = #map1}, {transform_indices = #map}, {transform_indices = #map}, {transform_indices = #map1}, {transform_indices = #map1}, {transform_indices = #map2}, {transform_indices = #map}, {transform_indices = #map}]} {
    %mul3A = arith.constant 2 : i32
    %mul3A_0 = arith.muli %arg1, %mul3A : i32
    %add3A = arith.addi %mul3A_0, %arg0 : i32
    %mul3A_1 = arith.constant 400 : i32
    %mul3A_2 = arith.muli %add3A, %mul3A_1 : i32
    %mul3A_3 = arith.constant 256 : i32
    %mul3A_4 = arith.muli %add3A, %mul3A_3 : i32
    "tpu.region"() ({
      %run_scoped3A_1480 = tpu.sem_alloc : memref<!tpu.dma_semaphore, #tpu.memory_space<semaphore_mem>>
      %dma_start3A_1481 = tpu.memref_slice %arg6[%mul3A_2] : memref<12800xi32, #tpu.memory_space<hbm>> -> memref<400xi32, #tpu.memory_space<hbm>>
      %dma_start3A_1482 = tpu.memref_slice %arg6[%mul3A_2] : memref<12800xi32, #tpu.memory_space<hbm>> -> memref<400xi32, #tpu.memory_space<hbm>>
      tpu.enqueue_dma source(%dma_start3A_1482 : memref<400xi32, #tpu.memory_space<hbm>>) target(%arg13 : memref<400xi32, #tpu.memory_space<vmem>>) target_semaphore(%run_scoped3A_1480 : memref<!tpu.dma_semaphore, #tpu.memory_space<semaphore_mem>>)
      %dma_wait3A_1483 = tpu.memref_slice %arg6[%mul3A_2] : memref<12800xi32, #tpu.memory_space<hbm>> -> memref<400xi32, #tpu.memory_space<hbm>>
      %dma_wait3A_1484 = tpu.memref_slice %arg6[%mul3A_2] : memref<12800xi32, #tpu.memory_space<hbm>> -> memref<400xi32, #tpu.memory_space<hbm>>
      tpu.wait_dma2 semaphore(%run_scoped3A_1480 : memref<!tpu.dma_semaphore, #tpu.memory_space<semaphore_mem>>) src(%dma_wait3A_1484 : memref<400xi32, #tpu.memory_space<hbm>>) dst(%arg13 : memref<400xi32, #tpu.memory_space<vmem>>)
      tpu.yield
    }) : () -> ()
    "tpu.region"() ({
      %run_scoped3A_1480 = tpu.sem_alloc : memref<!tpu.dma_semaphore, #tpu.memory_space<semaphore_mem>>
      %dma_start3A_1481 = tpu.memref_slice %arg7[%mul3A_4] : memref<8192xi32, #tpu.memory_space<hbm>> -> memref<256xi32, #tpu.memory_space<hbm>>
      %dma_start3A_1482 = tpu.memref_slice %arg7[%mul3A_4] : memref<8192xi32, #tpu.memory_space<hbm>> -> memref<256xi32, #tpu.memory_space<hbm>>
      tpu.enqueue_dma source(%dma_start3A_1482 : memref<256xi32, #tpu.memory_space<hbm>>) target(%arg20 : memref<256xi32, #tpu.memory_space<vmem>>) target_semaphore(%run_scoped3A_1480 : memref<!tpu.dma_semaphore, #tpu.memory_space<semaphore_mem>>)
      %dma_wait3A_1483 = tpu.memref_slice %arg7[%mul3A_4] : memref<8192xi32, #tpu.memory_space<hbm>> -> memref<256xi32, #tpu.memory_space<hbm>>
      %dma_wait3A_1484 = tpu.memref_slice %arg7[%mul3A_4] : memref<8192xi32, #tpu.memory_space<hbm>> -> memref<256xi32, #tpu.memory_space<hbm>>
      tpu.wait_dma2 semaphore(%run_scoped3A_1480 : memref<!tpu.dma_semaphore, #tpu.memory_space<semaphore_mem>>) src(%dma_wait3A_1484 : memref<256xi32, #tpu.memory_space<hbm>>) dst(%arg20 : memref<256xi32, #tpu.memory_space<vmem>>)
      tpu.yield
    }) : () -> ()
    %dma_start3A = arith.constant 0 : i32
    %dma_start3A_5 = arith.constant 0 : i32
    %dma_start3A_6 = tpu.memref_slice %arg4[%dma_start3A, %dma_start3A_5] : memref<50000x128xf32, #tpu.memory_space<hbm>> -> memref<50000x128xf32, #tpu.memory_space<hbm>>
    tpu.enqueue_indirect_dma source(%dma_start3A_6 : memref<50000x128xf32, #tpu.memory_space<hbm>>) target(%arg18 : memref<400x128xf32, #tpu.memory_space<vmem>>) offsets(%arg13 : memref<400xi32, #tpu.memory_space<vmem>>) semaphore(%arg21 : memref<!tpu.dma_semaphore, #tpu.memory_space<semaphore_mem>>)
    %dma_start3A_7 = arith.constant 0 : i32
    %dma_start3A_8 = tpu.memref_slice %arg3[%dma_start3A_7] : memref<50000xf32, #tpu.memory_space<hbm>> -> memref<50000xf32, #tpu.memory_space<hbm>>
    tpu.enqueue_indirect_dma source(%dma_start3A_8 : memref<50000xf32, #tpu.memory_space<hbm>>) target(%arg17 : memref<400xf32, #tpu.memory_space<vmem>>) offsets(%arg13 : memref<400xi32, #tpu.memory_space<vmem>>) semaphore(%arg23 : memref<!tpu.dma_semaphore, #tpu.memory_space<semaphore_mem>>)
    %get3A = arith.constant 0 : index
    %get3A_9 = tpu.vector_load %arg13[%get3A] {strides = array<i32>} : memref<400xi32, #tpu.memory_space<vmem>>, vector<16xi32>,
    %get3A_10 = vector.shape_cast %get3A_9 : vector<16xi32> to vector<16xi32>
    %mul3A_11 = arith.constant 4 : i32
    %mul3A_12 = vector.broadcast %mul3A_11 : i32 to vector<16xi32>
    %mul3A_13 = arith.muli %get3A_10, %mul3A_12 : vector<16xi32>
    %swap3A = arith.constant 0 : index
    %swap3A_14 = tpu.vector_load %arg14[%swap3A] {strides = array<i32>} : memref<400xi32, #tpu.memory_space<vmem>>, vector<16xi32>,
    %swap3A_15 = vector.shape_cast %swap3A_14 : vector<16xi32> to vector<16xi32>
    %swap3A_16 = vector.shape_cast %mul3A_13 : vector<16xi32> to vector<16xi32>
    tpu.vector_store %arg14[%swap3A], %swap3A_16 {strides = array<i32>} : memref<400xi32, #tpu.memory_space<vmem>>, vector<16xi32>,
    %get3A_17 = arith.constant 16 : index
    %get3A_18 = tpu.vector_load %arg13[%get3A_17] {strides = array<i32>} : memref<400xi32, #tpu.memory_space<vmem>>, vector<16xi32>,
    %get3A_19 = vector.shape_cast %get3A_18 : vector<16xi32> to vector<16xi32>
    %mul3A_20 = arith.constant 4 : i32
    %mul3A_21 = vector.broadcast %mul3A_20 : i32 to vector<16xi32>
    %mul3A_22 = arith.muli %get3A_19, %mul3A_21 : vector<16xi32>
    %swap3A_23 = arith.constant 16 : index
    %swap3A_24 = tpu.vector_load %arg14[%swap3A_23] {strides = array<i32>} : memref<400xi32, #tpu.memory_space<vmem>>, vector<16xi32>,
    %swap3A_25 = vector.shape_cast %swap3A_24 : vector<16xi32> to vector<16xi32>
    %swap3A_26 = vector.shape_cast %mul3A_22 : vector<16xi32> to vector<16xi32>
    tpu.vector_store %arg14[%swap3A_23], %swap3A_26 {strides = array<i32>} : memref<400xi32, #tpu.memory_space<vmem>>, vector<16xi32>,
    %get3A_27 = arith.constant 32 : index
    %get3A_28 = tpu.vector_load %arg13[%get3A_27] {strides = array<i32>} : memref<400xi32, #tpu.memory_space<vmem>>, vector<16xi32>,
    %get3A_29 = vector.shape_cast %get3A_28 : vector<16xi32> to vector<16xi32>
    %mul3A_30 = arith.constant 4 : i32
    %mul3A_31 = vector.broadcast %mul3A_30 : i32 to vector<16xi32>
    %mul3A_32 = arith.muli %get3A_29, %mul3A_31 : vector<16xi32>
    %swap3A_33 = arith.constant 32 : index
    %swap3A_34 = tpu.vector_load %arg14[%swap3A_33] {strides = array<i32>} : memref<400xi32, #tpu.memory_space<vmem>>, vector<16xi32>,
    %swap3A_35 = vector.shape_cast %swap3A_34 : vector<16xi32> to vector<16xi32>
    %swap3A_36 = vector.shape_cast %mul3A_32 : vector<16xi32> to vector<16xi32>
    tpu.vector_store %arg14[%swap3A_33], %swap3A_36 {strides = array<i32>} : memref<400xi32, #tpu.memory_space<vmem>>, vector<16xi32>,
    %get3A_37 = arith.constant 48 : index
    %get3A_38 = tpu.vector_load %arg13[%get3A_37] {strides = array<i32>} : memref<400xi32, #tpu.memory_space<vmem>>, vector<16xi32>,
    %get3A_39 = vector.shape_cast %get3A_38 : vector<16xi32> to vector<16xi32>
    %mul3A_40 = arith.constant 4 : i32
    %mul3A_41 = vector.broadcast %mul3A_40 : i32 to vector<16xi32>
    %mul3A_42 = arith.muli %get3A_39, %mul3A_41 : vector<16xi32>
    %swap3A_43 = arith.constant 48 : index
    %swap3A_44 = tpu.vector_load %arg14[%swap3A_43] {strides = array<i32>} : memref<400xi32, #tpu.memory_space<vmem>>, vector<16xi32>,
    %swap3A_45 = vector.shape_cast %swap3A_44 : vector<16xi32> to vector<16xi32>
    %swap3A_46 = vector.shape_cast %mul3A_42 : vector<16xi32> to vector<16xi32>
    tpu.vector_store %arg14[%swap3A_43], %swap3A_46 {strides = array<i32>} : memref<400xi32, #tpu.memory_space<vmem>>, vector<16xi32>,
    %get3A_47 = arith.constant 64 : index
    %get3A_48 = tpu.vector_load %arg13[%get3A_47] {strides = array<i32>} : memref<400xi32, #tpu.memory_space<vmem>>, vector<16xi32>,
    %get3A_49 = vector.shape_cast %get3A_48 : vector<16xi32> to vector<16xi32>
    %mul3A_50 = arith.constant 4 : i32
    %mul3A_51 = vector.broadcast %mul3A_50 : i32 to vector<16xi32>
    %mul3A_52 = arith.muli %get3A_49, %mul3A_51 : vector<16xi32>
    %swap3A_53 = arith.constant 64 : index
    %swap3A_54 = tpu.vector_load %arg14[%swap3A_53] {strides = array<i32>} : memref<400xi32, #tpu.memory_space<vmem>>, vector<16xi32>,
    %swap3A_55 = vector.shape_cast %swap3A_54 : vector<16xi32> to vector<16xi32>
    %swap3A_56 = vector.shape_cast %mul3A_52 : vector<16xi32> to vector<16xi32>
    tpu.vector_store %arg14[%swap3A_53], %swap3A_56 {strides = array<i32>} : memref<400xi32, #tpu.memory_space<vmem>>, vector<16xi32>,
    %get3A_57 = arith.constant 80 : index
    %get3A_58 = tpu.vector_load %arg13[%get3A_57] {strides = array<i32>} : memref<400xi32, #tpu.memory_space<vmem>>, vector<16xi32>,
    %get3A_59 = vector.shape_cast %get3A_58 : vector<16xi32> to vector<16xi32>
    %mul3A_60 = arith.constant 4 : i32
    %mul3A_61 = vector.broadcast %mul3A_60 : i32 to vector<16xi32>
    %mul3A_62 = arith.muli %get3A_59, %mul3A_61 : vector<16xi32>
    %swap3A_63 = arith.constant 80 : index
    %swap3A_64 = tpu.vector_load %arg14[%swap3A_63] {strides = array<i32>} : memref<400xi32, #tpu.memory_space<vmem>>, vector<16xi32>,
    %swap3A_65 = vector.shape_cast %swap3A_64 : vector<16xi32> to vector<16xi32>
    %swap3A_66 = vector.shape_cast %mul3A_62 : vector<16xi32> to vector<16xi32>
    tpu.vector_store %arg14[%swap3A_63], %swap3A_66 {strides = array<i32>} : memref<400xi32, #tpu.memory_space<vmem>>, vector<16xi32>,
    %get3A_67 = arith.constant 96 : index
    %get3A_68 = tpu.vector_load %arg13[%get3A_67] {strides = array<i32>} : memref<400xi32, #tpu.memory_space<vmem>>, vector<16xi32>,
    %get3A_69 = vector.shape_cast %get3A_68 : vector<16xi32> to vector<16xi32>
    %mul3A_70 = arith.constant 4 : i32
    %mul3A_71 = vector.broadcast %mul3A_70 : i32 to vector<16xi32>
    %mul3A_72 = arith.muli %get3A_69, %mul3A_71 : vector<16xi32>
    %swap3A_73 = arith.constant 96 : index
    %swap3A_74 = tpu.vector_load %arg14[%swap3A_73] {strides = array<i32>} : memref<400xi32, #tpu.memory_space<vmem>>, vector<16xi32>,
    %swap3A_75 = vector.shape_cast %swap3A_74 : vector<16xi32> to vector<16xi32>
    %swap3A_76 = vector.shape_cast %mul3A_72 : vector<16xi32> to vector<16xi32>
    tpu.vector_store %arg14[%swap3A_73], %swap3A_76 {strides = array<i32>} : memref<400xi32, #tpu.memory_space<vmem>>, vector<16xi32>,
    %get3A_77 = arith.constant 112 : index
    %get3A_78 = tpu.vector_load %arg13[%get3A_77] {strides = array<i32>} : memref<400xi32, #tpu.memory_space<vmem>>, vector<16xi32>,
    %get3A_79 = vector.shape_cast %get3A_78 : vector<16xi32> to vector<16xi32>
    %mul3A_80 = arith.constant 4 : i32
    %mul3A_81 = vector.broadcast %mul3A_80 : i32 to vector<16xi32>
    %mul3A_82 = arith.muli %get3A_79, %mul3A_81 : vector<16xi32>
    %swap3A_83 = arith.constant 112 : index
    %swap3A_84 = tpu.vector_load %arg14[%swap3A_83] {strides = array<i32>} : memref<400xi32, #tpu.memory_space<vmem>>, vector<16xi32>,
    %swap3A_85 = vector.shape_cast %swap3A_84 : vector<16xi32> to vector<16xi32>
    %swap3A_86 = vector.shape_cast %mul3A_82 : vector<16xi32> to vector<16xi32>
    tpu.vector_store %arg14[%swap3A_83], %swap3A_86 {strides = array<i32>} : memref<400xi32, #tpu.memory_space<vmem>>, vector<16xi32>,
    %get3A_87 = arith.constant 128 : index
    %get3A_88 = tpu.vector_load %arg13[%get3A_87] {strides = array<i32>} : memref<400xi32, #tpu.memory_space<vmem>>, vector<16xi32>,
    %get3A_89 = vector.shape_cast %get3A_88 : vector<16xi32> to vector<16xi32>
    %mul3A_90 = arith.constant 4 : i32
    %mul3A_91 = vector.broadcast %mul3A_90 : i32 to vector<16xi32>
    %mul3A_92 = arith.muli %get3A_89, %mul3A_91 : vector<16xi32>
    %swap3A_93 = arith.constant 128 : index
    %swap3A_94 = tpu.vector_load %arg14[%swap3A_93] {strides = array<i32>} : memref<400xi32, #tpu.memory_space<vmem>>, vector<16xi32>,
    %swap3A_95 = vector.shape_cast %swap3A_94 : vector<16xi32> to vector<16xi32>
    %swap3A_96 = vector.shape_cast %mul3A_92 : vector<16xi32> to vector<16xi32>
    tpu.vector_store %arg14[%swap3A_93], %swap3A_96 {strides = array<i32>} : memref<400xi32, #tpu.memory_space<vmem>>, vector<16xi32>,
    %get3A_97 = arith.constant 144 : index
    %get3A_98 = tpu.vector_load %arg13[%get3A_97] {strides = array<i32>} : memref<400xi32, #tpu.memory_space<vmem>>, vector<16xi32>,
    %get3A_99 = vector.shape_cast %get3A_98 : vector<16xi32> to vector<16xi32>
    %mul3A_100 = arith.constant 4 : i32
    %mul3A_101 = vector.broadcast %mul3A_100 : i32 to vector<16xi32>
    %mul3A_102 = arith.muli %get3A_99, %mul3A_101 : vector<16xi32>
    %swap3A_103 = arith.constant 144 : index
    %swap3A_104 = tpu.vector_load %arg14[%swap3A_103] {strides = array<i32>} : memref<400xi32, #tpu.memory_space<vmem>>, vector<16xi32>,
    %swap3A_105 = vector.shape_cast %swap3A_104 : vector<16xi32> to vector<16xi32>
    %swap3A_106 = vector.shape_cast %mul3A_102 : vector<16xi32> to vector<16xi32>
    tpu.vector_store %arg14[%swap3A_103], %swap3A_106 {strides = array<i32>} : memref<400xi32, #tpu.memory_space<vmem>>, vector<16xi32>,
    %get3A_107 = arith.constant 160 : index
    %get3A_108 = tpu.vector_load %arg13[%get3A_107] {strides = array<i32>} : memref<400xi32, #tpu.memory_space<vmem>>, vector<16xi32>,
    %get3A_109 = vector.shape_cast %get3A_108 : vector<16xi32> to vector<16xi32>
    %mul3A_110 = arith.constant 4 : i32
    %mul3A_111 = vector.broadcast %mul3A_110 : i32 to vector<16xi32>
    %mul3A_112 = arith.muli %get3A_109, %mul3A_111 : vector<16xi32>
    %swap3A_113 = arith.constant 160 : index
    %swap3A_114 = tpu.vector_load %arg14[%swap3A_113] {strides = array<i32>} : memref<400xi32, #tpu.memory_space<vmem>>, vector<16xi32>,
    %swap3A_115 = vector.shape_cast %swap3A_114 : vector<16xi32> to vector<16xi32>
    %swap3A_116 = vector.shape_cast %mul3A_112 : vector<16xi32> to vector<16xi32>
    tpu.vector_store %arg14[%swap3A_113], %swap3A_116 {strides = array<i32>} : memref<400xi32, #tpu.memory_space<vmem>>, vector<16xi32>,
    %get3A_117 = arith.constant 176 : index
    %get3A_118 = tpu.vector_load %arg13[%get3A_117] {strides = array<i32>} : memref<400xi32, #tpu.memory_space<vmem>>, vector<16xi32>,
    %get3A_119 = vector.shape_cast %get3A_118 : vector<16xi32> to vector<16xi32>
    %mul3A_120 = arith.constant 4 : i32
    %mul3A_121 = vector.broadcast %mul3A_120 : i32 to vector<16xi32>
    %mul3A_122 = arith.muli %get3A_119, %mul3A_121 : vector<16xi32>
    %swap3A_123 = arith.constant 176 : index
    %swap3A_124 = tpu.vector_load %arg14[%swap3A_123] {strides = array<i32>} : memref<400xi32, #tpu.memory_space<vmem>>, vector<16xi32>,
    %swap3A_125 = vector.shape_cast %swap3A_124 : vector<16xi32> to vector<16xi32>
    %swap3A_126 = vector.shape_cast %mul3A_122 : vector<16xi32> to vector<16xi32>
    tpu.vector_store %arg14[%swap3A_123], %swap3A_126 {strides = array<i32>} : memref<400xi32, #tpu.memory_space<vmem>>, vector<16xi32>,
    %get3A_127 = arith.constant 192 : index
    %get3A_128 = tpu.vector_load %arg13[%get3A_127] {strides = array<i32>} : memref<400xi32, #tpu.memory_space<vmem>>, vector<16xi32>,
    %get3A_129 = vector.shape_cast %get3A_128 : vector<16xi32> to vector<16xi32>
    %mul3A_130 = arith.constant 4 : i32
    %mul3A_131 = vector.broadcast %mul3A_130 : i32 to vector<16xi32>
    %mul3A_132 = arith.muli %get3A_129, %mul3A_131 : vector<16xi32>
    %swap3A_133 = arith.constant 192 : index
    %swap3A_134 = tpu.vector_load %arg14[%swap3A_133] {strides = array<i32>} : memref<400xi32, #tpu.memory_space<vmem>>, vector<16xi32>,
    %swap3A_135 = vector.shape_cast %swap3A_134 : vector<16xi32> to vector<16xi32>
    %swap3A_136 = vector.shape_cast %mul3A_132 : vector<16xi32> to vector<16xi32>
    tpu.vector_store %arg14[%swap3A_133], %swap3A_136 {strides = array<i32>} : memref<400xi32, #tpu.memory_space<vmem>>, vector<16xi32>,
    %get3A_137 = arith.constant 208 : index
    %get3A_138 = tpu.vector_load %arg13[%get3A_137] {strides = array<i32>} : memref<400xi32, #tpu.memory_space<vmem>>, vector<16xi32>,
    %get3A_139 = vector.shape_cast %get3A_138 : vector<16xi32> to vector<16xi32>
    %mul3A_140 = arith.constant 4 : i32
    %mul3A_141 = vector.broadcast %mul3A_140 : i32 to vector<16xi32>
    %mul3A_142 = arith.muli %get3A_139, %mul3A_141 : vector<16xi32>
    %swap3A_143 = arith.constant 208 : index
    %swap3A_144 = tpu.vector_load %arg14[%swap3A_143] {strides = array<i32>} : memref<400xi32, #tpu.memory_space<vmem>>, vector<16xi32>,
    %swap3A_145 = vector.shape_cast %swap3A_144 : vector<16xi32> to vector<16xi32>
    %swap3A_146 = vector.shape_cast %mul3A_142 : vector<16xi32> to vector<16xi32>
    tpu.vector_store %arg14[%swap3A_143], %swap3A_146 {strides = array<i32>} : memref<400xi32, #tpu.memory_space<vmem>>, vector<16xi32>,
    %get3A_147 = arith.constant 224 : index
    %get3A_148 = tpu.vector_load %arg13[%get3A_147] {strides = array<i32>} : memref<400xi32, #tpu.memory_space<vmem>>, vector<16xi32>,
    %get3A_149 = vector.shape_cast %get3A_148 : vector<16xi32> to vector<16xi32>
    %mul3A_150 = arith.constant 4 : i32
    %mul3A_151 = vector.broadcast %mul3A_150 : i32 to vector<16xi32>
    %mul3A_152 = arith.muli %get3A_149, %mul3A_151 : vector<16xi32>
    %swap3A_153 = arith.constant 224 : index
    %swap3A_154 = tpu.vector_load %arg14[%swap3A_153] {strides = array<i32>} : memref<400xi32, #tpu.memory_space<vmem>>, vector<16xi32>,
    %swap3A_155 = vector.shape_cast %swap3A_154 : vector<16xi32> to vector<16xi32>
    %swap3A_156 = vector.shape_cast %mul3A_152 : vector<16xi32> to vector<16xi32>
    tpu.vector_store %arg14[%swap3A_153], %swap3A_156 {strides = array<i32>} : memref<400xi32, #tpu.memory_space<vmem>>, vector<16xi32>,
    %get3A_157 = arith.constant 240 : index
    %get3A_158 = tpu.vector_load %arg13[%get3A_157] {strides = array<i32>} : memref<400xi32, #tpu.memory_space<vmem>>, vector<16xi32>,
    %get3A_159 = vector.shape_cast %get3A_158 : vector<16xi32> to vector<16xi32>
    %mul3A_160 = arith.constant 4 : i32
    %mul3A_161 = vector.broadcast %mul3A_160 : i32 to vector<16xi32>
    %mul3A_162 = arith.muli %get3A_159, %mul3A_161 : vector<16xi32>
    %swap3A_163 = arith.constant 240 : index
    %swap3A_164 = tpu.vector_load %arg14[%swap3A_163] {strides = array<i32>} : memref<400xi32, #tpu.memory_space<vmem>>, vector<16xi32>,
    %swap3A_165 = vector.shape_cast %swap3A_164 : vector<16xi32> to vector<16xi32>
    %swap3A_166 = vector.shape_cast %mul3A_162 : vector<16xi32> to vector<16xi32>
    tpu.vector_store %arg14[%swap3A_163], %swap3A_166 {strides = array<i32>} : memref<400xi32, #tpu.memory_space<vmem>>, vector<16xi32>,
    %get3A_167 = arith.constant 256 : index
    %get3A_168 = tpu.vector_load %arg13[%get3A_167] {strides = array<i32>} : memref<400xi32, #tpu.memory_space<vmem>>, vector<16xi32>,
    %get3A_169 = vector.shape_cast %get3A_168 : vector<16xi32> to vector<16xi32>
    %mul3A_170 = arith.constant 4 : i32
    %mul3A_171 = vector.broadcast %mul3A_170 : i32 to vector<16xi32>
    %mul3A_172 = arith.muli %get3A_169, %mul3A_171 : vector<16xi32>
    %swap3A_173 = arith.constant 256 : index
    %swap3A_174 = tpu.vector_load %arg14[%swap3A_173] {strides = array<i32>} : memref<400xi32, #tpu.memory_space<vmem>>, vector<16xi32>,
    %swap3A_175 = vector.shape_cast %swap3A_174 : vector<16xi32> to vector<16xi32>
    %swap3A_176 = vector.shape_cast %mul3A_172 : vector<16xi32> to vector<16xi32>
    tpu.vector_store %arg14[%swap3A_173], %swap3A_176 {strides = array<i32>} : memref<400xi32, #tpu.memory_space<vmem>>, vector<16xi32>,
    %get3A_177 = arith.constant 272 : index
    %get3A_178 = tpu.vector_load %arg13[%get3A_177] {strides = array<i32>} : memref<400xi32, #tpu.memory_space<vmem>>, vector<16xi32>,
    %get3A_179 = vector.shape_cast %get3A_178 : vector<16xi32> to vector<16xi32>
    %mul3A_180 = arith.constant 4 : i32
    %mul3A_181 = vector.broadcast %mul3A_180 : i32 to vector<16xi32>
    %mul3A_182 = arith.muli %get3A_179, %mul3A_181 : vector<16xi32>
    %swap3A_183 = arith.constant 272 : index
    %swap3A_184 = tpu.vector_load %arg14[%swap3A_183] {strides = array<i32>} : memref<400xi32, #tpu.memory_space<vmem>>, vector<16xi32>,
    %swap3A_185 = vector.shape_cast %swap3A_184 : vector<16xi32> to vector<16xi32>
    %swap3A_186 = vector.shape_cast %mul3A_182 : vector<16xi32> to vector<16xi32>
    tpu.vector_store %arg14[%swap3A_183], %swap3A_186 {strides = array<i32>} : memref<400xi32, #tpu.memory_space<vmem>>, vector<16xi32>,
    %get3A_187 = arith.constant 288 : index
    %get3A_188 = tpu.vector_load %arg13[%get3A_187] {strides = array<i32>} : memref<400xi32, #tpu.memory_space<vmem>>, vector<16xi32>,
    %get3A_189 = vector.shape_cast %get3A_188 : vector<16xi32> to vector<16xi32>
    %mul3A_190 = arith.constant 4 : i32
    %mul3A_191 = vector.broadcast %mul3A_190 : i32 to vector<16xi32>
    %mul3A_192 = arith.muli %get3A_189, %mul3A_191 : vector<16xi32>
    %swap3A_193 = arith.constant 288 : index
    %swap3A_194 = tpu.vector_load %arg14[%swap3A_193] {strides = array<i32>} : memref<400xi32, #tpu.memory_space<vmem>>, vector<16xi32>,
    %swap3A_195 = vector.shape_cast %swap3A_194 : vector<16xi32> to vector<16xi32>
    %swap3A_196 = vector.shape_cast %mul3A_192 : vector<16xi32> to vector<16xi32>
    tpu.vector_store %arg14[%swap3A_193], %swap3A_196 {strides = array<i32>} : memref<400xi32, #tpu.memory_space<vmem>>, vector<16xi32>,
    %get3A_197 = arith.constant 304 : index
    %get3A_198 = tpu.vector_load %arg13[%get3A_197] {strides = array<i32>} : memref<400xi32, #tpu.memory_space<vmem>>, vector<16xi32>,
    %get3A_199 = vector.shape_cast %get3A_198 : vector<16xi32> to vector<16xi32>
    %mul3A_200 = arith.constant 4 : i32
    %mul3A_201 = vector.broadcast %mul3A_200 : i32 to vector<16xi32>
    %mul3A_202 = arith.muli %get3A_199, %mul3A_201 : vector<16xi32>
    %swap3A_203 = arith.constant 304 : index
    %swap3A_204 = tpu.vector_load %arg14[%swap3A_203] {strides = array<i32>} : memref<400xi32, #tpu.memory_space<vmem>>, vector<16xi32>,
    %swap3A_205 = vector.shape_cast %swap3A_204 : vector<16xi32> to vector<16xi32>
    %swap3A_206 = vector.shape_cast %mul3A_202 : vector<16xi32> to vector<16xi32>
    tpu.vector_store %arg14[%swap3A_203], %swap3A_206 {strides = array<i32>} : memref<400xi32, #tpu.memory_space<vmem>>, vector<16xi32>,
    %get3A_207 = arith.constant 320 : index
    %get3A_208 = tpu.vector_load %arg13[%get3A_207] {strides = array<i32>} : memref<400xi32, #tpu.memory_space<vmem>>, vector<16xi32>,
    %get3A_209 = vector.shape_cast %get3A_208 : vector<16xi32> to vector<16xi32>
    %mul3A_210 = arith.constant 4 : i32
    %mul3A_211 = vector.broadcast %mul3A_210 : i32 to vector<16xi32>
    %mul3A_212 = arith.muli %get3A_209, %mul3A_211 : vector<16xi32>
    %swap3A_213 = arith.constant 320 : index
    %swap3A_214 = tpu.vector_load %arg14[%swap3A_213] {strides = array<i32>} : memref<400xi32, #tpu.memory_space<vmem>>, vector<16xi32>,
    %swap3A_215 = vector.shape_cast %swap3A_214 : vector<16xi32> to vector<16xi32>
    %swap3A_216 = vector.shape_cast %mul3A_212 : vector<16xi32> to vector<16xi32>
    tpu.vector_store %arg14[%swap3A_213], %swap3A_216 {strides = array<i32>} : memref<400xi32, #tpu.memory_space<vmem>>, vector<16xi32>,
    %get3A_217 = arith.constant 336 : index
    %get3A_218 = tpu.vector_load %arg13[%get3A_217] {strides = array<i32>} : memref<400xi32, #tpu.memory_space<vmem>>, vector<16xi32>,
    %get3A_219 = vector.shape_cast %get3A_218 : vector<16xi32> to vector<16xi32>
    %mul3A_220 = arith.constant 4 : i32
    %mul3A_221 = vector.broadcast %mul3A_220 : i32 to vector<16xi32>
    %mul3A_222 = arith.muli %get3A_219, %mul3A_221 : vector<16xi32>
    %swap3A_223 = arith.constant 336 : index
    %swap3A_224 = tpu.vector_load %arg14[%swap3A_223] {strides = array<i32>} : memref<400xi32, #tpu.memory_space<vmem>>, vector<16xi32>,
    %swap3A_225 = vector.shape_cast %swap3A_224 : vector<16xi32> to vector<16xi32>
    %swap3A_226 = vector.shape_cast %mul3A_222 : vector<16xi32> to vector<16xi32>
    tpu.vector_store %arg14[%swap3A_223], %swap3A_226 {strides = array<i32>} : memref<400xi32, #tpu.memory_space<vmem>>, vector<16xi32>,
    %get3A_227 = arith.constant 352 : index
    %get3A_228 = tpu.vector_load %arg13[%get3A_227] {strides = array<i32>} : memref<400xi32, #tpu.memory_space<vmem>>, vector<16xi32>,
    %get3A_229 = vector.shape_cast %get3A_228 : vector<16xi32> to vector<16xi32>
    %mul3A_230 = arith.constant 4 : i32
    %mul3A_231 = vector.broadcast %mul3A_230 : i32 to vector<16xi32>
    %mul3A_232 = arith.muli %get3A_229, %mul3A_231 : vector<16xi32>
    %swap3A_233 = arith.constant 352 : index
    %swap3A_234 = tpu.vector_load %arg14[%swap3A_233] {strides = array<i32>} : memref<400xi32, #tpu.memory_space<vmem>>, vector<16xi32>,
    %swap3A_235 = vector.shape_cast %swap3A_234 : vector<16xi32> to vector<16xi32>
    %swap3A_236 = vector.shape_cast %mul3A_232 : vector<16xi32> to vector<16xi32>
    tpu.vector_store %arg14[%swap3A_233], %swap3A_236 {strides = array<i32>} : memref<400xi32, #tpu.memory_space<vmem>>, vector<16xi32>,
    %get3A_237 = arith.constant 368 : index
    %get3A_238 = tpu.vector_load %arg13[%get3A_237] {strides = array<i32>} : memref<400xi32, #tpu.memory_space<vmem>>, vector<16xi32>,
    %get3A_239 = vector.shape_cast %get3A_238 : vector<16xi32> to vector<16xi32>
    %mul3A_240 = arith.constant 4 : i32
    %mul3A_241 = vector.broadcast %mul3A_240 : i32 to vector<16xi32>
    %mul3A_242 = arith.muli %get3A_239, %mul3A_241 : vector<16xi32>
    %swap3A_243 = arith.constant 368 : index
    %swap3A_244 = tpu.vector_load %arg14[%swap3A_243] {strides = array<i32>} : memref<400xi32, #tpu.memory_space<vmem>>, vector<16xi32>,
    %swap3A_245 = vector.shape_cast %swap3A_244 : vector<16xi32> to vector<16xi32>
    %swap3A_246 = vector.shape_cast %mul3A_242 : vector<16xi32> to vector<16xi32>
    tpu.vector_store %arg14[%swap3A_243], %swap3A_246 {strides = array<i32>} : memref<400xi32, #tpu.memory_space<vmem>>, vector<16xi32>,
    %get3A_247 = arith.constant 384 : index
    %get3A_248 = tpu.vector_load %arg13[%get3A_247] {strides = array<i32>} : memref<400xi32, #tpu.memory_space<vmem>>, vector<16xi32>,
    %get3A_249 = vector.shape_cast %get3A_248 : vector<16xi32> to vector<16xi32>
    %mul3A_250 = arith.constant 4 : i32
    %mul3A_251 = vector.broadcast %mul3A_250 : i32 to vector<16xi32>
    %mul3A_252 = arith.muli %get3A_249, %mul3A_251 : vector<16xi32>
    %swap3A_253 = arith.constant 384 : index
    %swap3A_254 = tpu.vector_load %arg14[%swap3A_253] {strides = array<i32>} : memref<400xi32, #tpu.memory_space<vmem>>, vector<16xi32>,
    %swap3A_255 = vector.shape_cast %swap3A_254 : vector<16xi32> to vector<16xi32>
    %swap3A_256 = vector.shape_cast %mul3A_252 : vector<16xi32> to vector<16xi32>
    tpu.vector_store %arg14[%swap3A_253], %swap3A_256 {strides = array<i32>} : memref<400xi32, #tpu.memory_space<vmem>>, vector<16xi32>,
    %get3A_257 = arith.constant 0 : index
    %get3A_258 = tpu.vector_load %arg14[%get3A_257] {strides = array<i32>} : memref<400xi32, #tpu.memory_space<vmem>>, vector<16xi32>,
    %get3A_259 = vector.shape_cast %get3A_258 : vector<16xi32> to vector<16xi32>
    %add3A_260 = arith.constant 0 : i32
    %add3A_261 = vector.broadcast %add3A_260 : i32 to vector<16xi32>
    %add3A_262 = arith.addi %get3A_259, %add3A_261 : vector<16xi32>
    %swap3A_263 = arith.constant 0 : index
    %swap3A_264 = tpu.vector_load %arg15[%swap3A_263] {strides = array<i32>} : memref<1600xi32, #tpu.memory_space<vmem>>, vector<16xi32>,
    %swap3A_265 = vector.shape_cast %swap3A_264 : vector<16xi32> to vector<16xi32>
    %swap3A_266 = vector.shape_cast %add3A_262 : vector<16xi32> to vector<16xi32>
    tpu.vector_store %arg15[%swap3A_263], %swap3A_266 {strides = array<i32>} : memref<1600xi32, #tpu.memory_space<vmem>>, vector<16xi32>,
    %get3A_267 = arith.constant 16 : index
    %get3A_268 = tpu.vector_load %arg14[%get3A_267] {strides = array<i32>} : memref<400xi32, #tpu.memory_space<vmem>>, vector<16xi32>,
    %get3A_269 = vector.shape_cast %get3A_268 : vector<16xi32> to vector<16xi32>
    %add3A_270 = arith.constant 0 : i32
    %add3A_271 = vector.broadcast %add3A_270 : i32 to vector<16xi32>
    %add3A_272 = arith.addi %get3A_269, %add3A_271 : vector<16xi32>
    %swap3A_273 = arith.constant 16 : index
    %swap3A_274 = tpu.vector_load %arg15[%swap3A_273] {strides = array<i32>} : memref<1600xi32, #tpu.memory_space<vmem>>, vector<16xi32>,
    %swap3A_275 = vector.shape_cast %swap3A_274 : vector<16xi32> to vector<16xi32>
    %swap3A_276 = vector.shape_cast %add3A_272 : vector<16xi32> to vector<16xi32>
    tpu.vector_store %arg15[%swap3A_273], %swap3A_276 {strides = array<i32>} : memref<1600xi32, #tpu.memory_space<vmem>>, vector<16xi32>,
    %get3A_277 = arith.constant 32 : index
    %get3A_278 = tpu.vector_load %arg14[%get3A_277] {strides = array<i32>} : memref<400xi32, #tpu.memory_space<vmem>>, vector<16xi32>,
    %get3A_279 = vector.shape_cast %get3A_278 : vector<16xi32> to vector<16xi32>
    %add3A_280 = arith.constant 0 : i32
    %add3A_281 = vector.broadcast %add3A_280 : i32 to vector<16xi32>
    %add3A_282 = arith.addi %get3A_279, %add3A_281 : vector<16xi32>
    %swap3A_283 = arith.constant 32 : index
    %swap3A_284 = tpu.vector_load %arg15[%swap3A_283] {strides = array<i32>} : memref<1600xi32, #tpu.memory_space<vmem>>, vector<16xi32>,
    %swap3A_285 = vector.shape_cast %swap3A_284 : vector<16xi32> to vector<16xi32>
    %swap3A_286 = vector.shape_cast %add3A_282 : vector<16xi32> to vector<16xi32>
    tpu.vector_store %arg15[%swap3A_283], %swap3A_286 {strides = array<i32>} : memref<1600xi32, #tpu.memory_space<vmem>>, vector<16xi32>,
    %get3A_287 = arith.constant 48 : index
    %get3A_288 = tpu.vector_load %arg14[%get3A_287] {strides = array<i32>} : memref<400xi32, #tpu.memory_space<vmem>>, vector<16xi32>,
    %get3A_289 = vector.shape_cast %get3A_288 : vector<16xi32> to vector<16xi32>
    %add3A_290 = arith.constant 0 : i32
    %add3A_291 = vector.broadcast %add3A_290 : i32 to vector<16xi32>
    %add3A_292 = arith.addi %get3A_289, %add3A_291 : vector<16xi32>
    %swap3A_293 = arith.constant 48 : index
    %swap3A_294 = tpu.vector_load %arg15[%swap3A_293] {strides = array<i32>} : memref<1600xi32, #tpu.memory_space<vmem>>, vector<16xi32>,
    %swap3A_295 = vector.shape_cast %swap3A_294 : vector<16xi32> to vector<16xi32>
    %swap3A_296 = vector.shape_cast %add3A_292 : vector<16xi32> to vector<16xi32>
    tpu.vector_store %arg15[%swap3A_293], %swap3A_296 {strides = array<i32>} : memref<1600xi32, #tpu.memory_space<vmem>>, vector<16xi32>,
    %get3A_297 = arith.constant 64 : index
    %get3A_298 = tpu.vector_load %arg14[%get3A_297] {strides = array<i32>} : memref<400xi32, #tpu.memory_space<vmem>>, vector<16xi32>,
    %get3A_299 = vector.shape_cast %get3A_298 : vector<16xi32> to vector<16xi32>
    %add3A_300 = arith.constant 0 : i32
    %add3A_301 = vector.broadcast %add3A_300 : i32 to vector<16xi32>
    %add3A_302 = arith.addi %get3A_299, %add3A_301 : vector<16xi32>
    %swap3A_303 = arith.constant 64 : index
    %swap3A_304 = tpu.vector_load %arg15[%swap3A_303] {strides = array<i32>} : memref<1600xi32, #tpu.memory_space<vmem>>, vector<16xi32>,
    %swap3A_305 = vector.shape_cast %swap3A_304 : vector<16xi32> to vector<16xi32>
    %swap3A_306 = vector.shape_cast %add3A_302 : vector<16xi32> to vector<16xi32>
    tpu.vector_store %arg15[%swap3A_303], %swap3A_306 {strides = array<i32>} : memref<1600xi32, #tpu.memory_space<vmem>>, vector<16xi32>,
    %get3A_307 = arith.constant 80 : index
    %get3A_308 = tpu.vector_load %arg14[%get3A_307] {strides = array<i32>} : memref<400xi32, #tpu.memory_space<vmem>>, vector<16xi32>,
    %get3A_309 = vector.shape_cast %get3A_308 : vector<16xi32> to vector<16xi32>
    %add3A_310 = arith.constant 0 : i32
    %add3A_311 = vector.broadcast %add3A_310 : i32 to vector<16xi32>
    %add3A_312 = arith.addi %get3A_309, %add3A_311 : vector<16xi32>
    %swap3A_313 = arith.constant 80 : index
    %swap3A_314 = tpu.vector_load %arg15[%swap3A_313] {strides = array<i32>} : memref<1600xi32, #tpu.memory_space<vmem>>, vector<16xi32>,
    %swap3A_315 = vector.shape_cast %swap3A_314 : vector<16xi32> to vector<16xi32>
    %swap3A_316 = vector.shape_cast %add3A_312 : vector<16xi32> to vector<16xi32>
    tpu.vector_store %arg15[%swap3A_313], %swap3A_316 {strides = array<i32>} : memref<1600xi32, #tpu.memory_space<vmem>>, vector<16xi32>,
    %get3A_317 = arith.constant 96 : index
    %get3A_318 = tpu.vector_load %arg14[%get3A_317] {strides = array<i32>} : memref<400xi32, #tpu.memory_space<vmem>>, vector<16xi32>,
    %get3A_319 = vector.shape_cast %get3A_318 : vector<16xi32> to vector<16xi32>
    %add3A_320 = arith.constant 0 : i32
    %add3A_321 = vector.broadcast %add3A_320 : i32 to vector<16xi32>
    %add3A_322 = arith.addi %get3A_319, %add3A_321 : vector<16xi32>
    %swap3A_323 = arith.constant 96 : index
    %swap3A_324 = tpu.vector_load %arg15[%swap3A_323] {strides = array<i32>} : memref<1600xi32, #tpu.memory_space<vmem>>, vector<16xi32>,
    %swap3A_325 = vector.shape_cast %swap3A_324 : vector<16xi32> to vector<16xi32>
    %swap3A_326 = vector.shape_cast %add3A_322 : vector<16xi32> to vector<16xi32>
    tpu.vector_store %arg15[%swap3A_323], %swap3A_326 {strides = array<i32>} : memref<1600xi32, #tpu.memory_space<vmem>>, vector<16xi32>,
    %get3A_327 = arith.constant 112 : index
    %get3A_328 = tpu.vector_load %arg14[%get3A_327] {strides = array<i32>} : memref<400xi32, #tpu.memory_space<vmem>>, vector<16xi32>,
    %get3A_329 = vector.shape_cast %get3A_328 : vector<16xi32> to vector<16xi32>
    %add3A_330 = arith.constant 0 : i32
    %add3A_331 = vector.broadcast %add3A_330 : i32 to vector<16xi32>
    %add3A_332 = arith.addi %get3A_329, %add3A_331 : vector<16xi32>
    %swap3A_333 = arith.constant 112 : index
    %swap3A_334 = tpu.vector_load %arg15[%swap3A_333] {strides = array<i32>} : memref<1600xi32, #tpu.memory_space<vmem>>, vector<16xi32>,
    %swap3A_335 = vector.shape_cast %swap3A_334 : vector<16xi32> to vector<16xi32>
    %swap3A_336 = vector.shape_cast %add3A_332 : vector<16xi32> to vector<16xi32>
    tpu.vector_store %arg15[%swap3A_333], %swap3A_336 {strides = array<i32>} : memref<1600xi32, #tpu.memory_space<vmem>>, vector<16xi32>,
    %get3A_337 = arith.constant 128 : index
    %get3A_338 = tpu.vector_load %arg14[%get3A_337] {strides = array<i32>} : memref<400xi32, #tpu.memory_space<vmem>>, vector<16xi32>,
    %get3A_339 = vector.shape_cast %get3A_338 : vector<16xi32> to vector<16xi32>
    %add3A_340 = arith.constant 0 : i32
    %add3A_341 = vector.broadcast %add3A_340 : i32 to vector<16xi32>
    %add3A_342 = arith.addi %get3A_339, %add3A_341 : vector<16xi32>
    %swap3A_343 = arith.constant 128 : index
    %swap3A_344 = tpu.vector_load %arg15[%swap3A_343] {strides = array<i32>} : memref<1600xi32, #tpu.memory_space<vmem>>, vector<16xi32>,
    %swap3A_345 = vector.shape_cast %swap3A_344 : vector<16xi32> to vector<16xi32>
    %swap3A_346 = vector.shape_cast %add3A_342 : vector<16xi32> to vector<16xi32>
    tpu.vector_store %arg15[%swap3A_343], %swap3A_346 {strides = array<i32>} : memref<1600xi32, #tpu.memory_space<vmem>>, vector<16xi32>,
    %get3A_347 = arith.constant 144 : index
    %get3A_348 = tpu.vector_load %arg14[%get3A_347] {strides = array<i32>} : memref<400xi32, #tpu.memory_space<vmem>>, vector<16xi32>,
    %get3A_349 = vector.shape_cast %get3A_348 : vector<16xi32> to vector<16xi32>
    %add3A_350 = arith.constant 0 : i32
    %add3A_351 = vector.broadcast %add3A_350 : i32 to vector<16xi32>
    %add3A_352 = arith.addi %get3A_349, %add3A_351 : vector<16xi32>
    %swap3A_353 = arith.constant 144 : index
    %swap3A_354 = tpu.vector_load %arg15[%swap3A_353] {strides = array<i32>} : memref<1600xi32, #tpu.memory_space<vmem>>, vector<16xi32>,
    %swap3A_355 = vector.shape_cast %swap3A_354 : vector<16xi32> to vector<16xi32>
    %swap3A_356 = vector.shape_cast %add3A_352 : vector<16xi32> to vector<16xi32>
    tpu.vector_store %arg15[%swap3A_353], %swap3A_356 {strides = array<i32>} : memref<1600xi32, #tpu.memory_space<vmem>>, vector<16xi32>,
    %get3A_357 = arith.constant 160 : index
    %get3A_358 = tpu.vector_load %arg14[%get3A_357] {strides = array<i32>} : memref<400xi32, #tpu.memory_space<vmem>>, vector<16xi32>,
    %get3A_359 = vector.shape_cast %get3A_358 : vector<16xi32> to vector<16xi32>
    %add3A_360 = arith.constant 0 : i32
    %add3A_361 = vector.broadcast %add3A_360 : i32 to vector<16xi32>
    %add3A_362 = arith.addi %get3A_359, %add3A_361 : vector<16xi32>
    %swap3A_363 = arith.constant 160 : index
    %swap3A_364 = tpu.vector_load %arg15[%swap3A_363] {strides = array<i32>} : memref<1600xi32, #tpu.memory_space<vmem>>, vector<16xi32>,
    %swap3A_365 = vector.shape_cast %swap3A_364 : vector<16xi32> to vector<16xi32>
    %swap3A_366 = vector.shape_cast %add3A_362 : vector<16xi32> to vector<16xi32>
    tpu.vector_store %arg15[%swap3A_363], %swap3A_366 {strides = array<i32>} : memref<1600xi32, #tpu.memory_space<vmem>>, vector<16xi32>,
    %get3A_367 = arith.constant 176 : index
    %get3A_368 = tpu.vector_load %arg14[%get3A_367] {strides = array<i32>} : memref<400xi32, #tpu.memory_space<vmem>>, vector<16xi32>,
    %get3A_369 = vector.shape_cast %get3A_368 : vector<16xi32> to vector<16xi32>
    %add3A_370 = arith.constant 0 : i32
    %add3A_371 = vector.broadcast %add3A_370 : i32 to vector<16xi32>
    %add3A_372 = arith.addi %get3A_369, %add3A_371 : vector<16xi32>
    %swap3A_373 = arith.constant 176 : index
    %swap3A_374 = tpu.vector_load %arg15[%swap3A_373] {strides = array<i32>} : memref<1600xi32, #tpu.memory_space<vmem>>, vector<16xi32>,
    %swap3A_375 = vector.shape_cast %swap3A_374 : vector<16xi32> to vector<16xi32>
    %swap3A_376 = vector.shape_cast %add3A_372 : vector<16xi32> to vector<16xi32>
    tpu.vector_store %arg15[%swap3A_373], %swap3A_376 {strides = array<i32>} : memref<1600xi32, #tpu.memory_space<vmem>>, vector<16xi32>,
    %get3A_377 = arith.constant 192 : index
    %get3A_378 = tpu.vector_load %arg14[%get3A_377] {strides = array<i32>} : memref<400xi32, #tpu.memory_space<vmem>>, vector<16xi32>,
    %get3A_379 = vector.shape_cast %get3A_378 : vector<16xi32> to vector<16xi32>
    %add3A_380 = arith.constant 0 : i32
    %add3A_381 = vector.broadcast %add3A_380 : i32 to vector<16xi32>
    %add3A_382 = arith.addi %get3A_379, %add3A_381 : vector<16xi32>
    %swap3A_383 = arith.constant 192 : index
    %swap3A_384 = tpu.vector_load %arg15[%swap3A_383] {strides = array<i32>} : memref<1600xi32, #tpu.memory_space<vmem>>, vector<16xi32>,
    %swap3A_385 = vector.shape_cast %swap3A_384 : vector<16xi32> to vector<16xi32>
    %swap3A_386 = vector.shape_cast %add3A_382 : vector<16xi32> to vector<16xi32>
    tpu.vector_store %arg15[%swap3A_383], %swap3A_386 {strides = array<i32>} : memref<1600xi32, #tpu.memory_space<vmem>>, vector<16xi32>,
    %get3A_387 = arith.constant 208 : index
    %get3A_388 = tpu.vector_load %arg14[%get3A_387] {strides = array<i32>} : memref<400xi32, #tpu.memory_space<vmem>>, vector<16xi32>,
    %get3A_389 = vector.shape_cast %get3A_388 : vector<16xi32> to vector<16xi32>
    %add3A_390 = arith.constant 0 : i32
    %add3A_391 = vector.broadcast %add3A_390 : i32 to vector<16xi32>
    %add3A_392 = arith.addi %get3A_389, %add3A_391 : vector<16xi32>
    %swap3A_393 = arith.constant 208 : index
    %swap3A_394 = tpu.vector_load %arg15[%swap3A_393] {strides = array<i32>} : memref<1600xi32, #tpu.memory_space<vmem>>, vector<16xi32>,
    %swap3A_395 = vector.shape_cast %swap3A_394 : vector<16xi32> to vector<16xi32>
    %swap3A_396 = vector.shape_cast %add3A_392 : vector<16xi32> to vector<16xi32>
    tpu.vector_store %arg15[%swap3A_393], %swap3A_396 {strides = array<i32>} : memref<1600xi32, #tpu.memory_space<vmem>>, vector<16xi32>,
    %get3A_397 = arith.constant 224 : index
    %get3A_398 = tpu.vector_load %arg14[%get3A_397] {strides = array<i32>} : memref<400xi32, #tpu.memory_space<vmem>>, vector<16xi32>,
    %get3A_399 = vector.shape_cast %get3A_398 : vector<16xi32> to vector<16xi32>
    %add3A_400 = arith.constant 0 : i32
    %add3A_401 = vector.broadcast %add3A_400 : i32 to vector<16xi32>
    %add3A_402 = arith.addi %get3A_399, %add3A_401 : vector<16xi32>
    %swap3A_403 = arith.constant 224 : index
    %swap3A_404 = tpu.vector_load %arg15[%swap3A_403] {strides = array<i32>} : memref<1600xi32, #tpu.memory_space<vmem>>, vector<16xi32>,
    %swap3A_405 = vector.shape_cast %swap3A_404 : vector<16xi32> to vector<16xi32>
    %swap3A_406 = vector.shape_cast %add3A_402 : vector<16xi32> to vector<16xi32>
    tpu.vector_store %arg15[%swap3A_403], %swap3A_406 {strides = array<i32>} : memref<1600xi32, #tpu.memory_space<vmem>>, vector<16xi32>,
    %get3A_407 = arith.constant 240 : index
    %get3A_408 = tpu.vector_load %arg14[%get3A_407] {strides = array<i32>} : memref<400xi32, #tpu.memory_space<vmem>>, vector<16xi32>,
    %get3A_409 = vector.shape_cast %get3A_408 : vector<16xi32> to vector<16xi32>
    %add3A_410 = arith.constant 0 : i32
    %add3A_411 = vector.broadcast %add3A_410 : i32 to vector<16xi32>
    %add3A_412 = arith.addi %get3A_409, %add3A_411 : vector<16xi32>
    %swap3A_413 = arith.constant 240 : index
    %swap3A_414 = tpu.vector_load %arg15[%swap3A_413] {strides = array<i32>} : memref<1600xi32, #tpu.memory_space<vmem>>, vector<16xi32>,
    %swap3A_415 = vector.shape_cast %swap3A_414 : vector<16xi32> to vector<16xi32>
    %swap3A_416 = vector.shape_cast %add3A_412 : vector<16xi32> to vector<16xi32>
    tpu.vector_store %arg15[%swap3A_413], %swap3A_416 {strides = array<i32>} : memref<1600xi32, #tpu.memory_space<vmem>>, vector<16xi32>,
    %get3A_417 = arith.constant 256 : index
    %get3A_418 = tpu.vector_load %arg14[%get3A_417] {strides = array<i32>} : memref<400xi32, #tpu.memory_space<vmem>>, vector<16xi32>,
    %get3A_419 = vector.shape_cast %get3A_418 : vector<16xi32> to vector<16xi32>
    %add3A_420 = arith.constant 0 : i32
    %add3A_421 = vector.broadcast %add3A_420 : i32 to vector<16xi32>
    %add3A_422 = arith.addi %get3A_419, %add3A_421 : vector<16xi32>
    %swap3A_423 = arith.constant 256 : index
    %swap3A_424 = tpu.vector_load %arg15[%swap3A_423] {strides = array<i32>} : memref<1600xi32, #tpu.memory_space<vmem>>, vector<16xi32>,
    %swap3A_425 = vector.shape_cast %swap3A_424 : vector<16xi32> to vector<16xi32>
    %swap3A_426 = vector.shape_cast %add3A_422 : vector<16xi32> to vector<16xi32>
    tpu.vector_store %arg15[%swap3A_423], %swap3A_426 {strides = array<i32>} : memref<1600xi32, #tpu.memory_space<vmem>>, vector<16xi32>,
    %get3A_427 = arith.constant 272 : index
    %get3A_428 = tpu.vector_load %arg14[%get3A_427] {strides = array<i32>} : memref<400xi32, #tpu.memory_space<vmem>>, vector<16xi32>,
    %get3A_429 = vector.shape_cast %get3A_428 : vector<16xi32> to vector<16xi32>
    %add3A_430 = arith.constant 0 : i32
    %add3A_431 = vector.broadcast %add3A_430 : i32 to vector<16xi32>
    %add3A_432 = arith.addi %get3A_429, %add3A_431 : vector<16xi32>
    %swap3A_433 = arith.constant 272 : index
    %swap3A_434 = tpu.vector_load %arg15[%swap3A_433] {strides = array<i32>} : memref<1600xi32, #tpu.memory_space<vmem>>, vector<16xi32>,
    %swap3A_435 = vector.shape_cast %swap3A_434 : vector<16xi32> to vector<16xi32>
    %swap3A_436 = vector.shape_cast %add3A_432 : vector<16xi32> to vector<16xi32>
    tpu.vector_store %arg15[%swap3A_433], %swap3A_436 {strides = array<i32>} : memref<1600xi32, #tpu.memory_space<vmem>>, vector<16xi32>,
    %get3A_437 = arith.constant 288 : index
    %get3A_438 = tpu.vector_load %arg14[%get3A_437] {strides = array<i32>} : memref<400xi32, #tpu.memory_space<vmem>>, vector<16xi32>,
    %get3A_439 = vector.shape_cast %get3A_438 : vector<16xi32> to vector<16xi32>
    %add3A_440 = arith.constant 0 : i32
    %add3A_441 = vector.broadcast %add3A_440 : i32 to vector<16xi32>
    %add3A_442 = arith.addi %get3A_439, %add3A_441 : vector<16xi32>
    %swap3A_443 = arith.constant 288 : index
    %swap3A_444 = tpu.vector_load %arg15[%swap3A_443] {strides = array<i32>} : memref<1600xi32, #tpu.memory_space<vmem>>, vector<16xi32>,
    %swap3A_445 = vector.shape_cast %swap3A_444 : vector<16xi32> to vector<16xi32>
    %swap3A_446 = vector.shape_cast %add3A_442 : vector<16xi32> to vector<16xi32>
    tpu.vector_store %arg15[%swap3A_443], %swap3A_446 {strides = array<i32>} : memref<1600xi32, #tpu.memory_space<vmem>>, vector<16xi32>,
    %get3A_447 = arith.constant 304 : index
    %get3A_448 = tpu.vector_load %arg14[%get3A_447] {strides = array<i32>} : memref<400xi32, #tpu.memory_space<vmem>>, vector<16xi32>,
    %get3A_449 = vector.shape_cast %get3A_448 : vector<16xi32> to vector<16xi32>
    %add3A_450 = arith.constant 0 : i32
    %add3A_451 = vector.broadcast %add3A_450 : i32 to vector<16xi32>
    %add3A_452 = arith.addi %get3A_449, %add3A_451 : vector<16xi32>
    %swap3A_453 = arith.constant 304 : index
    %swap3A_454 = tpu.vector_load %arg15[%swap3A_453] {strides = array<i32>} : memref<1600xi32, #tpu.memory_space<vmem>>, vector<16xi32>,
    %swap3A_455 = vector.shape_cast %swap3A_454 : vector<16xi32> to vector<16xi32>
    %swap3A_456 = vector.shape_cast %add3A_452 : vector<16xi32> to vector<16xi32>
    tpu.vector_store %arg15[%swap3A_453], %swap3A_456 {strides = array<i32>} : memref<1600xi32, #tpu.memory_space<vmem>>, vector<16xi32>,
    %get3A_457 = arith.constant 320 : index
    %get3A_458 = tpu.vector_load %arg14[%get3A_457] {strides = array<i32>} : memref<400xi32, #tpu.memory_space<vmem>>, vector<16xi32>,
    %get3A_459 = vector.shape_cast %get3A_458 : vector<16xi32> to vector<16xi32>
    %add3A_460 = arith.constant 0 : i32
    %add3A_461 = vector.broadcast %add3A_460 : i32 to vector<16xi32>
    %add3A_462 = arith.addi %get3A_459, %add3A_461 : vector<16xi32>
    %swap3A_463 = arith.constant 320 : index
    %swap3A_464 = tpu.vector_load %arg15[%swap3A_463] {strides = array<i32>} : memref<1600xi32, #tpu.memory_space<vmem>>, vector<16xi32>,
    %swap3A_465 = vector.shape_cast %swap3A_464 : vector<16xi32> to vector<16xi32>
    %swap3A_466 = vector.shape_cast %add3A_462 : vector<16xi32> to vector<16xi32>
    tpu.vector_store %arg15[%swap3A_463], %swap3A_466 {strides = array<i32>} : memref<1600xi32, #tpu.memory_space<vmem>>, vector<16xi32>,
    %get3A_467 = arith.constant 336 : index
    %get3A_468 = tpu.vector_load %arg14[%get3A_467] {strides = array<i32>} : memref<400xi32, #tpu.memory_space<vmem>>, vector<16xi32>,
    %get3A_469 = vector.shape_cast %get3A_468 : vector<16xi32> to vector<16xi32>
    %add3A_470 = arith.constant 0 : i32
    %add3A_471 = vector.broadcast %add3A_470 : i32 to vector<16xi32>
    %add3A_472 = arith.addi %get3A_469, %add3A_471 : vector<16xi32>
    %swap3A_473 = arith.constant 336 : index
    %swap3A_474 = tpu.vector_load %arg15[%swap3A_473] {strides = array<i32>} : memref<1600xi32, #tpu.memory_space<vmem>>, vector<16xi32>,
    %swap3A_475 = vector.shape_cast %swap3A_474 : vector<16xi32> to vector<16xi32>
    %swap3A_476 = vector.shape_cast %add3A_472 : vector<16xi32> to vector<16xi32>
    tpu.vector_store %arg15[%swap3A_473], %swap3A_476 {strides = array<i32>} : memref<1600xi32, #tpu.memory_space<vmem>>, vector<16xi32>,
    %get3A_477 = arith.constant 352 : index
    %get3A_478 = tpu.vector_load %arg14[%get3A_477] {strides = array<i32>} : memref<400xi32, #tpu.memory_space<vmem>>, vector<16xi32>,
    %get3A_479 = vector.shape_cast %get3A_478 : vector<16xi32> to vector<16xi32>
    %add3A_480 = arith.constant 0 : i32
    %add3A_481 = vector.broadcast %add3A_480 : i32 to vector<16xi32>
    %add3A_482 = arith.addi %get3A_479, %add3A_481 : vector<16xi32>
    %swap3A_483 = arith.constant 352 : index
    %swap3A_484 = tpu.vector_load %arg15[%swap3A_483] {strides = array<i32>} : memref<1600xi32, #tpu.memory_space<vmem>>, vector<16xi32>,
    %swap3A_485 = vector.shape_cast %swap3A_484 : vector<16xi32> to vector<16xi32>
    %swap3A_486 = vector.shape_cast %add3A_482 : vector<16xi32> to vector<16xi32>
    tpu.vector_store %arg15[%swap3A_483], %swap3A_486 {strides = array<i32>} : memref<1600xi32, #tpu.memory_space<vmem>>, vector<16xi32>,
    %get3A_487 = arith.constant 368 : index
    %get3A_488 = tpu.vector_load %arg14[%get3A_487] {strides = array<i32>} : memref<400xi32, #tpu.memory_space<vmem>>, vector<16xi32>,
    %get3A_489 = vector.shape_cast %get3A_488 : vector<16xi32> to vector<16xi32>
    %add3A_490 = arith.constant 0 : i32
    %add3A_491 = vector.broadcast %add3A_490 : i32 to vector<16xi32>
    %add3A_492 = arith.addi %get3A_489, %add3A_491 : vector<16xi32>
    %swap3A_493 = arith.constant 368 : index
    %swap3A_494 = tpu.vector_load %arg15[%swap3A_493] {strides = array<i32>} : memref<1600xi32, #tpu.memory_space<vmem>>, vector<16xi32>,
    %swap3A_495 = vector.shape_cast %swap3A_494 : vector<16xi32> to vector<16xi32>
    %swap3A_496 = vector.shape_cast %add3A_492 : vector<16xi32> to vector<16xi32>
    tpu.vector_store %arg15[%swap3A_493], %swap3A_496 {strides = array<i32>} : memref<1600xi32, #tpu.memory_space<vmem>>, vector<16xi32>,
    %get3A_497 = arith.constant 384 : index
    %get3A_498 = tpu.vector_load %arg14[%get3A_497] {strides = array<i32>} : memref<400xi32, #tpu.memory_space<vmem>>, vector<16xi32>,
    %get3A_499 = vector.shape_cast %get3A_498 : vector<16xi32> to vector<16xi32>
    %add3A_500 = arith.constant 0 : i32
    %add3A_501 = vector.broadcast %add3A_500 : i32 to vector<16xi32>
    %add3A_502 = arith.addi %get3A_499, %add3A_501 : vector<16xi32>
    %swap3A_503 = arith.constant 384 : index
    %swap3A_504 = tpu.vector_load %arg15[%swap3A_503] {strides = array<i32>} : memref<1600xi32, #tpu.memory_space<vmem>>, vector<16xi32>,
    %swap3A_505 = vector.shape_cast %swap3A_504 : vector<16xi32> to vector<16xi32>
    %swap3A_506 = vector.shape_cast %add3A_502 : vector<16xi32> to vector<16xi32>
    tpu.vector_store %arg15[%swap3A_503], %swap3A_506 {strides = array<i32>} : memref<1600xi32, #tpu.memory_space<vmem>>, vector<16xi32>,
    %get3A_507 = arith.constant 0 : index
    %get3A_508 = tpu.vector_load %arg14[%get3A_507] {strides = array<i32>} : memref<400xi32, #tpu.memory_space<vmem>>, vector<16xi32>,
    %get3A_509 = vector.shape_cast %get3A_508 : vector<16xi32> to vector<16xi32>
    %add3A_510 = arith.constant 1 : i32
    %add3A_511 = vector.broadcast %add3A_510 : i32 to vector<16xi32>
    %add3A_512 = arith.addi %get3A_509, %add3A_511 : vector<16xi32>
    %swap3A_513 = arith.constant 400 : index
    %swap3A_514 = tpu.vector_load %arg15[%swap3A_513] {strides = array<i32>} : memref<1600xi32, #tpu.memory_space<vmem>>, vector<16xi32>,
    %swap3A_515 = vector.shape_cast %swap3A_514 : vector<16xi32> to vector<16xi32>
    %swap3A_516 = vector.shape_cast %add3A_512 : vector<16xi32> to vector<16xi32>
    tpu.vector_store %arg15[%swap3A_513], %swap3A_516 {strides = array<i32>} : memref<1600xi32, #tpu.memory_space<vmem>>, vector<16xi32>,
    %get3A_517 = arith.constant 16 : index
    %get3A_518 = tpu.vector_load %arg14[%get3A_517] {strides = array<i32>} : memref<400xi32, #tpu.memory_space<vmem>>, vector<16xi32>,
    %get3A_519 = vector.shape_cast %get3A_518 : vector<16xi32> to vector<16xi32>
    %add3A_520 = arith.constant 1 : i32
    %add3A_521 = vector.broadcast %add3A_520 : i32 to vector<16xi32>
    %add3A_522 = arith.addi %get3A_519, %add3A_521 : vector<16xi32>
    %swap3A_523 = arith.constant 416 : index
    %swap3A_524 = tpu.vector_load %arg15[%swap3A_523] {strides = array<i32>} : memref<1600xi32, #tpu.memory_space<vmem>>, vector<16xi32>,
    %swap3A_525 = vector.shape_cast %swap3A_524 : vector<16xi32> to vector<16xi32>
    %swap3A_526 = vector.shape_cast %add3A_522 : vector<16xi32> to vector<16xi32>
    tpu.vector_store %arg15[%swap3A_523], %swap3A_526 {strides = array<i32>} : memref<1600xi32, #tpu.memory_space<vmem>>, vector<16xi32>,
    %get3A_527 = arith.constant 32 : index
    %get3A_528 = tpu.vector_load %arg14[%get3A_527] {strides = array<i32>} : memref<400xi32, #tpu.memory_space<vmem>>, vector<16xi32>,
    %get3A_529 = vector.shape_cast %get3A_528 : vector<16xi32> to vector<16xi32>
    %add3A_530 = arith.constant 1 : i32
    %add3A_531 = vector.broadcast %add3A_530 : i32 to vector<16xi32>
    %add3A_532 = arith.addi %get3A_529, %add3A_531 : vector<16xi32>
    %swap3A_533 = arith.constant 432 : index
    %swap3A_534 = tpu.vector_load %arg15[%swap3A_533] {strides = array<i32>} : memref<1600xi32, #tpu.memory_space<vmem>>, vector<16xi32>,
    %swap3A_535 = vector.shape_cast %swap3A_534 : vector<16xi32> to vector<16xi32>
    %swap3A_536 = vector.shape_cast %add3A_532 : vector<16xi32> to vector<16xi32>
    tpu.vector_store %arg15[%swap3A_533], %swap3A_536 {strides = array<i32>} : memref<1600xi32, #tpu.memory_space<vmem>>, vector<16xi32>,
    %get3A_537 = arith.constant 48 : index
    %get3A_538 = tpu.vector_load %arg14[%get3A_537] {strides = array<i32>} : memref<400xi32, #tpu.memory_space<vmem>>, vector<16xi32>,
    %get3A_539 = vector.shape_cast %get3A_538 : vector<16xi32> to vector<16xi32>
    %add3A_540 = arith.constant 1 : i32
    %add3A_541 = vector.broadcast %add3A_540 : i32 to vector<16xi32>
    %add3A_542 = arith.addi %get3A_539, %add3A_541 : vector<16xi32>
    %swap3A_543 = arith.constant 448 : index
    %swap3A_544 = tpu.vector_load %arg15[%swap3A_543] {strides = array<i32>} : memref<1600xi32, #tpu.memory_space<vmem>>, vector<16xi32>,
    %swap3A_545 = vector.shape_cast %swap3A_544 : vector<16xi32> to vector<16xi32>
    %swap3A_546 = vector.shape_cast %add3A_542 : vector<16xi32> to vector<16xi32>
    tpu.vector_store %arg15[%swap3A_543], %swap3A_546 {strides = array<i32>} : memref<1600xi32, #tpu.memory_space<vmem>>, vector<16xi32>,
    %get3A_547 = arith.constant 64 : index
    %get3A_548 = tpu.vector_load %arg14[%get3A_547] {strides = array<i32>} : memref<400xi32, #tpu.memory_space<vmem>>, vector<16xi32>,
    %get3A_549 = vector.shape_cast %get3A_548 : vector<16xi32> to vector<16xi32>
    %add3A_550 = arith.constant 1 : i32
    %add3A_551 = vector.broadcast %add3A_550 : i32 to vector<16xi32>
    %add3A_552 = arith.addi %get3A_549, %add3A_551 : vector<16xi32>
    %swap3A_553 = arith.constant 464 : index
    %swap3A_554 = tpu.vector_load %arg15[%swap3A_553] {strides = array<i32>} : memref<1600xi32, #tpu.memory_space<vmem>>, vector<16xi32>,
    %swap3A_555 = vector.shape_cast %swap3A_554 : vector<16xi32> to vector<16xi32>
    %swap3A_556 = vector.shape_cast %add3A_552 : vector<16xi32> to vector<16xi32>
    tpu.vector_store %arg15[%swap3A_553], %swap3A_556 {strides = array<i32>} : memref<1600xi32, #tpu.memory_space<vmem>>, vector<16xi32>,
    %get3A_557 = arith.constant 80 : index
    %get3A_558 = tpu.vector_load %arg14[%get3A_557] {strides = array<i32>} : memref<400xi32, #tpu.memory_space<vmem>>, vector<16xi32>,
    %get3A_559 = vector.shape_cast %get3A_558 : vector<16xi32> to vector<16xi32>
    %add3A_560 = arith.constant 1 : i32
    %add3A_561 = vector.broadcast %add3A_560 : i32 to vector<16xi32>
    %add3A_562 = arith.addi %get3A_559, %add3A_561 : vector<16xi32>
    %swap3A_563 = arith.constant 480 : index
    %swap3A_564 = tpu.vector_load %arg15[%swap3A_563] {strides = array<i32>} : memref<1600xi32, #tpu.memory_space<vmem>>, vector<16xi32>,
    %swap3A_565 = vector.shape_cast %swap3A_564 : vector<16xi32> to vector<16xi32>
    %swap3A_566 = vector.shape_cast %add3A_562 : vector<16xi32> to vector<16xi32>
    tpu.vector_store %arg15[%swap3A_563], %swap3A_566 {strides = array<i32>} : memref<1600xi32, #tpu.memory_space<vmem>>, vector<16xi32>,
    %get3A_567 = arith.constant 96 : index
    %get3A_568 = tpu.vector_load %arg14[%get3A_567] {strides = array<i32>} : memref<400xi32, #tpu.memory_space<vmem>>, vector<16xi32>,
    %get3A_569 = vector.shape_cast %get3A_568 : vector<16xi32> to vector<16xi32>
    %add3A_570 = arith.constant 1 : i32
    %add3A_571 = vector.broadcast %add3A_570 : i32 to vector<16xi32>
    %add3A_572 = arith.addi %get3A_569, %add3A_571 : vector<16xi32>
    %swap3A_573 = arith.constant 496 : index
    %swap3A_574 = tpu.vector_load %arg15[%swap3A_573] {strides = array<i32>} : memref<1600xi32, #tpu.memory_space<vmem>>, vector<16xi32>,
    %swap3A_575 = vector.shape_cast %swap3A_574 : vector<16xi32> to vector<16xi32>
    %swap3A_576 = vector.shape_cast %add3A_572 : vector<16xi32> to vector<16xi32>
    tpu.vector_store %arg15[%swap3A_573], %swap3A_576 {strides = array<i32>} : memref<1600xi32, #tpu.memory_space<vmem>>, vector<16xi32>,
    %get3A_577 = arith.constant 112 : index
    %get3A_578 = tpu.vector_load %arg14[%get3A_577] {strides = array<i32>} : memref<400xi32, #tpu.memory_space<vmem>>, vector<16xi32>,
    %get3A_579 = vector.shape_cast %get3A_578 : vector<16xi32> to vector<16xi32>
    %add3A_580 = arith.constant 1 : i32
    %add3A_581 = vector.broadcast %add3A_580 : i32 to vector<16xi32>
    %add3A_582 = arith.addi %get3A_579, %add3A_581 : vector<16xi32>
    %swap3A_583 = arith.constant 512 : index
    %swap3A_584 = tpu.vector_load %arg15[%swap3A_583] {strides = array<i32>} : memref<1600xi32, #tpu.memory_space<vmem>>, vector<16xi32>,
    %swap3A_585 = vector.shape_cast %swap3A_584 : vector<16xi32> to vector<16xi32>
    %swap3A_586 = vector.shape_cast %add3A_582 : vector<16xi32> to vector<16xi32>
    tpu.vector_store %arg15[%swap3A_583], %swap3A_586 {strides = array<i32>} : memref<1600xi32, #tpu.memory_space<vmem>>, vector<16xi32>,
    %get3A_587 = arith.constant 128 : index
    %get3A_588 = tpu.vector_load %arg14[%get3A_587] {strides = array<i32>} : memref<400xi32, #tpu.memory_space<vmem>>, vector<16xi32>,
    %get3A_589 = vector.shape_cast %get3A_588 : vector<16xi32> to vector<16xi32>
    %add3A_590 = arith.constant 1 : i32
    %add3A_591 = vector.broadcast %add3A_590 : i32 to vector<16xi32>
    %add3A_592 = arith.addi %get3A_589, %add3A_591 : vector<16xi32>
    %swap3A_593 = arith.constant 528 : index
    %swap3A_594 = tpu.vector_load %arg15[%swap3A_593] {strides = array<i32>} : memref<1600xi32, #tpu.memory_space<vmem>>, vector<16xi32>,
    %swap3A_595 = vector.shape_cast %swap3A_594 : vector<16xi32> to vector<16xi32>
    %swap3A_596 = vector.shape_cast %add3A_592 : vector<16xi32> to vector<16xi32>
    tpu.vector_store %arg15[%swap3A_593], %swap3A_596 {strides = array<i32>} : memref<1600xi32, #tpu.memory_space<vmem>>, vector<16xi32>,
    %get3A_597 = arith.constant 144 : index
    %get3A_598 = tpu.vector_load %arg14[%get3A_597] {strides = array<i32>} : memref<400xi32, #tpu.memory_space<vmem>>, vector<16xi32>,
    %get3A_599 = vector.shape_cast %get3A_598 : vector<16xi32> to vector<16xi32>
    %add3A_600 = arith.constant 1 : i32
    %add3A_601 = vector.broadcast %add3A_600 : i32 to vector<16xi32>
    %add3A_602 = arith.addi %get3A_599, %add3A_601 : vector<16xi32>
    %swap3A_603 = arith.constant 544 : index
    %swap3A_604 = tpu.vector_load %arg15[%swap3A_603] {strides = array<i32>} : memref<1600xi32, #tpu.memory_space<vmem>>, vector<16xi32>,
    %swap3A_605 = vector.shape_cast %swap3A_604 : vector<16xi32> to vector<16xi32>
    %swap3A_606 = vector.shape_cast %add3A_602 : vector<16xi32> to vector<16xi32>
    tpu.vector_store %arg15[%swap3A_603], %swap3A_606 {strides = array<i32>} : memref<1600xi32, #tpu.memory_space<vmem>>, vector<16xi32>,
    %get3A_607 = arith.constant 160 : index
    %get3A_608 = tpu.vector_load %arg14[%get3A_607] {strides = array<i32>} : memref<400xi32, #tpu.memory_space<vmem>>, vector<16xi32>,
    %get3A_609 = vector.shape_cast %get3A_608 : vector<16xi32> to vector<16xi32>
    %add3A_610 = arith.constant 1 : i32
    %add3A_611 = vector.broadcast %add3A_610 : i32 to vector<16xi32>
    %add3A_612 = arith.addi %get3A_609, %add3A_611 : vector<16xi32>
    %swap3A_613 = arith.constant 560 : index
    %swap3A_614 = tpu.vector_load %arg15[%swap3A_613] {strides = array<i32>} : memref<1600xi32, #tpu.memory_space<vmem>>, vector<16xi32>,
    %swap3A_615 = vector.shape_cast %swap3A_614 : vector<16xi32> to vector<16xi32>
    %swap3A_616 = vector.shape_cast %add3A_612 : vector<16xi32> to vector<16xi32>
    tpu.vector_store %arg15[%swap3A_613], %swap3A_616 {strides = array<i32>} : memref<1600xi32, #tpu.memory_space<vmem>>, vector<16xi32>,
    %get3A_617 = arith.constant 176 : index
    %get3A_618 = tpu.vector_load %arg14[%get3A_617] {strides = array<i32>} : memref<400xi32, #tpu.memory_space<vmem>>, vector<16xi32>,
    %get3A_619 = vector.shape_cast %get3A_618 : vector<16xi32> to vector<16xi32>
    %add3A_620 = arith.constant 1 : i32
    %add3A_621 = vector.broadcast %add3A_620 : i32 to vector<16xi32>
    %add3A_622 = arith.addi %get3A_619, %add3A_621 : vector<16xi32>
    %swap3A_623 = arith.constant 576 : index
    %swap3A_624 = tpu.vector_load %arg15[%swap3A_623] {strides = array<i32>} : memref<1600xi32, #tpu.memory_space<vmem>>, vector<16xi32>,
    %swap3A_625 = vector.shape_cast %swap3A_624 : vector<16xi32> to vector<16xi32>
    %swap3A_626 = vector.shape_cast %add3A_622 : vector<16xi32> to vector<16xi32>
    tpu.vector_store %arg15[%swap3A_623], %swap3A_626 {strides = array<i32>} : memref<1600xi32, #tpu.memory_space<vmem>>, vector<16xi32>,
    %get3A_627 = arith.constant 192 : index
    %get3A_628 = tpu.vector_load %arg14[%get3A_627] {strides = array<i32>} : memref<400xi32, #tpu.memory_space<vmem>>, vector<16xi32>,
    %get3A_629 = vector.shape_cast %get3A_628 : vector<16xi32> to vector<16xi32>
    %add3A_630 = arith.constant 1 : i32
    %add3A_631 = vector.broadcast %add3A_630 : i32 to vector<16xi32>
    %add3A_632 = arith.addi %get3A_629, %add3A_631 : vector<16xi32>
    %swap3A_633 = arith.constant 592 : index
    %swap3A_634 = tpu.vector_load %arg15[%swap3A_633] {strides = array<i32>} : memref<1600xi32, #tpu.memory_space<vmem>>, vector<16xi32>,
    %swap3A_635 = vector.shape_cast %swap3A_634 : vector<16xi32> to vector<16xi32>
    %swap3A_636 = vector.shape_cast %add3A_632 : vector<16xi32> to vector<16xi32>
    tpu.vector_store %arg15[%swap3A_633], %swap3A_636 {strides = array<i32>} : memref<1600xi32, #tpu.memory_space<vmem>>, vector<16xi32>,
    %get3A_637 = arith.constant 208 : index
    %get3A_638 = tpu.vector_load %arg14[%get3A_637] {strides = array<i32>} : memref<400xi32, #tpu.memory_space<vmem>>, vector<16xi32>,
    %get3A_639 = vector.shape_cast %get3A_638 : vector<16xi32> to vector<16xi32>
    %add3A_640 = arith.constant 1 : i32
    %add3A_641 = vector.broadcast %add3A_640 : i32 to vector<16xi32>
    %add3A_642 = arith.addi %get3A_639, %add3A_641 : vector<16xi32>
    %swap3A_643 = arith.constant 608 : index
    %swap3A_644 = tpu.vector_load %arg15[%swap3A_643] {strides = array<i32>} : memref<1600xi32, #tpu.memory_space<vmem>>, vector<16xi32>,
    %swap3A_645 = vector.shape_cast %swap3A_644 : vector<16xi32> to vector<16xi32>
    %swap3A_646 = vector.shape_cast %add3A_642 : vector<16xi32> to vector<16xi32>
    tpu.vector_store %arg15[%swap3A_643], %swap3A_646 {strides = array<i32>} : memref<1600xi32, #tpu.memory_space<vmem>>, vector<16xi32>,
    %get3A_647 = arith.constant 224 : index
    %get3A_648 = tpu.vector_load %arg14[%get3A_647] {strides = array<i32>} : memref<400xi32, #tpu.memory_space<vmem>>, vector<16xi32>,
    %get3A_649 = vector.shape_cast %get3A_648 : vector<16xi32> to vector<16xi32>
    %add3A_650 = arith.constant 1 : i32
    %add3A_651 = vector.broadcast %add3A_650 : i32 to vector<16xi32>
    %add3A_652 = arith.addi %get3A_649, %add3A_651 : vector<16xi32>
    %swap3A_653 = arith.constant 624 : index
    %swap3A_654 = tpu.vector_load %arg15[%swap3A_653] {strides = array<i32>} : memref<1600xi32, #tpu.memory_space<vmem>>, vector<16xi32>,
    %swap3A_655 = vector.shape_cast %swap3A_654 : vector<16xi32> to vector<16xi32>
    %swap3A_656 = vector.shape_cast %add3A_652 : vector<16xi32> to vector<16xi32>
    tpu.vector_store %arg15[%swap3A_653], %swap3A_656 {strides = array<i32>} : memref<1600xi32, #tpu.memory_space<vmem>>, vector<16xi32>,
    %get3A_657 = arith.constant 240 : index
    %get3A_658 = tpu.vector_load %arg14[%get3A_657] {strides = array<i32>} : memref<400xi32, #tpu.memory_space<vmem>>, vector<16xi32>,
    %get3A_659 = vector.shape_cast %get3A_658 : vector<16xi32> to vector<16xi32>
    %add3A_660 = arith.constant 1 : i32
    %add3A_661 = vector.broadcast %add3A_660 : i32 to vector<16xi32>
    %add3A_662 = arith.addi %get3A_659, %add3A_661 : vector<16xi32>
    %swap3A_663 = arith.constant 640 : index
    %swap3A_664 = tpu.vector_load %arg15[%swap3A_663] {strides = array<i32>} : memref<1600xi32, #tpu.memory_space<vmem>>, vector<16xi32>,
    %swap3A_665 = vector.shape_cast %swap3A_664 : vector<16xi32> to vector<16xi32>
    %swap3A_666 = vector.shape_cast %add3A_662 : vector<16xi32> to vector<16xi32>
    tpu.vector_store %arg15[%swap3A_663], %swap3A_666 {strides = array<i32>} : memref<1600xi32, #tpu.memory_space<vmem>>, vector<16xi32>,
    %get3A_667 = arith.constant 256 : index
    %get3A_668 = tpu.vector_load %arg14[%get3A_667] {strides = array<i32>} : memref<400xi32, #tpu.memory_space<vmem>>, vector<16xi32>,
    %get3A_669 = vector.shape_cast %get3A_668 : vector<16xi32> to vector<16xi32>
    %add3A_670 = arith.constant 1 : i32
    %add3A_671 = vector.broadcast %add3A_670 : i32 to vector<16xi32>
    %add3A_672 = arith.addi %get3A_669, %add3A_671 : vector<16xi32>
    %swap3A_673 = arith.constant 656 : index
    %swap3A_674 = tpu.vector_load %arg15[%swap3A_673] {strides = array<i32>} : memref<1600xi32, #tpu.memory_space<vmem>>, vector<16xi32>,
    %swap3A_675 = vector.shape_cast %swap3A_674 : vector<16xi32> to vector<16xi32>
    %swap3A_676 = vector.shape_cast %add3A_672 : vector<16xi32> to vector<16xi32>
    tpu.vector_store %arg15[%swap3A_673], %swap3A_676 {strides = array<i32>} : memref<1600xi32, #tpu.memory_space<vmem>>, vector<16xi32>,
    %get3A_677 = arith.constant 272 : index
    %get3A_678 = tpu.vector_load %arg14[%get3A_677] {strides = array<i32>} : memref<400xi32, #tpu.memory_space<vmem>>, vector<16xi32>,
    %get3A_679 = vector.shape_cast %get3A_678 : vector<16xi32> to vector<16xi32>
    %add3A_680 = arith.constant 1 : i32
    %add3A_681 = vector.broadcast %add3A_680 : i32 to vector<16xi32>
    %add3A_682 = arith.addi %get3A_679, %add3A_681 : vector<16xi32>
    %swap3A_683 = arith.constant 672 : index
    %swap3A_684 = tpu.vector_load %arg15[%swap3A_683] {strides = array<i32>} : memref<1600xi32, #tpu.memory_space<vmem>>, vector<16xi32>,
    %swap3A_685 = vector.shape_cast %swap3A_684 : vector<16xi32> to vector<16xi32>
    %swap3A_686 = vector.shape_cast %add3A_682 : vector<16xi32> to vector<16xi32>
    tpu.vector_store %arg15[%swap3A_683], %swap3A_686 {strides = array<i32>} : memref<1600xi32, #tpu.memory_space<vmem>>, vector<16xi32>,
    %get3A_687 = arith.constant 288 : index
    %get3A_688 = tpu.vector_load %arg14[%get3A_687] {strides = array<i32>} : memref<400xi32, #tpu.memory_space<vmem>>, vector<16xi32>,
    %get3A_689 = vector.shape_cast %get3A_688 : vector<16xi32> to vector<16xi32>
    %add3A_690 = arith.constant 1 : i32
    %add3A_691 = vector.broadcast %add3A_690 : i32 to vector<16xi32>
    %add3A_692 = arith.addi %get3A_689, %add3A_691 : vector<16xi32>
    %swap3A_693 = arith.constant 688 : index
    %swap3A_694 = tpu.vector_load %arg15[%swap3A_693] {strides = array<i32>} : memref<1600xi32, #tpu.memory_space<vmem>>, vector<16xi32>,
    %swap3A_695 = vector.shape_cast %swap3A_694 : vector<16xi32> to vector<16xi32>
    %swap3A_696 = vector.shape_cast %add3A_692 : vector<16xi32> to vector<16xi32>
    tpu.vector_store %arg15[%swap3A_693], %swap3A_696 {strides = array<i32>} : memref<1600xi32, #tpu.memory_space<vmem>>, vector<16xi32>,
    %get3A_697 = arith.constant 304 : index
    %get3A_698 = tpu.vector_load %arg14[%get3A_697] {strides = array<i32>} : memref<400xi32, #tpu.memory_space<vmem>>, vector<16xi32>,
    %get3A_699 = vector.shape_cast %get3A_698 : vector<16xi32> to vector<16xi32>
    %add3A_700 = arith.constant 1 : i32
    %add3A_701 = vector.broadcast %add3A_700 : i32 to vector<16xi32>
    %add3A_702 = arith.addi %get3A_699, %add3A_701 : vector<16xi32>
    %swap3A_703 = arith.constant 704 : index
    %swap3A_704 = tpu.vector_load %arg15[%swap3A_703] {strides = array<i32>} : memref<1600xi32, #tpu.memory_space<vmem>>, vector<16xi32>,
    %swap3A_705 = vector.shape_cast %swap3A_704 : vector<16xi32> to vector<16xi32>
    %swap3A_706 = vector.shape_cast %add3A_702 : vector<16xi32> to vector<16xi32>
    tpu.vector_store %arg15[%swap3A_703], %swap3A_706 {strides = array<i32>} : memref<1600xi32, #tpu.memory_space<vmem>>, vector<16xi32>,
    %get3A_707 = arith.constant 320 : index
    %get3A_708 = tpu.vector_load %arg14[%get3A_707] {strides = array<i32>} : memref<400xi32, #tpu.memory_space<vmem>>, vector<16xi32>,
    %get3A_709 = vector.shape_cast %get3A_708 : vector<16xi32> to vector<16xi32>
    %add3A_710 = arith.constant 1 : i32
    %add3A_711 = vector.broadcast %add3A_710 : i32 to vector<16xi32>
    %add3A_712 = arith.addi %get3A_709, %add3A_711 : vector<16xi32>
    %swap3A_713 = arith.constant 720 : index
    %swap3A_714 = tpu.vector_load %arg15[%swap3A_713] {strides = array<i32>} : memref<1600xi32, #tpu.memory_space<vmem>>, vector<16xi32>,
    %swap3A_715 = vector.shape_cast %swap3A_714 : vector<16xi32> to vector<16xi32>
    %swap3A_716 = vector.shape_cast %add3A_712 : vector<16xi32> to vector<16xi32>
    tpu.vector_store %arg15[%swap3A_713], %swap3A_716 {strides = array<i32>} : memref<1600xi32, #tpu.memory_space<vmem>>, vector<16xi32>,
    %get3A_717 = arith.constant 336 : index
    %get3A_718 = tpu.vector_load %arg14[%get3A_717] {strides = array<i32>} : memref<400xi32, #tpu.memory_space<vmem>>, vector<16xi32>,
    %get3A_719 = vector.shape_cast %get3A_718 : vector<16xi32> to vector<16xi32>
    %add3A_720 = arith.constant 1 : i32
    %add3A_721 = vector.broadcast %add3A_720 : i32 to vector<16xi32>
    %add3A_722 = arith.addi %get3A_719, %add3A_721 : vector<16xi32>
    %swap3A_723 = arith.constant 736 : index
    %swap3A_724 = tpu.vector_load %arg15[%swap3A_723] {strides = array<i32>} : memref<1600xi32, #tpu.memory_space<vmem>>, vector<16xi32>,
    %swap3A_725 = vector.shape_cast %swap3A_724 : vector<16xi32> to vector<16xi32>
    %swap3A_726 = vector.shape_cast %add3A_722 : vector<16xi32> to vector<16xi32>
    tpu.vector_store %arg15[%swap3A_723], %swap3A_726 {strides = array<i32>} : memref<1600xi32, #tpu.memory_space<vmem>>, vector<16xi32>,
    %get3A_727 = arith.constant 352 : index
    %get3A_728 = tpu.vector_load %arg14[%get3A_727] {strides = array<i32>} : memref<400xi32, #tpu.memory_space<vmem>>, vector<16xi32>,
    %get3A_729 = vector.shape_cast %get3A_728 : vector<16xi32> to vector<16xi32>
    %add3A_730 = arith.constant 1 : i32
    %add3A_731 = vector.broadcast %add3A_730 : i32 to vector<16xi32>
    %add3A_732 = arith.addi %get3A_729, %add3A_731 : vector<16xi32>
    %swap3A_733 = arith.constant 752 : index
    %swap3A_734 = tpu.vector_load %arg15[%swap3A_733] {strides = array<i32>} : memref<1600xi32, #tpu.memory_space<vmem>>, vector<16xi32>,
    %swap3A_735 = vector.shape_cast %swap3A_734 : vector<16xi32> to vector<16xi32>
    %swap3A_736 = vector.shape_cast %add3A_732 : vector<16xi32> to vector<16xi32>
    tpu.vector_store %arg15[%swap3A_733], %swap3A_736 {strides = array<i32>} : memref<1600xi32, #tpu.memory_space<vmem>>, vector<16xi32>,
    %get3A_737 = arith.constant 368 : index
    %get3A_738 = tpu.vector_load %arg14[%get3A_737] {strides = array<i32>} : memref<400xi32, #tpu.memory_space<vmem>>, vector<16xi32>,
    %get3A_739 = vector.shape_cast %get3A_738 : vector<16xi32> to vector<16xi32>
    %add3A_740 = arith.constant 1 : i32
    %add3A_741 = vector.broadcast %add3A_740 : i32 to vector<16xi32>
    %add3A_742 = arith.addi %get3A_739, %add3A_741 : vector<16xi32>
    %swap3A_743 = arith.constant 768 : index
    %swap3A_744 = tpu.vector_load %arg15[%swap3A_743] {strides = array<i32>} : memref<1600xi32, #tpu.memory_space<vmem>>, vector<16xi32>,
    %swap3A_745 = vector.shape_cast %swap3A_744 : vector<16xi32> to vector<16xi32>
    %swap3A_746 = vector.shape_cast %add3A_742 : vector<16xi32> to vector<16xi32>
    tpu.vector_store %arg15[%swap3A_743], %swap3A_746 {strides = array<i32>} : memref<1600xi32, #tpu.memory_space<vmem>>, vector<16xi32>,
    %get3A_747 = arith.constant 384 : index
    %get3A_748 = tpu.vector_load %arg14[%get3A_747] {strides = array<i32>} : memref<400xi32, #tpu.memory_space<vmem>>, vector<16xi32>,
    %get3A_749 = vector.shape_cast %get3A_748 : vector<16xi32> to vector<16xi32>
    %add3A_750 = arith.constant 1 : i32
    %add3A_751 = vector.broadcast %add3A_750 : i32 to vector<16xi32>
    %add3A_752 = arith.addi %get3A_749, %add3A_751 : vector<16xi32>
    %swap3A_753 = arith.constant 784 : index
    %swap3A_754 = tpu.vector_load %arg15[%swap3A_753] {strides = array<i32>} : memref<1600xi32, #tpu.memory_space<vmem>>, vector<16xi32>,
    %swap3A_755 = vector.shape_cast %swap3A_754 : vector<16xi32> to vector<16xi32>
    %swap3A_756 = vector.shape_cast %add3A_752 : vector<16xi32> to vector<16xi32>
    tpu.vector_store %arg15[%swap3A_753], %swap3A_756 {strides = array<i32>} : memref<1600xi32, #tpu.memory_space<vmem>>, vector<16xi32>,
    %get3A_757 = arith.constant 0 : index
    %get3A_758 = tpu.vector_load %arg14[%get3A_757] {strides = array<i32>} : memref<400xi32, #tpu.memory_space<vmem>>, vector<16xi32>,
    %get3A_759 = vector.shape_cast %get3A_758 : vector<16xi32> to vector<16xi32>
    %add3A_760 = arith.constant 2 : i32
    %add3A_761 = vector.broadcast %add3A_760 : i32 to vector<16xi32>
    %add3A_762 = arith.addi %get3A_759, %add3A_761 : vector<16xi32>
    %swap3A_763 = arith.constant 800 : index
    %swap3A_764 = tpu.vector_load %arg15[%swap3A_763] {strides = array<i32>} : memref<1600xi32, #tpu.memory_space<vmem>>, vector<16xi32>,
    %swap3A_765 = vector.shape_cast %swap3A_764 : vector<16xi32> to vector<16xi32>
    %swap3A_766 = vector.shape_cast %add3A_762 : vector<16xi32> to vector<16xi32>
    tpu.vector_store %arg15[%swap3A_763], %swap3A_766 {strides = array<i32>} : memref<1600xi32, #tpu.memory_space<vmem>>, vector<16xi32>,
    %get3A_767 = arith.constant 16 : index
    %get3A_768 = tpu.vector_load %arg14[%get3A_767] {strides = array<i32>} : memref<400xi32, #tpu.memory_space<vmem>>, vector<16xi32>,
    %get3A_769 = vector.shape_cast %get3A_768 : vector<16xi32> to vector<16xi32>
    %add3A_770 = arith.constant 2 : i32
    %add3A_771 = vector.broadcast %add3A_770 : i32 to vector<16xi32>
    %add3A_772 = arith.addi %get3A_769, %add3A_771 : vector<16xi32>
    %swap3A_773 = arith.constant 816 : index
    %swap3A_774 = tpu.vector_load %arg15[%swap3A_773] {strides = array<i32>} : memref<1600xi32, #tpu.memory_space<vmem>>, vector<16xi32>,
    %swap3A_775 = vector.shape_cast %swap3A_774 : vector<16xi32> to vector<16xi32>
    %swap3A_776 = vector.shape_cast %add3A_772 : vector<16xi32> to vector<16xi32>
    tpu.vector_store %arg15[%swap3A_773], %swap3A_776 {strides = array<i32>} : memref<1600xi32, #tpu.memory_space<vmem>>, vector<16xi32>,
    %get3A_777 = arith.constant 32 : index
    %get3A_778 = tpu.vector_load %arg14[%get3A_777] {strides = array<i32>} : memref<400xi32, #tpu.memory_space<vmem>>, vector<16xi32>,
    %get3A_779 = vector.shape_cast %get3A_778 : vector<16xi32> to vector<16xi32>
    %add3A_780 = arith.constant 2 : i32
    %add3A_781 = vector.broadcast %add3A_780 : i32 to vector<16xi32>
    %add3A_782 = arith.addi %get3A_779, %add3A_781 : vector<16xi32>
    %swap3A_783 = arith.constant 832 : index
    %swap3A_784 = tpu.vector_load %arg15[%swap3A_783] {strides = array<i32>} : memref<1600xi32, #tpu.memory_space<vmem>>, vector<16xi32>,
    %swap3A_785 = vector.shape_cast %swap3A_784 : vector<16xi32> to vector<16xi32>
    %swap3A_786 = vector.shape_cast %add3A_782 : vector<16xi32> to vector<16xi32>
    tpu.vector_store %arg15[%swap3A_783], %swap3A_786 {strides = array<i32>} : memref<1600xi32, #tpu.memory_space<vmem>>, vector<16xi32>,
    %get3A_787 = arith.constant 48 : index
    %get3A_788 = tpu.vector_load %arg14[%get3A_787] {strides = array<i32>} : memref<400xi32, #tpu.memory_space<vmem>>, vector<16xi32>,
    %get3A_789 = vector.shape_cast %get3A_788 : vector<16xi32> to vector<16xi32>
    %add3A_790 = arith.constant 2 : i32
    %add3A_791 = vector.broadcast %add3A_790 : i32 to vector<16xi32>
    %add3A_792 = arith.addi %get3A_789, %add3A_791 : vector<16xi32>
    %swap3A_793 = arith.constant 848 : index
    %swap3A_794 = tpu.vector_load %arg15[%swap3A_793] {strides = array<i32>} : memref<1600xi32, #tpu.memory_space<vmem>>, vector<16xi32>,
    %swap3A_795 = vector.shape_cast %swap3A_794 : vector<16xi32> to vector<16xi32>
    %swap3A_796 = vector.shape_cast %add3A_792 : vector<16xi32> to vector<16xi32>
    tpu.vector_store %arg15[%swap3A_793], %swap3A_796 {strides = array<i32>} : memref<1600xi32, #tpu.memory_space<vmem>>, vector<16xi32>,
    %get3A_797 = arith.constant 64 : index
    %get3A_798 = tpu.vector_load %arg14[%get3A_797] {strides = array<i32>} : memref<400xi32, #tpu.memory_space<vmem>>, vector<16xi32>,
    %get3A_799 = vector.shape_cast %get3A_798 : vector<16xi32> to vector<16xi32>
    %add3A_800 = arith.constant 2 : i32
    %add3A_801 = vector.broadcast %add3A_800 : i32 to vector<16xi32>
    %add3A_802 = arith.addi %get3A_799, %add3A_801 : vector<16xi32>
    %swap3A_803 = arith.constant 864 : index
    %swap3A_804 = tpu.vector_load %arg15[%swap3A_803] {strides = array<i32>} : memref<1600xi32, #tpu.memory_space<vmem>>, vector<16xi32>,
    %swap3A_805 = vector.shape_cast %swap3A_804 : vector<16xi32> to vector<16xi32>
    %swap3A_806 = vector.shape_cast %add3A_802 : vector<16xi32> to vector<16xi32>
    tpu.vector_store %arg15[%swap3A_803], %swap3A_806 {strides = array<i32>} : memref<1600xi32, #tpu.memory_space<vmem>>, vector<16xi32>,
    %get3A_807 = arith.constant 80 : index
    %get3A_808 = tpu.vector_load %arg14[%get3A_807] {strides = array<i32>} : memref<400xi32, #tpu.memory_space<vmem>>, vector<16xi32>,
    %get3A_809 = vector.shape_cast %get3A_808 : vector<16xi32> to vector<16xi32>
    %add3A_810 = arith.constant 2 : i32
    %add3A_811 = vector.broadcast %add3A_810 : i32 to vector<16xi32>
    %add3A_812 = arith.addi %get3A_809, %add3A_811 : vector<16xi32>
    %swap3A_813 = arith.constant 880 : index
    %swap3A_814 = tpu.vector_load %arg15[%swap3A_813] {strides = array<i32>} : memref<1600xi32, #tpu.memory_space<vmem>>, vector<16xi32>,
    %swap3A_815 = vector.shape_cast %swap3A_814 : vector<16xi32> to vector<16xi32>
    %swap3A_816 = vector.shape_cast %add3A_812 : vector<16xi32> to vector<16xi32>
    tpu.vector_store %arg15[%swap3A_813], %swap3A_816 {strides = array<i32>} : memref<1600xi32, #tpu.memory_space<vmem>>, vector<16xi32>,
    %get3A_817 = arith.constant 96 : index
    %get3A_818 = tpu.vector_load %arg14[%get3A_817] {strides = array<i32>} : memref<400xi32, #tpu.memory_space<vmem>>, vector<16xi32>,
    %get3A_819 = vector.shape_cast %get3A_818 : vector<16xi32> to vector<16xi32>
    %add3A_820 = arith.constant 2 : i32
    %add3A_821 = vector.broadcast %add3A_820 : i32 to vector<16xi32>
    %add3A_822 = arith.addi %get3A_819, %add3A_821 : vector<16xi32>
    %swap3A_823 = arith.constant 896 : index
    %swap3A_824 = tpu.vector_load %arg15[%swap3A_823] {strides = array<i32>} : memref<1600xi32, #tpu.memory_space<vmem>>, vector<16xi32>,
    %swap3A_825 = vector.shape_cast %swap3A_824 : vector<16xi32> to vector<16xi32>
    %swap3A_826 = vector.shape_cast %add3A_822 : vector<16xi32> to vector<16xi32>
    tpu.vector_store %arg15[%swap3A_823], %swap3A_826 {strides = array<i32>} : memref<1600xi32, #tpu.memory_space<vmem>>, vector<16xi32>,
    %get3A_827 = arith.constant 112 : index
    %get3A_828 = tpu.vector_load %arg14[%get3A_827] {strides = array<i32>} : memref<400xi32, #tpu.memory_space<vmem>>, vector<16xi32>,
    %get3A_829 = vector.shape_cast %get3A_828 : vector<16xi32> to vector<16xi32>
    %add3A_830 = arith.constant 2 : i32
    %add3A_831 = vector.broadcast %add3A_830 : i32 to vector<16xi32>
    %add3A_832 = arith.addi %get3A_829, %add3A_831 : vector<16xi32>
    %swap3A_833 = arith.constant 912 : index
    %swap3A_834 = tpu.vector_load %arg15[%swap3A_833] {strides = array<i32>} : memref<1600xi32, #tpu.memory_space<vmem>>, vector<16xi32>,
    %swap3A_835 = vector.shape_cast %swap3A_834 : vector<16xi32> to vector<16xi32>
    %swap3A_836 = vector.shape_cast %add3A_832 : vector<16xi32> to vector<16xi32>
    tpu.vector_store %arg15[%swap3A_833], %swap3A_836 {strides = array<i32>} : memref<1600xi32, #tpu.memory_space<vmem>>, vector<16xi32>,
    %get3A_837 = arith.constant 128 : index
    %get3A_838 = tpu.vector_load %arg14[%get3A_837] {strides = array<i32>} : memref<400xi32, #tpu.memory_space<vmem>>, vector<16xi32>,
    %get3A_839 = vector.shape_cast %get3A_838 : vector<16xi32> to vector<16xi32>
    %add3A_840 = arith.constant 2 : i32
    %add3A_841 = vector.broadcast %add3A_840 : i32 to vector<16xi32>
    %add3A_842 = arith.addi %get3A_839, %add3A_841 : vector<16xi32>
    %swap3A_843 = arith.constant 928 : index
    %swap3A_844 = tpu.vector_load %arg15[%swap3A_843] {strides = array<i32>} : memref<1600xi32, #tpu.memory_space<vmem>>, vector<16xi32>,
    %swap3A_845 = vector.shape_cast %swap3A_844 : vector<16xi32> to vector<16xi32>
    %swap3A_846 = vector.shape_cast %add3A_842 : vector<16xi32> to vector<16xi32>
    tpu.vector_store %arg15[%swap3A_843], %swap3A_846 {strides = array<i32>} : memref<1600xi32, #tpu.memory_space<vmem>>, vector<16xi32>,
    %get3A_847 = arith.constant 144 : index
    %get3A_848 = tpu.vector_load %arg14[%get3A_847] {strides = array<i32>} : memref<400xi32, #tpu.memory_space<vmem>>, vector<16xi32>,
    %get3A_849 = vector.shape_cast %get3A_848 : vector<16xi32> to vector<16xi32>
    %add3A_850 = arith.constant 2 : i32
    %add3A_851 = vector.broadcast %add3A_850 : i32 to vector<16xi32>
    %add3A_852 = arith.addi %get3A_849, %add3A_851 : vector<16xi32>
    %swap3A_853 = arith.constant 944 : index
    %swap3A_854 = tpu.vector_load %arg15[%swap3A_853] {strides = array<i32>} : memref<1600xi32, #tpu.memory_space<vmem>>, vector<16xi32>,
    %swap3A_855 = vector.shape_cast %swap3A_854 : vector<16xi32> to vector<16xi32>
    %swap3A_856 = vector.shape_cast %add3A_852 : vector<16xi32> to vector<16xi32>
    tpu.vector_store %arg15[%swap3A_853], %swap3A_856 {strides = array<i32>} : memref<1600xi32, #tpu.memory_space<vmem>>, vector<16xi32>,
    %get3A_857 = arith.constant 160 : index
    %get3A_858 = tpu.vector_load %arg14[%get3A_857] {strides = array<i32>} : memref<400xi32, #tpu.memory_space<vmem>>, vector<16xi32>,
    %get3A_859 = vector.shape_cast %get3A_858 : vector<16xi32> to vector<16xi32>
    %add3A_860 = arith.constant 2 : i32
    %add3A_861 = vector.broadcast %add3A_860 : i32 to vector<16xi32>
    %add3A_862 = arith.addi %get3A_859, %add3A_861 : vector<16xi32>
    %swap3A_863 = arith.constant 960 : index
    %swap3A_864 = tpu.vector_load %arg15[%swap3A_863] {strides = array<i32>} : memref<1600xi32, #tpu.memory_space<vmem>>, vector<16xi32>,
    %swap3A_865 = vector.shape_cast %swap3A_864 : vector<16xi32> to vector<16xi32>
    %swap3A_866 = vector.shape_cast %add3A_862 : vector<16xi32> to vector<16xi32>
    tpu.vector_store %arg15[%swap3A_863], %swap3A_866 {strides = array<i32>} : memref<1600xi32, #tpu.memory_space<vmem>>, vector<16xi32>,
    %get3A_867 = arith.constant 176 : index
    %get3A_868 = tpu.vector_load %arg14[%get3A_867] {strides = array<i32>} : memref<400xi32, #tpu.memory_space<vmem>>, vector<16xi32>,
    %get3A_869 = vector.shape_cast %get3A_868 : vector<16xi32> to vector<16xi32>
    %add3A_870 = arith.constant 2 : i32
    %add3A_871 = vector.broadcast %add3A_870 : i32 to vector<16xi32>
    %add3A_872 = arith.addi %get3A_869, %add3A_871 : vector<16xi32>
    %swap3A_873 = arith.constant 976 : index
    %swap3A_874 = tpu.vector_load %arg15[%swap3A_873] {strides = array<i32>} : memref<1600xi32, #tpu.memory_space<vmem>>, vector<16xi32>,
    %swap3A_875 = vector.shape_cast %swap3A_874 : vector<16xi32> to vector<16xi32>
    %swap3A_876 = vector.shape_cast %add3A_872 : vector<16xi32> to vector<16xi32>
    tpu.vector_store %arg15[%swap3A_873], %swap3A_876 {strides = array<i32>} : memref<1600xi32, #tpu.memory_space<vmem>>, vector<16xi32>,
    %get3A_877 = arith.constant 192 : index
    %get3A_878 = tpu.vector_load %arg14[%get3A_877] {strides = array<i32>} : memref<400xi32, #tpu.memory_space<vmem>>, vector<16xi32>,
    %get3A_879 = vector.shape_cast %get3A_878 : vector<16xi32> to vector<16xi32>
    %add3A_880 = arith.constant 2 : i32
    %add3A_881 = vector.broadcast %add3A_880 : i32 to vector<16xi32>
    %add3A_882 = arith.addi %get3A_879, %add3A_881 : vector<16xi32>
    %swap3A_883 = arith.constant 992 : index
    %swap3A_884 = tpu.vector_load %arg15[%swap3A_883] {strides = array<i32>} : memref<1600xi32, #tpu.memory_space<vmem>>, vector<16xi32>,
    %swap3A_885 = vector.shape_cast %swap3A_884 : vector<16xi32> to vector<16xi32>
    %swap3A_886 = vector.shape_cast %add3A_882 : vector<16xi32> to vector<16xi32>
    tpu.vector_store %arg15[%swap3A_883], %swap3A_886 {strides = array<i32>} : memref<1600xi32, #tpu.memory_space<vmem>>, vector<16xi32>,
    %get3A_887 = arith.constant 208 : index
    %get3A_888 = tpu.vector_load %arg14[%get3A_887] {strides = array<i32>} : memref<400xi32, #tpu.memory_space<vmem>>, vector<16xi32>,
    %get3A_889 = vector.shape_cast %get3A_888 : vector<16xi32> to vector<16xi32>
    %add3A_890 = arith.constant 2 : i32
    %add3A_891 = vector.broadcast %add3A_890 : i32 to vector<16xi32>
    %add3A_892 = arith.addi %get3A_889, %add3A_891 : vector<16xi32>
    %swap3A_893 = arith.constant 1008 : index
    %swap3A_894 = tpu.vector_load %arg15[%swap3A_893] {strides = array<i32>} : memref<1600xi32, #tpu.memory_space<vmem>>, vector<16xi32>,
    %swap3A_895 = vector.shape_cast %swap3A_894 : vector<16xi32> to vector<16xi32>
    %swap3A_896 = vector.shape_cast %add3A_892 : vector<16xi32> to vector<16xi32>
    tpu.vector_store %arg15[%swap3A_893], %swap3A_896 {strides = array<i32>} : memref<1600xi32, #tpu.memory_space<vmem>>, vector<16xi32>,
    %get3A_897 = arith.constant 224 : index
    %get3A_898 = tpu.vector_load %arg14[%get3A_897] {strides = array<i32>} : memref<400xi32, #tpu.memory_space<vmem>>, vector<16xi32>,
    %get3A_899 = vector.shape_cast %get3A_898 : vector<16xi32> to vector<16xi32>
    %add3A_900 = arith.constant 2 : i32
    %add3A_901 = vector.broadcast %add3A_900 : i32 to vector<16xi32>
    %add3A_902 = arith.addi %get3A_899, %add3A_901 : vector<16xi32>
    %swap3A_903 = arith.constant 1024 : index
    %swap3A_904 = tpu.vector_load %arg15[%swap3A_903] {strides = array<i32>} : memref<1600xi32, #tpu.memory_space<vmem>>, vector<16xi32>,
    %swap3A_905 = vector.shape_cast %swap3A_904 : vector<16xi32> to vector<16xi32>
    %swap3A_906 = vector.shape_cast %add3A_902 : vector<16xi32> to vector<16xi32>
    tpu.vector_store %arg15[%swap3A_903], %swap3A_906 {strides = array<i32>} : memref<1600xi32, #tpu.memory_space<vmem>>, vector<16xi32>,
    %get3A_907 = arith.constant 240 : index
    %get3A_908 = tpu.vector_load %arg14[%get3A_907] {strides = array<i32>} : memref<400xi32, #tpu.memory_space<vmem>>, vector<16xi32>,
    %get3A_909 = vector.shape_cast %get3A_908 : vector<16xi32> to vector<16xi32>
    %add3A_910 = arith.constant 2 : i32
    %add3A_911 = vector.broadcast %add3A_910 : i32 to vector<16xi32>
    %add3A_912 = arith.addi %get3A_909, %add3A_911 : vector<16xi32>
    %swap3A_913 = arith.constant 1040 : index
    %swap3A_914 = tpu.vector_load %arg15[%swap3A_913] {strides = array<i32>} : memref<1600xi32, #tpu.memory_space<vmem>>, vector<16xi32>,
    %swap3A_915 = vector.shape_cast %swap3A_914 : vector<16xi32> to vector<16xi32>
    %swap3A_916 = vector.shape_cast %add3A_912 : vector<16xi32> to vector<16xi32>
    tpu.vector_store %arg15[%swap3A_913], %swap3A_916 {strides = array<i32>} : memref<1600xi32, #tpu.memory_space<vmem>>, vector<16xi32>,
    %get3A_917 = arith.constant 256 : index
    %get3A_918 = tpu.vector_load %arg14[%get3A_917] {strides = array<i32>} : memref<400xi32, #tpu.memory_space<vmem>>, vector<16xi32>,
    %get3A_919 = vector.shape_cast %get3A_918 : vector<16xi32> to vector<16xi32>
    %add3A_920 = arith.constant 2 : i32
    %add3A_921 = vector.broadcast %add3A_920 : i32 to vector<16xi32>
    %add3A_922 = arith.addi %get3A_919, %add3A_921 : vector<16xi32>
    %swap3A_923 = arith.constant 1056 : index
    %swap3A_924 = tpu.vector_load %arg15[%swap3A_923] {strides = array<i32>} : memref<1600xi32, #tpu.memory_space<vmem>>, vector<16xi32>,
    %swap3A_925 = vector.shape_cast %swap3A_924 : vector<16xi32> to vector<16xi32>
    %swap3A_926 = vector.shape_cast %add3A_922 : vector<16xi32> to vector<16xi32>
    tpu.vector_store %arg15[%swap3A_923], %swap3A_926 {strides = array<i32>} : memref<1600xi32, #tpu.memory_space<vmem>>, vector<16xi32>,
    %get3A_927 = arith.constant 272 : index
    %get3A_928 = tpu.vector_load %arg14[%get3A_927] {strides = array<i32>} : memref<400xi32, #tpu.memory_space<vmem>>, vector<16xi32>,
    %get3A_929 = vector.shape_cast %get3A_928 : vector<16xi32> to vector<16xi32>
    %add3A_930 = arith.constant 2 : i32
    %add3A_931 = vector.broadcast %add3A_930 : i32 to vector<16xi32>
    %add3A_932 = arith.addi %get3A_929, %add3A_931 : vector<16xi32>
    %swap3A_933 = arith.constant 1072 : index
    %swap3A_934 = tpu.vector_load %arg15[%swap3A_933] {strides = array<i32>} : memref<1600xi32, #tpu.memory_space<vmem>>, vector<16xi32>,
    %swap3A_935 = vector.shape_cast %swap3A_934 : vector<16xi32> to vector<16xi32>
    %swap3A_936 = vector.shape_cast %add3A_932 : vector<16xi32> to vector<16xi32>
    tpu.vector_store %arg15[%swap3A_933], %swap3A_936 {strides = array<i32>} : memref<1600xi32, #tpu.memory_space<vmem>>, vector<16xi32>,
    %get3A_937 = arith.constant 288 : index
    %get3A_938 = tpu.vector_load %arg14[%get3A_937] {strides = array<i32>} : memref<400xi32, #tpu.memory_space<vmem>>, vector<16xi32>,
    %get3A_939 = vector.shape_cast %get3A_938 : vector<16xi32> to vector<16xi32>
    %add3A_940 = arith.constant 2 : i32
    %add3A_941 = vector.broadcast %add3A_940 : i32 to vector<16xi32>
    %add3A_942 = arith.addi %get3A_939, %add3A_941 : vector<16xi32>
    %swap3A_943 = arith.constant 1088 : index
    %swap3A_944 = tpu.vector_load %arg15[%swap3A_943] {strides = array<i32>} : memref<1600xi32, #tpu.memory_space<vmem>>, vector<16xi32>,
    %swap3A_945 = vector.shape_cast %swap3A_944 : vector<16xi32> to vector<16xi32>
    %swap3A_946 = vector.shape_cast %add3A_942 : vector<16xi32> to vector<16xi32>
    tpu.vector_store %arg15[%swap3A_943], %swap3A_946 {strides = array<i32>} : memref<1600xi32, #tpu.memory_space<vmem>>, vector<16xi32>,
    %get3A_947 = arith.constant 304 : index
    %get3A_948 = tpu.vector_load %arg14[%get3A_947] {strides = array<i32>} : memref<400xi32, #tpu.memory_space<vmem>>, vector<16xi32>,
    %get3A_949 = vector.shape_cast %get3A_948 : vector<16xi32> to vector<16xi32>
    %add3A_950 = arith.constant 2 : i32
    %add3A_951 = vector.broadcast %add3A_950 : i32 to vector<16xi32>
    %add3A_952 = arith.addi %get3A_949, %add3A_951 : vector<16xi32>
    %swap3A_953 = arith.constant 1104 : index
    %swap3A_954 = tpu.vector_load %arg15[%swap3A_953] {strides = array<i32>} : memref<1600xi32, #tpu.memory_space<vmem>>, vector<16xi32>,
    %swap3A_955 = vector.shape_cast %swap3A_954 : vector<16xi32> to vector<16xi32>
    %swap3A_956 = vector.shape_cast %add3A_952 : vector<16xi32> to vector<16xi32>
    tpu.vector_store %arg15[%swap3A_953], %swap3A_956 {strides = array<i32>} : memref<1600xi32, #tpu.memory_space<vmem>>, vector<16xi32>,
    %get3A_957 = arith.constant 320 : index
    %get3A_958 = tpu.vector_load %arg14[%get3A_957] {strides = array<i32>} : memref<400xi32, #tpu.memory_space<vmem>>, vector<16xi32>,
    %get3A_959 = vector.shape_cast %get3A_958 : vector<16xi32> to vector<16xi32>
    %add3A_960 = arith.constant 2 : i32
    %add3A_961 = vector.broadcast %add3A_960 : i32 to vector<16xi32>
    %add3A_962 = arith.addi %get3A_959, %add3A_961 : vector<16xi32>
    %swap3A_963 = arith.constant 1120 : index
    %swap3A_964 = tpu.vector_load %arg15[%swap3A_963] {strides = array<i32>} : memref<1600xi32, #tpu.memory_space<vmem>>, vector<16xi32>,
    %swap3A_965 = vector.shape_cast %swap3A_964 : vector<16xi32> to vector<16xi32>
    %swap3A_966 = vector.shape_cast %add3A_962 : vector<16xi32> to vector<16xi32>
    tpu.vector_store %arg15[%swap3A_963], %swap3A_966 {strides = array<i32>} : memref<1600xi32, #tpu.memory_space<vmem>>, vector<16xi32>,
    %get3A_967 = arith.constant 336 : index
    %get3A_968 = tpu.vector_load %arg14[%get3A_967] {strides = array<i32>} : memref<400xi32, #tpu.memory_space<vmem>>, vector<16xi32>,
    %get3A_969 = vector.shape_cast %get3A_968 : vector<16xi32> to vector<16xi32>
    %add3A_970 = arith.constant 2 : i32
    %add3A_971 = vector.broadcast %add3A_970 : i32 to vector<16xi32>
    %add3A_972 = arith.addi %get3A_969, %add3A_971 : vector<16xi32>
    %swap3A_973 = arith.constant 1136 : index
    %swap3A_974 = tpu.vector_load %arg15[%swap3A_973] {strides = array<i32>} : memref<1600xi32, #tpu.memory_space<vmem>>, vector<16xi32>,
    %swap3A_975 = vector.shape_cast %swap3A_974 : vector<16xi32> to vector<16xi32>
    %swap3A_976 = vector.shape_cast %add3A_972 : vector<16xi32> to vector<16xi32>
    tpu.vector_store %arg15[%swap3A_973], %swap3A_976 {strides = array<i32>} : memref<1600xi32, #tpu.memory_space<vmem>>, vector<16xi32>,
    %get3A_977 = arith.constant 352 : index
    %get3A_978 = tpu.vector_load %arg14[%get3A_977] {strides = array<i32>} : memref<400xi32, #tpu.memory_space<vmem>>, vector<16xi32>,
    %get3A_979 = vector.shape_cast %get3A_978 : vector<16xi32> to vector<16xi32>
    %add3A_980 = arith.constant 2 : i32
    %add3A_981 = vector.broadcast %add3A_980 : i32 to vector<16xi32>
    %add3A_982 = arith.addi %get3A_979, %add3A_981 : vector<16xi32>
    %swap3A_983 = arith.constant 1152 : index
    %swap3A_984 = tpu.vector_load %arg15[%swap3A_983] {strides = array<i32>} : memref<1600xi32, #tpu.memory_space<vmem>>, vector<16xi32>,
    %swap3A_985 = vector.shape_cast %swap3A_984 : vector<16xi32> to vector<16xi32>
    %swap3A_986 = vector.shape_cast %add3A_982 : vector<16xi32> to vector<16xi32>
    tpu.vector_store %arg15[%swap3A_983], %swap3A_986 {strides = array<i32>} : memref<1600xi32, #tpu.memory_space<vmem>>, vector<16xi32>,
    %get3A_987 = arith.constant 368 : index
    %get3A_988 = tpu.vector_load %arg14[%get3A_987] {strides = array<i32>} : memref<400xi32, #tpu.memory_space<vmem>>, vector<16xi32>,
    %get3A_989 = vector.shape_cast %get3A_988 : vector<16xi32> to vector<16xi32>
    %add3A_990 = arith.constant 2 : i32
    %add3A_991 = vector.broadcast %add3A_990 : i32 to vector<16xi32>
    %add3A_992 = arith.addi %get3A_989, %add3A_991 : vector<16xi32>
    %swap3A_993 = arith.constant 1168 : index
    %swap3A_994 = tpu.vector_load %arg15[%swap3A_993] {strides = array<i32>} : memref<1600xi32, #tpu.memory_space<vmem>>, vector<16xi32>,
    %swap3A_995 = vector.shape_cast %swap3A_994 : vector<16xi32> to vector<16xi32>
    %swap3A_996 = vector.shape_cast %add3A_992 : vector<16xi32> to vector<16xi32>
    tpu.vector_store %arg15[%swap3A_993], %swap3A_996 {strides = array<i32>} : memref<1600xi32, #tpu.memory_space<vmem>>, vector<16xi32>,
    %get3A_997 = arith.constant 384 : index
    %get3A_998 = tpu.vector_load %arg14[%get3A_997] {strides = array<i32>} : memref<400xi32, #tpu.memory_space<vmem>>, vector<16xi32>,
    %get3A_999 = vector.shape_cast %get3A_998 : vector<16xi32> to vector<16xi32>
    %add3A_1000 = arith.constant 2 : i32
    %add3A_1001 = vector.broadcast %add3A_1000 : i32 to vector<16xi32>
    %add3A_1002 = arith.addi %get3A_999, %add3A_1001 : vector<16xi32>
    %swap3A_1003 = arith.constant 1184 : index
    %swap3A_1004 = tpu.vector_load %arg15[%swap3A_1003] {strides = array<i32>} : memref<1600xi32, #tpu.memory_space<vmem>>, vector<16xi32>,
    %swap3A_1005 = vector.shape_cast %swap3A_1004 : vector<16xi32> to vector<16xi32>
    %swap3A_1006 = vector.shape_cast %add3A_1002 : vector<16xi32> to vector<16xi32>
    tpu.vector_store %arg15[%swap3A_1003], %swap3A_1006 {strides = array<i32>} : memref<1600xi32, #tpu.memory_space<vmem>>, vector<16xi32>,
    %get3A_1007 = arith.constant 0 : index
    %get3A_1008 = tpu.vector_load %arg14[%get3A_1007] {strides = array<i32>} : memref<400xi32, #tpu.memory_space<vmem>>, vector<16xi32>,
    %get3A_1009 = vector.shape_cast %get3A_1008 : vector<16xi32> to vector<16xi32>
    %add3A_1010 = arith.constant 3 : i32
    %add3A_1011 = vector.broadcast %add3A_1010 : i32 to vector<16xi32>
    %add3A_1012 = arith.addi %get3A_1009, %add3A_1011 : vector<16xi32>
    %swap3A_1013 = arith.constant 1200 : index
    %swap3A_1014 = tpu.vector_load %arg15[%swap3A_1013] {strides = array<i32>} : memref<1600xi32, #tpu.memory_space<vmem>>, vector<16xi32>,
    %swap3A_1015 = vector.shape_cast %swap3A_1014 : vector<16xi32> to vector<16xi32>
    %swap3A_1016 = vector.shape_cast %add3A_1012 : vector<16xi32> to vector<16xi32>
    tpu.vector_store %arg15[%swap3A_1013], %swap3A_1016 {strides = array<i32>} : memref<1600xi32, #tpu.memory_space<vmem>>, vector<16xi32>,
    %get3A_1017 = arith.constant 16 : index
    %get3A_1018 = tpu.vector_load %arg14[%get3A_1017] {strides = array<i32>} : memref<400xi32, #tpu.memory_space<vmem>>, vector<16xi32>,
    %get3A_1019 = vector.shape_cast %get3A_1018 : vector<16xi32> to vector<16xi32>
    %add3A_1020 = arith.constant 3 : i32
    %add3A_1021 = vector.broadcast %add3A_1020 : i32 to vector<16xi32>
    %add3A_1022 = arith.addi %get3A_1019, %add3A_1021 : vector<16xi32>
    %swap3A_1023 = arith.constant 1216 : index
    %swap3A_1024 = tpu.vector_load %arg15[%swap3A_1023] {strides = array<i32>} : memref<1600xi32, #tpu.memory_space<vmem>>, vector<16xi32>,
    %swap3A_1025 = vector.shape_cast %swap3A_1024 : vector<16xi32> to vector<16xi32>
    %swap3A_1026 = vector.shape_cast %add3A_1022 : vector<16xi32> to vector<16xi32>
    tpu.vector_store %arg15[%swap3A_1023], %swap3A_1026 {strides = array<i32>} : memref<1600xi32, #tpu.memory_space<vmem>>, vector<16xi32>,
    %get3A_1027 = arith.constant 32 : index
    %get3A_1028 = tpu.vector_load %arg14[%get3A_1027] {strides = array<i32>} : memref<400xi32, #tpu.memory_space<vmem>>, vector<16xi32>,
    %get3A_1029 = vector.shape_cast %get3A_1028 : vector<16xi32> to vector<16xi32>
    %add3A_1030 = arith.constant 3 : i32
    %add3A_1031 = vector.broadcast %add3A_1030 : i32 to vector<16xi32>
    %add3A_1032 = arith.addi %get3A_1029, %add3A_1031 : vector<16xi32>
    %swap3A_1033 = arith.constant 1232 : index
    %swap3A_1034 = tpu.vector_load %arg15[%swap3A_1033] {strides = array<i32>} : memref<1600xi32, #tpu.memory_space<vmem>>, vector<16xi32>,
    %swap3A_1035 = vector.shape_cast %swap3A_1034 : vector<16xi32> to vector<16xi32>
    %swap3A_1036 = vector.shape_cast %add3A_1032 : vector<16xi32> to vector<16xi32>
    tpu.vector_store %arg15[%swap3A_1033], %swap3A_1036 {strides = array<i32>} : memref<1600xi32, #tpu.memory_space<vmem>>, vector<16xi32>,
    %get3A_1037 = arith.constant 48 : index
    %get3A_1038 = tpu.vector_load %arg14[%get3A_1037] {strides = array<i32>} : memref<400xi32, #tpu.memory_space<vmem>>, vector<16xi32>,
    %get3A_1039 = vector.shape_cast %get3A_1038 : vector<16xi32> to vector<16xi32>
    %add3A_1040 = arith.constant 3 : i32
    %add3A_1041 = vector.broadcast %add3A_1040 : i32 to vector<16xi32>
    %add3A_1042 = arith.addi %get3A_1039, %add3A_1041 : vector<16xi32>
    %swap3A_1043 = arith.constant 1248 : index
    %swap3A_1044 = tpu.vector_load %arg15[%swap3A_1043] {strides = array<i32>} : memref<1600xi32, #tpu.memory_space<vmem>>, vector<16xi32>,
    %swap3A_1045 = vector.shape_cast %swap3A_1044 : vector<16xi32> to vector<16xi32>
    %swap3A_1046 = vector.shape_cast %add3A_1042 : vector<16xi32> to vector<16xi32>
    tpu.vector_store %arg15[%swap3A_1043], %swap3A_1046 {strides = array<i32>} : memref<1600xi32, #tpu.memory_space<vmem>>, vector<16xi32>,
    %get3A_1047 = arith.constant 64 : index
    %get3A_1048 = tpu.vector_load %arg14[%get3A_1047] {strides = array<i32>} : memref<400xi32, #tpu.memory_space<vmem>>, vector<16xi32>,
    %get3A_1049 = vector.shape_cast %get3A_1048 : vector<16xi32> to vector<16xi32>
    %add3A_1050 = arith.constant 3 : i32
    %add3A_1051 = vector.broadcast %add3A_1050 : i32 to vector<16xi32>
    %add3A_1052 = arith.addi %get3A_1049, %add3A_1051 : vector<16xi32>
    %swap3A_1053 = arith.constant 1264 : index
    %swap3A_1054 = tpu.vector_load %arg15[%swap3A_1053] {strides = array<i32>} : memref<1600xi32, #tpu.memory_space<vmem>>, vector<16xi32>,
    %swap3A_1055 = vector.shape_cast %swap3A_1054 : vector<16xi32> to vector<16xi32>
    %swap3A_1056 = vector.shape_cast %add3A_1052 : vector<16xi32> to vector<16xi32>
    tpu.vector_store %arg15[%swap3A_1053], %swap3A_1056 {strides = array<i32>} : memref<1600xi32, #tpu.memory_space<vmem>>, vector<16xi32>,
    %get3A_1057 = arith.constant 80 : index
    %get3A_1058 = tpu.vector_load %arg14[%get3A_1057] {strides = array<i32>} : memref<400xi32, #tpu.memory_space<vmem>>, vector<16xi32>,
    %get3A_1059 = vector.shape_cast %get3A_1058 : vector<16xi32> to vector<16xi32>
    %add3A_1060 = arith.constant 3 : i32
    %add3A_1061 = vector.broadcast %add3A_1060 : i32 to vector<16xi32>
    %add3A_1062 = arith.addi %get3A_1059, %add3A_1061 : vector<16xi32>
    %swap3A_1063 = arith.constant 1280 : index
    %swap3A_1064 = tpu.vector_load %arg15[%swap3A_1063] {strides = array<i32>} : memref<1600xi32, #tpu.memory_space<vmem>>, vector<16xi32>,
    %swap3A_1065 = vector.shape_cast %swap3A_1064 : vector<16xi32> to vector<16xi32>
    %swap3A_1066 = vector.shape_cast %add3A_1062 : vector<16xi32> to vector<16xi32>
    tpu.vector_store %arg15[%swap3A_1063], %swap3A_1066 {strides = array<i32>} : memref<1600xi32, #tpu.memory_space<vmem>>, vector<16xi32>,
    %get3A_1067 = arith.constant 96 : index
    %get3A_1068 = tpu.vector_load %arg14[%get3A_1067] {strides = array<i32>} : memref<400xi32, #tpu.memory_space<vmem>>, vector<16xi32>,
    %get3A_1069 = vector.shape_cast %get3A_1068 : vector<16xi32> to vector<16xi32>
    %add3A_1070 = arith.constant 3 : i32
    %add3A_1071 = vector.broadcast %add3A_1070 : i32 to vector<16xi32>
    %add3A_1072 = arith.addi %get3A_1069, %add3A_1071 : vector<16xi32>
    %swap3A_1073 = arith.constant 1296 : index
    %swap3A_1074 = tpu.vector_load %arg15[%swap3A_1073] {strides = array<i32>} : memref<1600xi32, #tpu.memory_space<vmem>>, vector<16xi32>,
    %swap3A_1075 = vector.shape_cast %swap3A_1074 : vector<16xi32> to vector<16xi32>
    %swap3A_1076 = vector.shape_cast %add3A_1072 : vector<16xi32> to vector<16xi32>
    tpu.vector_store %arg15[%swap3A_1073], %swap3A_1076 {strides = array<i32>} : memref<1600xi32, #tpu.memory_space<vmem>>, vector<16xi32>,
    %get3A_1077 = arith.constant 112 : index
    %get3A_1078 = tpu.vector_load %arg14[%get3A_1077] {strides = array<i32>} : memref<400xi32, #tpu.memory_space<vmem>>, vector<16xi32>,
    %get3A_1079 = vector.shape_cast %get3A_1078 : vector<16xi32> to vector<16xi32>
    %add3A_1080 = arith.constant 3 : i32
    %add3A_1081 = vector.broadcast %add3A_1080 : i32 to vector<16xi32>
    %add3A_1082 = arith.addi %get3A_1079, %add3A_1081 : vector<16xi32>
    %swap3A_1083 = arith.constant 1312 : index
    %swap3A_1084 = tpu.vector_load %arg15[%swap3A_1083] {strides = array<i32>} : memref<1600xi32, #tpu.memory_space<vmem>>, vector<16xi32>,
    %swap3A_1085 = vector.shape_cast %swap3A_1084 : vector<16xi32> to vector<16xi32>
    %swap3A_1086 = vector.shape_cast %add3A_1082 : vector<16xi32> to vector<16xi32>
    tpu.vector_store %arg15[%swap3A_1083], %swap3A_1086 {strides = array<i32>} : memref<1600xi32, #tpu.memory_space<vmem>>, vector<16xi32>,
    %get3A_1087 = arith.constant 128 : index
    %get3A_1088 = tpu.vector_load %arg14[%get3A_1087] {strides = array<i32>} : memref<400xi32, #tpu.memory_space<vmem>>, vector<16xi32>,
    %get3A_1089 = vector.shape_cast %get3A_1088 : vector<16xi32> to vector<16xi32>
    %add3A_1090 = arith.constant 3 : i32
    %add3A_1091 = vector.broadcast %add3A_1090 : i32 to vector<16xi32>
    %add3A_1092 = arith.addi %get3A_1089, %add3A_1091 : vector<16xi32>
    %swap3A_1093 = arith.constant 1328 : index
    %swap3A_1094 = tpu.vector_load %arg15[%swap3A_1093] {strides = array<i32>} : memref<1600xi32, #tpu.memory_space<vmem>>, vector<16xi32>,
    %swap3A_1095 = vector.shape_cast %swap3A_1094 : vector<16xi32> to vector<16xi32>
    %swap3A_1096 = vector.shape_cast %add3A_1092 : vector<16xi32> to vector<16xi32>
    tpu.vector_store %arg15[%swap3A_1093], %swap3A_1096 {strides = array<i32>} : memref<1600xi32, #tpu.memory_space<vmem>>, vector<16xi32>,
    %get3A_1097 = arith.constant 144 : index
    %get3A_1098 = tpu.vector_load %arg14[%get3A_1097] {strides = array<i32>} : memref<400xi32, #tpu.memory_space<vmem>>, vector<16xi32>,
    %get3A_1099 = vector.shape_cast %get3A_1098 : vector<16xi32> to vector<16xi32>
    %add3A_1100 = arith.constant 3 : i32
    %add3A_1101 = vector.broadcast %add3A_1100 : i32 to vector<16xi32>
    %add3A_1102 = arith.addi %get3A_1099, %add3A_1101 : vector<16xi32>
    %swap3A_1103 = arith.constant 1344 : index
    %swap3A_1104 = tpu.vector_load %arg15[%swap3A_1103] {strides = array<i32>} : memref<1600xi32, #tpu.memory_space<vmem>>, vector<16xi32>,
    %swap3A_1105 = vector.shape_cast %swap3A_1104 : vector<16xi32> to vector<16xi32>
    %swap3A_1106 = vector.shape_cast %add3A_1102 : vector<16xi32> to vector<16xi32>
    tpu.vector_store %arg15[%swap3A_1103], %swap3A_1106 {strides = array<i32>} : memref<1600xi32, #tpu.memory_space<vmem>>, vector<16xi32>,
    %get3A_1107 = arith.constant 160 : index
    %get3A_1108 = tpu.vector_load %arg14[%get3A_1107] {strides = array<i32>} : memref<400xi32, #tpu.memory_space<vmem>>, vector<16xi32>,
    %get3A_1109 = vector.shape_cast %get3A_1108 : vector<16xi32> to vector<16xi32>
    %add3A_1110 = arith.constant 3 : i32
    %add3A_1111 = vector.broadcast %add3A_1110 : i32 to vector<16xi32>
    %add3A_1112 = arith.addi %get3A_1109, %add3A_1111 : vector<16xi32>
    %swap3A_1113 = arith.constant 1360 : index
    %swap3A_1114 = tpu.vector_load %arg15[%swap3A_1113] {strides = array<i32>} : memref<1600xi32, #tpu.memory_space<vmem>>, vector<16xi32>,
    %swap3A_1115 = vector.shape_cast %swap3A_1114 : vector<16xi32> to vector<16xi32>
    %swap3A_1116 = vector.shape_cast %add3A_1112 : vector<16xi32> to vector<16xi32>
    tpu.vector_store %arg15[%swap3A_1113], %swap3A_1116 {strides = array<i32>} : memref<1600xi32, #tpu.memory_space<vmem>>, vector<16xi32>,
    %get3A_1117 = arith.constant 176 : index
    %get3A_1118 = tpu.vector_load %arg14[%get3A_1117] {strides = array<i32>} : memref<400xi32, #tpu.memory_space<vmem>>, vector<16xi32>,
    %get3A_1119 = vector.shape_cast %get3A_1118 : vector<16xi32> to vector<16xi32>
    %add3A_1120 = arith.constant 3 : i32
    %add3A_1121 = vector.broadcast %add3A_1120 : i32 to vector<16xi32>
    %add3A_1122 = arith.addi %get3A_1119, %add3A_1121 : vector<16xi32>
    %swap3A_1123 = arith.constant 1376 : index
    %swap3A_1124 = tpu.vector_load %arg15[%swap3A_1123] {strides = array<i32>} : memref<1600xi32, #tpu.memory_space<vmem>>, vector<16xi32>,
    %swap3A_1125 = vector.shape_cast %swap3A_1124 : vector<16xi32> to vector<16xi32>
    %swap3A_1126 = vector.shape_cast %add3A_1122 : vector<16xi32> to vector<16xi32>
    tpu.vector_store %arg15[%swap3A_1123], %swap3A_1126 {strides = array<i32>} : memref<1600xi32, #tpu.memory_space<vmem>>, vector<16xi32>,
    %get3A_1127 = arith.constant 192 : index
    %get3A_1128 = tpu.vector_load %arg14[%get3A_1127] {strides = array<i32>} : memref<400xi32, #tpu.memory_space<vmem>>, vector<16xi32>,
    %get3A_1129 = vector.shape_cast %get3A_1128 : vector<16xi32> to vector<16xi32>
    %add3A_1130 = arith.constant 3 : i32
    %add3A_1131 = vector.broadcast %add3A_1130 : i32 to vector<16xi32>
    %add3A_1132 = arith.addi %get3A_1129, %add3A_1131 : vector<16xi32>
    %swap3A_1133 = arith.constant 1392 : index
    %swap3A_1134 = tpu.vector_load %arg15[%swap3A_1133] {strides = array<i32>} : memref<1600xi32, #tpu.memory_space<vmem>>, vector<16xi32>,
    %swap3A_1135 = vector.shape_cast %swap3A_1134 : vector<16xi32> to vector<16xi32>
    %swap3A_1136 = vector.shape_cast %add3A_1132 : vector<16xi32> to vector<16xi32>
    tpu.vector_store %arg15[%swap3A_1133], %swap3A_1136 {strides = array<i32>} : memref<1600xi32, #tpu.memory_space<vmem>>, vector<16xi32>,
    %get3A_1137 = arith.constant 208 : index
    %get3A_1138 = tpu.vector_load %arg14[%get3A_1137] {strides = array<i32>} : memref<400xi32, #tpu.memory_space<vmem>>, vector<16xi32>,
    %get3A_1139 = vector.shape_cast %get3A_1138 : vector<16xi32> to vector<16xi32>
    %add3A_1140 = arith.constant 3 : i32
    %add3A_1141 = vector.broadcast %add3A_1140 : i32 to vector<16xi32>
    %add3A_1142 = arith.addi %get3A_1139, %add3A_1141 : vector<16xi32>
    %swap3A_1143 = arith.constant 1408 : index
    %swap3A_1144 = tpu.vector_load %arg15[%swap3A_1143] {strides = array<i32>} : memref<1600xi32, #tpu.memory_space<vmem>>, vector<16xi32>,
    %swap3A_1145 = vector.shape_cast %swap3A_1144 : vector<16xi32> to vector<16xi32>
    %swap3A_1146 = vector.shape_cast %add3A_1142 : vector<16xi32> to vector<16xi32>
    tpu.vector_store %arg15[%swap3A_1143], %swap3A_1146 {strides = array<i32>} : memref<1600xi32, #tpu.memory_space<vmem>>, vector<16xi32>,
    %get3A_1147 = arith.constant 224 : index
    %get3A_1148 = tpu.vector_load %arg14[%get3A_1147] {strides = array<i32>} : memref<400xi32, #tpu.memory_space<vmem>>, vector<16xi32>,
    %get3A_1149 = vector.shape_cast %get3A_1148 : vector<16xi32> to vector<16xi32>
    %add3A_1150 = arith.constant 3 : i32
    %add3A_1151 = vector.broadcast %add3A_1150 : i32 to vector<16xi32>
    %add3A_1152 = arith.addi %get3A_1149, %add3A_1151 : vector<16xi32>
    %swap3A_1153 = arith.constant 1424 : index
    %swap3A_1154 = tpu.vector_load %arg15[%swap3A_1153] {strides = array<i32>} : memref<1600xi32, #tpu.memory_space<vmem>>, vector<16xi32>,
    %swap3A_1155 = vector.shape_cast %swap3A_1154 : vector<16xi32> to vector<16xi32>
    %swap3A_1156 = vector.shape_cast %add3A_1152 : vector<16xi32> to vector<16xi32>
    tpu.vector_store %arg15[%swap3A_1153], %swap3A_1156 {strides = array<i32>} : memref<1600xi32, #tpu.memory_space<vmem>>, vector<16xi32>,
    %get3A_1157 = arith.constant 240 : index
    %get3A_1158 = tpu.vector_load %arg14[%get3A_1157] {strides = array<i32>} : memref<400xi32, #tpu.memory_space<vmem>>, vector<16xi32>,
    %get3A_1159 = vector.shape_cast %get3A_1158 : vector<16xi32> to vector<16xi32>
    %add3A_1160 = arith.constant 3 : i32
    %add3A_1161 = vector.broadcast %add3A_1160 : i32 to vector<16xi32>
    %add3A_1162 = arith.addi %get3A_1159, %add3A_1161 : vector<16xi32>
    %swap3A_1163 = arith.constant 1440 : index
    %swap3A_1164 = tpu.vector_load %arg15[%swap3A_1163] {strides = array<i32>} : memref<1600xi32, #tpu.memory_space<vmem>>, vector<16xi32>,
    %swap3A_1165 = vector.shape_cast %swap3A_1164 : vector<16xi32> to vector<16xi32>
    %swap3A_1166 = vector.shape_cast %add3A_1162 : vector<16xi32> to vector<16xi32>
    tpu.vector_store %arg15[%swap3A_1163], %swap3A_1166 {strides = array<i32>} : memref<1600xi32, #tpu.memory_space<vmem>>, vector<16xi32>,
    %get3A_1167 = arith.constant 256 : index
    %get3A_1168 = tpu.vector_load %arg14[%get3A_1167] {strides = array<i32>} : memref<400xi32, #tpu.memory_space<vmem>>, vector<16xi32>,
    %get3A_1169 = vector.shape_cast %get3A_1168 : vector<16xi32> to vector<16xi32>
    %add3A_1170 = arith.constant 3 : i32
    %add3A_1171 = vector.broadcast %add3A_1170 : i32 to vector<16xi32>
    %add3A_1172 = arith.addi %get3A_1169, %add3A_1171 : vector<16xi32>
    %swap3A_1173 = arith.constant 1456 : index
    %swap3A_1174 = tpu.vector_load %arg15[%swap3A_1173] {strides = array<i32>} : memref<1600xi32, #tpu.memory_space<vmem>>, vector<16xi32>,
    %swap3A_1175 = vector.shape_cast %swap3A_1174 : vector<16xi32> to vector<16xi32>
    %swap3A_1176 = vector.shape_cast %add3A_1172 : vector<16xi32> to vector<16xi32>
    tpu.vector_store %arg15[%swap3A_1173], %swap3A_1176 {strides = array<i32>} : memref<1600xi32, #tpu.memory_space<vmem>>, vector<16xi32>,
    %get3A_1177 = arith.constant 272 : index
    %get3A_1178 = tpu.vector_load %arg14[%get3A_1177] {strides = array<i32>} : memref<400xi32, #tpu.memory_space<vmem>>, vector<16xi32>,
    %get3A_1179 = vector.shape_cast %get3A_1178 : vector<16xi32> to vector<16xi32>
    %add3A_1180 = arith.constant 3 : i32
    %add3A_1181 = vector.broadcast %add3A_1180 : i32 to vector<16xi32>
    %add3A_1182 = arith.addi %get3A_1179, %add3A_1181 : vector<16xi32>
    %swap3A_1183 = arith.constant 1472 : index
    %swap3A_1184 = tpu.vector_load %arg15[%swap3A_1183] {strides = array<i32>} : memref<1600xi32, #tpu.memory_space<vmem>>, vector<16xi32>,
    %swap3A_1185 = vector.shape_cast %swap3A_1184 : vector<16xi32> to vector<16xi32>
    %swap3A_1186 = vector.shape_cast %add3A_1182 : vector<16xi32> to vector<16xi32>
    tpu.vector_store %arg15[%swap3A_1183], %swap3A_1186 {strides = array<i32>} : memref<1600xi32, #tpu.memory_space<vmem>>, vector<16xi32>,
    %get3A_1187 = arith.constant 288 : index
    %get3A_1188 = tpu.vector_load %arg14[%get3A_1187] {strides = array<i32>} : memref<400xi32, #tpu.memory_space<vmem>>, vector<16xi32>,
    %get3A_1189 = vector.shape_cast %get3A_1188 : vector<16xi32> to vector<16xi32>
    %add3A_1190 = arith.constant 3 : i32
    %add3A_1191 = vector.broadcast %add3A_1190 : i32 to vector<16xi32>
    %add3A_1192 = arith.addi %get3A_1189, %add3A_1191 : vector<16xi32>
    %swap3A_1193 = arith.constant 1488 : index
    %swap3A_1194 = tpu.vector_load %arg15[%swap3A_1193] {strides = array<i32>} : memref<1600xi32, #tpu.memory_space<vmem>>, vector<16xi32>,
    %swap3A_1195 = vector.shape_cast %swap3A_1194 : vector<16xi32> to vector<16xi32>
    %swap3A_1196 = vector.shape_cast %add3A_1192 : vector<16xi32> to vector<16xi32>
    tpu.vector_store %arg15[%swap3A_1193], %swap3A_1196 {strides = array<i32>} : memref<1600xi32, #tpu.memory_space<vmem>>, vector<16xi32>,
    %get3A_1197 = arith.constant 304 : index
    %get3A_1198 = tpu.vector_load %arg14[%get3A_1197] {strides = array<i32>} : memref<400xi32, #tpu.memory_space<vmem>>, vector<16xi32>,
    %get3A_1199 = vector.shape_cast %get3A_1198 : vector<16xi32> to vector<16xi32>
    %add3A_1200 = arith.constant 3 : i32
    %add3A_1201 = vector.broadcast %add3A_1200 : i32 to vector<16xi32>
    %add3A_1202 = arith.addi %get3A_1199, %add3A_1201 : vector<16xi32>
    %swap3A_1203 = arith.constant 1504 : index
    %swap3A_1204 = tpu.vector_load %arg15[%swap3A_1203] {strides = array<i32>} : memref<1600xi32, #tpu.memory_space<vmem>>, vector<16xi32>,
    %swap3A_1205 = vector.shape_cast %swap3A_1204 : vector<16xi32> to vector<16xi32>
    %swap3A_1206 = vector.shape_cast %add3A_1202 : vector<16xi32> to vector<16xi32>
    tpu.vector_store %arg15[%swap3A_1203], %swap3A_1206 {strides = array<i32>} : memref<1600xi32, #tpu.memory_space<vmem>>, vector<16xi32>,
    %get3A_1207 = arith.constant 320 : index
    %get3A_1208 = tpu.vector_load %arg14[%get3A_1207] {strides = array<i32>} : memref<400xi32, #tpu.memory_space<vmem>>, vector<16xi32>,
    %get3A_1209 = vector.shape_cast %get3A_1208 : vector<16xi32> to vector<16xi32>
    %add3A_1210 = arith.constant 3 : i32
    %add3A_1211 = vector.broadcast %add3A_1210 : i32 to vector<16xi32>
    %add3A_1212 = arith.addi %get3A_1209, %add3A_1211 : vector<16xi32>
    %swap3A_1213 = arith.constant 1520 : index
    %swap3A_1214 = tpu.vector_load %arg15[%swap3A_1213] {strides = array<i32>} : memref<1600xi32, #tpu.memory_space<vmem>>, vector<16xi32>,
    %swap3A_1215 = vector.shape_cast %swap3A_1214 : vector<16xi32> to vector<16xi32>
    %swap3A_1216 = vector.shape_cast %add3A_1212 : vector<16xi32> to vector<16xi32>
    tpu.vector_store %arg15[%swap3A_1213], %swap3A_1216 {strides = array<i32>} : memref<1600xi32, #tpu.memory_space<vmem>>, vector<16xi32>,
    %get3A_1217 = arith.constant 336 : index
    %get3A_1218 = tpu.vector_load %arg14[%get3A_1217] {strides = array<i32>} : memref<400xi32, #tpu.memory_space<vmem>>, vector<16xi32>,
    %get3A_1219 = vector.shape_cast %get3A_1218 : vector<16xi32> to vector<16xi32>
    %add3A_1220 = arith.constant 3 : i32
    %add3A_1221 = vector.broadcast %add3A_1220 : i32 to vector<16xi32>
    %add3A_1222 = arith.addi %get3A_1219, %add3A_1221 : vector<16xi32>
    %swap3A_1223 = arith.constant 1536 : index
    %swap3A_1224 = tpu.vector_load %arg15[%swap3A_1223] {strides = array<i32>} : memref<1600xi32, #tpu.memory_space<vmem>>, vector<16xi32>,
    %swap3A_1225 = vector.shape_cast %swap3A_1224 : vector<16xi32> to vector<16xi32>
    %swap3A_1226 = vector.shape_cast %add3A_1222 : vector<16xi32> to vector<16xi32>
    tpu.vector_store %arg15[%swap3A_1223], %swap3A_1226 {strides = array<i32>} : memref<1600xi32, #tpu.memory_space<vmem>>, vector<16xi32>,
    %get3A_1227 = arith.constant 352 : index
    %get3A_1228 = tpu.vector_load %arg14[%get3A_1227] {strides = array<i32>} : memref<400xi32, #tpu.memory_space<vmem>>, vector<16xi32>,
    %get3A_1229 = vector.shape_cast %get3A_1228 : vector<16xi32> to vector<16xi32>
    %add3A_1230 = arith.constant 3 : i32
    %add3A_1231 = vector.broadcast %add3A_1230 : i32 to vector<16xi32>
    %add3A_1232 = arith.addi %get3A_1229, %add3A_1231 : vector<16xi32>
    %swap3A_1233 = arith.constant 1552 : index
    %swap3A_1234 = tpu.vector_load %arg15[%swap3A_1233] {strides = array<i32>} : memref<1600xi32, #tpu.memory_space<vmem>>, vector<16xi32>,
    %swap3A_1235 = vector.shape_cast %swap3A_1234 : vector<16xi32> to vector<16xi32>
    %swap3A_1236 = vector.shape_cast %add3A_1232 : vector<16xi32> to vector<16xi32>
    tpu.vector_store %arg15[%swap3A_1233], %swap3A_1236 {strides = array<i32>} : memref<1600xi32, #tpu.memory_space<vmem>>, vector<16xi32>,
    %get3A_1237 = arith.constant 368 : index
    %get3A_1238 = tpu.vector_load %arg14[%get3A_1237] {strides = array<i32>} : memref<400xi32, #tpu.memory_space<vmem>>, vector<16xi32>,
    %get3A_1239 = vector.shape_cast %get3A_1238 : vector<16xi32> to vector<16xi32>
    %add3A_1240 = arith.constant 3 : i32
    %add3A_1241 = vector.broadcast %add3A_1240 : i32 to vector<16xi32>
    %add3A_1242 = arith.addi %get3A_1239, %add3A_1241 : vector<16xi32>
    %swap3A_1243 = arith.constant 1568 : index
    %swap3A_1244 = tpu.vector_load %arg15[%swap3A_1243] {strides = array<i32>} : memref<1600xi32, #tpu.memory_space<vmem>>, vector<16xi32>,
    %swap3A_1245 = vector.shape_cast %swap3A_1244 : vector<16xi32> to vector<16xi32>
    %swap3A_1246 = vector.shape_cast %add3A_1242 : vector<16xi32> to vector<16xi32>
    tpu.vector_store %arg15[%swap3A_1243], %swap3A_1246 {strides = array<i32>} : memref<1600xi32, #tpu.memory_space<vmem>>, vector<16xi32>,
    %get3A_1247 = arith.constant 384 : index
    %get3A_1248 = tpu.vector_load %arg14[%get3A_1247] {strides = array<i32>} : memref<400xi32, #tpu.memory_space<vmem>>, vector<16xi32>,
    %get3A_1249 = vector.shape_cast %get3A_1248 : vector<16xi32> to vector<16xi32>
    %add3A_1250 = arith.constant 3 : i32
    %add3A_1251 = vector.broadcast %add3A_1250 : i32 to vector<16xi32>
    %add3A_1252 = arith.addi %get3A_1249, %add3A_1251 : vector<16xi32>
    %swap3A_1253 = arith.constant 1584 : index
    %swap3A_1254 = tpu.vector_load %arg15[%swap3A_1253] {strides = array<i32>} : memref<1600xi32, #tpu.memory_space<vmem>>, vector<16xi32>,
    %swap3A_1255 = vector.shape_cast %swap3A_1254 : vector<16xi32> to vector<16xi32>
    %swap3A_1256 = vector.shape_cast %add3A_1252 : vector<16xi32> to vector<16xi32>
    tpu.vector_store %arg15[%swap3A_1253], %swap3A_1256 {strides = array<i32>} : memref<1600xi32, #tpu.memory_space<vmem>>, vector<16xi32>,
    %dma_start3A_1257 = arith.constant 0 : i32
    %dma_start3A_1258 = tpu.memref_slice %arg16[%dma_start3A_1257] : memref<1600xi32, #tpu.memory_space<vmem>> -> memref<400xi32, #tpu.memory_space<vmem>>
    %dma_start3A_1259 = arith.constant 0 : i32
    %dma_start3A_1260 = tpu.memref_slice %arg15[%dma_start3A_1259] : memref<1600xi32, #tpu.memory_space<vmem>> -> memref<400xi32, #tpu.memory_space<vmem>>
    %dma_start3A_1261 = arith.constant 0 : i32
    %dma_start3A_1262 = tpu.memref_slice %arg2[%dma_start3A_1261] : memref<200000xi32, #tpu.memory_space<hbm>> -> memref<200000xi32, #tpu.memory_space<hbm>>
    tpu.enqueue_indirect_dma source(%dma_start3A_1262 : memref<200000xi32, #tpu.memory_space<hbm>>) target(%dma_start3A_1258 : memref<400xi32, #tpu.memory_space<vmem>>) offsets(%dma_start3A_1260 : memref<400xi32, #tpu.memory_space<vmem>>) semaphore(%arg24 : memref<!tpu.dma_semaphore, #tpu.memory_space<semaphore_mem>>)
    %dma_start3A_1263 = arith.constant 400 : i32
    %dma_start3A_1264 = tpu.memref_slice %arg16[%dma_start3A_1263] : memref<1600xi32, #tpu.memory_space<vmem>> -> memref<400xi32, #tpu.memory_space<vmem>>
    %dma_start3A_1265 = arith.constant 400 : i32
    %dma_start3A_1266 = tpu.memref_slice %arg15[%dma_start3A_1265] : memref<1600xi32, #tpu.memory_space<vmem>> -> memref<400xi32, #tpu.memory_space<vmem>>
    %dma_start3A_1267 = arith.constant 0 : i32
    %dma_start3A_1268 = tpu.memref_slice %arg2[%dma_start3A_1267] : memref<200000xi32, #tpu.memory_space<hbm>> -> memref<200000xi32, #tpu.memory_space<hbm>>
    tpu.enqueue_indirect_dma source(%dma_start3A_1268 : memref<200000xi32, #tpu.memory_space<hbm>>) target(%dma_start3A_1264 : memref<400xi32, #tpu.memory_space<vmem>>) offsets(%dma_start3A_1266 : memref<400xi32, #tpu.memory_space<vmem>>) semaphore(%arg24 : memref<!tpu.dma_semaphore, #tpu.memory_space<semaphore_mem>>)
    %dma_start3A_1269 = arith.constant 800 : i32
    %dma_start3A_1270 = tpu.memref_slice %arg16[%dma_start3A_1269] : memref<1600xi32, #tpu.memory_space<vmem>> -> memref<400xi32, #tpu.memory_space<vmem>>
    %dma_start3A_1271 = arith.constant 800 : i32
    %dma_start3A_1272 = tpu.memref_slice %arg15[%dma_start3A_1271] : memref<1600xi32, #tpu.memory_space<vmem>> -> memref<400xi32, #tpu.memory_space<vmem>>
    %dma_start3A_1273 = arith.constant 0 : i32
    %dma_start3A_1274 = tpu.memref_slice %arg2[%dma_start3A_1273] : memref<200000xi32, #tpu.memory_space<hbm>> -> memref<200000xi32, #tpu.memory_space<hbm>>
    tpu.enqueue_indirect_dma source(%dma_start3A_1274 : memref<200000xi32, #tpu.memory_space<hbm>>) target(%dma_start3A_1270 : memref<400xi32, #tpu.memory_space<vmem>>) offsets(%dma_start3A_1272 : memref<400xi32, #tpu.memory_space<vmem>>) semaphore(%arg24 : memref<!tpu.dma_semaphore, #tpu.memory_space<semaphore_mem>>)
    %dma_start3A_1275 = arith.constant 1200 : i32
    %dma_start3A_1276 = tpu.memref_slice %arg16[%dma_start3A_1275] : memref<1600xi32, #tpu.memory_space<vmem>> -> memref<400xi32, #tpu.memory_space<vmem>>
    %dma_start3A_1277 = arith.constant 1200 : i32
    %dma_start3A_1278 = tpu.memref_slice %arg15[%dma_start3A_1277] : memref<1600xi32, #tpu.memory_space<vmem>> -> memref<400xi32, #tpu.memory_space<vmem>>
    %dma_start3A_1279 = arith.constant 0 : i32
    %dma_start3A_1280 = tpu.memref_slice %arg2[%dma_start3A_1279] : memref<200000xi32, #tpu.memory_space<hbm>> -> memref<200000xi32, #tpu.memory_space<hbm>>
    tpu.enqueue_indirect_dma source(%dma_start3A_1280 : memref<200000xi32, #tpu.memory_space<hbm>>) target(%dma_start3A_1276 : memref<400xi32, #tpu.memory_space<vmem>>) offsets(%dma_start3A_1278 : memref<400xi32, #tpu.memory_space<vmem>>) semaphore(%arg24 : memref<!tpu.dma_semaphore, #tpu.memory_space<semaphore_mem>>)
    %dma_wait3A = arith.constant 0 : i32
    %dma_wait3A_1281 = tpu.memref_slice %arg16[%dma_wait3A] : memref<1600xi32, #tpu.memory_space<vmem>> -> memref<400xi32, #tpu.memory_space<vmem>>
    %dma_wait3A_1282 = arith.constant 0 : i32
    %dma_wait3A_1283 = tpu.memref_slice %arg15[%dma_wait3A_1282] : memref<1600xi32, #tpu.memory_space<vmem>> -> memref<400xi32, #tpu.memory_space<vmem>>
    %dma_wait3A_1284 = arith.constant 0 : i32
    %dma_wait3A_1285 = tpu.memref_slice %arg2[%dma_wait3A_1284] : memref<200000xi32, #tpu.memory_space<hbm>> -> memref<200000xi32, #tpu.memory_space<hbm>>
    tpu.wait_indirect_dma semaphore(%arg24 : memref<!tpu.dma_semaphore, #tpu.memory_space<semaphore_mem>>) src(%dma_wait3A_1285 : memref<200000xi32, #tpu.memory_space<hbm>>) dst(%dma_wait3A_1281 : memref<400xi32, #tpu.memory_space<vmem>>)
    %add3A_1286 = arith.constant 0 : i32
    %add3A_1287 = arith.addi %add3A_1286, %mul3A_2 : i32
    "tpu.region"() ({
      %run_scoped3A_1480 = tpu.sem_alloc : memref<!tpu.dma_semaphore, #tpu.memory_space<semaphore_mem>>
      %dma_start3A_1481 = arith.constant 0 : i32
      %dma_start3A_1482 = tpu.memref_slice %arg16[%dma_start3A_1481] : memref<1600xi32, #tpu.memory_space<vmem>> -> memref<400xi32, #tpu.memory_space<vmem>>
      %dma_start3A_1483 = tpu.memref_slice %arg11[%add3A_1287] : memref<51200xi32, #tpu.memory_space<hbm>> -> memref<400xi32, #tpu.memory_space<hbm>>
      %dma_start3A_1484 = tpu.memref_slice %arg11[%add3A_1287] : memref<51200xi32, #tpu.memory_space<hbm>> -> memref<400xi32, #tpu.memory_space<hbm>>
      %dma_start3A_1485 = arith.constant 0 : i32
      %dma_start3A_1486 = tpu.memref_slice %arg16[%dma_start3A_1485] : memref<1600xi32, #tpu.memory_space<vmem>> -> memref<400xi32, #tpu.memory_space<vmem>>
      tpu.enqueue_dma source(%dma_start3A_1486 : memref<400xi32, #tpu.memory_space<vmem>>) target(%dma_start3A_1484 : memref<400xi32, #tpu.memory_space<hbm>>) target_semaphore(%run_scoped3A_1480 : memref<!tpu.dma_semaphore, #tpu.memory_space<semaphore_mem>>)
      %dma_wait3A_1487 = arith.constant 0 : i32
      %dma_wait3A_1488 = tpu.memref_slice %arg16[%dma_wait3A_1487] : memref<1600xi32, #tpu.memory_space<vmem>> -> memref<400xi32, #tpu.memory_space<vmem>>
      %dma_wait3A_1489 = tpu.memref_slice %arg11[%add3A_1287] : memref<51200xi32, #tpu.memory_space<hbm>> -> memref<400xi32, #tpu.memory_space<hbm>>
      %dma_wait3A_1490 = tpu.memref_slice %arg11[%add3A_1287] : memref<51200xi32, #tpu.memory_space<hbm>> -> memref<400xi32, #tpu.memory_space<hbm>>
      %dma_wait3A_1491 = arith.constant 0 : i32
      %dma_wait3A_1492 = tpu.memref_slice %arg16[%dma_wait3A_1491] : memref<1600xi32, #tpu.memory_space<vmem>> -> memref<400xi32, #tpu.memory_space<vmem>>
      tpu.wait_dma2 semaphore(%run_scoped3A_1480 : memref<!tpu.dma_semaphore, #tpu.memory_space<semaphore_mem>>) src(%dma_wait3A_1492 : memref<400xi32, #tpu.memory_space<vmem>>) dst(%dma_wait3A_1490 : memref<400xi32, #tpu.memory_space<hbm>>)
      tpu.yield
    }) : () -> ()
    %dma_wait3A_1288 = arith.constant 400 : i32
    %dma_wait3A_1289 = tpu.memref_slice %arg16[%dma_wait3A_1288] : memref<1600xi32, #tpu.memory_space<vmem>> -> memref<400xi32, #tpu.memory_space<vmem>>
    %dma_wait3A_1290 = arith.constant 400 : i32
    %dma_wait3A_1291 = tpu.memref_slice %arg15[%dma_wait3A_1290] : memref<1600xi32, #tpu.memory_space<vmem>> -> memref<400xi32, #tpu.memory_space<vmem>>
    %dma_wait3A_1292 = arith.constant 0 : i32
    %dma_wait3A_1293 = tpu.memref_slice %arg2[%dma_wait3A_1292] : memref<200000xi32, #tpu.memory_space<hbm>> -> memref<200000xi32, #tpu.memory_space<hbm>>
    tpu.wait_indirect_dma semaphore(%arg24 : memref<!tpu.dma_semaphore, #tpu.memory_space<semaphore_mem>>) src(%dma_wait3A_1293 : memref<200000xi32, #tpu.memory_space<hbm>>) dst(%dma_wait3A_1289 : memref<400xi32, #tpu.memory_space<vmem>>)
    %add3A_1294 = arith.constant 12800 : i32
    %add3A_1295 = arith.addi %add3A_1294, %mul3A_2 : i32
    "tpu.region"() ({
      %run_scoped3A_1480 = tpu.sem_alloc : memref<!tpu.dma_semaphore, #tpu.memory_space<semaphore_mem>>
      %dma_start3A_1481 = arith.constant 400 : i32
      %dma_start3A_1482 = tpu.memref_slice %arg16[%dma_start3A_1481] : memref<1600xi32, #tpu.memory_space<vmem>> -> memref<400xi32, #tpu.memory_space<vmem>>
      %dma_start3A_1483 = tpu.memref_slice %arg11[%add3A_1295] : memref<51200xi32, #tpu.memory_space<hbm>> -> memref<400xi32, #tpu.memory_space<hbm>>
      %dma_start3A_1484 = tpu.memref_slice %arg11[%add3A_1295] : memref<51200xi32, #tpu.memory_space<hbm>> -> memref<400xi32, #tpu.memory_space<hbm>>
      %dma_start3A_1485 = arith.constant 400 : i32
      %dma_start3A_1486 = tpu.memref_slice %arg16[%dma_start3A_1485] : memref<1600xi32, #tpu.memory_space<vmem>> -> memref<400xi32, #tpu.memory_space<vmem>>
      tpu.enqueue_dma source(%dma_start3A_1486 : memref<400xi32, #tpu.memory_space<vmem>>) target(%dma_start3A_1484 : memref<400xi32, #tpu.memory_space<hbm>>) target_semaphore(%run_scoped3A_1480 : memref<!tpu.dma_semaphore, #tpu.memory_space<semaphore_mem>>)
      %dma_wait3A_1487 = arith.constant 400 : i32
      %dma_wait3A_1488 = tpu.memref_slice %arg16[%dma_wait3A_1487] : memref<1600xi32, #tpu.memory_space<vmem>> -> memref<400xi32, #tpu.memory_space<vmem>>
      %dma_wait3A_1489 = tpu.memref_slice %arg11[%add3A_1295] : memref<51200xi32, #tpu.memory_space<hbm>> -> memref<400xi32, #tpu.memory_space<hbm>>
      %dma_wait3A_1490 = tpu.memref_slice %arg11[%add3A_1295] : memref<51200xi32, #tpu.memory_space<hbm>> -> memref<400xi32, #tpu.memory_space<hbm>>
      %dma_wait3A_1491 = arith.constant 400 : i32
      %dma_wait3A_1492 = tpu.memref_slice %arg16[%dma_wait3A_1491] : memref<1600xi32, #tpu.memory_space<vmem>> -> memref<400xi32, #tpu.memory_space<vmem>>
      tpu.wait_dma2 semaphore(%run_scoped3A_1480 : memref<!tpu.dma_semaphore, #tpu.memory_space<semaphore_mem>>) src(%dma_wait3A_1492 : memref<400xi32, #tpu.memory_space<vmem>>) dst(%dma_wait3A_1490 : memref<400xi32, #tpu.memory_space<hbm>>)
      tpu.yield
    }) : () -> ()
    %dma_wait3A_1296 = arith.constant 800 : i32
    %dma_wait3A_1297 = tpu.memref_slice %arg16[%dma_wait3A_1296] : memref<1600xi32, #tpu.memory_space<vmem>> -> memref<400xi32, #tpu.memory_space<vmem>>
    %dma_wait3A_1298 = arith.constant 800 : i32
    %dma_wait3A_1299 = tpu.memref_slice %arg15[%dma_wait3A_1298] : memref<1600xi32, #tpu.memory_space<vmem>> -> memref<400xi32, #tpu.memory_space<vmem>>
    %dma_wait3A_1300 = arith.constant 0 : i32
    %dma_wait3A_1301 = tpu.memref_slice %arg2[%dma_wait3A_1300] : memref<200000xi32, #tpu.memory_space<hbm>> -> memref<200000xi32, #tpu.memory_space<hbm>>
    tpu.wait_indirect_dma semaphore(%arg24 : memref<!tpu.dma_semaphore, #tpu.memory_space<semaphore_mem>>) src(%dma_wait3A_1301 : memref<200000xi32, #tpu.memory_space<hbm>>) dst(%dma_wait3A_1297 : memref<400xi32, #tpu.memory_space<vmem>>)
    %add3A_1302 = arith.constant 25600 : i32
    %add3A_1303 = arith.addi %add3A_1302, %mul3A_2 : i32
    "tpu.region"() ({
      %run_scoped3A_1480 = tpu.sem_alloc : memref<!tpu.dma_semaphore, #tpu.memory_space<semaphore_mem>>
      %dma_start3A_1481 = arith.constant 800 : i32
      %dma_start3A_1482 = tpu.memref_slice %arg16[%dma_start3A_1481] : memref<1600xi32, #tpu.memory_space<vmem>> -> memref<400xi32, #tpu.memory_space<vmem>>
      %dma_start3A_1483 = tpu.memref_slice %arg11[%add3A_1303] : memref<51200xi32, #tpu.memory_space<hbm>> -> memref<400xi32, #tpu.memory_space<hbm>>
      %dma_start3A_1484 = tpu.memref_slice %arg11[%add3A_1303] : memref<51200xi32, #tpu.memory_space<hbm>> -> memref<400xi32, #tpu.memory_space<hbm>>
      %dma_start3A_1485 = arith.constant 800 : i32
      %dma_start3A_1486 = tpu.memref_slice %arg16[%dma_start3A_1485] : memref<1600xi32, #tpu.memory_space<vmem>> -> memref<400xi32, #tpu.memory_space<vmem>>
      tpu.enqueue_dma source(%dma_start3A_1486 : memref<400xi32, #tpu.memory_space<vmem>>) target(%dma_start3A_1484 : memref<400xi32, #tpu.memory_space<hbm>>) target_semaphore(%run_scoped3A_1480 : memref<!tpu.dma_semaphore, #tpu.memory_space<semaphore_mem>>)
      %dma_wait3A_1487 = arith.constant 800 : i32
      %dma_wait3A_1488 = tpu.memref_slice %arg16[%dma_wait3A_1487] : memref<1600xi32, #tpu.memory_space<vmem>> -> memref<400xi32, #tpu.memory_space<vmem>>
      %dma_wait3A_1489 = tpu.memref_slice %arg11[%add3A_1303] : memref<51200xi32, #tpu.memory_space<hbm>> -> memref<400xi32, #tpu.memory_space<hbm>>
      %dma_wait3A_1490 = tpu.memref_slice %arg11[%add3A_1303] : memref<51200xi32, #tpu.memory_space<hbm>> -> memref<400xi32, #tpu.memory_space<hbm>>
      %dma_wait3A_1491 = arith.constant 800 : i32
      %dma_wait3A_1492 = tpu.memref_slice %arg16[%dma_wait3A_1491] : memref<1600xi32, #tpu.memory_space<vmem>> -> memref<400xi32, #tpu.memory_space<vmem>>
      tpu.wait_dma2 semaphore(%run_scoped3A_1480 : memref<!tpu.dma_semaphore, #tpu.memory_space<semaphore_mem>>) src(%dma_wait3A_1492 : memref<400xi32, #tpu.memory_space<vmem>>) dst(%dma_wait3A_1490 : memref<400xi32, #tpu.memory_space<hbm>>)
      tpu.yield
    }) : () -> ()
    %dma_wait3A_1304 = arith.constant 1200 : i32
    %dma_wait3A_1305 = tpu.memref_slice %arg16[%dma_wait3A_1304] : memref<1600xi32, #tpu.memory_space<vmem>> -> memref<400xi32, #tpu.memory_space<vmem>>
    %dma_wait3A_1306 = arith.constant 1200 : i32
    %dma_wait3A_1307 = tpu.memref_slice %arg15[%dma_wait3A_1306] : memref<1600xi32, #tpu.memory_space<vmem>> -> memref<400xi32, #tpu.memory_space<vmem>>
    %dma_wait3A_1308 = arith.constant 0 : i32
    %dma_wait3A_1309 = tpu.memref_slice %arg2[%dma_wait3A_1308] : memref<200000xi32, #tpu.memory_space<hbm>> -> memref<200000xi32, #tpu.memory_space<hbm>>
    tpu.wait_indirect_dma semaphore(%arg24 : memref<!tpu.dma_semaphore, #tpu.memory_space<semaphore_mem>>) src(%dma_wait3A_1309 : memref<200000xi32, #tpu.memory_space<hbm>>) dst(%dma_wait3A_1305 : memref<400xi32, #tpu.memory_space<vmem>>)
    %add3A_1310 = arith.constant 38400 : i32
    %add3A_1311 = arith.addi %add3A_1310, %mul3A_2 : i32
    "tpu.region"() ({
      %run_scoped3A_1480 = tpu.sem_alloc : memref<!tpu.dma_semaphore, #tpu.memory_space<semaphore_mem>>
      %dma_start3A_1481 = arith.constant 1200 : i32
      %dma_start3A_1482 = tpu.memref_slice %arg16[%dma_start3A_1481] : memref<1600xi32, #tpu.memory_space<vmem>> -> memref<400xi32, #tpu.memory_space<vmem>>
      %dma_start3A_1483 = tpu.memref_slice %arg11[%add3A_1311] : memref<51200xi32, #tpu.memory_space<hbm>> -> memref<400xi32, #tpu.memory_space<hbm>>
      %dma_start3A_1484 = tpu.memref_slice %arg11[%add3A_1311] : memref<51200xi32, #tpu.memory_space<hbm>> -> memref<400xi32, #tpu.memory_space<hbm>>
      %dma_start3A_1485 = arith.constant 1200 : i32
      %dma_start3A_1486 = tpu.memref_slice %arg16[%dma_start3A_1485] : memref<1600xi32, #tpu.memory_space<vmem>> -> memref<400xi32, #tpu.memory_space<vmem>>
      tpu.enqueue_dma source(%dma_start3A_1486 : memref<400xi32, #tpu.memory_space<vmem>>) target(%dma_start3A_1484 : memref<400xi32, #tpu.memory_space<hbm>>) target_semaphore(%run_scoped3A_1480 : memref<!tpu.dma_semaphore, #tpu.memory_space<semaphore_mem>>)
      %dma_wait3A_1487 = arith.constant 1200 : i32
      %dma_wait3A_1488 = tpu.memref_slice %arg16[%dma_wait3A_1487] : memref<1600xi32, #tpu.memory_space<vmem>> -> memref<400xi32, #tpu.memory_space<vmem>>
      %dma_wait3A_1489 = tpu.memref_slice %arg11[%add3A_1311] : memref<51200xi32, #tpu.memory_space<hbm>> -> memref<400xi32, #tpu.memory_space<hbm>>
      %dma_wait3A_1490 = tpu.memref_slice %arg11[%add3A_1311] : memref<51200xi32, #tpu.memory_space<hbm>> -> memref<400xi32, #tpu.memory_space<hbm>>
      %dma_wait3A_1491 = arith.constant 1200 : i32
      %dma_wait3A_1492 = tpu.memref_slice %arg16[%dma_wait3A_1491] : memref<1600xi32, #tpu.memory_space<vmem>> -> memref<400xi32, #tpu.memory_space<vmem>>
      tpu.wait_dma2 semaphore(%run_scoped3A_1480 : memref<!tpu.dma_semaphore, #tpu.memory_space<semaphore_mem>>) src(%dma_wait3A_1492 : memref<400xi32, #tpu.memory_space<vmem>>) dst(%dma_wait3A_1490 : memref<400xi32, #tpu.memory_space<hbm>>)
      tpu.yield
    }) : () -> ()
    %dma_start3A_1312 = arith.constant 0 : i32
    %dma_start3A_1313 = arith.constant 0 : i32
    %dma_start3A_1314 = tpu.memref_slice %arg19[%dma_start3A_1312, %dma_start3A_1313] : memref<400x128xf32, #tpu.memory_space<vmem>> -> memref<200x128xf32, #tpu.memory_space<vmem>>
    %dma_start3A_1315 = arith.constant 0 : i32
    %dma_start3A_1316 = tpu.memref_slice %arg16[%dma_start3A_1315] : memref<1600xi32, #tpu.memory_space<vmem>> -> memref<200xi32, #tpu.memory_space<vmem>>
    %dma_start3A_1317 = arith.constant 0 : i32
    %dma_start3A_1318 = arith.constant 0 : i32
    %dma_start3A_1319 = tpu.memref_slice %arg5[%dma_start3A_1317, %dma_start3A_1318] : memref<1000x128xf32, #tpu.memory_space<hbm>> -> memref<1000x128xf32, #tpu.memory_space<hbm>>
    tpu.enqueue_indirect_dma source(%dma_start3A_1319 : memref<1000x128xf32, #tpu.memory_space<hbm>>) target(%dma_start3A_1314 : memref<200x128xf32, #tpu.memory_space<vmem>>) offsets(%dma_start3A_1316 : memref<200xi32, #tpu.memory_space<vmem>>) semaphore(%arg24 : memref<!tpu.dma_semaphore, #tpu.memory_space<semaphore_mem>>)
    %dma_start3A_1320 = arith.constant 200 : i32
    %dma_start3A_1321 = arith.constant 0 : i32
    %dma_start3A_1322 = tpu.memref_slice %arg19[%dma_start3A_1320, %dma_start3A_1321] : memref<400x128xf32, #tpu.memory_space<vmem>> -> memref<200x128xf32, #tpu.memory_space<vmem>>
    %dma_start3A_1323 = arith.constant 200 : i32
    %dma_start3A_1324 = tpu.memref_slice %arg16[%dma_start3A_1323] : memref<1600xi32, #tpu.memory_space<vmem>> -> memref<200xi32, #tpu.memory_space<vmem>>
    %dma_start3A_1325 = arith.constant 0 : i32
    %dma_start3A_1326 = arith.constant 0 : i32
    %dma_start3A_1327 = tpu.memref_slice %arg5[%dma_start3A_1325, %dma_start3A_1326] : memref<1000x128xf32, #tpu.memory_space<hbm>> -> memref<1000x128xf32, #tpu.memory_space<hbm>>
    tpu.enqueue_indirect_dma source(%dma_start3A_1327 : memref<1000x128xf32, #tpu.memory_space<hbm>>) target(%dma_start3A_1322 : memref<200x128xf32, #tpu.memory_space<vmem>>) offsets(%dma_start3A_1324 : memref<200xi32, #tpu.memory_space<vmem>>) semaphore(%arg24 : memref<!tpu.dma_semaphore, #tpu.memory_space<semaphore_mem>>)
    %dma_wait3A_1328 = arith.constant 0 : i32
    %dma_wait3A_1329 = arith.constant 0 : i32
    %dma_wait3A_1330 = tpu.memref_slice %arg19[%dma_wait3A_1328, %dma_wait3A_1329] : memref<400x128xf32, #tpu.memory_space<vmem>> -> memref<200x128xf32, #tpu.memory_space<vmem>>
    %dma_wait3A_1331 = arith.constant 0 : i32
    %dma_wait3A_1332 = tpu.memref_slice %arg16[%dma_wait3A_1331] : memref<1600xi32, #tpu.memory_space<vmem>> -> memref<200xi32, #tpu.memory_space<vmem>>
    %dma_wait3A_1333 = arith.constant 0 : i32
    %dma_wait3A_1334 = arith.constant 0 : i32
    %dma_wait3A_1335 = tpu.memref_slice %arg5[%dma_wait3A_1333, %dma_wait3A_1334] : memref<1000x128xf32, #tpu.memory_space<hbm>> -> memref<1000x128xf32, #tpu.memory_space<hbm>>
    tpu.wait_indirect_dma semaphore(%arg24 : memref<!tpu.dma_semaphore, #tpu.memory_space<semaphore_mem>>) src(%dma_wait3A_1335 : memref<1000x128xf32, #tpu.memory_space<hbm>>) dst(%dma_wait3A_1330 : memref<200x128xf32, #tpu.memory_space<vmem>>)
    %add3A_1336 = arith.constant 0 : i32
    %add3A_1337 = arith.addi %mul3A_2, %add3A_1336 : i32
    %run_scoped3A = arith.constant 0 : i32
    "tpu.region"() ({
      %run_scoped3A_1480 = tpu.sem_alloc : memref<!tpu.dma_semaphore, #tpu.memory_space<semaphore_mem>>
      %dma_start3A_1481 = arith.constant 0 : i32
      %dma_start3A_1482 = arith.constant 0 : i32
      %dma_start3A_1483 = tpu.memref_slice %arg19[%dma_start3A_1481, %dma_start3A_1482] : memref<400x128xf32, #tpu.memory_space<vmem>> -> memref<200x128xf32, #tpu.memory_space<vmem>>
      %dma_start3A_1484 = arith.constant 0 : i32
      %dma_start3A_1485 = tpu.memref_slice %arg10[%run_scoped3A, %add3A_1337, %dma_start3A_1484] : memref<4x12800x128xf32, #tpu.memory_space<hbm>> -> memref<1x200x128xf32, #tpu.memory_space<hbm>>
      %dma_start3A_1486 = tpu.memref_squeeze %dma_start3A_1485 : memref<1x200x128xf32, #tpu.memory_space<hbm>> -> memref<200x128xf32, #tpu.memory_space<hbm>>
      %dma_start3A_1487 = arith.constant 0 : i32
      %dma_start3A_1488 = tpu.memref_slice %arg10[%run_scoped3A, %add3A_1337, %dma_start3A_1487] : memref<4x12800x128xf32, #tpu.memory_space<hbm>> -> memref<1x200x128xf32, #tpu.memory_space<hbm>>
      %dma_start3A_1489 = tpu.memref_squeeze %dma_start3A_1488 : memref<1x200x128xf32, #tpu.memory_space<hbm>> -> memref<200x128xf32, #tpu.memory_space<hbm>>
      %dma_start3A_1490 = arith.constant 0 : i32
      %dma_start3A_1491 = arith.constant 0 : i32
      %dma_start3A_1492 = tpu.memref_slice %arg19[%dma_start3A_1490, %dma_start3A_1491] : memref<400x128xf32, #tpu.memory_space<vmem>> -> memref<200x128xf32, #tpu.memory_space<vmem>>
      tpu.enqueue_dma source(%dma_start3A_1492 : memref<200x128xf32, #tpu.memory_space<vmem>>) target(%dma_start3A_1489 : memref<200x128xf32, #tpu.memory_space<hbm>>) target_semaphore(%run_scoped3A_1480 : memref<!tpu.dma_semaphore, #tpu.memory_space<semaphore_mem>>)
      %dma_wait3A_1493 = arith.constant 0 : i32
      %dma_wait3A_1494 = arith.constant 0 : i32
      %dma_wait3A_1495 = tpu.memref_slice %arg19[%dma_wait3A_1493, %dma_wait3A_1494] : memref<400x128xf32, #tpu.memory_space<vmem>> -> memref<200x128xf32, #tpu.memory_space<vmem>>
      %dma_wait3A_1496 = arith.constant 0 : i32
      %dma_wait3A_1497 = tpu.memref_slice %arg10[%run_scoped3A, %add3A_1337, %dma_wait3A_1496] : memref<4x12800x128xf32, #tpu.memory_space<hbm>> -> memref<1x200x128xf32, #tpu.memory_space<hbm>>
      %dma_wait3A_1498 = tpu.memref_squeeze %dma_wait3A_1497 : memref<1x200x128xf32, #tpu.memory_space<hbm>> -> memref<200x128xf32, #tpu.memory_space<hbm>>
      %dma_wait3A_1499 = arith.constant 0 : i32
      %dma_wait3A_1500 = tpu.memref_slice %arg10[%run_scoped3A, %add3A_1337, %dma_wait3A_1499] : memref<4x12800x128xf32, #tpu.memory_space<hbm>> -> memref<1x200x128xf32, #tpu.memory_space<hbm>>
      %dma_wait3A_1501 = tpu.memref_squeeze %dma_wait3A_1500 : memref<1x200x128xf32, #tpu.memory_space<hbm>> -> memref<200x128xf32, #tpu.memory_space<hbm>>
      %dma_wait3A_1502 = arith.constant 0 : i32
      %dma_wait3A_1503 = arith.constant 0 : i32
      %dma_wait3A_1504 = tpu.memref_slice %arg19[%dma_wait3A_1502, %dma_wait3A_1503] : memref<400x128xf32, #tpu.memory_space<vmem>> -> memref<200x128xf32, #tpu.memory_space<vmem>>
      tpu.wait_dma2 semaphore(%run_scoped3A_1480 : memref<!tpu.dma_semaphore, #tpu.memory_space<semaphore_mem>>) src(%dma_wait3A_1504 : memref<200x128xf32, #tpu.memory_space<vmem>>) dst(%dma_wait3A_1501 : memref<200x128xf32, #tpu.memory_space<hbm>>)
      tpu.yield
    }) : () -> ()
    %dma_start3A_1338 = arith.constant 0 : i32
    %dma_start3A_1339 = arith.constant 0 : i32
    %dma_start3A_1340 = tpu.memref_slice %arg19[%dma_start3A_1338, %dma_start3A_1339] : memref<400x128xf32, #tpu.memory_space<vmem>> -> memref<200x128xf32, #tpu.memory_space<vmem>>
    %dma_start3A_1341 = arith.constant 400 : i32
    %dma_start3A_1342 = tpu.memref_slice %arg16[%dma_start3A_1341] : memref<1600xi32, #tpu.memory_space<vmem>> -> memref<200xi32, #tpu.memory_space<vmem>>
    %dma_start3A_1343 = arith.constant 0 : i32
    %dma_start3A_1344 = arith.constant 0 : i32
    %dma_start3A_1345 = tpu.memref_slice %arg5[%dma_start3A_1343, %dma_start3A_1344] : memref<1000x128xf32, #tpu.memory_space<hbm>> -> memref<1000x128xf32, #tpu.memory_space<hbm>>
    tpu.enqueue_indirect_dma source(%dma_start3A_1345 : memref<1000x128xf32, #tpu.memory_space<hbm>>) target(%dma_start3A_1340 : memref<200x128xf32, #tpu.memory_space<vmem>>) offsets(%dma_start3A_1342 : memref<200xi32, #tpu.memory_space<vmem>>) semaphore(%arg24 : memref<!tpu.dma_semaphore, #tpu.memory_space<semaphore_mem>>)
    %dma_wait3A_1346 = arith.constant 200 : i32
    %dma_wait3A_1347 = arith.constant 0 : i32
    %dma_wait3A_1348 = tpu.memref_slice %arg19[%dma_wait3A_1346, %dma_wait3A_1347] : memref<400x128xf32, #tpu.memory_space<vmem>> -> memref<200x128xf32, #tpu.memory_space<vmem>>
    %dma_wait3A_1349 = arith.constant 200 : i32
    %dma_wait3A_1350 = tpu.memref_slice %arg16[%dma_wait3A_1349] : memref<1600xi32, #tpu.memory_space<vmem>> -> memref<200xi32, #tpu.memory_space<vmem>>
    %dma_wait3A_1351 = arith.constant 0 : i32
    %dma_wait3A_1352 = arith.constant 0 : i32
    %dma_wait3A_1353 = tpu.memref_slice %arg5[%dma_wait3A_1351, %dma_wait3A_1352] : memref<1000x128xf32, #tpu.memory_space<hbm>> -> memref<1000x128xf32, #tpu.memory_space<hbm>>
    tpu.wait_indirect_dma semaphore(%arg24 : memref<!tpu.dma_semaphore, #tpu.memory_space<semaphore_mem>>) src(%dma_wait3A_1353 : memref<1000x128xf32, #tpu.memory_space<hbm>>) dst(%dma_wait3A_1348 : memref<200x128xf32, #tpu.memory_space<vmem>>)
    %add3A_1354 = arith.constant 200 : i32
    %add3A_1355 = arith.addi %mul3A_2, %add3A_1354 : i32
    %run_scoped3A_1356 = arith.constant 0 : i32
    "tpu.region"() ({
      %run_scoped3A_1480 = tpu.sem_alloc : memref<!tpu.dma_semaphore, #tpu.memory_space<semaphore_mem>>
      %dma_start3A_1481 = arith.constant 200 : i32
      %dma_start3A_1482 = arith.constant 0 : i32
      %dma_start3A_1483 = tpu.memref_slice %arg19[%dma_start3A_1481, %dma_start3A_1482] : memref<400x128xf32, #tpu.memory_space<vmem>> -> memref<200x128xf32, #tpu.memory_space<vmem>>
      %dma_start3A_1484 = arith.constant 0 : i32
      %dma_start3A_1485 = tpu.memref_slice %arg10[%run_scoped3A_1356, %add3A_1355, %dma_start3A_1484] : memref<4x12800x128xf32, #tpu.memory_space<hbm>> -> memref<1x200x128xf32, #tpu.memory_space<hbm>>
      %dma_start3A_1486 = tpu.memref_squeeze %dma_start3A_1485 : memref<1x200x128xf32, #tpu.memory_space<hbm>> -> memref<200x128xf32, #tpu.memory_space<hbm>>
      %dma_start3A_1487 = arith.constant 0 : i32
      %dma_start3A_1488 = tpu.memref_slice %arg10[%run_scoped3A_1356, %add3A_1355, %dma_start3A_1487] : memref<4x12800x128xf32, #tpu.memory_space<hbm>> -> memref<1x200x128xf32, #tpu.memory_space<hbm>>
      %dma_start3A_1489 = tpu.memref_squeeze %dma_start3A_1488 : memref<1x200x128xf32, #tpu.memory_space<hbm>> -> memref<200x128xf32, #tpu.memory_space<hbm>>
      %dma_start3A_1490 = arith.constant 200 : i32
      %dma_start3A_1491 = arith.constant 0 : i32
      %dma_start3A_1492 = tpu.memref_slice %arg19[%dma_start3A_1490, %dma_start3A_1491] : memref<400x128xf32, #tpu.memory_space<vmem>> -> memref<200x128xf32, #tpu.memory_space<vmem>>
      tpu.enqueue_dma source(%dma_start3A_1492 : memref<200x128xf32, #tpu.memory_space<vmem>>) target(%dma_start3A_1489 : memref<200x128xf32, #tpu.memory_space<hbm>>) target_semaphore(%run_scoped3A_1480 : memref<!tpu.dma_semaphore, #tpu.memory_space<semaphore_mem>>)
      %dma_wait3A_1493 = arith.constant 200 : i32
      %dma_wait3A_1494 = arith.constant 0 : i32
      %dma_wait3A_1495 = tpu.memref_slice %arg19[%dma_wait3A_1493, %dma_wait3A_1494] : memref<400x128xf32, #tpu.memory_space<vmem>> -> memref<200x128xf32, #tpu.memory_space<vmem>>
      %dma_wait3A_1496 = arith.constant 0 : i32
      %dma_wait3A_1497 = tpu.memref_slice %arg10[%run_scoped3A_1356, %add3A_1355, %dma_wait3A_1496] : memref<4x12800x128xf32, #tpu.memory_space<hbm>> -> memref<1x200x128xf32, #tpu.memory_space<hbm>>
      %dma_wait3A_1498 = tpu.memref_squeeze %dma_wait3A_1497 : memref<1x200x128xf32, #tpu.memory_space<hbm>> -> memref<200x128xf32, #tpu.memory_space<hbm>>
      %dma_wait3A_1499 = arith.constant 0 : i32
      %dma_wait3A_1500 = tpu.memref_slice %arg10[%run_scoped3A_1356, %add3A_1355, %dma_wait3A_1499] : memref<4x12800x128xf32, #tpu.memory_space<hbm>> -> memref<1x200x128xf32, #tpu.memory_space<hbm>>
      %dma_wait3A_1501 = tpu.memref_squeeze %dma_wait3A_1500 : memref<1x200x128xf32, #tpu.memory_space<hbm>> -> memref<200x128xf32, #tpu.memory_space<hbm>>
      %dma_wait3A_1502 = arith.constant 200 : i32
      %dma_wait3A_1503 = arith.constant 0 : i32
      %dma_wait3A_1504 = tpu.memref_slice %arg19[%dma_wait3A_1502, %dma_wait3A_1503] : memref<400x128xf32, #tpu.memory_space<vmem>> -> memref<200x128xf32, #tpu.memory_space<vmem>>
      tpu.wait_dma2 semaphore(%run_scoped3A_1480 : memref<!tpu.dma_semaphore, #tpu.memory_space<semaphore_mem>>) src(%dma_wait3A_1504 : memref<200x128xf32, #tpu.memory_space<vmem>>) dst(%dma_wait3A_1501 : memref<200x128xf32, #tpu.memory_space<hbm>>)
      tpu.yield
    }) : () -> ()
    %dma_start3A_1357 = arith.constant 200 : i32
    %dma_start3A_1358 = arith.constant 0 : i32
    %dma_start3A_1359 = tpu.memref_slice %arg19[%dma_start3A_1357, %dma_start3A_1358] : memref<400x128xf32, #tpu.memory_space<vmem>> -> memref<200x128xf32, #tpu.memory_space<vmem>>
    %dma_start3A_1360 = arith.constant 600 : i32
    %dma_start3A_1361 = tpu.memref_slice %arg16[%dma_start3A_1360] : memref<1600xi32, #tpu.memory_space<vmem>> -> memref<200xi32, #tpu.memory_space<vmem>>
    %dma_start3A_1362 = arith.constant 0 : i32
    %dma_start3A_1363 = arith.constant 0 : i32
    %dma_start3A_1364 = tpu.memref_slice %arg5[%dma_start3A_1362, %dma_start3A_1363] : memref<1000x128xf32, #tpu.memory_space<hbm>> -> memref<1000x128xf32, #tpu.memory_space<hbm>>
    tpu.enqueue_indirect_dma source(%dma_start3A_1364 : memref<1000x128xf32, #tpu.memory_space<hbm>>) target(%dma_start3A_1359 : memref<200x128xf32, #tpu.memory_space<vmem>>) offsets(%dma_start3A_1361 : memref<200xi32, #tpu.memory_space<vmem>>) semaphore(%arg24 : memref<!tpu.dma_semaphore, #tpu.memory_space<semaphore_mem>>)
    %dma_wait3A_1365 = arith.constant 0 : i32
    %dma_wait3A_1366 = arith.constant 0 : i32
    %dma_wait3A_1367 = tpu.memref_slice %arg19[%dma_wait3A_1365, %dma_wait3A_1366] : memref<400x128xf32, #tpu.memory_space<vmem>> -> memref<200x128xf32, #tpu.memory_space<vmem>>
    %dma_wait3A_1368 = arith.constant 400 : i32
    %dma_wait3A_1369 = tpu.memref_slice %arg16[%dma_wait3A_1368] : memref<1600xi32, #tpu.memory_space<vmem>> -> memref<200xi32, #tpu.memory_space<vmem>>
    %dma_wait3A_1370 = arith.constant 0 : i32
    %dma_wait3A_1371 = arith.constant 0 : i32
    %dma_wait3A_1372 = tpu.memref_slice %arg5[%dma_wait3A_1370, %dma_wait3A_1371] : memref<1000x128xf32, #tpu.memory_space<hbm>> -> memref<1000x128xf32, #tpu.memory_space<hbm>>
    tpu.wait_indirect_dma semaphore(%arg24 : memref<!tpu.dma_semaphore, #tpu.memory_space<semaphore_mem>>) src(%dma_wait3A_1372 : memref<1000x128xf32, #tpu.memory_space<hbm>>) dst(%dma_wait3A_1367 : memref<200x128xf32, #tpu.memory_space<vmem>>)
    %add3A_1373 = arith.constant 0 : i32
    %add3A_1374 = arith.addi %mul3A_2, %add3A_1373 : i32
    %run_scoped3A_1375 = arith.constant 1 : i32
    "tpu.region"() ({
      %run_scoped3A_1480 = tpu.sem_alloc : memref<!tpu.dma_semaphore, #tpu.memory_space<semaphore_mem>>
      %dma_start3A_1481 = arith.constant 0 : i32
      %dma_start3A_1482 = arith.constant 0 : i32
      %dma_start3A_1483 = tpu.memref_slice %arg19[%dma_start3A_1481, %dma_start3A_1482] : memref<400x128xf32, #tpu.memory_space<vmem>> -> memref<200x128xf32, #tpu.memory_space<vmem>>
      %dma_start3A_1484 = arith.constant 0 : i32
      %dma_start3A_1485 = tpu.memref_slice %arg10[%run_scoped3A_1375, %add3A_1374, %dma_start3A_1484] : memref<4x12800x128xf32, #tpu.memory_space<hbm>> -> memref<1x200x128xf32, #tpu.memory_space<hbm>>
      %dma_start3A_1486 = tpu.memref_squeeze %dma_start3A_1485 : memref<1x200x128xf32, #tpu.memory_space<hbm>> -> memref<200x128xf32, #tpu.memory_space<hbm>>
      %dma_start3A_1487 = arith.constant 0 : i32
      %dma_start3A_1488 = tpu.memref_slice %arg10[%run_scoped3A_1375, %add3A_1374, %dma_start3A_1487] : memref<4x12800x128xf32, #tpu.memory_space<hbm>> -> memref<1x200x128xf32, #tpu.memory_space<hbm>>
      %dma_start3A_1489 = tpu.memref_squeeze %dma_start3A_1488 : memref<1x200x128xf32, #tpu.memory_space<hbm>> -> memref<200x128xf32, #tpu.memory_space<hbm>>
      %dma_start3A_1490 = arith.constant 0 : i32
      %dma_start3A_1491 = arith.constant 0 : i32
      %dma_start3A_1492 = tpu.memref_slice %arg19[%dma_start3A_1490, %dma_start3A_1491] : memref<400x128xf32, #tpu.memory_space<vmem>> -> memref<200x128xf32, #tpu.memory_space<vmem>>
      tpu.enqueue_dma source(%dma_start3A_1492 : memref<200x128xf32, #tpu.memory_space<vmem>>) target(%dma_start3A_1489 : memref<200x128xf32, #tpu.memory_space<hbm>>) target_semaphore(%run_scoped3A_1480 : memref<!tpu.dma_semaphore, #tpu.memory_space<semaphore_mem>>)
      %dma_wait3A_1493 = arith.constant 0 : i32
      %dma_wait3A_1494 = arith.constant 0 : i32
      %dma_wait3A_1495 = tpu.memref_slice %arg19[%dma_wait3A_1493, %dma_wait3A_1494] : memref<400x128xf32, #tpu.memory_space<vmem>> -> memref<200x128xf32, #tpu.memory_space<vmem>>
      %dma_wait3A_1496 = arith.constant 0 : i32
      %dma_wait3A_1497 = tpu.memref_slice %arg10[%run_scoped3A_1375, %add3A_1374, %dma_wait3A_1496] : memref<4x12800x128xf32, #tpu.memory_space<hbm>> -> memref<1x200x128xf32, #tpu.memory_space<hbm>>
      %dma_wait3A_1498 = tpu.memref_squeeze %dma_wait3A_1497 : memref<1x200x128xf32, #tpu.memory_space<hbm>> -> memref<200x128xf32, #tpu.memory_space<hbm>>
      %dma_wait3A_1499 = arith.constant 0 : i32
      %dma_wait3A_1500 = tpu.memref_slice %arg10[%run_scoped3A_1375, %add3A_1374, %dma_wait3A_1499] : memref<4x12800x128xf32, #tpu.memory_space<hbm>> -> memref<1x200x128xf32, #tpu.memory_space<hbm>>
      %dma_wait3A_1501 = tpu.memref_squeeze %dma_wait3A_1500 : memref<1x200x128xf32, #tpu.memory_space<hbm>> -> memref<200x128xf32, #tpu.memory_space<hbm>>
      %dma_wait3A_1502 = arith.constant 0 : i32
      %dma_wait3A_1503 = arith.constant 0 : i32
      %dma_wait3A_1504 = tpu.memref_slice %arg19[%dma_wait3A_1502, %dma_wait3A_1503] : memref<400x128xf32, #tpu.memory_space<vmem>> -> memref<200x128xf32, #tpu.memory_space<vmem>>
      tpu.wait_dma2 semaphore(%run_scoped3A_1480 : memref<!tpu.dma_semaphore, #tpu.memory_space<semaphore_mem>>) src(%dma_wait3A_1504 : memref<200x128xf32, #tpu.memory_space<vmem>>) dst(%dma_wait3A_1501 : memref<200x128xf32, #tpu.memory_space<hbm>>)
      tpu.yield
    }) : () -> ()
    %dma_start3A_1376 = arith.constant 0 : i32
    %dma_start3A_1377 = arith.constant 0 : i32
    %dma_start3A_1378 = tpu.memref_slice %arg19[%dma_start3A_1376, %dma_start3A_1377] : memref<400x128xf32, #tpu.memory_space<vmem>> -> memref<200x128xf32, #tpu.memory_space<vmem>>
    %dma_start3A_1379 = arith.constant 800 : i32
    %dma_start3A_1380 = tpu.memref_slice %arg16[%dma_start3A_1379] : memref<1600xi32, #tpu.memory_space<vmem>> -> memref<200xi32, #tpu.memory_space<vmem>>
    %dma_start3A_1381 = arith.constant 0 : i32
    %dma_start3A_1382 = arith.constant 0 : i32
    %dma_start3A_1383 = tpu.memref_slice %arg5[%dma_start3A_1381, %dma_start3A_1382] : memref<1000x128xf32, #tpu.memory_space<hbm>> -> memref<1000x128xf32, #tpu.memory_space<hbm>>
    tpu.enqueue_indirect_dma source(%dma_start3A_1383 : memref<1000x128xf32, #tpu.memory_space<hbm>>) target(%dma_start3A_1378 : memref<200x128xf32, #tpu.memory_space<vmem>>) offsets(%dma_start3A_1380 : memref<200xi32, #tpu.memory_space<vmem>>) semaphore(%arg24 : memref<!tpu.dma_semaphore, #tpu.memory_space<semaphore_mem>>)
    %dma_wait3A_1384 = arith.constant 200 : i32
    %dma_wait3A_1385 = arith.constant 0 : i32
    %dma_wait3A_1386 = tpu.memref_slice %arg19[%dma_wait3A_1384, %dma_wait3A_1385] : memref<400x128xf32, #tpu.memory_space<vmem>> -> memref<200x128xf32, #tpu.memory_space<vmem>>
    %dma_wait3A_1387 = arith.constant 600 : i32
    %dma_wait3A_1388 = tpu.memref_slice %arg16[%dma_wait3A_1387] : memref<1600xi32, #tpu.memory_space<vmem>> -> memref<200xi32, #tpu.memory_space<vmem>>
    %dma_wait3A_1389 = arith.constant 0 : i32
    %dma_wait3A_1390 = arith.constant 0 : i32
    %dma_wait3A_1391 = tpu.memref_slice %arg5[%dma_wait3A_1389, %dma_wait3A_1390] : memref<1000x128xf32, #tpu.memory_space<hbm>> -> memref<1000x128xf32, #tpu.memory_space<hbm>>
    tpu.wait_indirect_dma semaphore(%arg24 : memref<!tpu.dma_semaphore, #tpu.memory_space<semaphore_mem>>) src(%dma_wait3A_1391 : memref<1000x128xf32, #tpu.memory_space<hbm>>) dst(%dma_wait3A_1386 : memref<200x128xf32, #tpu.memory_space<vmem>>)
    %add3A_1392 = arith.constant 200 : i32
    %add3A_1393 = arith.addi %mul3A_2, %add3A_1392 : i32
    %run_scoped3A_1394 = arith.constant 1 : i32
    "tpu.region"() ({
      %run_scoped3A_1480 = tpu.sem_alloc : memref<!tpu.dma_semaphore, #tpu.memory_space<semaphore_mem>>
      %dma_start3A_1481 = arith.constant 200 : i32
      %dma_start3A_1482 = arith.constant 0 : i32
      %dma_start3A_1483 = tpu.memref_slice %arg19[%dma_start3A_1481, %dma_start3A_1482] : memref<400x128xf32, #tpu.memory_space<vmem>> -> memref<200x128xf32, #tpu.memory_space<vmem>>
      %dma_start3A_1484 = arith.constant 0 : i32
      %dma_start3A_1485 = tpu.memref_slice %arg10[%run_scoped3A_1394, %add3A_1393, %dma_start3A_1484] : memref<4x12800x128xf32, #tpu.memory_space<hbm>> -> memref<1x200x128xf32, #tpu.memory_space<hbm>>
      %dma_start3A_1486 = tpu.memref_squeeze %dma_start3A_1485 : memref<1x200x128xf32, #tpu.memory_space<hbm>> -> memref<200x128xf32, #tpu.memory_space<hbm>>
      %dma_start3A_1487 = arith.constant 0 : i32
      %dma_start3A_1488 = tpu.memref_slice %arg10[%run_scoped3A_1394, %add3A_1393, %dma_start3A_1487] : memref<4x12800x128xf32, #tpu.memory_space<hbm>> -> memref<1x200x128xf32, #tpu.memory_space<hbm>>
      %dma_start3A_1489 = tpu.memref_squeeze %dma_start3A_1488 : memref<1x200x128xf32, #tpu.memory_space<hbm>> -> memref<200x128xf32, #tpu.memory_space<hbm>>
      %dma_start3A_1490 = arith.constant 200 : i32
      %dma_start3A_1491 = arith.constant 0 : i32
      %dma_start3A_1492 = tpu.memref_slice %arg19[%dma_start3A_1490, %dma_start3A_1491] : memref<400x128xf32, #tpu.memory_space<vmem>> -> memref<200x128xf32, #tpu.memory_space<vmem>>
      tpu.enqueue_dma source(%dma_start3A_1492 : memref<200x128xf32, #tpu.memory_space<vmem>>) target(%dma_start3A_1489 : memref<200x128xf32, #tpu.memory_space<hbm>>) target_semaphore(%run_scoped3A_1480 : memref<!tpu.dma_semaphore, #tpu.memory_space<semaphore_mem>>)
      %dma_wait3A_1493 = arith.constant 200 : i32
      %dma_wait3A_1494 = arith.constant 0 : i32
      %dma_wait3A_1495 = tpu.memref_slice %arg19[%dma_wait3A_1493, %dma_wait3A_1494] : memref<400x128xf32, #tpu.memory_space<vmem>> -> memref<200x128xf32, #tpu.memory_space<vmem>>
      %dma_wait3A_1496 = arith.constant 0 : i32
      %dma_wait3A_1497 = tpu.memref_slice %arg10[%run_scoped3A_1394, %add3A_1393, %dma_wait3A_1496] : memref<4x12800x128xf32, #tpu.memory_space<hbm>> -> memref<1x200x128xf32, #tpu.memory_space<hbm>>
      %dma_wait3A_1498 = tpu.memref_squeeze %dma_wait3A_1497 : memref<1x200x128xf32, #tpu.memory_space<hbm>> -> memref<200x128xf32, #tpu.memory_space<hbm>>
      %dma_wait3A_1499 = arith.constant 0 : i32
      %dma_wait3A_1500 = tpu.memref_slice %arg10[%run_scoped3A_1394, %add3A_1393, %dma_wait3A_1499] : memref<4x12800x128xf32, #tpu.memory_space<hbm>> -> memref<1x200x128xf32, #tpu.memory_space<hbm>>
      %dma_wait3A_1501 = tpu.memref_squeeze %dma_wait3A_1500 : memref<1x200x128xf32, #tpu.memory_space<hbm>> -> memref<200x128xf32, #tpu.memory_space<hbm>>
      %dma_wait3A_1502 = arith.constant 200 : i32
      %dma_wait3A_1503 = arith.constant 0 : i32
      %dma_wait3A_1504 = tpu.memref_slice %arg19[%dma_wait3A_1502, %dma_wait3A_1503] : memref<400x128xf32, #tpu.memory_space<vmem>> -> memref<200x128xf32, #tpu.memory_space<vmem>>
      tpu.wait_dma2 semaphore(%run_scoped3A_1480 : memref<!tpu.dma_semaphore, #tpu.memory_space<semaphore_mem>>) src(%dma_wait3A_1504 : memref<200x128xf32, #tpu.memory_space<vmem>>) dst(%dma_wait3A_1501 : memref<200x128xf32, #tpu.memory_space<hbm>>)
      tpu.yield
    }) : () -> ()
    %dma_start3A_1395 = arith.constant 200 : i32
    %dma_start3A_1396 = arith.constant 0 : i32
    %dma_start3A_1397 = tpu.memref_slice %arg19[%dma_start3A_1395, %dma_start3A_1396] : memref<400x128xf32, #tpu.memory_space<vmem>> -> memref<200x128xf32, #tpu.memory_space<vmem>>
    %dma_start3A_1398 = arith.constant 1000 : i32
    %dma_start3A_1399 = tpu.memref_slice %arg16[%dma_start3A_1398] : memref<1600xi32, #tpu.memory_space<vmem>> -> memref<200xi32, #tpu.memory_space<vmem>>
    %dma_start3A_1400 = arith.constant 0 : i32
    %dma_start3A_1401 = arith.constant 0 : i32
    %dma_start3A_1402 = tpu.memref_slice %arg5[%dma_start3A_1400, %dma_start3A_1401] : memref<1000x128xf32, #tpu.memory_space<hbm>> -> memref<1000x128xf32, #tpu.memory_space<hbm>>
    tpu.enqueue_indirect_dma source(%dma_start3A_1402 : memref<1000x128xf32, #tpu.memory_space<hbm>>) target(%dma_start3A_1397 : memref<200x128xf32, #tpu.memory_space<vmem>>) offsets(%dma_start3A_1399 : memref<200xi32, #tpu.memory_space<vmem>>) semaphore(%arg24 : memref<!tpu.dma_semaphore, #tpu.memory_space<semaphore_mem>>)
    %dma_wait3A_1403 = arith.constant 0 : i32
    %dma_wait3A_1404 = arith.constant 0 : i32
    %dma_wait3A_1405 = tpu.memref_slice %arg19[%dma_wait3A_1403, %dma_wait3A_1404] : memref<400x128xf32, #tpu.memory_space<vmem>> -> memref<200x128xf32, #tpu.memory_space<vmem>>
    %dma_wait3A_1406 = arith.constant 800 : i32
    %dma_wait3A_1407 = tpu.memref_slice %arg16[%dma_wait3A_1406] : memref<1600xi32, #tpu.memory_space<vmem>> -> memref<200xi32, #tpu.memory_space<vmem>>
    %dma_wait3A_1408 = arith.constant 0 : i32
    %dma_wait3A_1409 = arith.constant 0 : i32
    %dma_wait3A_1410 = tpu.memref_slice %arg5[%dma_wait3A_1408, %dma_wait3A_1409] : memref<1000x128xf32, #tpu.memory_space<hbm>> -> memref<1000x128xf32, #tpu.memory_space<hbm>>
    tpu.wait_indirect_dma semaphore(%arg24 : memref<!tpu.dma_semaphore, #tpu.memory_space<semaphore_mem>>) src(%dma_wait3A_1410 : memref<1000x128xf32, #tpu.memory_space<hbm>>) dst(%dma_wait3A_1405 : memref<200x128xf32, #tpu.memory_space<vmem>>)
    %add3A_1411 = arith.constant 0 : i32
    %add3A_1412 = arith.addi %mul3A_2, %add3A_1411 : i32
    %run_scoped3A_1413 = arith.constant 2 : i32
    "tpu.region"() ({
      %run_scoped3A_1480 = tpu.sem_alloc : memref<!tpu.dma_semaphore, #tpu.memory_space<semaphore_mem>>
      %dma_start3A_1481 = arith.constant 0 : i32
      %dma_start3A_1482 = arith.constant 0 : i32
      %dma_start3A_1483 = tpu.memref_slice %arg19[%dma_start3A_1481, %dma_start3A_1482] : memref<400x128xf32, #tpu.memory_space<vmem>> -> memref<200x128xf32, #tpu.memory_space<vmem>>
      %dma_start3A_1484 = arith.constant 0 : i32
      %dma_start3A_1485 = tpu.memref_slice %arg10[%run_scoped3A_1413, %add3A_1412, %dma_start3A_1484] : memref<4x12800x128xf32, #tpu.memory_space<hbm>> -> memref<1x200x128xf32, #tpu.memory_space<hbm>>
      %dma_start3A_1486 = tpu.memref_squeeze %dma_start3A_1485 : memref<1x200x128xf32, #tpu.memory_space<hbm>> -> memref<200x128xf32, #tpu.memory_space<hbm>>
      %dma_start3A_1487 = arith.constant 0 : i32
      %dma_start3A_1488 = tpu.memref_slice %arg10[%run_scoped3A_1413, %add3A_1412, %dma_start3A_1487] : memref<4x12800x128xf32, #tpu.memory_space<hbm>> -> memref<1x200x128xf32, #tpu.memory_space<hbm>>
      %dma_start3A_1489 = tpu.memref_squeeze %dma_start3A_1488 : memref<1x200x128xf32, #tpu.memory_space<hbm>> -> memref<200x128xf32, #tpu.memory_space<hbm>>
      %dma_start3A_1490 = arith.constant 0 : i32
      %dma_start3A_1491 = arith.constant 0 : i32
      %dma_start3A_1492 = tpu.memref_slice %arg19[%dma_start3A_1490, %dma_start3A_1491] : memref<400x128xf32, #tpu.memory_space<vmem>> -> memref<200x128xf32, #tpu.memory_space<vmem>>
      tpu.enqueue_dma source(%dma_start3A_1492 : memref<200x128xf32, #tpu.memory_space<vmem>>) target(%dma_start3A_1489 : memref<200x128xf32, #tpu.memory_space<hbm>>) target_semaphore(%run_scoped3A_1480 : memref<!tpu.dma_semaphore, #tpu.memory_space<semaphore_mem>>)
      %dma_wait3A_1493 = arith.constant 0 : i32
      %dma_wait3A_1494 = arith.constant 0 : i32
      %dma_wait3A_1495 = tpu.memref_slice %arg19[%dma_wait3A_1493, %dma_wait3A_1494] : memref<400x128xf32, #tpu.memory_space<vmem>> -> memref<200x128xf32, #tpu.memory_space<vmem>>
      %dma_wait3A_1496 = arith.constant 0 : i32
      %dma_wait3A_1497 = tpu.memref_slice %arg10[%run_scoped3A_1413, %add3A_1412, %dma_wait3A_1496] : memref<4x12800x128xf32, #tpu.memory_space<hbm>> -> memref<1x200x128xf32, #tpu.memory_space<hbm>>
      %dma_wait3A_1498 = tpu.memref_squeeze %dma_wait3A_1497 : memref<1x200x128xf32, #tpu.memory_space<hbm>> -> memref<200x128xf32, #tpu.memory_space<hbm>>
      %dma_wait3A_1499 = arith.constant 0 : i32
      %dma_wait3A_1500 = tpu.memref_slice %arg10[%run_scoped3A_1413, %add3A_1412, %dma_wait3A_1499] : memref<4x12800x128xf32, #tpu.memory_space<hbm>> -> memref<1x200x128xf32, #tpu.memory_space<hbm>>
      %dma_wait3A_1501 = tpu.memref_squeeze %dma_wait3A_1500 : memref<1x200x128xf32, #tpu.memory_space<hbm>> -> memref<200x128xf32, #tpu.memory_space<hbm>>
      %dma_wait3A_1502 = arith.constant 0 : i32
      %dma_wait3A_1503 = arith.constant 0 : i32
      %dma_wait3A_1504 = tpu.memref_slice %arg19[%dma_wait3A_1502, %dma_wait3A_1503] : memref<400x128xf32, #tpu.memory_space<vmem>> -> memref<200x128xf32, #tpu.memory_space<vmem>>
      tpu.wait_dma2 semaphore(%run_scoped3A_1480 : memref<!tpu.dma_semaphore, #tpu.memory_space<semaphore_mem>>) src(%dma_wait3A_1504 : memref<200x128xf32, #tpu.memory_space<vmem>>) dst(%dma_wait3A_1501 : memref<200x128xf32, #tpu.memory_space<hbm>>)
      tpu.yield
    }) : () -> ()
    %dma_start3A_1414 = arith.constant 0 : i32
    %dma_start3A_1415 = arith.constant 0 : i32
    %dma_start3A_1416 = tpu.memref_slice %arg19[%dma_start3A_1414, %dma_start3A_1415] : memref<400x128xf32, #tpu.memory_space<vmem>> -> memref<200x128xf32, #tpu.memory_space<vmem>>
    %dma_start3A_1417 = arith.constant 1200 : i32
    %dma_start3A_1418 = tpu.memref_slice %arg16[%dma_start3A_1417] : memref<1600xi32, #tpu.memory_space<vmem>> -> memref<200xi32, #tpu.memory_space<vmem>>
    %dma_start3A_1419 = arith.constant 0 : i32
    %dma_start3A_1420 = arith.constant 0 : i32
    %dma_start3A_1421 = tpu.memref_slice %arg5[%dma_start3A_1419, %dma_start3A_1420] : memref<1000x128xf32, #tpu.memory_space<hbm>> -> memref<1000x128xf32, #tpu.memory_space<hbm>>
    tpu.enqueue_indirect_dma source(%dma_start3A_1421 : memref<1000x128xf32, #tpu.memory_space<hbm>>) target(%dma_start3A_1416 : memref<200x128xf32, #tpu.memory_space<vmem>>) offsets(%dma_start3A_1418 : memref<200xi32, #tpu.memory_space<vmem>>) semaphore(%arg24 : memref<!tpu.dma_semaphore, #tpu.memory_space<semaphore_mem>>)
    %dma_wait3A_1422 = arith.constant 200 : i32
    %dma_wait3A_1423 = arith.constant 0 : i32
    %dma_wait3A_1424 = tpu.memref_slice %arg19[%dma_wait3A_1422, %dma_wait3A_1423] : memref<400x128xf32, #tpu.memory_space<vmem>> -> memref<200x128xf32, #tpu.memory_space<vmem>>
    %dma_wait3A_1425 = arith.constant 1000 : i32
    %dma_wait3A_1426 = tpu.memref_slice %arg16[%dma_wait3A_1425] : memref<1600xi32, #tpu.memory_space<vmem>> -> memref<200xi32, #tpu.memory_space<vmem>>
    %dma_wait3A_1427 = arith.constant 0 : i32
    %dma_wait3A_1428 = arith.constant 0 : i32
    %dma_wait3A_1429 = tpu.memref_slice %arg5[%dma_wait3A_1427, %dma_wait3A_1428] : memref<1000x128xf32, #tpu.memory_space<hbm>> -> memref<1000x128xf32, #tpu.memory_space<hbm>>
    tpu.wait_indirect_dma semaphore(%arg24 : memref<!tpu.dma_semaphore, #tpu.memory_space<semaphore_mem>>) src(%dma_wait3A_1429 : memref<1000x128xf32, #tpu.memory_space<hbm>>) dst(%dma_wait3A_1424 : memref<200x128xf32, #tpu.memory_space<vmem>>)
    %add3A_1430 = arith.constant 200 : i32
    %add3A_1431 = arith.addi %mul3A_2, %add3A_1430 : i32
    %run_scoped3A_1432 = arith.constant 2 : i32
    "tpu.region"() ({
      %run_scoped3A_1480 = tpu.sem_alloc : memref<!tpu.dma_semaphore, #tpu.memory_space<semaphore_mem>>
      %dma_start3A_1481 = arith.constant 200 : i32
      %dma_start3A_1482 = arith.constant 0 : i32
      %dma_start3A_1483 = tpu.memref_slice %arg19[%dma_start3A_1481, %dma_start3A_1482] : memref<400x128xf32, #tpu.memory_space<vmem>> -> memref<200x128xf32, #tpu.memory_space<vmem>>
      %dma_start3A_1484 = arith.constant 0 : i32
      %dma_start3A_1485 = tpu.memref_slice %arg10[%run_scoped3A_1432, %add3A_1431, %dma_start3A_1484] : memref<4x12800x128xf32, #tpu.memory_space<hbm>> -> memref<1x200x128xf32, #tpu.memory_space<hbm>>
      %dma_start3A_1486 = tpu.memref_squeeze %dma_start3A_1485 : memref<1x200x128xf32, #tpu.memory_space<hbm>> -> memref<200x128xf32, #tpu.memory_space<hbm>>
      %dma_start3A_1487 = arith.constant 0 : i32
      %dma_start3A_1488 = tpu.memref_slice %arg10[%run_scoped3A_1432, %add3A_1431, %dma_start3A_1487] : memref<4x12800x128xf32, #tpu.memory_space<hbm>> -> memref<1x200x128xf32, #tpu.memory_space<hbm>>
      %dma_start3A_1489 = tpu.memref_squeeze %dma_start3A_1488 : memref<1x200x128xf32, #tpu.memory_space<hbm>> -> memref<200x128xf32, #tpu.memory_space<hbm>>
      %dma_start3A_1490 = arith.constant 200 : i32
      %dma_start3A_1491 = arith.constant 0 : i32
      %dma_start3A_1492 = tpu.memref_slice %arg19[%dma_start3A_1490, %dma_start3A_1491] : memref<400x128xf32, #tpu.memory_space<vmem>> -> memref<200x128xf32, #tpu.memory_space<vmem>>
      tpu.enqueue_dma source(%dma_start3A_1492 : memref<200x128xf32, #tpu.memory_space<vmem>>) target(%dma_start3A_1489 : memref<200x128xf32, #tpu.memory_space<hbm>>) target_semaphore(%run_scoped3A_1480 : memref<!tpu.dma_semaphore, #tpu.memory_space<semaphore_mem>>)
      %dma_wait3A_1493 = arith.constant 200 : i32
      %dma_wait3A_1494 = arith.constant 0 : i32
      %dma_wait3A_1495 = tpu.memref_slice %arg19[%dma_wait3A_1493, %dma_wait3A_1494] : memref<400x128xf32, #tpu.memory_space<vmem>> -> memref<200x128xf32, #tpu.memory_space<vmem>>
      %dma_wait3A_1496 = arith.constant 0 : i32
      %dma_wait3A_1497 = tpu.memref_slice %arg10[%run_scoped3A_1432, %add3A_1431, %dma_wait3A_1496] : memref<4x12800x128xf32, #tpu.memory_space<hbm>> -> memref<1x200x128xf32, #tpu.memory_space<hbm>>
      %dma_wait3A_1498 = tpu.memref_squeeze %dma_wait3A_1497 : memref<1x200x128xf32, #tpu.memory_space<hbm>> -> memref<200x128xf32, #tpu.memory_space<hbm>>
      %dma_wait3A_1499 = arith.constant 0 : i32
      %dma_wait3A_1500 = tpu.memref_slice %arg10[%run_scoped3A_1432, %add3A_1431, %dma_wait3A_1499] : memref<4x12800x128xf32, #tpu.memory_space<hbm>> -> memref<1x200x128xf32, #tpu.memory_space<hbm>>
      %dma_wait3A_1501 = tpu.memref_squeeze %dma_wait3A_1500 : memref<1x200x128xf32, #tpu.memory_space<hbm>> -> memref<200x128xf32, #tpu.memory_space<hbm>>
      %dma_wait3A_1502 = arith.constant 200 : i32
      %dma_wait3A_1503 = arith.constant 0 : i32
      %dma_wait3A_1504 = tpu.memref_slice %arg19[%dma_wait3A_1502, %dma_wait3A_1503] : memref<400x128xf32, #tpu.memory_space<vmem>> -> memref<200x128xf32, #tpu.memory_space<vmem>>
      tpu.wait_dma2 semaphore(%run_scoped3A_1480 : memref<!tpu.dma_semaphore, #tpu.memory_space<semaphore_mem>>) src(%dma_wait3A_1504 : memref<200x128xf32, #tpu.memory_space<vmem>>) dst(%dma_wait3A_1501 : memref<200x128xf32, #tpu.memory_space<hbm>>)
      tpu.yield
    }) : () -> ()
    %dma_start3A_1433 = arith.constant 200 : i32
    %dma_start3A_1434 = arith.constant 0 : i32
    %dma_start3A_1435 = tpu.memref_slice %arg19[%dma_start3A_1433, %dma_start3A_1434] : memref<400x128xf32, #tpu.memory_space<vmem>> -> memref<200x128xf32, #tpu.memory_space<vmem>>
    %dma_start3A_1436 = arith.constant 1400 : i32
    %dma_start3A_1437 = tpu.memref_slice %arg16[%dma_start3A_1436] : memref<1600xi32, #tpu.memory_space<vmem>> -> memref<200xi32, #tpu.memory_space<vmem>>
    %dma_start3A_1438 = arith.constant 0 : i32
    %dma_start3A_1439 = arith.constant 0 : i32
    %dma_start3A_1440 = tpu.memref_slice %arg5[%dma_start3A_1438, %dma_start3A_1439] : memref<1000x128xf32, #tpu.memory_space<hbm>> -> memref<1000x128xf32, #tpu.memory_space<hbm>>
    tpu.enqueue_indirect_dma source(%dma_start3A_1440 : memref<1000x128xf32, #tpu.memory_space<hbm>>) target(%dma_start3A_1435 : memref<200x128xf32, #tpu.memory_space<vmem>>) offsets(%dma_start3A_1437 : memref<200xi32, #tpu.memory_space<vmem>>) semaphore(%arg24 : memref<!tpu.dma_semaphore, #tpu.memory_space<semaphore_mem>>)
    %dma_wait3A_1441 = arith.constant 0 : i32
    %dma_wait3A_1442 = arith.constant 0 : i32
    %dma_wait3A_1443 = tpu.memref_slice %arg19[%dma_wait3A_1441, %dma_wait3A_1442] : memref<400x128xf32, #tpu.memory_space<vmem>> -> memref<200x128xf32, #tpu.memory_space<vmem>>
    %dma_wait3A_1444 = arith.constant 1200 : i32
    %dma_wait3A_1445 = tpu.memref_slice %arg16[%dma_wait3A_1444] : memref<1600xi32, #tpu.memory_space<vmem>> -> memref<200xi32, #tpu.memory_space<vmem>>
    %dma_wait3A_1446 = arith.constant 0 : i32
    %dma_wait3A_1447 = arith.constant 0 : i32
    %dma_wait3A_1448 = tpu.memref_slice %arg5[%dma_wait3A_1446, %dma_wait3A_1447] : memref<1000x128xf32, #tpu.memory_space<hbm>> -> memref<1000x128xf32, #tpu.memory_space<hbm>>
    tpu.wait_indirect_dma semaphore(%arg24 : memref<!tpu.dma_semaphore, #tpu.memory_space<semaphore_mem>>) src(%dma_wait3A_1448 : memref<1000x128xf32, #tpu.memory_space<hbm>>) dst(%dma_wait3A_1443 : memref<200x128xf32, #tpu.memory_space<vmem>>)
    %add3A_1449 = arith.constant 0 : i32
    %add3A_1450 = arith.addi %mul3A_2, %add3A_1449 : i32
    %run_scoped3A_1451 = arith.constant 3 : i32
    "tpu.region"() ({
      %run_scoped3A_1480 = tpu.sem_alloc : memref<!tpu.dma_semaphore, #tpu.memory_space<semaphore_mem>>
      %dma_start3A_1481 = arith.constant 0 : i32
      %dma_start3A_1482 = arith.constant 0 : i32
      %dma_start3A_1483 = tpu.memref_slice %arg19[%dma_start3A_1481, %dma_start3A_1482] : memref<400x128xf32, #tpu.memory_space<vmem>> -> memref<200x128xf32, #tpu.memory_space<vmem>>
      %dma_start3A_1484 = arith.constant 0 : i32
      %dma_start3A_1485 = tpu.memref_slice %arg10[%run_scoped3A_1451, %add3A_1450, %dma_start3A_1484] : memref<4x12800x128xf32, #tpu.memory_space<hbm>> -> memref<1x200x128xf32, #tpu.memory_space<hbm>>
      %dma_start3A_1486 = tpu.memref_squeeze %dma_start3A_1485 : memref<1x200x128xf32, #tpu.memory_space<hbm>> -> memref<200x128xf32, #tpu.memory_space<hbm>>
      %dma_start3A_1487 = arith.constant 0 : i32
      %dma_start3A_1488 = tpu.memref_slice %arg10[%run_scoped3A_1451, %add3A_1450, %dma_start3A_1487] : memref<4x12800x128xf32, #tpu.memory_space<hbm>> -> memref<1x200x128xf32, #tpu.memory_space<hbm>>
      %dma_start3A_1489 = tpu.memref_squeeze %dma_start3A_1488 : memref<1x200x128xf32, #tpu.memory_space<hbm>> -> memref<200x128xf32, #tpu.memory_space<hbm>>
      %dma_start3A_1490 = arith.constant 0 : i32
      %dma_start3A_1491 = arith.constant 0 : i32
      %dma_start3A_1492 = tpu.memref_slice %arg19[%dma_start3A_1490, %dma_start3A_1491] : memref<400x128xf32, #tpu.memory_space<vmem>> -> memref<200x128xf32, #tpu.memory_space<vmem>>
      tpu.enqueue_dma source(%dma_start3A_1492 : memref<200x128xf32, #tpu.memory_space<vmem>>) target(%dma_start3A_1489 : memref<200x128xf32, #tpu.memory_space<hbm>>) target_semaphore(%run_scoped3A_1480 : memref<!tpu.dma_semaphore, #tpu.memory_space<semaphore_mem>>)
      %dma_wait3A_1493 = arith.constant 0 : i32
      %dma_wait3A_1494 = arith.constant 0 : i32
      %dma_wait3A_1495 = tpu.memref_slice %arg19[%dma_wait3A_1493, %dma_wait3A_1494] : memref<400x128xf32, #tpu.memory_space<vmem>> -> memref<200x128xf32, #tpu.memory_space<vmem>>
      %dma_wait3A_1496 = arith.constant 0 : i32
      %dma_wait3A_1497 = tpu.memref_slice %arg10[%run_scoped3A_1451, %add3A_1450, %dma_wait3A_1496] : memref<4x12800x128xf32, #tpu.memory_space<hbm>> -> memref<1x200x128xf32, #tpu.memory_space<hbm>>
      %dma_wait3A_1498 = tpu.memref_squeeze %dma_wait3A_1497 : memref<1x200x128xf32, #tpu.memory_space<hbm>> -> memref<200x128xf32, #tpu.memory_space<hbm>>
      %dma_wait3A_1499 = arith.constant 0 : i32
      %dma_wait3A_1500 = tpu.memref_slice %arg10[%run_scoped3A_1451, %add3A_1450, %dma_wait3A_1499] : memref<4x12800x128xf32, #tpu.memory_space<hbm>> -> memref<1x200x128xf32, #tpu.memory_space<hbm>>
      %dma_wait3A_1501 = tpu.memref_squeeze %dma_wait3A_1500 : memref<1x200x128xf32, #tpu.memory_space<hbm>> -> memref<200x128xf32, #tpu.memory_space<hbm>>
      %dma_wait3A_1502 = arith.constant 0 : i32
      %dma_wait3A_1503 = arith.constant 0 : i32
      %dma_wait3A_1504 = tpu.memref_slice %arg19[%dma_wait3A_1502, %dma_wait3A_1503] : memref<400x128xf32, #tpu.memory_space<vmem>> -> memref<200x128xf32, #tpu.memory_space<vmem>>
      tpu.wait_dma2 semaphore(%run_scoped3A_1480 : memref<!tpu.dma_semaphore, #tpu.memory_space<semaphore_mem>>) src(%dma_wait3A_1504 : memref<200x128xf32, #tpu.memory_space<vmem>>) dst(%dma_wait3A_1501 : memref<200x128xf32, #tpu.memory_space<hbm>>)
      tpu.yield
    }) : () -> ()
    %dma_wait3A_1452 = arith.constant 200 : i32
    %dma_wait3A_1453 = arith.constant 0 : i32
    %dma_wait3A_1454 = tpu.memref_slice %arg19[%dma_wait3A_1452, %dma_wait3A_1453] : memref<400x128xf32, #tpu.memory_space<vmem>> -> memref<200x128xf32, #tpu.memory_space<vmem>>
    %dma_wait3A_1455 = arith.constant 1400 : i32
    %dma_wait3A_1456 = tpu.memref_slice %arg16[%dma_wait3A_1455] : memref<1600xi32, #tpu.memory_space<vmem>> -> memref<200xi32, #tpu.memory_space<vmem>>
    %dma_wait3A_1457 = arith.constant 0 : i32
    %dma_wait3A_1458 = arith.constant 0 : i32
    %dma_wait3A_1459 = tpu.memref_slice %arg5[%dma_wait3A_1457, %dma_wait3A_1458] : memref<1000x128xf32, #tpu.memory_space<hbm>> -> memref<1000x128xf32, #tpu.memory_space<hbm>>
    tpu.wait_indirect_dma semaphore(%arg24 : memref<!tpu.dma_semaphore, #tpu.memory_space<semaphore_mem>>) src(%dma_wait3A_1459 : memref<1000x128xf32, #tpu.memory_space<hbm>>) dst(%dma_wait3A_1454 : memref<200x128xf32, #tpu.memory_space<vmem>>)
    %add3A_1460 = arith.constant 200 : i32
    %add3A_1461 = arith.addi %mul3A_2, %add3A_1460 : i32
    %run_scoped3A_1462 = arith.constant 3 : i32
    "tpu.region"() ({
      %run_scoped3A_1480 = tpu.sem_alloc : memref<!tpu.dma_semaphore, #tpu.memory_space<semaphore_mem>>
      %dma_start3A_1481 = arith.constant 200 : i32
      %dma_start3A_1482 = arith.constant 0 : i32
      %dma_start3A_1483 = tpu.memref_slice %arg19[%dma_start3A_1481, %dma_start3A_1482] : memref<400x128xf32, #tpu.memory_space<vmem>> -> memref<200x128xf32, #tpu.memory_space<vmem>>
      %dma_start3A_1484 = arith.constant 0 : i32
      %dma_start3A_1485 = tpu.memref_slice %arg10[%run_scoped3A_1462, %add3A_1461, %dma_start3A_1484] : memref<4x12800x128xf32, #tpu.memory_space<hbm>> -> memref<1x200x128xf32, #tpu.memory_space<hbm>>
      %dma_start3A_1486 = tpu.memref_squeeze %dma_start3A_1485 : memref<1x200x128xf32, #tpu.memory_space<hbm>> -> memref<200x128xf32, #tpu.memory_space<hbm>>
      %dma_start3A_1487 = arith.constant 0 : i32
      %dma_start3A_1488 = tpu.memref_slice %arg10[%run_scoped3A_1462, %add3A_1461, %dma_start3A_1487] : memref<4x12800x128xf32, #tpu.memory_space<hbm>> -> memref<1x200x128xf32, #tpu.memory_space<hbm>>
      %dma_start3A_1489 = tpu.memref_squeeze %dma_start3A_1488 : memref<1x200x128xf32, #tpu.memory_space<hbm>> -> memref<200x128xf32, #tpu.memory_space<hbm>>
      %dma_start3A_1490 = arith.constant 200 : i32
      %dma_start3A_1491 = arith.constant 0 : i32
      %dma_start3A_1492 = tpu.memref_slice %arg19[%dma_start3A_1490, %dma_start3A_1491] : memref<400x128xf32, #tpu.memory_space<vmem>> -> memref<200x128xf32, #tpu.memory_space<vmem>>
      tpu.enqueue_dma source(%dma_start3A_1492 : memref<200x128xf32, #tpu.memory_space<vmem>>) target(%dma_start3A_1489 : memref<200x128xf32, #tpu.memory_space<hbm>>) target_semaphore(%run_scoped3A_1480 : memref<!tpu.dma_semaphore, #tpu.memory_space<semaphore_mem>>)
      %dma_wait3A_1493 = arith.constant 200 : i32
      %dma_wait3A_1494 = arith.constant 0 : i32
      %dma_wait3A_1495 = tpu.memref_slice %arg19[%dma_wait3A_1493, %dma_wait3A_1494] : memref<400x128xf32, #tpu.memory_space<vmem>> -> memref<200x128xf32, #tpu.memory_space<vmem>>
      %dma_wait3A_1496 = arith.constant 0 : i32
      %dma_wait3A_1497 = tpu.memref_slice %arg10[%run_scoped3A_1462, %add3A_1461, %dma_wait3A_1496] : memref<4x12800x128xf32, #tpu.memory_space<hbm>> -> memref<1x200x128xf32, #tpu.memory_space<hbm>>
      %dma_wait3A_1498 = tpu.memref_squeeze %dma_wait3A_1497 : memref<1x200x128xf32, #tpu.memory_space<hbm>> -> memref<200x128xf32, #tpu.memory_space<hbm>>
      %dma_wait3A_1499 = arith.constant 0 : i32
      %dma_wait3A_1500 = tpu.memref_slice %arg10[%run_scoped3A_1462, %add3A_1461, %dma_wait3A_1499] : memref<4x12800x128xf32, #tpu.memory_space<hbm>> -> memref<1x200x128xf32, #tpu.memory_space<hbm>>
      %dma_wait3A_1501 = tpu.memref_squeeze %dma_wait3A_1500 : memref<1x200x128xf32, #tpu.memory_space<hbm>> -> memref<200x128xf32, #tpu.memory_space<hbm>>
      %dma_wait3A_1502 = arith.constant 200 : i32
      %dma_wait3A_1503 = arith.constant 0 : i32
      %dma_wait3A_1504 = tpu.memref_slice %arg19[%dma_wait3A_1502, %dma_wait3A_1503] : memref<400x128xf32, #tpu.memory_space<vmem>> -> memref<200x128xf32, #tpu.memory_space<vmem>>
      tpu.wait_dma2 semaphore(%run_scoped3A_1480 : memref<!tpu.dma_semaphore, #tpu.memory_space<semaphore_mem>>) src(%dma_wait3A_1504 : memref<200x128xf32, #tpu.memory_space<vmem>>) dst(%dma_wait3A_1501 : memref<200x128xf32, #tpu.memory_space<hbm>>)
      tpu.yield
    }) : () -> ()
    %dma_start3A_1463 = arith.constant 0 : i32
    %dma_start3A_1464 = arith.constant 0 : i32
    %dma_start3A_1465 = tpu.memref_slice %arg19[%dma_start3A_1463, %dma_start3A_1464] : memref<400x128xf32, #tpu.memory_space<vmem>> -> memref<256x128xf32, #tpu.memory_space<vmem>>
    %dma_start3A_1466 = arith.constant 0 : i32
    %dma_start3A_1467 = arith.constant 0 : i32
    %dma_start3A_1468 = tpu.memref_slice %arg4[%dma_start3A_1466, %dma_start3A_1467] : memref<50000x128xf32, #tpu.memory_space<hbm>> -> memref<50000x128xf32, #tpu.memory_space<hbm>>
    tpu.enqueue_indirect_dma source(%dma_start3A_1468 : memref<50000x128xf32, #tpu.memory_space<hbm>>) target(%dma_start3A_1465 : memref<256x128xf32, #tpu.memory_space<vmem>>) offsets(%arg20 : memref<256xi32, #tpu.memory_space<vmem>>) semaphore(%arg22 : memref<!tpu.dma_semaphore, #tpu.memory_space<semaphore_mem>>)
    %dma_wait3A_1469 = arith.constant 0 : i32
    %dma_wait3A_1470 = tpu.memref_slice %arg3[%dma_wait3A_1469] : memref<50000xf32, #tpu.memory_space<hbm>> -> memref<50000xf32, #tpu.memory_space<hbm>>
    tpu.wait_indirect_dma semaphore(%arg23 : memref<!tpu.dma_semaphore, #tpu.memory_space<semaphore_mem>>) src(%dma_wait3A_1470 : memref<50000xf32, #tpu.memory_space<hbm>>) dst(%arg17 : memref<400xf32, #tpu.memory_space<vmem>>)
    "tpu.region"() ({
      %run_scoped3A_1480 = tpu.sem_alloc : memref<!tpu.dma_semaphore, #tpu.memory_space<semaphore_mem>>
      %dma_start3A_1481 = tpu.memref_slice %arg12[%mul3A_2] : memref<12800xf32, #tpu.memory_space<hbm>> -> memref<400xf32, #tpu.memory_space<hbm>>
      %dma_start3A_1482 = tpu.memref_slice %arg12[%mul3A_2] : memref<12800xf32, #tpu.memory_space<hbm>> -> memref<400xf32, #tpu.memory_space<hbm>>
      tpu.enqueue_dma source(%arg17 : memref<400xf32, #tpu.memory_space<vmem>>) target(%dma_start3A_1482 : memref<400xf32, #tpu.memory_space<hbm>>) target_semaphore(%run_scoped3A_1480 : memref<!tpu.dma_semaphore, #tpu.memory_space<semaphore_mem>>)
      %dma_wait3A_1483 = tpu.memref_slice %arg12[%mul3A_2] : memref<12800xf32, #tpu.memory_space<hbm>> -> memref<400xf32, #tpu.memory_space<hbm>>
      %dma_wait3A_1484 = tpu.memref_slice %arg12[%mul3A_2] : memref<12800xf32, #tpu.memory_space<hbm>> -> memref<400xf32, #tpu.memory_space<hbm>>
      tpu.wait_dma2 semaphore(%run_scoped3A_1480 : memref<!tpu.dma_semaphore, #tpu.memory_space<semaphore_mem>>) src(%arg17 : memref<400xf32, #tpu.memory_space<vmem>>) dst(%dma_wait3A_1484 : memref<400xf32, #tpu.memory_space<hbm>>)
      tpu.yield
    }) : () -> ()
    %dma_wait3A_1471 = arith.constant 0 : i32
    %dma_wait3A_1472 = arith.constant 0 : i32
    %dma_wait3A_1473 = tpu.memref_slice %arg4[%dma_wait3A_1471, %dma_wait3A_1472] : memref<50000x128xf32, #tpu.memory_space<hbm>> -> memref<50000x128xf32, #tpu.memory_space<hbm>>
    tpu.wait_indirect_dma semaphore(%arg21 : memref<!tpu.dma_semaphore, #tpu.memory_space<semaphore_mem>>) src(%dma_wait3A_1473 : memref<50000x128xf32, #tpu.memory_space<hbm>>) dst(%arg18 : memref<400x128xf32, #tpu.memory_space<vmem>>)
    "tpu.region"() ({
      %run_scoped3A_1480 = tpu.sem_alloc : memref<!tpu.dma_semaphore, #tpu.memory_space<semaphore_mem>>
      %dma_start3A_1481 = arith.constant 0 : i32
      %dma_start3A_1482 = tpu.memref_slice %arg8[%mul3A_2, %dma_start3A_1481] : memref<12800x128xf32, #tpu.memory_space<hbm>> -> memref<400x128xf32, #tpu.memory_space<hbm>>
      %dma_start3A_1483 = arith.constant 0 : i32
      %dma_start3A_1484 = tpu.memref_slice %arg8[%mul3A_2, %dma_start3A_1483] : memref<12800x128xf32, #tpu.memory_space<hbm>> -> memref<400x128xf32, #tpu.memory_space<hbm>>
      tpu.enqueue_dma source(%arg18 : memref<400x128xf32, #tpu.memory_space<vmem>>) target(%dma_start3A_1484 : memref<400x128xf32, #tpu.memory_space<hbm>>) target_semaphore(%run_scoped3A_1480 : memref<!tpu.dma_semaphore, #tpu.memory_space<semaphore_mem>>)
      %dma_wait3A_1485 = arith.constant 0 : i32
      %dma_wait3A_1486 = tpu.memref_slice %arg8[%mul3A_2, %dma_wait3A_1485] : memref<12800x128xf32, #tpu.memory_space<hbm>> -> memref<400x128xf32, #tpu.memory_space<hbm>>
      %dma_wait3A_1487 = arith.constant 0 : i32
      %dma_wait3A_1488 = tpu.memref_slice %arg8[%mul3A_2, %dma_wait3A_1487] : memref<12800x128xf32, #tpu.memory_space<hbm>> -> memref<400x128xf32, #tpu.memory_space<hbm>>
      tpu.wait_dma2 semaphore(%run_scoped3A_1480 : memref<!tpu.dma_semaphore, #tpu.memory_space<semaphore_mem>>) src(%arg18 : memref<400x128xf32, #tpu.memory_space<vmem>>) dst(%dma_wait3A_1488 : memref<400x128xf32, #tpu.memory_space<hbm>>)
      tpu.yield
    }) : () -> ()
    %dma_wait3A_1474 = arith.constant 0 : i32
    %dma_wait3A_1475 = arith.constant 0 : i32
    %dma_wait3A_1476 = tpu.memref_slice %arg19[%dma_wait3A_1474, %dma_wait3A_1475] : memref<400x128xf32, #tpu.memory_space<vmem>> -> memref<256x128xf32, #tpu.memory_space<vmem>>
    %dma_wait3A_1477 = arith.constant 0 : i32
    %dma_wait3A_1478 = arith.constant 0 : i32
    %dma_wait3A_1479 = tpu.memref_slice %arg4[%dma_wait3A_1477, %dma_wait3A_1478] : memref<50000x128xf32, #tpu.memory_space<hbm>> -> memref<50000x128xf32, #tpu.memory_space<hbm>>
    tpu.wait_indirect_dma semaphore(%arg22 : memref<!tpu.dma_semaphore, #tpu.memory_space<semaphore_mem>>) src(%dma_wait3A_1479 : memref<50000x128xf32, #tpu.memory_space<hbm>>) dst(%dma_wait3A_1476 : memref<256x128xf32, #tpu.memory_space<vmem>>)
    "tpu.region"() ({
      %run_scoped3A_1480 = tpu.sem_alloc : memref<!tpu.dma_semaphore, #tpu.memory_space<semaphore_mem>>
      %dma_start3A_1481 = arith.constant 0 : i32
      %dma_start3A_1482 = arith.constant 0 : i32
      %dma_start3A_1483 = tpu.memref_slice %arg19[%dma_start3A_1481, %dma_start3A_1482] : memref<400x128xf32, #tpu.memory_space<vmem>> -> memref<256x128xf32, #tpu.memory_space<vmem>>
      %dma_start3A_1484 = arith.constant 0 : i32
      %dma_start3A_1485 = tpu.memref_slice %arg9[%mul3A_4, %dma_start3A_1484] : memref<8192x128xf32, #tpu.memory_space<hbm>> -> memref<256x128xf32, #tpu.memory_space<hbm>>
      %dma_start3A_1486 = arith.constant 0 : i32
      %dma_start3A_1487 = tpu.memref_slice %arg9[%mul3A_4, %dma_start3A_1486] : memref<8192x128xf32, #tpu.memory_space<hbm>> -> memref<256x128xf32, #tpu.memory_space<hbm>>
      %dma_start3A_1488 = arith.constant 0 : i32
      %dma_start3A_1489 = arith.constant 0 : i32
      %dma_start3A_1490 = tpu.memref_slice %arg19[%dma_start3A_1488, %dma_start3A_1489] : memref<400x128xf32, #tpu.memory_space<vmem>> -> memref<256x128xf32, #tpu.memory_space<vmem>>
      tpu.enqueue_dma source(%dma_start3A_1490 : memref<256x128xf32, #tpu.memory_space<vmem>>) target(%dma_start3A_1487 : memref<256x128xf32, #tpu.memory_space<hbm>>) target_semaphore(%run_scoped3A_1480 : memref<!tpu.dma_semaphore, #tpu.memory_space<semaphore_mem>>)
      %dma_wait3A_1491 = arith.constant 0 : i32
      %dma_wait3A_1492 = arith.constant 0 : i32
      %dma_wait3A_1493 = tpu.memref_slice %arg19[%dma_wait3A_1491, %dma_wait3A_1492] : memref<400x128xf32, #tpu.memory_space<vmem>> -> memref<256x128xf32, #tpu.memory_space<vmem>>
      %dma_wait3A_1494 = arith.constant 0 : i32
      %dma_wait3A_1495 = tpu.memref_slice %arg9[%mul3A_4, %dma_wait3A_1494] : memref<8192x128xf32, #tpu.memory_space<hbm>> -> memref<256x128xf32, #tpu.memory_space<hbm>>
      %dma_wait3A_1496 = arith.constant 0 : i32
      %dma_wait3A_1497 = tpu.memref_slice %arg9[%mul3A_4, %dma_wait3A_1496] : memref<8192x128xf32, #tpu.memory_space<hbm>> -> memref<256x128xf32, #tpu.memory_space<hbm>>
      %dma_wait3A_1498 = arith.constant 0 : i32
      %dma_wait3A_1499 = arith.constant 0 : i32
      %dma_wait3A_1500 = tpu.memref_slice %arg19[%dma_wait3A_1498, %dma_wait3A_1499] : memref<400x128xf32, #tpu.memory_space<vmem>> -> memref<256x128xf32, #tpu.memory_space<vmem>>
      tpu.wait_dma2 semaphore(%run_scoped3A_1480 : memref<!tpu.dma_semaphore, #tpu.memory_space<semaphore_mem>>) src(%dma_wait3A_1500 : memref<256x128xf32, #tpu.memory_space<vmem>>) dst(%dma_wait3A_1497 : memref<256x128xf32, #tpu.memory_space<hbm>>)
      tpu.yield
    }) : () -> ()
    return
  }
}

module attributes {stable_mosaic.version = 14 : i64} {
  func.func @_pad_body(%arg0: i32, %arg1: memref<2000x100xf32, #tpu.memory_space<vmem>>, %arg2: memref<2000x128xf32, #tpu.memory_space<vmem>>) attributes {dimension_semantics = [#tpu.dimension_semantics<arbitrary>], iteration_bounds = array<i64: 25>, scalar_prefetch = 0 : i64, scratch_operands = 0 : i64, tpu.core_type = #tpu.core_type<tc>, window_params = [{transform_indices = @transform_0, window_bounds = array<i64: 2000, 100>}, {transform_indices = @transform_1, window_bounds = array<i64: 2000, 128>}]} {
    %get3A = arith.constant 0 : index
    %get3A_0 = arith.constant 0 : index
    %get3A_1 = vector.load %arg1[%get3A, %get3A_0] : memref<2000x100xf32, #tpu.memory_space<vmem>>, vector<2000x100xf32>
    %swap3A = arith.constant 0 : index
    %swap3A_2 = arith.constant 0 : index
    %swap3A_3 = vector.load %arg2[%swap3A, %swap3A_2] : memref<2000x128xf32, #tpu.memory_space<vmem>>, vector<2000x100xf32>
    tpu.vector_store %arg2[%swap3A, %swap3A_2], %get3A_1 {strides = array<i32>} : memref<2000x128xf32, #tpu.memory_space<vmem>>, vector<2000x100xf32>,
    %broadcast_in_dim3A = arith.constant 0.000000e+00 : f32
    %broadcast_in_dim3A_4 = vector.broadcast %broadcast_in_dim3A : f32 to vector<2000x28xf32>
    %swap3A_5 = arith.constant 0 : index
    %swap3A_6 = arith.constant 100 : index
    %swap3A_7 = vector.load %arg2[%swap3A_5, %swap3A_6] : memref<2000x128xf32, #tpu.memory_space<vmem>>, vector<2000x28xf32>
    tpu.vector_store %arg2[%swap3A_5, %swap3A_6], %broadcast_in_dim3A_4 {strides = array<i32>} : memref<2000x128xf32, #tpu.memory_space<vmem>>, vector<2000x28xf32>,
    return
  }
  func.func @transform_0(%arg0: i32) -> (i32, i32) {
    %c0_i32 = arith.constant 0 : i32
    %c0_i32_0 = arith.constant 0 : i32
    return %arg0, %c0_i32 : i32, i32
  }
  func.func @transform_1(%arg0: i32) -> (i32, i32) {
    %c0_i32 = arith.constant 0 : i32
    %c0_i32_0 = arith.constant 0 : i32
    return %arg0, %c0_i32 : i32, i32
  }
}

module attributes {stable_mosaic.version = 14 : i64} {
  func.func @_tc1_body(%arg0: memref<1000x8x128xf32, #tpu.memory_space<vmem>>, %arg1: memref<1000x128xf32, #tpu.memory_space<vmem>>, %arg2: memref<128x128xf32, #tpu.memory_space<vmem>>, %arg3: memref<1x128xf32, #tpu.memory_space<vmem>>, %arg4: memref<1000x128xf32, #tpu.memory_space<vmem>>) attributes {dimension_semantics = [], scalar_prefetch = 0 : i64, scratch_operands = 0 : i64, tpu.core_type = #tpu.core_type<tc>} {
    %get3A = arith.constant 0 : index
    %get3A_0 = arith.constant 0 : index
    %get3A_1 = arith.constant 0 : index
    %get3A_2 = vector.load %arg0[%get3A, %get3A_0, %get3A_1] : memref<1000x8x128xf32, #tpu.memory_space<vmem>>, vector<1000x8x128xf32>
    %reduce_sum3A = arith.constant dense<0.000000e+00> : vector<1000x128xf32>
    %reduce_sum3A_3 = vector.multi_reduction <add>, %get3A_2, %reduce_sum3A [1] : vector<1000x8x128xf32> to vector<1000x128xf32>
    %div3A = arith.constant 8.000000e+00 : f32
    %div3A_4 = vector.broadcast %div3A : f32 to vector<1000x128xf32>
    %div3A_5 = arith.divf %reduce_sum3A_3, %div3A_4 : vector<1000x128xf32>
    %get3A_6 = arith.constant 0 : index
    %get3A_7 = arith.constant 0 : index
    %get3A_8 = vector.load %arg1[%get3A_6, %get3A_7] : memref<1000x128xf32, #tpu.memory_space<vmem>>, vector<1000x128xf32>
    %add3A = arith.addf %get3A_8, %div3A_5 : vector<1000x128xf32>
    %get3A_9 = arith.constant 0 : index
    %get3A_10 = arith.constant 0 : index
    %get3A_11 = vector.load %arg2[%get3A_9, %get3A_10] : memref<128x128xf32, #tpu.memory_space<vmem>>, vector<128x128xf32>
    %dot_general3A = arith.constant dense<0.000000e+00> : vector<1000x128xf32>
    %dot_general3A_12 = tpu.matmul %add3A, %get3A_11, %dot_general3A {dimension_numbers = #tpu.dot_dimension_numbers<[1], [0], [0], [1], [0, 0, 1, 1], [], []>, precision = #tpu.contract_precision<fp32>, transpose_lhs_hint = false} : vector<1000x128xf32>, vector<128x128xf32>, vector<1000x128xf32> -> vector<1000x128xf32>
    %get3A_13 = arith.constant 0 : index
    %get3A_14 = arith.constant 0 : index
    %get3A_15 = vector.load %arg3[%get3A_13, %get3A_14] : memref<1x128xf32, #tpu.memory_space<vmem>>, vector<1x128xf32>
    %add3A_16 = vector.broadcast %get3A_15 : vector<1x128xf32> to vector<1000x128xf32>
    %add3A_17 = arith.addf %dot_general3A_12, %add3A_16 : vector<1000x128xf32>
    %tanh3A = math.tanh %add3A_17 : vector<1000x128xf32>
    %swap3A = arith.constant 0 : index
    %swap3A_18 = arith.constant 0 : index
    %swap3A_19 = vector.load %arg4[%swap3A, %swap3A_18] : memref<1000x128xf32, #tpu.memory_space<vmem>>, vector<1000x128xf32>
    tpu.vector_store %arg4[%swap3A, %swap3A_18], %tanh3A {strides = array<i32>} : memref<1000x128xf32, #tpu.memory_space<vmem>>, vector<1000x128xf32>,
    return
  }
}

module attributes {stable_mosaic.version = 14 : i64} {
  func.func @_tc2_body(%arg0: i32, %arg1: memref<1x256x128xf32, #tpu.memory_space<vmem>>, %arg2: memref<4x1x256x128xf32, #tpu.memory_space<vmem>>, %arg3: memref<4x1x256x128xf32, #tpu.memory_space<vmem>>, %arg4: memref<1x256x1xf32, #tpu.memory_space<vmem>>, %arg5: memref<2x128xf32, #tpu.memory_space<vmem>>, %arg6: memref<128x128xf32, #tpu.memory_space<vmem>>, %arg7: memref<1x128xf32, #tpu.memory_space<vmem>>, %arg8: memref<128x128xf32, #tpu.memory_space<vmem>>, %arg9: memref<1x128xf32, #tpu.memory_space<vmem>>, %arg10: memref<128x512xf32, #tpu.memory_space<vmem>>, %arg11: memref<128x512xf32, #tpu.memory_space<vmem>>, %arg12: memref<1x512xf32, #tpu.memory_space<vmem>>, %arg13: memref<128x128xf32, #tpu.memory_space<vmem>>, %arg14: memref<128x1xf32, #tpu.memory_space<vmem>>, %arg15: memref<128x1xf32, #tpu.memory_space<vmem>>, %arg16: memref<1x1xf32, #tpu.memory_space<smem>>, %arg17: memref<1x256x512xf32, #tpu.memory_space<vmem>>, %arg18: memref<1x5x128x256xf32, #tpu.memory_space<vmem>>, %arg19: memref<1x5x256xf32, #tpu.memory_space<vmem>>) attributes {dimension_semantics = [#tpu.dimension_semantics<arbitrary>], iteration_bounds = array<i64: 1>, scalar_prefetch = 0 : i64, scratch_operands = 0 : i64, tpu.core_type = #tpu.core_type<tc>, window_params = [{transform_indices = @transform_0, window_bounds = array<i64: 1, 256, 128>}, {transform_indices = @transform_1, window_bounds = array<i64: 4, 1, 256, 128>}, {transform_indices = @transform_2, window_bounds = array<i64: 4, 1, 256, 128>}, {transform_indices = @transform_3, window_bounds = array<i64: 1, 256, 1>}, {pipeline_mode = #tpu.pipeline_mode<synchronous>, transform_indices = @transform_4, window_bounds = array<i64: 2, 128>}, {pipeline_mode = #tpu.pipeline_mode<synchronous>, transform_indices = @transform_5, window_bounds = array<i64: 128, 128>}, {pipeline_mode = #tpu.pipeline_mode<synchronous>, transform_indices = @transform_6, window_bounds = array<i64: 1, 128>}, {pipeline_mode = #tpu.pipeline_mode<synchronous>, transform_indices = @transform_7, window_bounds = array<i64: 128, 128>}, {pipeline_mode = #tpu.pipeline_mode<synchronous>, transform_indices = @transform_8, window_bounds = array<i64: 1, 128>}, {pipeline_mode = #tpu.pipeline_mode<synchronous>, transform_indices = @transform_9, window_bounds = array<i64: 128, 512>}, {pipeline_mode = #tpu.pipeline_mode<synchronous>, transform_indices = @transform_10, window_bounds = array<i64: 128, 512>}, {pipeline_mode = #tpu.pipeline_mode<synchronous>, transform_indices = @transform_11, window_bounds = array<i64: 1, 512>}, {pipeline_mode = #tpu.pipeline_mode<synchronous>, transform_indices = @transform_12, window_bounds = array<i64: 128, 128>}, {pipeline_mode = #tpu.pipeline_mode<synchronous>, transform_indices = @transform_13, window_bounds = array<i64: 128, 1>}, {pipeline_mode = #tpu.pipeline_mode<synchronous>, transform_indices = @transform_14, window_bounds = array<i64: 128, 1>}, {transform_indices = @transform_15, window_bounds = array<i64: 1, 1>}, {transform_indices = @transform_16, window_bounds = array<i64: 1, 256, 512>}, {transform_indices = @transform_17, window_bounds = array<i64: 1, 5, 128, 256>}, {transform_indices = @transform_18, window_bounds = array<i64: 1, 5, 256>}]} {
    %get3A = arith.constant 0 : index
    %get3A_0 = arith.constant 0 : index
    %get3A_1 = arith.constant 0 : index
    %get3A_2 = vector.load %arg1[%get3A, %get3A_0, %get3A_1] : memref<1x256x128xf32, #tpu.memory_space<vmem>>, vector<1x256x128xf32>
    %get3A_3 = vector.shape_cast %get3A_2 : vector<1x256x128xf32> to vector<256x128xf32>
    %get3A_4 = arith.constant 0 : index
    %get3A_5 = arith.constant 0 : index
    %get3A_6 = arith.constant 0 : index
    %get3A_7 = arith.constant 0 : index
    %get3A_8 = vector.load %arg2[%get3A_4, %get3A_5, %get3A_6, %get3A_7] : memref<4x1x256x128xf32, #tpu.memory_space<vmem>>, vector<1x1x256x128xf32>
    %get3A_9 = vector.shape_cast %get3A_8 : vector<1x1x256x128xf32> to vector<256x128xf32>
    %get3A_10 = arith.constant 1 : index
    %get3A_11 = arith.constant 0 : index
    %get3A_12 = arith.constant 0 : index
    %get3A_13 = arith.constant 0 : index
    %get3A_14 = vector.load %arg2[%get3A_10, %get3A_11, %get3A_12, %get3A_13] : memref<4x1x256x128xf32, #tpu.memory_space<vmem>>, vector<1x1x256x128xf32>
    %get3A_15 = vector.shape_cast %get3A_14 : vector<1x1x256x128xf32> to vector<256x128xf32>
    %add3A = arith.addf %get3A_9, %get3A_15 : vector<256x128xf32>
    %get3A_16 = arith.constant 2 : index
    %get3A_17 = arith.constant 0 : index
    %get3A_18 = arith.constant 0 : index
    %get3A_19 = arith.constant 0 : index
    %get3A_20 = vector.load %arg2[%get3A_16, %get3A_17, %get3A_18, %get3A_19] : memref<4x1x256x128xf32, #tpu.memory_space<vmem>>, vector<1x1x256x128xf32>
    %get3A_21 = vector.shape_cast %get3A_20 : vector<1x1x256x128xf32> to vector<256x128xf32>
    %add3A_22 = arith.addf %add3A, %get3A_21 : vector<256x128xf32>
    %get3A_23 = arith.constant 3 : index
    %get3A_24 = arith.constant 0 : index
    %get3A_25 = arith.constant 0 : index
    %get3A_26 = arith.constant 0 : index
    %get3A_27 = vector.load %arg2[%get3A_23, %get3A_24, %get3A_25, %get3A_26] : memref<4x1x256x128xf32, #tpu.memory_space<vmem>>, vector<1x1x256x128xf32>
    %get3A_28 = vector.shape_cast %get3A_27 : vector<1x1x256x128xf32> to vector<256x128xf32>
    %add3A_29 = arith.addf %add3A_22, %get3A_28 : vector<256x128xf32>
    %mul3A = arith.constant 2.500000e-01 : f32
    %mul3A_30 = vector.broadcast %mul3A : f32 to vector<256x128xf32>
    %mul3A_31 = arith.mulf %add3A_29, %mul3A_30 : vector<256x128xf32>
    %add3A_32 = arith.addf %get3A_3, %mul3A_31 : vector<256x128xf32>
    %get3A_33 = arith.constant 0 : index
    %get3A_34 = arith.constant 0 : index
    %get3A_35 = vector.load %arg6[%get3A_33, %get3A_34] : memref<128x128xf32, #tpu.memory_space<vmem>>, vector<128x128xf32>
    %dot_general3A = arith.constant dense<0.000000e+00> : vector<256x128xf32>
    %dot_general3A_36 = tpu.matmul %add3A_32, %get3A_35, %dot_general3A {dimension_numbers = #tpu.dot_dimension_numbers<[1], [0], [0], [1], [0, 0, 1, 1], [], []>, precision = #tpu.contract_precision<fp32>, transpose_lhs_hint = false} : vector<256x128xf32>, vector<128x128xf32>, vector<256x128xf32> -> vector<256x128xf32>
    %get3A_37 = arith.constant 0 : index
    %get3A_38 = arith.constant 0 : index
    %get3A_39 = vector.load %arg7[%get3A_37, %get3A_38] : memref<1x128xf32, #tpu.memory_space<vmem>>, vector<1x128xf32>
    %add3A_40 = vector.broadcast %get3A_39 : vector<1x128xf32> to vector<256x128xf32>
    %add3A_41 = arith.addf %dot_general3A_36, %add3A_40 : vector<256x128xf32>
    %tanh3A = math.tanh %add3A_41 : vector<256x128xf32>
    %get3A_42 = arith.constant 0 : index
    %get3A_43 = arith.constant 0 : index
    %get3A_44 = vector.load %arg8[%get3A_42, %get3A_43] : memref<128x128xf32, #tpu.memory_space<vmem>>, vector<128x128xf32>
    %dot_general3A_45 = arith.constant dense<0.000000e+00> : vector<256x128xf32>
    %dot_general3A_46 = tpu.matmul %tanh3A, %get3A_44, %dot_general3A_45 {dimension_numbers = #tpu.dot_dimension_numbers<[1], [0], [0], [1], [0, 0, 1, 1], [], []>, precision = #tpu.contract_precision<fp32>, transpose_lhs_hint = false} : vector<256x128xf32>, vector<128x128xf32>, vector<256x128xf32> -> vector<256x128xf32>
    %get3A_47 = arith.constant 0 : index
    %get3A_48 = arith.constant 0 : index
    %get3A_49 = vector.load %arg9[%get3A_47, %get3A_48] : memref<1x128xf32, #tpu.memory_space<vmem>>, vector<1x128xf32>
    %add3A_50 = vector.broadcast %get3A_49 : vector<1x128xf32> to vector<256x128xf32>
    %add3A_51 = arith.addf %dot_general3A_46, %add3A_50 : vector<256x128xf32>
    %tanh3A_52 = math.tanh %add3A_51 : vector<256x128xf32>
    %get3A_53 = arith.constant 0 : index
    %get3A_54 = arith.constant 0 : index
    %get3A_55 = arith.constant 0 : index
    %get3A_56 = vector.load %arg4[%get3A_53, %get3A_54, %get3A_55] : memref<1x256x1xf32, #tpu.memory_space<vmem>>, vector<1x256x1xf32>
    %get3A_57 = vector.shape_cast %get3A_56 : vector<1x256x1xf32> to vector<256x1xf32>
    %get3A_58 = arith.constant 0 : index
    %get3A_59 = arith.constant 0 : index
    %get3A_60 = vector.load %arg5[%get3A_58, %get3A_59] : memref<2x128xf32, #tpu.memory_space<vmem>>, vector<1x128xf32>
    %sub3A = arith.constant 1.000000e+00 : f32
    %sub3A_61 = vector.broadcast %sub3A : f32 to vector<256x1xf32>
    %sub3A_62 = arith.subf %sub3A_61, %get3A_57 : vector<256x1xf32>
    %mul3A_63 = vector.broadcast %get3A_60 : vector<1x128xf32> to vector<256x128xf32>
    %mul3A_64 = vector.broadcast %sub3A_62 : vector<256x1xf32> to vector<256x128xf32>
    %mul3A_65 = arith.mulf %mul3A_63, %mul3A_64 : vector<256x128xf32>
    %get3A_66 = arith.constant 1 : index
    %get3A_67 = arith.constant 0 : index
    %get3A_68 = vector.load %arg5[%get3A_66, %get3A_67] : memref<2x128xf32, #tpu.memory_space<vmem>>, vector<1x128xf32>
    %mul3A_69 = vector.broadcast %get3A_68 : vector<1x128xf32> to vector<256x128xf32>
    %mul3A_70 = vector.broadcast %get3A_57 : vector<256x1xf32> to vector<256x128xf32>
    %mul3A_71 = arith.mulf %mul3A_69, %mul3A_70 : vector<256x128xf32>
    %add3A_72 = arith.addf %mul3A_65, %mul3A_71 : vector<256x128xf32>
    %get3A_73 = arith.constant 0 : index
    %get3A_74 = arith.constant 0 : index
    %get3A_75 = vector.load %arg10[%get3A_73, %get3A_74] : memref<128x512xf32, #tpu.memory_space<vmem>>, vector<128x512xf32>
    %dot_general3A_76 = arith.constant dense<0.000000e+00> : vector<256x512xf32>
    %dot_general3A_77 = tpu.matmul %tanh3A_52, %get3A_75, %dot_general3A_76 {dimension_numbers = #tpu.dot_dimension_numbers<[1], [0], [0], [1], [0, 0, 1, 1], [], []>, precision = #tpu.contract_precision<fp32>, transpose_lhs_hint = false} : vector<256x128xf32>, vector<128x512xf32>, vector<256x512xf32> -> vector<256x512xf32>
    %get3A_78 = arith.constant 0 : index
    %get3A_79 = arith.constant 0 : index
    %get3A_80 = vector.load %arg11[%get3A_78, %get3A_79] : memref<128x512xf32, #tpu.memory_space<vmem>>, vector<128x512xf32>
    %dot_general3A_81 = arith.constant dense<0.000000e+00> : vector<256x512xf32>
    %dot_general3A_82 = tpu.matmul %add3A_72, %get3A_80, %dot_general3A_81 {dimension_numbers = #tpu.dot_dimension_numbers<[1], [0], [0], [1], [0, 0, 1, 1], [], []>, precision = #tpu.contract_precision<fp32>, transpose_lhs_hint = false} : vector<256x128xf32>, vector<128x512xf32>, vector<256x512xf32> -> vector<256x512xf32>
    %add3A_83 = arith.addf %dot_general3A_77, %dot_general3A_82 : vector<256x512xf32>
    %get3A_84 = arith.constant 0 : index
    %get3A_85 = arith.constant 0 : index
    %get3A_86 = vector.load %arg12[%get3A_84, %get3A_85] : memref<1x512xf32, #tpu.memory_space<vmem>>, vector<1x512xf32>
    %add3A_87 = vector.broadcast %get3A_86 : vector<1x512xf32> to vector<256x512xf32>
    %add3A_88 = arith.addf %add3A_83, %add3A_87 : vector<256x512xf32>
    %swap3A = arith.constant 0 : index
    %swap3A_89 = arith.constant 0 : index
    %swap3A_90 = arith.constant 0 : index
    %swap3A_91 = vector.load %arg17[%swap3A, %swap3A_89, %swap3A_90] : memref<1x256x512xf32, #tpu.memory_space<vmem>>, vector<1x256x512xf32>
    %swap3A_92 = vector.shape_cast %swap3A_91 : vector<1x256x512xf32> to vector<256x512xf32>
    %swap3A_93 = vector.shape_cast %add3A_88 : vector<256x512xf32> to vector<1x256x512xf32>
    tpu.vector_store %arg17[%swap3A, %swap3A_89, %swap3A_90], %swap3A_93 {strides = array<i32>} : memref<1x256x512xf32, #tpu.memory_space<vmem>>, vector<1x256x512xf32>,
    %get3A_94 = arith.constant 0 : index
    %get3A_95 = arith.constant 0 : index
    %get3A_96 = memref.load %arg16[%get3A_94, %get3A_95] : memref<1x1xf32, #tpu.memory_space<smem>>
    %transpose3A = tpu.transpose %tanh3A_52, [1, 0] : vector<256x128xf32> -> vector<128x256xf32>
    %get3A_97 = arith.constant 0 : index
    %get3A_98 = arith.constant 0 : index
    %get3A_99 = arith.constant 0 : index
    %get3A_100 = arith.constant 0 : index
    %get3A_101 = vector.load %arg3[%get3A_97, %get3A_98, %get3A_99, %get3A_100] : memref<4x1x256x128xf32, #tpu.memory_space<vmem>>, vector<1x1x256x128xf32>
    %get3A_102 = vector.shape_cast %get3A_101 : vector<1x1x256x128xf32> to vector<256x128xf32>
    %transpose3A_103 = tpu.transpose %get3A_102, [1, 0] : vector<256x128xf32> -> vector<128x256xf32>
    %get3A_104 = arith.constant 1 : index
    %get3A_105 = arith.constant 0 : index
    %get3A_106 = arith.constant 0 : index
    %get3A_107 = arith.constant 0 : index
    %get3A_108 = vector.load %arg3[%get3A_104, %get3A_105, %get3A_106, %get3A_107] : memref<4x1x256x128xf32, #tpu.memory_space<vmem>>, vector<1x1x256x128xf32>
    %get3A_109 = vector.shape_cast %get3A_108 : vector<1x1x256x128xf32> to vector<256x128xf32>
    %transpose3A_110 = tpu.transpose %get3A_109, [1, 0] : vector<256x128xf32> -> vector<128x256xf32>
    %get3A_111 = arith.constant 2 : index
    %get3A_112 = arith.constant 0 : index
    %get3A_113 = arith.constant 0 : index
    %get3A_114 = arith.constant 0 : index
    %get3A_115 = vector.load %arg3[%get3A_111, %get3A_112, %get3A_113, %get3A_114] : memref<4x1x256x128xf32, #tpu.memory_space<vmem>>, vector<1x1x256x128xf32>
    %get3A_116 = vector.shape_cast %get3A_115 : vector<1x1x256x128xf32> to vector<256x128xf32>
    %transpose3A_117 = tpu.transpose %get3A_116, [1, 0] : vector<256x128xf32> -> vector<128x256xf32>
    %get3A_118 = arith.constant 3 : index
    %get3A_119 = arith.constant 0 : index
    %get3A_120 = arith.constant 0 : index
    %get3A_121 = arith.constant 0 : index
    %get3A_122 = vector.load %arg3[%get3A_118, %get3A_119, %get3A_120, %get3A_121] : memref<4x1x256x128xf32, #tpu.memory_space<vmem>>, vector<1x1x256x128xf32>
    %get3A_123 = vector.shape_cast %get3A_122 : vector<1x1x256x128xf32> to vector<256x128xf32>
    %transpose3A_124 = tpu.transpose %get3A_123, [1, 0] : vector<256x128xf32> -> vector<128x256xf32>
    %concatenate3A = tpu.concatenate %transpose3A, %transpose3A_103, %transpose3A_110, %transpose3A_117, %transpose3A_124 in 1 : vector<128x256xf32>, vector<128x256xf32>, vector<128x256xf32>, vector<128x256xf32>, vector<128x256xf32> -> vector<128x1280xf32>
    %get3A_125 = arith.constant 0 : index
    %get3A_126 = arith.constant 0 : index
    %get3A_127 = vector.load %arg13[%get3A_125, %get3A_126] : memref<128x128xf32, #tpu.memory_space<vmem>>, vector<128x128xf32>
    %dot_general3A_128 = arith.constant dense<0.000000e+00> : vector<128x1280xf32>
    %dot_general3A_129 = tpu.matmul %get3A_127, %concatenate3A, %dot_general3A_128 {dimension_numbers = #tpu.dot_dimension_numbers<[1], [0], [0], [1], [0, 0, 1, 1], [], []>, precision = #tpu.contract_precision<fp32>, transpose_lhs_hint = false} : vector<128x128xf32>, vector<128x1280xf32>, vector<128x1280xf32> -> vector<128x1280xf32>
    %get3A_130 = arith.constant 0 : index
    %get3A_131 = arith.constant 0 : index
    %get3A_132 = vector.load %arg14[%get3A_130, %get3A_131] : memref<128x1xf32, #tpu.memory_space<vmem>>, vector<128x1xf32>
    %add3A_133 = vector.broadcast %get3A_132 : vector<128x1xf32> to vector<128x1280xf32>
    %add3A_134 = arith.addf %dot_general3A_129, %add3A_133 : vector<128x1280xf32>
    %slice3A = vector.extract_strided_slice %add3A_134 {offsets = [0, 0], sizes = [128, 256], strides = [1, 1]} : vector<128x1280xf32> to vector<128x256xf32>
    %swap3A_135 = arith.constant 0 : index
    %swap3A_136 = arith.constant 0 : index
    %swap3A_137 = arith.constant 0 : index
    %swap3A_138 = arith.constant 0 : index
    %swap3A_139 = vector.load %arg18[%swap3A_135, %swap3A_136, %swap3A_137, %swap3A_138] : memref<1x5x128x256xf32, #tpu.memory_space<vmem>>, vector<1x1x128x256xf32>
    %swap3A_140 = vector.shape_cast %swap3A_139 : vector<1x1x128x256xf32> to vector<128x256xf32>
    %swap3A_141 = vector.shape_cast %slice3A : vector<128x256xf32> to vector<1x1x128x256xf32>
    tpu.vector_store %arg18[%swap3A_135, %swap3A_136, %swap3A_137, %swap3A_138], %swap3A_141 {strides = array<i32>} : memref<1x5x128x256xf32, #tpu.memory_space<vmem>>, vector<1x1x128x256xf32>,
    %get3A_142 = arith.constant 0 : index
    %get3A_143 = arith.constant 0 : index
    %get3A_144 = vector.load %arg15[%get3A_142, %get3A_143] : memref<128x1xf32, #tpu.memory_space<vmem>>, vector<128x1xf32>
    %mul3A_145 = vector.broadcast %get3A_144 : vector<128x1xf32> to vector<128x256xf32>
    %mul3A_146 = arith.mulf %transpose3A, %mul3A_145 : vector<128x256xf32>
    %reduce_sum3A = arith.constant dense<0.000000e+00> : vector<256xf32>
    %reduce_sum3A_147 = vector.multi_reduction <add>, %mul3A_146, %reduce_sum3A [0] : vector<128x256xf32> to vector<256xf32>
    %add3A_148 = vector.broadcast %get3A_96 : f32 to vector<256xf32>
    %add3A_149 = arith.addf %reduce_sum3A_147, %add3A_148 : vector<256xf32>
    %swap3A_150 = arith.constant 0 : index
    %swap3A_151 = arith.constant 0 : index
    %swap3A_152 = arith.constant 0 : index
    %swap3A_153 = vector.load %arg19[%swap3A_150, %swap3A_151, %swap3A_152] : memref<1x5x256xf32, #tpu.memory_space<vmem>>, vector<1x1x256xf32>
    %swap3A_154 = vector.shape_cast %swap3A_153 : vector<1x1x256xf32> to vector<256xf32>
    %swap3A_155 = vector.shape_cast %add3A_149 : vector<256xf32> to vector<1x1x256xf32>
    tpu.vector_store %arg19[%swap3A_150, %swap3A_151, %swap3A_152], %swap3A_155 {strides = array<i32>} : memref<1x5x256xf32, #tpu.memory_space<vmem>>, vector<1x1x256xf32>,
    %slice3A_156 = vector.extract_strided_slice %add3A_134 {offsets = [0, 256], sizes = [128, 256], strides = [1, 1]} : vector<128x1280xf32> to vector<128x256xf32>
    %swap3A_157 = arith.constant 0 : index
    %swap3A_158 = arith.constant 1 : index
    %swap3A_159 = arith.constant 0 : index
    %swap3A_160 = arith.constant 0 : index
    %swap3A_161 = vector.load %arg18[%swap3A_157, %swap3A_158, %swap3A_159, %swap3A_160] : memref<1x5x128x256xf32, #tpu.memory_space<vmem>>, vector<1x1x128x256xf32>
    %swap3A_162 = vector.shape_cast %swap3A_161 : vector<1x1x128x256xf32> to vector<128x256xf32>
    %swap3A_163 = vector.shape_cast %slice3A_156 : vector<128x256xf32> to vector<1x1x128x256xf32>
    tpu.vector_store %arg18[%swap3A_157, %swap3A_158, %swap3A_159, %swap3A_160], %swap3A_163 {strides = array<i32>} : memref<1x5x128x256xf32, #tpu.memory_space<vmem>>, vector<1x1x128x256xf32>,
    %get3A_164 = arith.constant 0 : index
    %get3A_165 = arith.constant 0 : index
    %get3A_166 = vector.load %arg15[%get3A_164, %get3A_165] : memref<128x1xf32, #tpu.memory_space<vmem>>, vector<128x1xf32>
    %mul3A_167 = vector.broadcast %get3A_166 : vector<128x1xf32> to vector<128x256xf32>
    %mul3A_168 = arith.mulf %transpose3A_103, %mul3A_167 : vector<128x256xf32>
    %reduce_sum3A_169 = arith.constant dense<0.000000e+00> : vector<256xf32>
    %reduce_sum3A_170 = vector.multi_reduction <add>, %mul3A_168, %reduce_sum3A_169 [0] : vector<128x256xf32> to vector<256xf32>
    %add3A_171 = vector.broadcast %get3A_96 : f32 to vector<256xf32>
    %add3A_172 = arith.addf %reduce_sum3A_170, %add3A_171 : vector<256xf32>
    %swap3A_173 = arith.constant 0 : index
    %swap3A_174 = arith.constant 1 : index
    %swap3A_175 = arith.constant 0 : index
    %swap3A_176 = vector.load %arg19[%swap3A_173, %swap3A_174, %swap3A_175] : memref<1x5x256xf32, #tpu.memory_space<vmem>>, vector<1x1x256xf32>
    %swap3A_177 = vector.shape_cast %swap3A_176 : vector<1x1x256xf32> to vector<256xf32>
    %swap3A_178 = vector.shape_cast %add3A_172 : vector<256xf32> to vector<1x1x256xf32>
    tpu.vector_store %arg19[%swap3A_173, %swap3A_174, %swap3A_175], %swap3A_178 {strides = array<i32>} : memref<1x5x256xf32, #tpu.memory_space<vmem>>, vector<1x1x256xf32>,
    %slice3A_179 = vector.extract_strided_slice %add3A_134 {offsets = [0, 512], sizes = [128, 256], strides = [1, 1]} : vector<128x1280xf32> to vector<128x256xf32>
    %swap3A_180 = arith.constant 0 : index
    %swap3A_181 = arith.constant 2 : index
    %swap3A_182 = arith.constant 0 : index
    %swap3A_183 = arith.constant 0 : index
    %swap3A_184 = vector.load %arg18[%swap3A_180, %swap3A_181, %swap3A_182, %swap3A_183] : memref<1x5x128x256xf32, #tpu.memory_space<vmem>>, vector<1x1x128x256xf32>
    %swap3A_185 = vector.shape_cast %swap3A_184 : vector<1x1x128x256xf32> to vector<128x256xf32>
    %swap3A_186 = vector.shape_cast %slice3A_179 : vector<128x256xf32> to vector<1x1x128x256xf32>
    tpu.vector_store %arg18[%swap3A_180, %swap3A_181, %swap3A_182, %swap3A_183], %swap3A_186 {strides = array<i32>} : memref<1x5x128x256xf32, #tpu.memory_space<vmem>>, vector<1x1x128x256xf32>,
    %get3A_187 = arith.constant 0 : index
    %get3A_188 = arith.constant 0 : index
    %get3A_189 = vector.load %arg15[%get3A_187, %get3A_188] : memref<128x1xf32, #tpu.memory_space<vmem>>, vector<128x1xf32>
    %mul3A_190 = vector.broadcast %get3A_189 : vector<128x1xf32> to vector<128x256xf32>
    %mul3A_191 = arith.mulf %transpose3A_110, %mul3A_190 : vector<128x256xf32>
    %reduce_sum3A_192 = arith.constant dense<0.000000e+00> : vector<256xf32>
    %reduce_sum3A_193 = vector.multi_reduction <add>, %mul3A_191, %reduce_sum3A_192 [0] : vector<128x256xf32> to vector<256xf32>
    %add3A_194 = vector.broadcast %get3A_96 : f32 to vector<256xf32>
    %add3A_195 = arith.addf %reduce_sum3A_193, %add3A_194 : vector<256xf32>
    %swap3A_196 = arith.constant 0 : index
    %swap3A_197 = arith.constant 2 : index
    %swap3A_198 = arith.constant 0 : index
    %swap3A_199 = vector.load %arg19[%swap3A_196, %swap3A_197, %swap3A_198] : memref<1x5x256xf32, #tpu.memory_space<vmem>>, vector<1x1x256xf32>
    %swap3A_200 = vector.shape_cast %swap3A_199 : vector<1x1x256xf32> to vector<256xf32>
    %swap3A_201 = vector.shape_cast %add3A_195 : vector<256xf32> to vector<1x1x256xf32>
    tpu.vector_store %arg19[%swap3A_196, %swap3A_197, %swap3A_198], %swap3A_201 {strides = array<i32>} : memref<1x5x256xf32, #tpu.memory_space<vmem>>, vector<1x1x256xf32>,
    %slice3A_202 = vector.extract_strided_slice %add3A_134 {offsets = [0, 768], sizes = [128, 256], strides = [1, 1]} : vector<128x1280xf32> to vector<128x256xf32>
    %swap3A_203 = arith.constant 0 : index
    %swap3A_204 = arith.constant 3 : index
    %swap3A_205 = arith.constant 0 : index
    %swap3A_206 = arith.constant 0 : index
    %swap3A_207 = vector.load %arg18[%swap3A_203, %swap3A_204, %swap3A_205, %swap3A_206] : memref<1x5x128x256xf32, #tpu.memory_space<vmem>>, vector<1x1x128x256xf32>
    %swap3A_208 = vector.shape_cast %swap3A_207 : vector<1x1x128x256xf32> to vector<128x256xf32>
    %swap3A_209 = vector.shape_cast %slice3A_202 : vector<128x256xf32> to vector<1x1x128x256xf32>
    tpu.vector_store %arg18[%swap3A_203, %swap3A_204, %swap3A_205, %swap3A_206], %swap3A_209 {strides = array<i32>} : memref<1x5x128x256xf32, #tpu.memory_space<vmem>>, vector<1x1x128x256xf32>,
    %get3A_210 = arith.constant 0 : index
    %get3A_211 = arith.constant 0 : index
    %get3A_212 = vector.load %arg15[%get3A_210, %get3A_211] : memref<128x1xf32, #tpu.memory_space<vmem>>, vector<128x1xf32>
    %mul3A_213 = vector.broadcast %get3A_212 : vector<128x1xf32> to vector<128x256xf32>
    %mul3A_214 = arith.mulf %transpose3A_117, %mul3A_213 : vector<128x256xf32>
    %reduce_sum3A_215 = arith.constant dense<0.000000e+00> : vector<256xf32>
    %reduce_sum3A_216 = vector.multi_reduction <add>, %mul3A_214, %reduce_sum3A_215 [0] : vector<128x256xf32> to vector<256xf32>
    %add3A_217 = vector.broadcast %get3A_96 : f32 to vector<256xf32>
    %add3A_218 = arith.addf %reduce_sum3A_216, %add3A_217 : vector<256xf32>
    %swap3A_219 = arith.constant 0 : index
    %swap3A_220 = arith.constant 3 : index
    %swap3A_221 = arith.constant 0 : index
    %swap3A_222 = vector.load %arg19[%swap3A_219, %swap3A_220, %swap3A_221] : memref<1x5x256xf32, #tpu.memory_space<vmem>>, vector<1x1x256xf32>
    %swap3A_223 = vector.shape_cast %swap3A_222 : vector<1x1x256xf32> to vector<256xf32>
    %swap3A_224 = vector.shape_cast %add3A_218 : vector<256xf32> to vector<1x1x256xf32>
    tpu.vector_store %arg19[%swap3A_219, %swap3A_220, %swap3A_221], %swap3A_224 {strides = array<i32>} : memref<1x5x256xf32, #tpu.memory_space<vmem>>, vector<1x1x256xf32>,
    %slice3A_225 = vector.extract_strided_slice %add3A_134 {offsets = [0, 1024], sizes = [128, 256], strides = [1, 1]} : vector<128x1280xf32> to vector<128x256xf32>
    %swap3A_226 = arith.constant 0 : index
    %swap3A_227 = arith.constant 4 : index
    %swap3A_228 = arith.constant 0 : index
    %swap3A_229 = arith.constant 0 : index
    %swap3A_230 = vector.load %arg18[%swap3A_226, %swap3A_227, %swap3A_228, %swap3A_229] : memref<1x5x128x256xf32, #tpu.memory_space<vmem>>, vector<1x1x128x256xf32>
    %swap3A_231 = vector.shape_cast %swap3A_230 : vector<1x1x128x256xf32> to vector<128x256xf32>
    %swap3A_232 = vector.shape_cast %slice3A_225 : vector<128x256xf32> to vector<1x1x128x256xf32>
    tpu.vector_store %arg18[%swap3A_226, %swap3A_227, %swap3A_228, %swap3A_229], %swap3A_232 {strides = array<i32>} : memref<1x5x128x256xf32, #tpu.memory_space<vmem>>, vector<1x1x128x256xf32>,
    %get3A_233 = arith.constant 0 : index
    %get3A_234 = arith.constant 0 : index
    %get3A_235 = vector.load %arg15[%get3A_233, %get3A_234] : memref<128x1xf32, #tpu.memory_space<vmem>>, vector<128x1xf32>
    %mul3A_236 = vector.broadcast %get3A_235 : vector<128x1xf32> to vector<128x256xf32>
    %mul3A_237 = arith.mulf %transpose3A_124, %mul3A_236 : vector<128x256xf32>
    %reduce_sum3A_238 = arith.constant dense<0.000000e+00> : vector<256xf32>
    %reduce_sum3A_239 = vector.multi_reduction <add>, %mul3A_237, %reduce_sum3A_238 [0] : vector<128x256xf32> to vector<256xf32>
    %add3A_240 = vector.broadcast %get3A_96 : f32 to vector<256xf32>
    %add3A_241 = arith.addf %reduce_sum3A_239, %add3A_240 : vector<256xf32>
    %swap3A_242 = arith.constant 0 : index
    %swap3A_243 = arith.constant 4 : index
    %swap3A_244 = arith.constant 0 : index
    %swap3A_245 = vector.load %arg19[%swap3A_242, %swap3A_243, %swap3A_244] : memref<1x5x256xf32, #tpu.memory_space<vmem>>, vector<1x1x256xf32>
    %swap3A_246 = vector.shape_cast %swap3A_245 : vector<1x1x256xf32> to vector<256xf32>
    %swap3A_247 = vector.shape_cast %add3A_241 : vector<256xf32> to vector<1x1x256xf32>
    tpu.vector_store %arg19[%swap3A_242, %swap3A_243, %swap3A_244], %swap3A_247 {strides = array<i32>} : memref<1x5x256xf32, #tpu.memory_space<vmem>>, vector<1x1x256xf32>,
    return
  }
  func.func @transform_0(%arg0: i32) -> (i32, i32, i32) {
    %c0_i32 = arith.constant 0 : i32
    %c0_i32_0 = arith.constant 0 : i32
    %c0_i32_1 = arith.constant 0 : i32
    return %arg0, %c0_i32, %c0_i32_0 : i32, i32, i32
  }
  func.func @transform_1(%arg0: i32) -> (i32, i32, i32, i32) {
    %c0_i32 = arith.constant 0 : i32
    %c0_i32_0 = arith.constant 0 : i32
    %c0_i32_1 = arith.constant 0 : i32
    %c0_i32_2 = arith.constant 0 : i32
    return %c0_i32, %arg0, %c0_i32_0, %c0_i32_1 : i32, i32, i32, i32
  }
  func.func @transform_2(%arg0: i32) -> (i32, i32, i32, i32) {
    %c0_i32 = arith.constant 0 : i32
    %c0_i32_0 = arith.constant 0 : i32
    %c0_i32_1 = arith.constant 0 : i32
    %c0_i32_2 = arith.constant 0 : i32
    return %c0_i32, %arg0, %c0_i32_0, %c0_i32_1 : i32, i32, i32, i32
  }
  func.func @transform_3(%arg0: i32) -> (i32, i32, i32) {
    %c0_i32 = arith.constant 0 : i32
    %c0_i32_0 = arith.constant 0 : i32
    %c0_i32_1 = arith.constant 0 : i32
    return %arg0, %c0_i32, %c0_i32_0 : i32, i32, i32
  }
  func.func @transform_4(%arg0: i32) -> (i32, i32) {
    %c0_i32 = arith.constant 0 : i32
    %c0_i32_0 = arith.constant 0 : i32
    %c0_i32_1 = arith.constant 0 : i32
    return %c0_i32, %c0_i32_0 : i32, i32
  }
  func.func @transform_5(%arg0: i32) -> (i32, i32) {
    %c0_i32 = arith.constant 0 : i32
    %c0_i32_0 = arith.constant 0 : i32
    %c0_i32_1 = arith.constant 0 : i32
    return %c0_i32, %c0_i32_0 : i32, i32
  }
  func.func @transform_6(%arg0: i32) -> (i32, i32) {
    %c0_i32 = arith.constant 0 : i32
    %c0_i32_0 = arith.constant 0 : i32
    %c0_i32_1 = arith.constant 0 : i32
    return %c0_i32, %c0_i32_0 : i32, i32
  }
  func.func @transform_7(%arg0: i32) -> (i32, i32) {
    %c0_i32 = arith.constant 0 : i32
    %c0_i32_0 = arith.constant 0 : i32
    %c0_i32_1 = arith.constant 0 : i32
    return %c0_i32, %c0_i32_0 : i32, i32
  }
  func.func @transform_8(%arg0: i32) -> (i32, i32) {
    %c0_i32 = arith.constant 0 : i32
    %c0_i32_0 = arith.constant 0 : i32
    %c0_i32_1 = arith.constant 0 : i32
    return %c0_i32, %c0_i32_0 : i32, i32
  }
  func.func @transform_9(%arg0: i32) -> (i32, i32) {
    %c0_i32 = arith.constant 0 : i32
    %c0_i32_0 = arith.constant 0 : i32
    %c0_i32_1 = arith.constant 0 : i32
    return %c0_i32, %c0_i32_0 : i32, i32
  }
  func.func @transform_10(%arg0: i32) -> (i32, i32) {
    %c0_i32 = arith.constant 0 : i32
    %c0_i32_0 = arith.constant 0 : i32
    %c0_i32_1 = arith.constant 0 : i32
    return %c0_i32, %c0_i32_0 : i32, i32
  }
  func.func @transform_11(%arg0: i32) -> (i32, i32) {
    %c0_i32 = arith.constant 0 : i32
    %c0_i32_0 = arith.constant 0 : i32
    %c0_i32_1 = arith.constant 0 : i32
    return %c0_i32, %c0_i32_0 : i32, i32
  }
  func.func @transform_12(%arg0: i32) -> (i32, i32) {
    %c0_i32 = arith.constant 0 : i32
    %c0_i32_0 = arith.constant 0 : i32
    %c0_i32_1 = arith.constant 0 : i32
    return %c0_i32, %c0_i32_0 : i32, i32
  }
  func.func @transform_13(%arg0: i32) -> (i32, i32) {
    %c0_i32 = arith.constant 0 : i32
    %c0_i32_0 = arith.constant 0 : i32
    %c0_i32_1 = arith.constant 0 : i32
    return %c0_i32, %c0_i32_0 : i32, i32
  }
  func.func @transform_14(%arg0: i32) -> (i32, i32) {
    %c0_i32 = arith.constant 0 : i32
    %c0_i32_0 = arith.constant 0 : i32
    %c0_i32_1 = arith.constant 0 : i32
    return %c0_i32, %c0_i32_0 : i32, i32
  }
  func.func @transform_15(%arg0: i32) -> (i32, i32) {
    %c0_i32 = arith.constant 0 : i32
    %c0_i32_0 = arith.constant 0 : i32
    %c0_i32_1 = arith.constant 0 : i32
    return %c0_i32, %c0_i32_0 : i32, i32
  }
  func.func @transform_16(%arg0: i32) -> (i32, i32, i32) {
    %c0_i32 = arith.constant 0 : i32
    %c0_i32_0 = arith.constant 0 : i32
    %c0_i32_1 = arith.constant 0 : i32
    return %arg0, %c0_i32, %c0_i32_0 : i32, i32, i32
  }
  func.func @transform_17(%arg0: i32) -> (i32, i32, i32, i32) {
    %c0_i32 = arith.constant 0 : i32
    %c0_i32_0 = arith.constant 0 : i32
    %c0_i32_1 = arith.constant 0 : i32
    %c0_i32_2 = arith.constant 0 : i32
    return %arg0, %c0_i32, %c0_i32_0, %c0_i32_1 : i32, i32, i32, i32
  }
  func.func @transform_18(%arg0: i32) -> (i32, i32, i32) {
    %c0_i32 = arith.constant 0 : i32
    %c0_i32_0 = arith.constant 0 : i32
    %c0_i32_1 = arith.constant 0 : i32
    return %arg0, %c0_i32, %c0_i32_0 : i32, i32, i32
  }
}

module attributes {stable_mosaic.version = 14 : i64} {
  func.func @_tc3_body(%arg0: i32, %arg1: memref<1x256x512xf32, #tpu.memory_space<vmem>>, %arg2: memref<1x5x128x256xf32, #tpu.memory_space<vmem>>, %arg3: memref<1x5x256xf32, #tpu.memory_space<vmem>>, %arg4: memref<1x1x256xf32, #tpu.memory_space<vmem>>, %arg5: memref<128x512xf32, #tpu.memory_space<vmem>>, %arg6: memref<128x128xf32, #tpu.memory_space<vmem>>, %arg7: memref<128x1xf32, #tpu.memory_space<vmem>>, %arg8: memref<128x1xf32, #tpu.memory_space<vmem>>, %arg9: memref<50x256xf32, #tpu.memory_space<vmem>>, %arg10: memref<256x128xf32, #tpu.memory_space<vmem>>, %arg11: memref<256x128xf32, #tpu.memory_space<vmem>>, %arg12: memref<56x128x256xf32, #tpu.memory_space<vmem>>, %arg13: memref<56x256xf32, #tpu.memory_space<vmem>>, %arg14: memref<5x56x256xf32, #tpu.memory_space<vmem>>) attributes {dimension_semantics = [#tpu.dimension_semantics<arbitrary>], iteration_bounds = array<i64: 1>, scalar_prefetch = 0 : i64, scratch_operands = 5 : i64, tpu.core_type = #tpu.core_type<tc>, window_params = [{transform_indices = @transform_0, window_bounds = array<i64: 1, 256, 512>}, {transform_indices = @transform_1, window_bounds = array<i64: 1, 5, 128, 256>}, {transform_indices = @transform_2, window_bounds = array<i64: 1, 5, 256>}, {transform_indices = @transform_3, window_bounds = array<i64: 1, 1, 256>}, {pipeline_mode = #tpu.pipeline_mode<synchronous>, transform_indices = @transform_4, window_bounds = array<i64: 128, 512>}, {pipeline_mode = #tpu.pipeline_mode<synchronous>, transform_indices = @transform_5, window_bounds = array<i64: 128, 128>}, {pipeline_mode = #tpu.pipeline_mode<synchronous>, transform_indices = @transform_6, window_bounds = array<i64: 128, 1>}, {pipeline_mode = #tpu.pipeline_mode<synchronous>, transform_indices = @transform_7, window_bounds = array<i64: 128, 1>}, {pipeline_mode = #tpu.pipeline_mode<synchronous>, transform_indices = @transform_8, window_bounds = array<i64: 50, 256>}]} {
    %eq3A = arith.constant 0 : i32
    %eq3A_0 = arith.cmpi eq, %arg0, %eq3A : i32
    %convert_element_type3A = arith.extui %eq3A_0 : i1 to i32
    %cond3A = arith.constant 0 : i32
    %cond3A_1 = arith.cmpi ne, %convert_element_type3A, %cond3A : i32
    scf.if %cond3A_1 {
      %broadcast_in_dim3A_188 = arith.constant 0.000000e+00 : f32
      %broadcast_in_dim3A_189 = vector.broadcast %broadcast_in_dim3A_188 : f32 to vector<256x128xf32>
      %swap3A_190 = arith.constant 0 : index
      %swap3A_191 = arith.constant 0 : index
      %swap3A_192 = vector.load %arg10[%swap3A_190, %swap3A_191] : memref<256x128xf32, #tpu.memory_space<vmem>>, vector<256x128xf32>
      tpu.vector_store %arg10[%swap3A_190, %swap3A_191], %broadcast_in_dim3A_189 {strides = array<i32>} : memref<256x128xf32, #tpu.memory_space<vmem>>, vector<256x128xf32>,
      %broadcast_in_dim3A_193 = arith.constant 0.000000e+00 : f32
      %broadcast_in_dim3A_194 = vector.broadcast %broadcast_in_dim3A_193 : f32 to vector<256x128xf32>
      %swap3A_195 = arith.constant 0 : index
      %swap3A_196 = arith.constant 0 : index
      %swap3A_197 = vector.load %arg11[%swap3A_195, %swap3A_196] : memref<256x128xf32, #tpu.memory_space<vmem>>, vector<256x128xf32>
      tpu.vector_store %arg11[%swap3A_195, %swap3A_196], %broadcast_in_dim3A_194 {strides = array<i32>} : memref<256x128xf32, #tpu.memory_space<vmem>>, vector<256x128xf32>,
      %broadcast_in_dim3A_198 = arith.constant 0.000000e+00 : f32
      %broadcast_in_dim3A_199 = vector.broadcast %broadcast_in_dim3A_198 : f32 to vector<1x256xf32>
      %swap3A_200 = arith.constant 0 : index
      %swap3A_201 = arith.constant 0 : index
      %swap3A_202 = vector.load %arg9[%swap3A_200, %swap3A_201] : memref<50x256xf32, #tpu.memory_space<vmem>>, vector<1x256xf32>
      tpu.vector_store %arg9[%swap3A_200, %swap3A_201], %broadcast_in_dim3A_199 {strides = array<i32>} : memref<50x256xf32, #tpu.memory_space<vmem>>, vector<1x256xf32>,
    } else {
    }
    %get3A = arith.constant 0 : index
    %get3A_2 = arith.constant 0 : index
    %get3A_3 = arith.constant 0 : index
    %get3A_4 = vector.load %arg1[%get3A, %get3A_2, %get3A_3] : memref<1x256x512xf32, #tpu.memory_space<vmem>>, vector<1x256x512xf32>
    %get3A_5 = vector.shape_cast %get3A_4 : vector<1x256x512xf32> to vector<256x512xf32>
    %get3A_6 = arith.constant 0 : index
    %get3A_7 = arith.constant 0 : index
    %get3A_8 = vector.load %arg10[%get3A_6, %get3A_7] : memref<256x128xf32, #tpu.memory_space<vmem>>, vector<256x128xf32>
    %get3A_9 = arith.constant 0 : index
    %get3A_10 = arith.constant 0 : index
    %get3A_11 = vector.load %arg5[%get3A_9, %get3A_10] : memref<128x512xf32, #tpu.memory_space<vmem>>, vector<128x512xf32>
    %dot_general3A = arith.constant dense<0.000000e+00> : vector<256x512xf32>
    %dot_general3A_12 = tpu.matmul %get3A_8, %get3A_11, %dot_general3A {dimension_numbers = #tpu.dot_dimension_numbers<[1], [0], [0], [1], [0, 0, 1, 1], [], []>, precision = #tpu.contract_precision<fp32>, transpose_lhs_hint = false} : vector<256x128xf32>, vector<128x512xf32>, vector<256x512xf32> -> vector<256x512xf32>
    %add3A = arith.addf %get3A_5, %dot_general3A_12 : vector<256x512xf32>
    %slice3A = vector.extract_strided_slice %add3A {offsets = [0, 0], sizes = [256, 128], strides = [1, 1]} : vector<256x512xf32> to vector<256x128xf32>
    %logistic3A = arith.negf %slice3A : vector<256x128xf32>
    %logistic3A_13 = math.exp %logistic3A : vector<256x128xf32>
    %logistic3A_14 = arith.constant 1.000000e+00 : f32
    %logistic3A_15 = vector.broadcast %logistic3A_14 : f32 to vector<256x128xf32>
    %logistic3A_16 = arith.addf %logistic3A_15, %logistic3A_13 : vector<256x128xf32>
    %logistic3A_17 = arith.divf %logistic3A_15, %logistic3A_16 : vector<256x128xf32>
    %slice3A_18 = vector.extract_strided_slice %add3A {offsets = [0, 128], sizes = [256, 128], strides = [1, 1]} : vector<256x512xf32> to vector<256x128xf32>
    %logistic3A_19 = arith.negf %slice3A_18 : vector<256x128xf32>
    %logistic3A_20 = math.exp %logistic3A_19 : vector<256x128xf32>
    %logistic3A_21 = arith.constant 1.000000e+00 : f32
    %logistic3A_22 = vector.broadcast %logistic3A_21 : f32 to vector<256x128xf32>
    %logistic3A_23 = arith.addf %logistic3A_22, %logistic3A_20 : vector<256x128xf32>
    %logistic3A_24 = arith.divf %logistic3A_22, %logistic3A_23 : vector<256x128xf32>
    %slice3A_25 = vector.extract_strided_slice %add3A {offsets = [0, 256], sizes = [256, 128], strides = [1, 1]} : vector<256x512xf32> to vector<256x128xf32>
    %tanh3A = math.tanh %slice3A_25 : vector<256x128xf32>
    %slice3A_26 = vector.extract_strided_slice %add3A {offsets = [0, 384], sizes = [256, 128], strides = [1, 1]} : vector<256x512xf32> to vector<256x128xf32>
    %logistic3A_27 = arith.negf %slice3A_26 : vector<256x128xf32>
    %logistic3A_28 = math.exp %logistic3A_27 : vector<256x128xf32>
    %logistic3A_29 = arith.constant 1.000000e+00 : f32
    %logistic3A_30 = vector.broadcast %logistic3A_29 : f32 to vector<256x128xf32>
    %logistic3A_31 = arith.addf %logistic3A_30, %logistic3A_28 : vector<256x128xf32>
    %logistic3A_32 = arith.divf %logistic3A_30, %logistic3A_31 : vector<256x128xf32>
    %get3A_33 = arith.constant 0 : index
    %get3A_34 = arith.constant 0 : index
    %get3A_35 = vector.load %arg11[%get3A_33, %get3A_34] : memref<256x128xf32, #tpu.memory_space<vmem>>, vector<256x128xf32>
    %mul3A = arith.mulf %logistic3A_24, %get3A_35 : vector<256x128xf32>
    %mul3A_36 = arith.mulf %logistic3A_17, %tanh3A : vector<256x128xf32>
    %add3A_37 = arith.addf %mul3A, %mul3A_36 : vector<256x128xf32>
    %swap3A = arith.constant 0 : index
    %swap3A_38 = arith.constant 0 : index
    %swap3A_39 = vector.load %arg11[%swap3A, %swap3A_38] : memref<256x128xf32, #tpu.memory_space<vmem>>, vector<256x128xf32>
    tpu.vector_store %arg11[%swap3A, %swap3A_38], %add3A_37 {strides = array<i32>} : memref<256x128xf32, #tpu.memory_space<vmem>>, vector<256x128xf32>,
    %tanh3A_40 = math.tanh %add3A_37 : vector<256x128xf32>
    %mul3A_41 = arith.mulf %logistic3A_32, %tanh3A_40 : vector<256x128xf32>
    %swap3A_42 = arith.constant 0 : index
    %swap3A_43 = arith.constant 0 : index
    %swap3A_44 = vector.load %arg10[%swap3A_42, %swap3A_43] : memref<256x128xf32, #tpu.memory_space<vmem>>, vector<256x128xf32>
    tpu.vector_store %arg10[%swap3A_42, %swap3A_43], %mul3A_41 {strides = array<i32>} : memref<256x128xf32, #tpu.memory_space<vmem>>, vector<256x128xf32>,
    %transpose3A = tpu.transpose %mul3A_41, [1, 0] : vector<256x128xf32> -> vector<128x256xf32>
    %get3A_45 = arith.constant 0 : index
    %get3A_46 = arith.constant 0 : index
    %get3A_47 = vector.load %arg6[%get3A_45, %get3A_46] : memref<128x128xf32, #tpu.memory_space<vmem>>, vector<128x128xf32>
    %dot_general3A_48 = arith.constant dense<0.000000e+00> : vector<128x256xf32>
    %dot_general3A_49 = tpu.matmul %get3A_47, %transpose3A, %dot_general3A_48 {dimension_numbers = #tpu.dot_dimension_numbers<[1], [0], [0], [1], [0, 0, 1, 1], [], []>, precision = #tpu.contract_precision<fp32>, transpose_lhs_hint = false} : vector<128x128xf32>, vector<128x256xf32>, vector<128x256xf32> -> vector<128x256xf32>
    %get3A_50 = arith.constant 0 : index
    %get3A_51 = arith.constant 0 : index
    %get3A_52 = vector.load %arg7[%get3A_50, %get3A_51] : memref<128x1xf32, #tpu.memory_space<vmem>>, vector<128x1xf32>
    %add3A_53 = vector.broadcast %get3A_52 : vector<128x1xf32> to vector<128x256xf32>
    %add3A_54 = arith.addf %dot_general3A_49, %add3A_53 : vector<128x256xf32>
    %broadcast_in_dim3A = vector.shape_cast %add3A_54 : vector<128x256xf32> to vector<1x128x256xf32>
    %swap3A_55 = arith.index_cast %arg0 : i32 to index
    %swap3A_56 = arith.constant 0 : index
    %swap3A_57 = arith.constant 0 : index
    %swap3A_58 = vector.load %arg12[%swap3A_55, %swap3A_56, %swap3A_57] : memref<56x128x256xf32, #tpu.memory_space<vmem>>, vector<1x128x256xf32>
    tpu.vector_store %arg12[%swap3A_55, %swap3A_56, %swap3A_57], %broadcast_in_dim3A {strides = array<i32>} : memref<56x128x256xf32, #tpu.memory_space<vmem>>, vector<1x128x256xf32>,
    %get3A_59 = arith.constant 0 : index
    %get3A_60 = arith.constant 0 : index
    %get3A_61 = vector.load %arg8[%get3A_59, %get3A_60] : memref<128x1xf32, #tpu.memory_space<vmem>>, vector<128x1xf32>
    %mul3A_62 = vector.broadcast %get3A_61 : vector<128x1xf32> to vector<128x256xf32>
    %mul3A_63 = arith.mulf %transpose3A, %mul3A_62 : vector<128x256xf32>
    %reduce_sum3A = arith.constant dense<0.000000e+00> : vector<256xf32>
    %reduce_sum3A_64 = vector.multi_reduction <add>, %mul3A_63, %reduce_sum3A [0] : vector<128x256xf32> to vector<256xf32>
    %broadcast_in_dim3A_65 = vector.shape_cast %reduce_sum3A_64 : vector<256xf32> to vector<1x256xf32>
    %swap3A_66 = arith.index_cast %arg0 : i32 to index
    %swap3A_67 = arith.constant 0 : index
    %swap3A_68 = vector.load %arg13[%swap3A_66, %swap3A_67] : memref<56x256xf32, #tpu.memory_space<vmem>>, vector<1x256xf32>
    tpu.vector_store %arg13[%swap3A_66, %swap3A_67], %broadcast_in_dim3A_65 {strides = array<i32>} : memref<56x256xf32, #tpu.memory_space<vmem>>, vector<1x256xf32>,
    %get3A_69 = arith.constant 0 : index
    %get3A_70 = arith.constant 0 : index
    %get3A_71 = arith.constant 0 : index
    %get3A_72 = arith.constant 0 : index
    %get3A_73 = vector.load %arg2[%get3A_69, %get3A_70, %get3A_71, %get3A_72] : memref<1x5x128x256xf32, #tpu.memory_space<vmem>>, vector<1x1x128x256xf32>
    %get3A_74 = vector.shape_cast %get3A_73 : vector<1x1x128x256xf32> to vector<128x256xf32>
    %get3A_75 = arith.constant 0 : index
    %get3A_76 = arith.constant 1 : index
    %get3A_77 = arith.constant 0 : index
    %get3A_78 = arith.constant 0 : index
    %get3A_79 = vector.load %arg2[%get3A_75, %get3A_76, %get3A_77, %get3A_78] : memref<1x5x128x256xf32, #tpu.memory_space<vmem>>, vector<1x1x128x256xf32>
    %get3A_80 = vector.shape_cast %get3A_79 : vector<1x1x128x256xf32> to vector<128x256xf32>
    %get3A_81 = arith.constant 0 : index
    %get3A_82 = arith.constant 2 : index
    %get3A_83 = arith.constant 0 : index
    %get3A_84 = arith.constant 0 : index
    %get3A_85 = vector.load %arg2[%get3A_81, %get3A_82, %get3A_83, %get3A_84] : memref<1x5x128x256xf32, #tpu.memory_space<vmem>>, vector<1x1x128x256xf32>
    %get3A_86 = vector.shape_cast %get3A_85 : vector<1x1x128x256xf32> to vector<128x256xf32>
    %get3A_87 = arith.constant 0 : index
    %get3A_88 = arith.constant 3 : index
    %get3A_89 = arith.constant 0 : index
    %get3A_90 = arith.constant 0 : index
    %get3A_91 = vector.load %arg2[%get3A_87, %get3A_88, %get3A_89, %get3A_90] : memref<1x5x128x256xf32, #tpu.memory_space<vmem>>, vector<1x1x128x256xf32>
    %get3A_92 = vector.shape_cast %get3A_91 : vector<1x1x128x256xf32> to vector<128x256xf32>
    %get3A_93 = arith.constant 0 : index
    %get3A_94 = arith.constant 4 : index
    %get3A_95 = arith.constant 0 : index
    %get3A_96 = arith.constant 0 : index
    %get3A_97 = vector.load %arg2[%get3A_93, %get3A_94, %get3A_95, %get3A_96] : memref<1x5x128x256xf32, #tpu.memory_space<vmem>>, vector<1x1x128x256xf32>
    %get3A_98 = vector.shape_cast %get3A_97 : vector<1x1x128x256xf32> to vector<128x256xf32>
    %ge3A = arith.constant 0 : i32
    %ge3A_99 = arith.cmpi sge, %arg0, %ge3A : i32
    %convert_element_type3A_100 = arith.extui %ge3A_99 : i1 to i32
    %cond3A_101 = arith.constant 0 : i32
    %cond3A_102 = arith.cmpi ne, %convert_element_type3A_100, %cond3A_101 : i32
    scf.if %cond3A_102 {
      %get3A_188 = arith.constant 0 : index
      %get3A_189 = arith.constant 0 : index
      %get3A_190 = arith.constant 0 : index
      %get3A_191 = vector.load %arg12[%get3A_188, %get3A_189, %get3A_190] : memref<56x128x256xf32, #tpu.memory_space<vmem>>, vector<8x128x256xf32>
      %broadcast_in_dim3A_192 = vector.shape_cast %get3A_74 : vector<128x256xf32> to vector<1x128x256xf32>
      %mul3A_193 = vector.broadcast %broadcast_in_dim3A_192 : vector<1x128x256xf32> to vector<8x128x256xf32>
      %mul3A_194 = arith.mulf %get3A_191, %mul3A_193 : vector<8x128x256xf32>
      %reduce_sum3A_195 = arith.constant dense<0.000000e+00> : vector<8x256xf32>
      %reduce_sum3A_196 = vector.multi_reduction <add>, %mul3A_194, %reduce_sum3A_195 [1] : vector<8x128x256xf32> to vector<8x256xf32>
      %swap3A_197 = arith.constant 0 : index
      %swap3A_198 = arith.constant 0 : index
      %swap3A_199 = arith.constant 0 : index
      %swap3A_200 = vector.load %arg14[%swap3A_197, %swap3A_198, %swap3A_199] : memref<5x56x256xf32, #tpu.memory_space<vmem>>, vector<1x8x256xf32>
      %swap3A_201 = vector.shape_cast %swap3A_200 : vector<1x8x256xf32> to vector<8x256xf32>
      %swap3A_202 = vector.shape_cast %reduce_sum3A_196 : vector<8x256xf32> to vector<1x8x256xf32>
      tpu.vector_store %arg14[%swap3A_197, %swap3A_198, %swap3A_199], %swap3A_202 {strides = array<i32>} : memref<5x56x256xf32, #tpu.memory_space<vmem>>, vector<1x8x256xf32>,
      %broadcast_in_dim3A_203 = vector.shape_cast %get3A_80 : vector<128x256xf32> to vector<1x128x256xf32>
      %mul3A_204 = vector.broadcast %broadcast_in_dim3A_203 : vector<1x128x256xf32> to vector<8x128x256xf32>
      %mul3A_205 = arith.mulf %get3A_191, %mul3A_204 : vector<8x128x256xf32>
      %reduce_sum3A_206 = arith.constant dense<0.000000e+00> : vector<8x256xf32>
      %reduce_sum3A_207 = vector.multi_reduction <add>, %mul3A_205, %reduce_sum3A_206 [1] : vector<8x128x256xf32> to vector<8x256xf32>
      %swap3A_208 = arith.constant 1 : index
      %swap3A_209 = arith.constant 0 : index
      %swap3A_210 = arith.constant 0 : index
      %swap3A_211 = vector.load %arg14[%swap3A_208, %swap3A_209, %swap3A_210] : memref<5x56x256xf32, #tpu.memory_space<vmem>>, vector<1x8x256xf32>
      %swap3A_212 = vector.shape_cast %swap3A_211 : vector<1x8x256xf32> to vector<8x256xf32>
      %swap3A_213 = vector.shape_cast %reduce_sum3A_207 : vector<8x256xf32> to vector<1x8x256xf32>
      tpu.vector_store %arg14[%swap3A_208, %swap3A_209, %swap3A_210], %swap3A_213 {strides = array<i32>} : memref<5x56x256xf32, #tpu.memory_space<vmem>>, vector<1x8x256xf32>,
      %broadcast_in_dim3A_214 = vector.shape_cast %get3A_86 : vector<128x256xf32> to vector<1x128x256xf32>
      %mul3A_215 = vector.broadcast %broadcast_in_dim3A_214 : vector<1x128x256xf32> to vector<8x128x256xf32>
      %mul3A_216 = arith.mulf %get3A_191, %mul3A_215 : vector<8x128x256xf32>
      %reduce_sum3A_217 = arith.constant dense<0.000000e+00> : vector<8x256xf32>
      %reduce_sum3A_218 = vector.multi_reduction <add>, %mul3A_216, %reduce_sum3A_217 [1] : vector<8x128x256xf32> to vector<8x256xf32>
      %swap3A_219 = arith.constant 2 : index
      %swap3A_220 = arith.constant 0 : index
      %swap3A_221 = arith.constant 0 : index
      %swap3A_222 = vector.load %arg14[%swap3A_219, %swap3A_220, %swap3A_221] : memref<5x56x256xf32, #tpu.memory_space<vmem>>, vector<1x8x256xf32>
      %swap3A_223 = vector.shape_cast %swap3A_222 : vector<1x8x256xf32> to vector<8x256xf32>
      %swap3A_224 = vector.shape_cast %reduce_sum3A_218 : vector<8x256xf32> to vector<1x8x256xf32>
      tpu.vector_store %arg14[%swap3A_219, %swap3A_220, %swap3A_221], %swap3A_224 {strides = array<i32>} : memref<5x56x256xf32, #tpu.memory_space<vmem>>, vector<1x8x256xf32>,
      %broadcast_in_dim3A_225 = vector.shape_cast %get3A_92 : vector<128x256xf32> to vector<1x128x256xf32>
      %mul3A_226 = vector.broadcast %broadcast_in_dim3A_225 : vector<1x128x256xf32> to vector<8x128x256xf32>
      %mul3A_227 = arith.mulf %get3A_191, %mul3A_226 : vector<8x128x256xf32>
      %reduce_sum3A_228 = arith.constant dense<0.000000e+00> : vector<8x256xf32>
      %reduce_sum3A_229 = vector.multi_reduction <add>, %mul3A_227, %reduce_sum3A_228 [1] : vector<8x128x256xf32> to vector<8x256xf32>
      %swap3A_230 = arith.constant 3 : index
      %swap3A_231 = arith.constant 0 : index
      %swap3A_232 = arith.constant 0 : index
      %swap3A_233 = vector.load %arg14[%swap3A_230, %swap3A_231, %swap3A_232] : memref<5x56x256xf32, #tpu.memory_space<vmem>>, vector<1x8x256xf32>
      %swap3A_234 = vector.shape_cast %swap3A_233 : vector<1x8x256xf32> to vector<8x256xf32>
      %swap3A_235 = vector.shape_cast %reduce_sum3A_229 : vector<8x256xf32> to vector<1x8x256xf32>
      tpu.vector_store %arg14[%swap3A_230, %swap3A_231, %swap3A_232], %swap3A_235 {strides = array<i32>} : memref<5x56x256xf32, #tpu.memory_space<vmem>>, vector<1x8x256xf32>,
      %broadcast_in_dim3A_236 = vector.shape_cast %get3A_98 : vector<128x256xf32> to vector<1x128x256xf32>
      %mul3A_237 = vector.broadcast %broadcast_in_dim3A_236 : vector<1x128x256xf32> to vector<8x128x256xf32>
      %mul3A_238 = arith.mulf %get3A_191, %mul3A_237 : vector<8x128x256xf32>
      %reduce_sum3A_239 = arith.constant dense<0.000000e+00> : vector<8x256xf32>
      %reduce_sum3A_240 = vector.multi_reduction <add>, %mul3A_238, %reduce_sum3A_239 [1] : vector<8x128x256xf32> to vector<8x256xf32>
      %swap3A_241 = arith.constant 4 : index
      %swap3A_242 = arith.constant 0 : index
      %swap3A_243 = arith.constant 0 : index
      %swap3A_244 = vector.load %arg14[%swap3A_241, %swap3A_242, %swap3A_243] : memref<5x56x256xf32, #tpu.memory_space<vmem>>, vector<1x8x256xf32>
      %swap3A_245 = vector.shape_cast %swap3A_244 : vector<1x8x256xf32> to vector<8x256xf32>
      %swap3A_246 = vector.shape_cast %reduce_sum3A_240 : vector<8x256xf32> to vector<1x8x256xf32>
      tpu.vector_store %arg14[%swap3A_241, %swap3A_242, %swap3A_243], %swap3A_246 {strides = array<i32>} : memref<5x56x256xf32, #tpu.memory_space<vmem>>, vector<1x8x256xf32>,
    } else {
    }
    %ge3A_103 = arith.constant 8 : i32
    %ge3A_104 = arith.cmpi sge, %arg0, %ge3A_103 : i32
    %convert_element_type3A_105 = arith.extui %ge3A_104 : i1 to i32
    %cond3A_106 = arith.constant 0 : i32
    %cond3A_107 = arith.cmpi ne, %convert_element_type3A_105, %cond3A_106 : i32
    scf.if %cond3A_107 {
      %get3A_188 = arith.constant 8 : index
      %get3A_189 = arith.constant 0 : index
      %get3A_190 = arith.constant 0 : index
      %get3A_191 = vector.load %arg12[%get3A_188, %get3A_189, %get3A_190] : memref<56x128x256xf32, #tpu.memory_space<vmem>>, vector<8x128x256xf32>
      %broadcast_in_dim3A_192 = vector.shape_cast %get3A_74 : vector<128x256xf32> to vector<1x128x256xf32>
      %mul3A_193 = vector.broadcast %broadcast_in_dim3A_192 : vector<1x128x256xf32> to vector<8x128x256xf32>
      %mul3A_194 = arith.mulf %get3A_191, %mul3A_193 : vector<8x128x256xf32>
      %reduce_sum3A_195 = arith.constant dense<0.000000e+00> : vector<8x256xf32>
      %reduce_sum3A_196 = vector.multi_reduction <add>, %mul3A_194, %reduce_sum3A_195 [1] : vector<8x128x256xf32> to vector<8x256xf32>
      %swap3A_197 = arith.constant 0 : index
      %swap3A_198 = arith.constant 8 : index
      %swap3A_199 = arith.constant 0 : index
      %swap3A_200 = vector.load %arg14[%swap3A_197, %swap3A_198, %swap3A_199] : memref<5x56x256xf32, #tpu.memory_space<vmem>>, vector<1x8x256xf32>
      %swap3A_201 = vector.shape_cast %swap3A_200 : vector<1x8x256xf32> to vector<8x256xf32>
      %swap3A_202 = vector.shape_cast %reduce_sum3A_196 : vector<8x256xf32> to vector<1x8x256xf32>
      tpu.vector_store %arg14[%swap3A_197, %swap3A_198, %swap3A_199], %swap3A_202 {strides = array<i32>} : memref<5x56x256xf32, #tpu.memory_space<vmem>>, vector<1x8x256xf32>,
      %broadcast_in_dim3A_203 = vector.shape_cast %get3A_80 : vector<128x256xf32> to vector<1x128x256xf32>
      %mul3A_204 = vector.broadcast %broadcast_in_dim3A_203 : vector<1x128x256xf32> to vector<8x128x256xf32>
      %mul3A_205 = arith.mulf %get3A_191, %mul3A_204 : vector<8x128x256xf32>
      %reduce_sum3A_206 = arith.constant dense<0.000000e+00> : vector<8x256xf32>
      %reduce_sum3A_207 = vector.multi_reduction <add>, %mul3A_205, %reduce_sum3A_206 [1] : vector<8x128x256xf32> to vector<8x256xf32>
      %swap3A_208 = arith.constant 1 : index
      %swap3A_209 = arith.constant 8 : index
      %swap3A_210 = arith.constant 0 : index
      %swap3A_211 = vector.load %arg14[%swap3A_208, %swap3A_209, %swap3A_210] : memref<5x56x256xf32, #tpu.memory_space<vmem>>, vector<1x8x256xf32>
      %swap3A_212 = vector.shape_cast %swap3A_211 : vector<1x8x256xf32> to vector<8x256xf32>
      %swap3A_213 = vector.shape_cast %reduce_sum3A_207 : vector<8x256xf32> to vector<1x8x256xf32>
      tpu.vector_store %arg14[%swap3A_208, %swap3A_209, %swap3A_210], %swap3A_213 {strides = array<i32>} : memref<5x56x256xf32, #tpu.memory_space<vmem>>, vector<1x8x256xf32>,
      %broadcast_in_dim3A_214 = vector.shape_cast %get3A_86 : vector<128x256xf32> to vector<1x128x256xf32>
      %mul3A_215 = vector.broadcast %broadcast_in_dim3A_214 : vector<1x128x256xf32> to vector<8x128x256xf32>
      %mul3A_216 = arith.mulf %get3A_191, %mul3A_215 : vector<8x128x256xf32>
      %reduce_sum3A_217 = arith.constant dense<0.000000e+00> : vector<8x256xf32>
      %reduce_sum3A_218 = vector.multi_reduction <add>, %mul3A_216, %reduce_sum3A_217 [1] : vector<8x128x256xf32> to vector<8x256xf32>
      %swap3A_219 = arith.constant 2 : index
      %swap3A_220 = arith.constant 8 : index
      %swap3A_221 = arith.constant 0 : index
      %swap3A_222 = vector.load %arg14[%swap3A_219, %swap3A_220, %swap3A_221] : memref<5x56x256xf32, #tpu.memory_space<vmem>>, vector<1x8x256xf32>
      %swap3A_223 = vector.shape_cast %swap3A_222 : vector<1x8x256xf32> to vector<8x256xf32>
      %swap3A_224 = vector.shape_cast %reduce_sum3A_218 : vector<8x256xf32> to vector<1x8x256xf32>
      tpu.vector_store %arg14[%swap3A_219, %swap3A_220, %swap3A_221], %swap3A_224 {strides = array<i32>} : memref<5x56x256xf32, #tpu.memory_space<vmem>>, vector<1x8x256xf32>,
      %broadcast_in_dim3A_225 = vector.shape_cast %get3A_92 : vector<128x256xf32> to vector<1x128x256xf32>
      %mul3A_226 = vector.broadcast %broadcast_in_dim3A_225 : vector<1x128x256xf32> to vector<8x128x256xf32>
      %mul3A_227 = arith.mulf %get3A_191, %mul3A_226 : vector<8x128x256xf32>
      %reduce_sum3A_228 = arith.constant dense<0.000000e+00> : vector<8x256xf32>
      %reduce_sum3A_229 = vector.multi_reduction <add>, %mul3A_227, %reduce_sum3A_228 [1] : vector<8x128x256xf32> to vector<8x256xf32>
      %swap3A_230 = arith.constant 3 : index
      %swap3A_231 = arith.constant 8 : index
      %swap3A_232 = arith.constant 0 : index
      %swap3A_233 = vector.load %arg14[%swap3A_230, %swap3A_231, %swap3A_232] : memref<5x56x256xf32, #tpu.memory_space<vmem>>, vector<1x8x256xf32>
      %swap3A_234 = vector.shape_cast %swap3A_233 : vector<1x8x256xf32> to vector<8x256xf32>
      %swap3A_235 = vector.shape_cast %reduce_sum3A_229 : vector<8x256xf32> to vector<1x8x256xf32>
      tpu.vector_store %arg14[%swap3A_230, %swap3A_231, %swap3A_232], %swap3A_235 {strides = array<i32>} : memref<5x56x256xf32, #tpu.memory_space<vmem>>, vector<1x8x256xf32>,
      %broadcast_in_dim3A_236 = vector.shape_cast %get3A_98 : vector<128x256xf32> to vector<1x128x256xf32>
      %mul3A_237 = vector.broadcast %broadcast_in_dim3A_236 : vector<1x128x256xf32> to vector<8x128x256xf32>
      %mul3A_238 = arith.mulf %get3A_191, %mul3A_237 : vector<8x128x256xf32>
      %reduce_sum3A_239 = arith.constant dense<0.000000e+00> : vector<8x256xf32>
      %reduce_sum3A_240 = vector.multi_reduction <add>, %mul3A_238, %reduce_sum3A_239 [1] : vector<8x128x256xf32> to vector<8x256xf32>
      %swap3A_241 = arith.constant 4 : index
      %swap3A_242 = arith.constant 8 : index
      %swap3A_243 = arith.constant 0 : index
      %swap3A_244 = vector.load %arg14[%swap3A_241, %swap3A_242, %swap3A_243] : memref<5x56x256xf32, #tpu.memory_space<vmem>>, vector<1x8x256xf32>
      %swap3A_245 = vector.shape_cast %swap3A_244 : vector<1x8x256xf32> to vector<8x256xf32>
      %swap3A_246 = vector.shape_cast %reduce_sum3A_240 : vector<8x256xf32> to vector<1x8x256xf32>
      tpu.vector_store %arg14[%swap3A_241, %swap3A_242, %swap3A_243], %swap3A_246 {strides = array<i32>} : memref<5x56x256xf32, #tpu.memory_space<vmem>>, vector<1x8x256xf32>,
    } else {
    }
    %ge3A_108 = arith.constant 16 : i32
    %ge3A_109 = arith.cmpi sge, %arg0, %ge3A_108 : i32
    %convert_element_type3A_110 = arith.extui %ge3A_109 : i1 to i32
    %cond3A_111 = arith.constant 0 : i32
    %cond3A_112 = arith.cmpi ne, %convert_element_type3A_110, %cond3A_111 : i32
    scf.if %cond3A_112 {
      %get3A_188 = arith.constant 16 : index
      %get3A_189 = arith.constant 0 : index
      %get3A_190 = arith.constant 0 : index
      %get3A_191 = vector.load %arg12[%get3A_188, %get3A_189, %get3A_190] : memref<56x128x256xf32, #tpu.memory_space<vmem>>, vector<8x128x256xf32>
      %broadcast_in_dim3A_192 = vector.shape_cast %get3A_74 : vector<128x256xf32> to vector<1x128x256xf32>
      %mul3A_193 = vector.broadcast %broadcast_in_dim3A_192 : vector<1x128x256xf32> to vector<8x128x256xf32>
      %mul3A_194 = arith.mulf %get3A_191, %mul3A_193 : vector<8x128x256xf32>
      %reduce_sum3A_195 = arith.constant dense<0.000000e+00> : vector<8x256xf32>
      %reduce_sum3A_196 = vector.multi_reduction <add>, %mul3A_194, %reduce_sum3A_195 [1] : vector<8x128x256xf32> to vector<8x256xf32>
      %swap3A_197 = arith.constant 0 : index
      %swap3A_198 = arith.constant 16 : index
      %swap3A_199 = arith.constant 0 : index
      %swap3A_200 = vector.load %arg14[%swap3A_197, %swap3A_198, %swap3A_199] : memref<5x56x256xf32, #tpu.memory_space<vmem>>, vector<1x8x256xf32>
      %swap3A_201 = vector.shape_cast %swap3A_200 : vector<1x8x256xf32> to vector<8x256xf32>
      %swap3A_202 = vector.shape_cast %reduce_sum3A_196 : vector<8x256xf32> to vector<1x8x256xf32>
      tpu.vector_store %arg14[%swap3A_197, %swap3A_198, %swap3A_199], %swap3A_202 {strides = array<i32>} : memref<5x56x256xf32, #tpu.memory_space<vmem>>, vector<1x8x256xf32>,
      %broadcast_in_dim3A_203 = vector.shape_cast %get3A_80 : vector<128x256xf32> to vector<1x128x256xf32>
      %mul3A_204 = vector.broadcast %broadcast_in_dim3A_203 : vector<1x128x256xf32> to vector<8x128x256xf32>
      %mul3A_205 = arith.mulf %get3A_191, %mul3A_204 : vector<8x128x256xf32>
      %reduce_sum3A_206 = arith.constant dense<0.000000e+00> : vector<8x256xf32>
      %reduce_sum3A_207 = vector.multi_reduction <add>, %mul3A_205, %reduce_sum3A_206 [1] : vector<8x128x256xf32> to vector<8x256xf32>
      %swap3A_208 = arith.constant 1 : index
      %swap3A_209 = arith.constant 16 : index
      %swap3A_210 = arith.constant 0 : index
      %swap3A_211 = vector.load %arg14[%swap3A_208, %swap3A_209, %swap3A_210] : memref<5x56x256xf32, #tpu.memory_space<vmem>>, vector<1x8x256xf32>
      %swap3A_212 = vector.shape_cast %swap3A_211 : vector<1x8x256xf32> to vector<8x256xf32>
      %swap3A_213 = vector.shape_cast %reduce_sum3A_207 : vector<8x256xf32> to vector<1x8x256xf32>
      tpu.vector_store %arg14[%swap3A_208, %swap3A_209, %swap3A_210], %swap3A_213 {strides = array<i32>} : memref<5x56x256xf32, #tpu.memory_space<vmem>>, vector<1x8x256xf32>,
      %broadcast_in_dim3A_214 = vector.shape_cast %get3A_86 : vector<128x256xf32> to vector<1x128x256xf32>
      %mul3A_215 = vector.broadcast %broadcast_in_dim3A_214 : vector<1x128x256xf32> to vector<8x128x256xf32>
      %mul3A_216 = arith.mulf %get3A_191, %mul3A_215 : vector<8x128x256xf32>
      %reduce_sum3A_217 = arith.constant dense<0.000000e+00> : vector<8x256xf32>
      %reduce_sum3A_218 = vector.multi_reduction <add>, %mul3A_216, %reduce_sum3A_217 [1] : vector<8x128x256xf32> to vector<8x256xf32>
      %swap3A_219 = arith.constant 2 : index
      %swap3A_220 = arith.constant 16 : index
      %swap3A_221 = arith.constant 0 : index
      %swap3A_222 = vector.load %arg14[%swap3A_219, %swap3A_220, %swap3A_221] : memref<5x56x256xf32, #tpu.memory_space<vmem>>, vector<1x8x256xf32>
      %swap3A_223 = vector.shape_cast %swap3A_222 : vector<1x8x256xf32> to vector<8x256xf32>
      %swap3A_224 = vector.shape_cast %reduce_sum3A_218 : vector<8x256xf32> to vector<1x8x256xf32>
      tpu.vector_store %arg14[%swap3A_219, %swap3A_220, %swap3A_221], %swap3A_224 {strides = array<i32>} : memref<5x56x256xf32, #tpu.memory_space<vmem>>, vector<1x8x256xf32>,
      %broadcast_in_dim3A_225 = vector.shape_cast %get3A_92 : vector<128x256xf32> to vector<1x128x256xf32>
      %mul3A_226 = vector.broadcast %broadcast_in_dim3A_225 : vector<1x128x256xf32> to vector<8x128x256xf32>
      %mul3A_227 = arith.mulf %get3A_191, %mul3A_226 : vector<8x128x256xf32>
      %reduce_sum3A_228 = arith.constant dense<0.000000e+00> : vector<8x256xf32>
      %reduce_sum3A_229 = vector.multi_reduction <add>, %mul3A_227, %reduce_sum3A_228 [1] : vector<8x128x256xf32> to vector<8x256xf32>
      %swap3A_230 = arith.constant 3 : index
      %swap3A_231 = arith.constant 16 : index
      %swap3A_232 = arith.constant 0 : index
      %swap3A_233 = vector.load %arg14[%swap3A_230, %swap3A_231, %swap3A_232] : memref<5x56x256xf32, #tpu.memory_space<vmem>>, vector<1x8x256xf32>
      %swap3A_234 = vector.shape_cast %swap3A_233 : vector<1x8x256xf32> to vector<8x256xf32>
      %swap3A_235 = vector.shape_cast %reduce_sum3A_229 : vector<8x256xf32> to vector<1x8x256xf32>
      tpu.vector_store %arg14[%swap3A_230, %swap3A_231, %swap3A_232], %swap3A_235 {strides = array<i32>} : memref<5x56x256xf32, #tpu.memory_space<vmem>>, vector<1x8x256xf32>,
      %broadcast_in_dim3A_236 = vector.shape_cast %get3A_98 : vector<128x256xf32> to vector<1x128x256xf32>
      %mul3A_237 = vector.broadcast %broadcast_in_dim3A_236 : vector<1x128x256xf32> to vector<8x128x256xf32>
      %mul3A_238 = arith.mulf %get3A_191, %mul3A_237 : vector<8x128x256xf32>
      %reduce_sum3A_239 = arith.constant dense<0.000000e+00> : vector<8x256xf32>
      %reduce_sum3A_240 = vector.multi_reduction <add>, %mul3A_238, %reduce_sum3A_239 [1] : vector<8x128x256xf32> to vector<8x256xf32>
      %swap3A_241 = arith.constant 4 : index
      %swap3A_242 = arith.constant 16 : index
      %swap3A_243 = arith.constant 0 : index
      %swap3A_244 = vector.load %arg14[%swap3A_241, %swap3A_242, %swap3A_243] : memref<5x56x256xf32, #tpu.memory_space<vmem>>, vector<1x8x256xf32>
      %swap3A_245 = vector.shape_cast %swap3A_244 : vector<1x8x256xf32> to vector<8x256xf32>
      %swap3A_246 = vector.shape_cast %reduce_sum3A_240 : vector<8x256xf32> to vector<1x8x256xf32>
      tpu.vector_store %arg14[%swap3A_241, %swap3A_242, %swap3A_243], %swap3A_246 {strides = array<i32>} : memref<5x56x256xf32, #tpu.memory_space<vmem>>, vector<1x8x256xf32>,
    } else {
    }
    %ge3A_113 = arith.constant 24 : i32
    %ge3A_114 = arith.cmpi sge, %arg0, %ge3A_113 : i32
    %convert_element_type3A_115 = arith.extui %ge3A_114 : i1 to i32
    %cond3A_116 = arith.constant 0 : i32
    %cond3A_117 = arith.cmpi ne, %convert_element_type3A_115, %cond3A_116 : i32
    scf.if %cond3A_117 {
      %get3A_188 = arith.constant 24 : index
      %get3A_189 = arith.constant 0 : index
      %get3A_190 = arith.constant 0 : index
      %get3A_191 = vector.load %arg12[%get3A_188, %get3A_189, %get3A_190] : memref<56x128x256xf32, #tpu.memory_space<vmem>>, vector<8x128x256xf32>
      %broadcast_in_dim3A_192 = vector.shape_cast %get3A_74 : vector<128x256xf32> to vector<1x128x256xf32>
      %mul3A_193 = vector.broadcast %broadcast_in_dim3A_192 : vector<1x128x256xf32> to vector<8x128x256xf32>
      %mul3A_194 = arith.mulf %get3A_191, %mul3A_193 : vector<8x128x256xf32>
      %reduce_sum3A_195 = arith.constant dense<0.000000e+00> : vector<8x256xf32>
      %reduce_sum3A_196 = vector.multi_reduction <add>, %mul3A_194, %reduce_sum3A_195 [1] : vector<8x128x256xf32> to vector<8x256xf32>
      %swap3A_197 = arith.constant 0 : index
      %swap3A_198 = arith.constant 24 : index
      %swap3A_199 = arith.constant 0 : index
      %swap3A_200 = vector.load %arg14[%swap3A_197, %swap3A_198, %swap3A_199] : memref<5x56x256xf32, #tpu.memory_space<vmem>>, vector<1x8x256xf32>
      %swap3A_201 = vector.shape_cast %swap3A_200 : vector<1x8x256xf32> to vector<8x256xf32>
      %swap3A_202 = vector.shape_cast %reduce_sum3A_196 : vector<8x256xf32> to vector<1x8x256xf32>
      tpu.vector_store %arg14[%swap3A_197, %swap3A_198, %swap3A_199], %swap3A_202 {strides = array<i32>} : memref<5x56x256xf32, #tpu.memory_space<vmem>>, vector<1x8x256xf32>,
      %broadcast_in_dim3A_203 = vector.shape_cast %get3A_80 : vector<128x256xf32> to vector<1x128x256xf32>
      %mul3A_204 = vector.broadcast %broadcast_in_dim3A_203 : vector<1x128x256xf32> to vector<8x128x256xf32>
      %mul3A_205 = arith.mulf %get3A_191, %mul3A_204 : vector<8x128x256xf32>
      %reduce_sum3A_206 = arith.constant dense<0.000000e+00> : vector<8x256xf32>
      %reduce_sum3A_207 = vector.multi_reduction <add>, %mul3A_205, %reduce_sum3A_206 [1] : vector<8x128x256xf32> to vector<8x256xf32>
      %swap3A_208 = arith.constant 1 : index
      %swap3A_209 = arith.constant 24 : index
      %swap3A_210 = arith.constant 0 : index
      %swap3A_211 = vector.load %arg14[%swap3A_208, %swap3A_209, %swap3A_210] : memref<5x56x256xf32, #tpu.memory_space<vmem>>, vector<1x8x256xf32>
      %swap3A_212 = vector.shape_cast %swap3A_211 : vector<1x8x256xf32> to vector<8x256xf32>
      %swap3A_213 = vector.shape_cast %reduce_sum3A_207 : vector<8x256xf32> to vector<1x8x256xf32>
      tpu.vector_store %arg14[%swap3A_208, %swap3A_209, %swap3A_210], %swap3A_213 {strides = array<i32>} : memref<5x56x256xf32, #tpu.memory_space<vmem>>, vector<1x8x256xf32>,
      %broadcast_in_dim3A_214 = vector.shape_cast %get3A_86 : vector<128x256xf32> to vector<1x128x256xf32>
      %mul3A_215 = vector.broadcast %broadcast_in_dim3A_214 : vector<1x128x256xf32> to vector<8x128x256xf32>
      %mul3A_216 = arith.mulf %get3A_191, %mul3A_215 : vector<8x128x256xf32>
      %reduce_sum3A_217 = arith.constant dense<0.000000e+00> : vector<8x256xf32>
      %reduce_sum3A_218 = vector.multi_reduction <add>, %mul3A_216, %reduce_sum3A_217 [1] : vector<8x128x256xf32> to vector<8x256xf32>
      %swap3A_219 = arith.constant 2 : index
      %swap3A_220 = arith.constant 24 : index
      %swap3A_221 = arith.constant 0 : index
      %swap3A_222 = vector.load %arg14[%swap3A_219, %swap3A_220, %swap3A_221] : memref<5x56x256xf32, #tpu.memory_space<vmem>>, vector<1x8x256xf32>
      %swap3A_223 = vector.shape_cast %swap3A_222 : vector<1x8x256xf32> to vector<8x256xf32>
      %swap3A_224 = vector.shape_cast %reduce_sum3A_218 : vector<8x256xf32> to vector<1x8x256xf32>
      tpu.vector_store %arg14[%swap3A_219, %swap3A_220, %swap3A_221], %swap3A_224 {strides = array<i32>} : memref<5x56x256xf32, #tpu.memory_space<vmem>>, vector<1x8x256xf32>,
      %broadcast_in_dim3A_225 = vector.shape_cast %get3A_92 : vector<128x256xf32> to vector<1x128x256xf32>
      %mul3A_226 = vector.broadcast %broadcast_in_dim3A_225 : vector<1x128x256xf32> to vector<8x128x256xf32>
      %mul3A_227 = arith.mulf %get3A_191, %mul3A_226 : vector<8x128x256xf32>
      %reduce_sum3A_228 = arith.constant dense<0.000000e+00> : vector<8x256xf32>
      %reduce_sum3A_229 = vector.multi_reduction <add>, %mul3A_227, %reduce_sum3A_228 [1] : vector<8x128x256xf32> to vector<8x256xf32>
      %swap3A_230 = arith.constant 3 : index
      %swap3A_231 = arith.constant 24 : index
      %swap3A_232 = arith.constant 0 : index
      %swap3A_233 = vector.load %arg14[%swap3A_230, %swap3A_231, %swap3A_232] : memref<5x56x256xf32, #tpu.memory_space<vmem>>, vector<1x8x256xf32>
      %swap3A_234 = vector.shape_cast %swap3A_233 : vector<1x8x256xf32> to vector<8x256xf32>
      %swap3A_235 = vector.shape_cast %reduce_sum3A_229 : vector<8x256xf32> to vector<1x8x256xf32>
      tpu.vector_store %arg14[%swap3A_230, %swap3A_231, %swap3A_232], %swap3A_235 {strides = array<i32>} : memref<5x56x256xf32, #tpu.memory_space<vmem>>, vector<1x8x256xf32>,
      %broadcast_in_dim3A_236 = vector.shape_cast %get3A_98 : vector<128x256xf32> to vector<1x128x256xf32>
      %mul3A_237 = vector.broadcast %broadcast_in_dim3A_236 : vector<1x128x256xf32> to vector<8x128x256xf32>
      %mul3A_238 = arith.mulf %get3A_191, %mul3A_237 : vector<8x128x256xf32>
      %reduce_sum3A_239 = arith.constant dense<0.000000e+00> : vector<8x256xf32>
      %reduce_sum3A_240 = vector.multi_reduction <add>, %mul3A_238, %reduce_sum3A_239 [1] : vector<8x128x256xf32> to vector<8x256xf32>
      %swap3A_241 = arith.constant 4 : index
      %swap3A_242 = arith.constant 24 : index
      %swap3A_243 = arith.constant 0 : index
      %swap3A_244 = vector.load %arg14[%swap3A_241, %swap3A_242, %swap3A_243] : memref<5x56x256xf32, #tpu.memory_space<vmem>>, vector<1x8x256xf32>
      %swap3A_245 = vector.shape_cast %swap3A_244 : vector<1x8x256xf32> to vector<8x256xf32>
      %swap3A_246 = vector.shape_cast %reduce_sum3A_240 : vector<8x256xf32> to vector<1x8x256xf32>
      tpu.vector_store %arg14[%swap3A_241, %swap3A_242, %swap3A_243], %swap3A_246 {strides = array<i32>} : memref<5x56x256xf32, #tpu.memory_space<vmem>>, vector<1x8x256xf32>,
    } else {
    }
    %ge3A_118 = arith.constant 32 : i32
    %ge3A_119 = arith.cmpi sge, %arg0, %ge3A_118 : i32
    %convert_element_type3A_120 = arith.extui %ge3A_119 : i1 to i32
    %cond3A_121 = arith.constant 0 : i32
    %cond3A_122 = arith.cmpi ne, %convert_element_type3A_120, %cond3A_121 : i32
    scf.if %cond3A_122 {
      %get3A_188 = arith.constant 32 : index
      %get3A_189 = arith.constant 0 : index
      %get3A_190 = arith.constant 0 : index
      %get3A_191 = vector.load %arg12[%get3A_188, %get3A_189, %get3A_190] : memref<56x128x256xf32, #tpu.memory_space<vmem>>, vector<8x128x256xf32>
      %broadcast_in_dim3A_192 = vector.shape_cast %get3A_74 : vector<128x256xf32> to vector<1x128x256xf32>
      %mul3A_193 = vector.broadcast %broadcast_in_dim3A_192 : vector<1x128x256xf32> to vector<8x128x256xf32>
      %mul3A_194 = arith.mulf %get3A_191, %mul3A_193 : vector<8x128x256xf32>
      %reduce_sum3A_195 = arith.constant dense<0.000000e+00> : vector<8x256xf32>
      %reduce_sum3A_196 = vector.multi_reduction <add>, %mul3A_194, %reduce_sum3A_195 [1] : vector<8x128x256xf32> to vector<8x256xf32>
      %swap3A_197 = arith.constant 0 : index
      %swap3A_198 = arith.constant 32 : index
      %swap3A_199 = arith.constant 0 : index
      %swap3A_200 = vector.load %arg14[%swap3A_197, %swap3A_198, %swap3A_199] : memref<5x56x256xf32, #tpu.memory_space<vmem>>, vector<1x8x256xf32>
      %swap3A_201 = vector.shape_cast %swap3A_200 : vector<1x8x256xf32> to vector<8x256xf32>
      %swap3A_202 = vector.shape_cast %reduce_sum3A_196 : vector<8x256xf32> to vector<1x8x256xf32>
      tpu.vector_store %arg14[%swap3A_197, %swap3A_198, %swap3A_199], %swap3A_202 {strides = array<i32>} : memref<5x56x256xf32, #tpu.memory_space<vmem>>, vector<1x8x256xf32>,
      %broadcast_in_dim3A_203 = vector.shape_cast %get3A_80 : vector<128x256xf32> to vector<1x128x256xf32>
      %mul3A_204 = vector.broadcast %broadcast_in_dim3A_203 : vector<1x128x256xf32> to vector<8x128x256xf32>
      %mul3A_205 = arith.mulf %get3A_191, %mul3A_204 : vector<8x128x256xf32>
      %reduce_sum3A_206 = arith.constant dense<0.000000e+00> : vector<8x256xf32>
      %reduce_sum3A_207 = vector.multi_reduction <add>, %mul3A_205, %reduce_sum3A_206 [1] : vector<8x128x256xf32> to vector<8x256xf32>
      %swap3A_208 = arith.constant 1 : index
      %swap3A_209 = arith.constant 32 : index
      %swap3A_210 = arith.constant 0 : index
      %swap3A_211 = vector.load %arg14[%swap3A_208, %swap3A_209, %swap3A_210] : memref<5x56x256xf32, #tpu.memory_space<vmem>>, vector<1x8x256xf32>
      %swap3A_212 = vector.shape_cast %swap3A_211 : vector<1x8x256xf32> to vector<8x256xf32>
      %swap3A_213 = vector.shape_cast %reduce_sum3A_207 : vector<8x256xf32> to vector<1x8x256xf32>
      tpu.vector_store %arg14[%swap3A_208, %swap3A_209, %swap3A_210], %swap3A_213 {strides = array<i32>} : memref<5x56x256xf32, #tpu.memory_space<vmem>>, vector<1x8x256xf32>,
      %broadcast_in_dim3A_214 = vector.shape_cast %get3A_86 : vector<128x256xf32> to vector<1x128x256xf32>
      %mul3A_215 = vector.broadcast %broadcast_in_dim3A_214 : vector<1x128x256xf32> to vector<8x128x256xf32>
      %mul3A_216 = arith.mulf %get3A_191, %mul3A_215 : vector<8x128x256xf32>
      %reduce_sum3A_217 = arith.constant dense<0.000000e+00> : vector<8x256xf32>
      %reduce_sum3A_218 = vector.multi_reduction <add>, %mul3A_216, %reduce_sum3A_217 [1] : vector<8x128x256xf32> to vector<8x256xf32>
      %swap3A_219 = arith.constant 2 : index
      %swap3A_220 = arith.constant 32 : index
      %swap3A_221 = arith.constant 0 : index
      %swap3A_222 = vector.load %arg14[%swap3A_219, %swap3A_220, %swap3A_221] : memref<5x56x256xf32, #tpu.memory_space<vmem>>, vector<1x8x256xf32>
      %swap3A_223 = vector.shape_cast %swap3A_222 : vector<1x8x256xf32> to vector<8x256xf32>
      %swap3A_224 = vector.shape_cast %reduce_sum3A_218 : vector<8x256xf32> to vector<1x8x256xf32>
      tpu.vector_store %arg14[%swap3A_219, %swap3A_220, %swap3A_221], %swap3A_224 {strides = array<i32>} : memref<5x56x256xf32, #tpu.memory_space<vmem>>, vector<1x8x256xf32>,
      %broadcast_in_dim3A_225 = vector.shape_cast %get3A_92 : vector<128x256xf32> to vector<1x128x256xf32>
      %mul3A_226 = vector.broadcast %broadcast_in_dim3A_225 : vector<1x128x256xf32> to vector<8x128x256xf32>
      %mul3A_227 = arith.mulf %get3A_191, %mul3A_226 : vector<8x128x256xf32>
      %reduce_sum3A_228 = arith.constant dense<0.000000e+00> : vector<8x256xf32>
      %reduce_sum3A_229 = vector.multi_reduction <add>, %mul3A_227, %reduce_sum3A_228 [1] : vector<8x128x256xf32> to vector<8x256xf32>
      %swap3A_230 = arith.constant 3 : index
      %swap3A_231 = arith.constant 32 : index
      %swap3A_232 = arith.constant 0 : index
      %swap3A_233 = vector.load %arg14[%swap3A_230, %swap3A_231, %swap3A_232] : memref<5x56x256xf32, #tpu.memory_space<vmem>>, vector<1x8x256xf32>
      %swap3A_234 = vector.shape_cast %swap3A_233 : vector<1x8x256xf32> to vector<8x256xf32>
      %swap3A_235 = vector.shape_cast %reduce_sum3A_229 : vector<8x256xf32> to vector<1x8x256xf32>
      tpu.vector_store %arg14[%swap3A_230, %swap3A_231, %swap3A_232], %swap3A_235 {strides = array<i32>} : memref<5x56x256xf32, #tpu.memory_space<vmem>>, vector<1x8x256xf32>,
      %broadcast_in_dim3A_236 = vector.shape_cast %get3A_98 : vector<128x256xf32> to vector<1x128x256xf32>
      %mul3A_237 = vector.broadcast %broadcast_in_dim3A_236 : vector<1x128x256xf32> to vector<8x128x256xf32>
      %mul3A_238 = arith.mulf %get3A_191, %mul3A_237 : vector<8x128x256xf32>
      %reduce_sum3A_239 = arith.constant dense<0.000000e+00> : vector<8x256xf32>
      %reduce_sum3A_240 = vector.multi_reduction <add>, %mul3A_238, %reduce_sum3A_239 [1] : vector<8x128x256xf32> to vector<8x256xf32>
      %swap3A_241 = arith.constant 4 : index
      %swap3A_242 = arith.constant 32 : index
      %swap3A_243 = arith.constant 0 : index
      %swap3A_244 = vector.load %arg14[%swap3A_241, %swap3A_242, %swap3A_243] : memref<5x56x256xf32, #tpu.memory_space<vmem>>, vector<1x8x256xf32>
      %swap3A_245 = vector.shape_cast %swap3A_244 : vector<1x8x256xf32> to vector<8x256xf32>
      %swap3A_246 = vector.shape_cast %reduce_sum3A_240 : vector<8x256xf32> to vector<1x8x256xf32>
      tpu.vector_store %arg14[%swap3A_241, %swap3A_242, %swap3A_243], %swap3A_246 {strides = array<i32>} : memref<5x56x256xf32, #tpu.memory_space<vmem>>, vector<1x8x256xf32>,
    } else {
    }
    %ge3A_123 = arith.constant 40 : i32
    %ge3A_124 = arith.cmpi sge, %arg0, %ge3A_123 : i32
    %convert_element_type3A_125 = arith.extui %ge3A_124 : i1 to i32
    %cond3A_126 = arith.constant 0 : i32
    %cond3A_127 = arith.cmpi ne, %convert_element_type3A_125, %cond3A_126 : i32
    scf.if %cond3A_127 {
      %get3A_188 = arith.constant 40 : index
      %get3A_189 = arith.constant 0 : index
      %get3A_190 = arith.constant 0 : index
      %get3A_191 = vector.load %arg12[%get3A_188, %get3A_189, %get3A_190] : memref<56x128x256xf32, #tpu.memory_space<vmem>>, vector<8x128x256xf32>
      %broadcast_in_dim3A_192 = vector.shape_cast %get3A_74 : vector<128x256xf32> to vector<1x128x256xf32>
      %mul3A_193 = vector.broadcast %broadcast_in_dim3A_192 : vector<1x128x256xf32> to vector<8x128x256xf32>
      %mul3A_194 = arith.mulf %get3A_191, %mul3A_193 : vector<8x128x256xf32>
      %reduce_sum3A_195 = arith.constant dense<0.000000e+00> : vector<8x256xf32>
      %reduce_sum3A_196 = vector.multi_reduction <add>, %mul3A_194, %reduce_sum3A_195 [1] : vector<8x128x256xf32> to vector<8x256xf32>
      %swap3A_197 = arith.constant 0 : index
      %swap3A_198 = arith.constant 40 : index
      %swap3A_199 = arith.constant 0 : index
      %swap3A_200 = vector.load %arg14[%swap3A_197, %swap3A_198, %swap3A_199] : memref<5x56x256xf32, #tpu.memory_space<vmem>>, vector<1x8x256xf32>
      %swap3A_201 = vector.shape_cast %swap3A_200 : vector<1x8x256xf32> to vector<8x256xf32>
      %swap3A_202 = vector.shape_cast %reduce_sum3A_196 : vector<8x256xf32> to vector<1x8x256xf32>
      tpu.vector_store %arg14[%swap3A_197, %swap3A_198, %swap3A_199], %swap3A_202 {strides = array<i32>} : memref<5x56x256xf32, #tpu.memory_space<vmem>>, vector<1x8x256xf32>,
      %broadcast_in_dim3A_203 = vector.shape_cast %get3A_80 : vector<128x256xf32> to vector<1x128x256xf32>
      %mul3A_204 = vector.broadcast %broadcast_in_dim3A_203 : vector<1x128x256xf32> to vector<8x128x256xf32>
      %mul3A_205 = arith.mulf %get3A_191, %mul3A_204 : vector<8x128x256xf32>
      %reduce_sum3A_206 = arith.constant dense<0.000000e+00> : vector<8x256xf32>
      %reduce_sum3A_207 = vector.multi_reduction <add>, %mul3A_205, %reduce_sum3A_206 [1] : vector<8x128x256xf32> to vector<8x256xf32>
      %swap3A_208 = arith.constant 1 : index
      %swap3A_209 = arith.constant 40 : index
      %swap3A_210 = arith.constant 0 : index
      %swap3A_211 = vector.load %arg14[%swap3A_208, %swap3A_209, %swap3A_210] : memref<5x56x256xf32, #tpu.memory_space<vmem>>, vector<1x8x256xf32>
      %swap3A_212 = vector.shape_cast %swap3A_211 : vector<1x8x256xf32> to vector<8x256xf32>
      %swap3A_213 = vector.shape_cast %reduce_sum3A_207 : vector<8x256xf32> to vector<1x8x256xf32>
      tpu.vector_store %arg14[%swap3A_208, %swap3A_209, %swap3A_210], %swap3A_213 {strides = array<i32>} : memref<5x56x256xf32, #tpu.memory_space<vmem>>, vector<1x8x256xf32>,
      %broadcast_in_dim3A_214 = vector.shape_cast %get3A_86 : vector<128x256xf32> to vector<1x128x256xf32>
      %mul3A_215 = vector.broadcast %broadcast_in_dim3A_214 : vector<1x128x256xf32> to vector<8x128x256xf32>
      %mul3A_216 = arith.mulf %get3A_191, %mul3A_215 : vector<8x128x256xf32>
      %reduce_sum3A_217 = arith.constant dense<0.000000e+00> : vector<8x256xf32>
      %reduce_sum3A_218 = vector.multi_reduction <add>, %mul3A_216, %reduce_sum3A_217 [1] : vector<8x128x256xf32> to vector<8x256xf32>
      %swap3A_219 = arith.constant 2 : index
      %swap3A_220 = arith.constant 40 : index
      %swap3A_221 = arith.constant 0 : index
      %swap3A_222 = vector.load %arg14[%swap3A_219, %swap3A_220, %swap3A_221] : memref<5x56x256xf32, #tpu.memory_space<vmem>>, vector<1x8x256xf32>
      %swap3A_223 = vector.shape_cast %swap3A_222 : vector<1x8x256xf32> to vector<8x256xf32>
      %swap3A_224 = vector.shape_cast %reduce_sum3A_218 : vector<8x256xf32> to vector<1x8x256xf32>
      tpu.vector_store %arg14[%swap3A_219, %swap3A_220, %swap3A_221], %swap3A_224 {strides = array<i32>} : memref<5x56x256xf32, #tpu.memory_space<vmem>>, vector<1x8x256xf32>,
      %broadcast_in_dim3A_225 = vector.shape_cast %get3A_92 : vector<128x256xf32> to vector<1x128x256xf32>
      %mul3A_226 = vector.broadcast %broadcast_in_dim3A_225 : vector<1x128x256xf32> to vector<8x128x256xf32>
      %mul3A_227 = arith.mulf %get3A_191, %mul3A_226 : vector<8x128x256xf32>
      %reduce_sum3A_228 = arith.constant dense<0.000000e+00> : vector<8x256xf32>
      %reduce_sum3A_229 = vector.multi_reduction <add>, %mul3A_227, %reduce_sum3A_228 [1] : vector<8x128x256xf32> to vector<8x256xf32>
      %swap3A_230 = arith.constant 3 : index
      %swap3A_231 = arith.constant 40 : index
      %swap3A_232 = arith.constant 0 : index
      %swap3A_233 = vector.load %arg14[%swap3A_230, %swap3A_231, %swap3A_232] : memref<5x56x256xf32, #tpu.memory_space<vmem>>, vector<1x8x256xf32>
      %swap3A_234 = vector.shape_cast %swap3A_233 : vector<1x8x256xf32> to vector<8x256xf32>
      %swap3A_235 = vector.shape_cast %reduce_sum3A_229 : vector<8x256xf32> to vector<1x8x256xf32>
      tpu.vector_store %arg14[%swap3A_230, %swap3A_231, %swap3A_232], %swap3A_235 {strides = array<i32>} : memref<5x56x256xf32, #tpu.memory_space<vmem>>, vector<1x8x256xf32>,
      %broadcast_in_dim3A_236 = vector.shape_cast %get3A_98 : vector<128x256xf32> to vector<1x128x256xf32>
      %mul3A_237 = vector.broadcast %broadcast_in_dim3A_236 : vector<1x128x256xf32> to vector<8x128x256xf32>
      %mul3A_238 = arith.mulf %get3A_191, %mul3A_237 : vector<8x128x256xf32>
      %reduce_sum3A_239 = arith.constant dense<0.000000e+00> : vector<8x256xf32>
      %reduce_sum3A_240 = vector.multi_reduction <add>, %mul3A_238, %reduce_sum3A_239 [1] : vector<8x128x256xf32> to vector<8x256xf32>
      %swap3A_241 = arith.constant 4 : index
      %swap3A_242 = arith.constant 40 : index
      %swap3A_243 = arith.constant 0 : index
      %swap3A_244 = vector.load %arg14[%swap3A_241, %swap3A_242, %swap3A_243] : memref<5x56x256xf32, #tpu.memory_space<vmem>>, vector<1x8x256xf32>
      %swap3A_245 = vector.shape_cast %swap3A_244 : vector<1x8x256xf32> to vector<8x256xf32>
      %swap3A_246 = vector.shape_cast %reduce_sum3A_240 : vector<8x256xf32> to vector<1x8x256xf32>
      tpu.vector_store %arg14[%swap3A_241, %swap3A_242, %swap3A_243], %swap3A_246 {strides = array<i32>} : memref<5x56x256xf32, #tpu.memory_space<vmem>>, vector<1x8x256xf32>,
    } else {
    }
    %ge3A_128 = arith.constant 48 : i32
    %ge3A_129 = arith.cmpi sge, %arg0, %ge3A_128 : i32
    %convert_element_type3A_130 = arith.extui %ge3A_129 : i1 to i32
    %cond3A_131 = arith.constant 0 : i32
    %cond3A_132 = arith.cmpi ne, %convert_element_type3A_130, %cond3A_131 : i32
    scf.if %cond3A_132 {
      %get3A_188 = arith.constant 48 : index
      %get3A_189 = arith.constant 0 : index
      %get3A_190 = arith.constant 0 : index
      %get3A_191 = vector.load %arg12[%get3A_188, %get3A_189, %get3A_190] : memref<56x128x256xf32, #tpu.memory_space<vmem>>, vector<8x128x256xf32>
      %broadcast_in_dim3A_192 = vector.shape_cast %get3A_74 : vector<128x256xf32> to vector<1x128x256xf32>
      %mul3A_193 = vector.broadcast %broadcast_in_dim3A_192 : vector<1x128x256xf32> to vector<8x128x256xf32>
      %mul3A_194 = arith.mulf %get3A_191, %mul3A_193 : vector<8x128x256xf32>
      %reduce_sum3A_195 = arith.constant dense<0.000000e+00> : vector<8x256xf32>
      %reduce_sum3A_196 = vector.multi_reduction <add>, %mul3A_194, %reduce_sum3A_195 [1] : vector<8x128x256xf32> to vector<8x256xf32>
      %swap3A_197 = arith.constant 0 : index
      %swap3A_198 = arith.constant 48 : index
      %swap3A_199 = arith.constant 0 : index
      %swap3A_200 = vector.load %arg14[%swap3A_197, %swap3A_198, %swap3A_199] : memref<5x56x256xf32, #tpu.memory_space<vmem>>, vector<1x8x256xf32>
      %swap3A_201 = vector.shape_cast %swap3A_200 : vector<1x8x256xf32> to vector<8x256xf32>
      %swap3A_202 = vector.shape_cast %reduce_sum3A_196 : vector<8x256xf32> to vector<1x8x256xf32>
      tpu.vector_store %arg14[%swap3A_197, %swap3A_198, %swap3A_199], %swap3A_202 {strides = array<i32>} : memref<5x56x256xf32, #tpu.memory_space<vmem>>, vector<1x8x256xf32>,
      %broadcast_in_dim3A_203 = vector.shape_cast %get3A_80 : vector<128x256xf32> to vector<1x128x256xf32>
      %mul3A_204 = vector.broadcast %broadcast_in_dim3A_203 : vector<1x128x256xf32> to vector<8x128x256xf32>
      %mul3A_205 = arith.mulf %get3A_191, %mul3A_204 : vector<8x128x256xf32>
      %reduce_sum3A_206 = arith.constant dense<0.000000e+00> : vector<8x256xf32>
      %reduce_sum3A_207 = vector.multi_reduction <add>, %mul3A_205, %reduce_sum3A_206 [1] : vector<8x128x256xf32> to vector<8x256xf32>
      %swap3A_208 = arith.constant 1 : index
      %swap3A_209 = arith.constant 48 : index
      %swap3A_210 = arith.constant 0 : index
      %swap3A_211 = vector.load %arg14[%swap3A_208, %swap3A_209, %swap3A_210] : memref<5x56x256xf32, #tpu.memory_space<vmem>>, vector<1x8x256xf32>
      %swap3A_212 = vector.shape_cast %swap3A_211 : vector<1x8x256xf32> to vector<8x256xf32>
      %swap3A_213 = vector.shape_cast %reduce_sum3A_207 : vector<8x256xf32> to vector<1x8x256xf32>
      tpu.vector_store %arg14[%swap3A_208, %swap3A_209, %swap3A_210], %swap3A_213 {strides = array<i32>} : memref<5x56x256xf32, #tpu.memory_space<vmem>>, vector<1x8x256xf32>,
      %broadcast_in_dim3A_214 = vector.shape_cast %get3A_86 : vector<128x256xf32> to vector<1x128x256xf32>
      %mul3A_215 = vector.broadcast %broadcast_in_dim3A_214 : vector<1x128x256xf32> to vector<8x128x256xf32>
      %mul3A_216 = arith.mulf %get3A_191, %mul3A_215 : vector<8x128x256xf32>
      %reduce_sum3A_217 = arith.constant dense<0.000000e+00> : vector<8x256xf32>
      %reduce_sum3A_218 = vector.multi_reduction <add>, %mul3A_216, %reduce_sum3A_217 [1] : vector<8x128x256xf32> to vector<8x256xf32>
      %swap3A_219 = arith.constant 2 : index
      %swap3A_220 = arith.constant 48 : index
      %swap3A_221 = arith.constant 0 : index
      %swap3A_222 = vector.load %arg14[%swap3A_219, %swap3A_220, %swap3A_221] : memref<5x56x256xf32, #tpu.memory_space<vmem>>, vector<1x8x256xf32>
      %swap3A_223 = vector.shape_cast %swap3A_222 : vector<1x8x256xf32> to vector<8x256xf32>
      %swap3A_224 = vector.shape_cast %reduce_sum3A_218 : vector<8x256xf32> to vector<1x8x256xf32>
      tpu.vector_store %arg14[%swap3A_219, %swap3A_220, %swap3A_221], %swap3A_224 {strides = array<i32>} : memref<5x56x256xf32, #tpu.memory_space<vmem>>, vector<1x8x256xf32>,
      %broadcast_in_dim3A_225 = vector.shape_cast %get3A_92 : vector<128x256xf32> to vector<1x128x256xf32>
      %mul3A_226 = vector.broadcast %broadcast_in_dim3A_225 : vector<1x128x256xf32> to vector<8x128x256xf32>
      %mul3A_227 = arith.mulf %get3A_191, %mul3A_226 : vector<8x128x256xf32>
      %reduce_sum3A_228 = arith.constant dense<0.000000e+00> : vector<8x256xf32>
      %reduce_sum3A_229 = vector.multi_reduction <add>, %mul3A_227, %reduce_sum3A_228 [1] : vector<8x128x256xf32> to vector<8x256xf32>
      %swap3A_230 = arith.constant 3 : index
      %swap3A_231 = arith.constant 48 : index
      %swap3A_232 = arith.constant 0 : index
      %swap3A_233 = vector.load %arg14[%swap3A_230, %swap3A_231, %swap3A_232] : memref<5x56x256xf32, #tpu.memory_space<vmem>>, vector<1x8x256xf32>
      %swap3A_234 = vector.shape_cast %swap3A_233 : vector<1x8x256xf32> to vector<8x256xf32>
      %swap3A_235 = vector.shape_cast %reduce_sum3A_229 : vector<8x256xf32> to vector<1x8x256xf32>
      tpu.vector_store %arg14[%swap3A_230, %swap3A_231, %swap3A_232], %swap3A_235 {strides = array<i32>} : memref<5x56x256xf32, #tpu.memory_space<vmem>>, vector<1x8x256xf32>,
      %broadcast_in_dim3A_236 = vector.shape_cast %get3A_98 : vector<128x256xf32> to vector<1x128x256xf32>
      %mul3A_237 = vector.broadcast %broadcast_in_dim3A_236 : vector<1x128x256xf32> to vector<8x128x256xf32>
      %mul3A_238 = arith.mulf %get3A_191, %mul3A_237 : vector<8x128x256xf32>
      %reduce_sum3A_239 = arith.constant dense<0.000000e+00> : vector<8x256xf32>
      %reduce_sum3A_240 = vector.multi_reduction <add>, %mul3A_238, %reduce_sum3A_239 [1] : vector<8x128x256xf32> to vector<8x256xf32>
      %swap3A_241 = arith.constant 4 : index
      %swap3A_242 = arith.constant 48 : index
      %swap3A_243 = arith.constant 0 : index
      %swap3A_244 = vector.load %arg14[%swap3A_241, %swap3A_242, %swap3A_243] : memref<5x56x256xf32, #tpu.memory_space<vmem>>, vector<1x8x256xf32>
      %swap3A_245 = vector.shape_cast %swap3A_244 : vector<1x8x256xf32> to vector<8x256xf32>
      %swap3A_246 = vector.shape_cast %reduce_sum3A_240 : vector<8x256xf32> to vector<1x8x256xf32>
      tpu.vector_store %arg14[%swap3A_241, %swap3A_242, %swap3A_243], %swap3A_246 {strides = array<i32>} : memref<5x56x256xf32, #tpu.memory_space<vmem>>, vector<1x8x256xf32>,
    } else {
    }
    %iota3A = tpu.iota {dimensions = array<i32: 0>} : vector<56x256xi32>
    %le3A = vector.broadcast %arg0 : i32 to vector<56x256xi32>
    %le3A_133 = arith.cmpi sle, %iota3A, %le3A : vector<56x256xi32>
    %get3A_134 = arith.constant 0 : index
    %get3A_135 = arith.constant 0 : index
    %get3A_136 = vector.load %arg13[%get3A_134, %get3A_135] : memref<56x256xf32, #tpu.memory_space<vmem>>, vector<56x256xf32>
    %jit3A = arith.constant 0.000000e+00 : f32
    %broadcast_in_dim3A_137 = vector.broadcast %jit3A : f32 to vector<56x256xf32>
    %select_n3A = arith.select %le3A_133, %get3A_136, %broadcast_in_dim3A_137 : vector<56x256xi1>, vector<56x256xf32>
    %broadcast_in_dim3A_138 = vector.shape_cast %le3A_133 : vector<56x256xi1> to vector<1x56x256xi1>
    %get3A_139 = arith.constant 0 : index
    %get3A_140 = arith.constant 0 : index
    %get3A_141 = arith.constant 0 : index
    %get3A_142 = vector.load %arg14[%get3A_139, %get3A_140, %get3A_141] : memref<5x56x256xf32, #tpu.memory_space<vmem>>, vector<5x56x256xf32>
    %jit3A_143 = arith.constant -1.000000e+30 : f32
    %broadcast_in_dim3A_144 = vector.shape_cast %broadcast_in_dim3A_138 : vector<1x56x256xi1> to vector<1x56x256xi1>
    %broadcast_in_dim3A_145 = vector.broadcast %broadcast_in_dim3A_144 : vector<1x56x256xi1> to vector<5x56x256xi1>
    %broadcast_in_dim3A_146 = vector.broadcast %jit3A_143 : f32 to vector<5x56x256xf32>
    %select_n3A_147 = arith.select %broadcast_in_dim3A_145, %get3A_142, %broadcast_in_dim3A_146 : vector<5x56x256xi1>, vector<5x56x256xf32>
    %reduce_max3A = arith.constant dense<0xFF800000> : vector<256xf32>
    %reduce_max3A_148 = vector.multi_reduction <maximumf>, %select_n3A_147, %reduce_max3A [0, 1] : vector<5x56x256xf32> to vector<256xf32>
    %broadcast_in_dim3A_149 = vector.shape_cast %reduce_max3A_148 : vector<256xf32> to vector<1x1x256xf32>
    %sub3A = vector.broadcast %broadcast_in_dim3A_149 : vector<1x1x256xf32> to vector<5x56x256xf32>
    %sub3A_150 = arith.subf %select_n3A_147, %sub3A : vector<5x56x256xf32>
    %exp3A = math.exp %sub3A_150 : vector<5x56x256xf32>
    %reduce_sum3A_151 = arith.constant dense<0.000000e+00> : vector<256xf32>
    %reduce_sum3A_152 = vector.multi_reduction <add>, %exp3A, %reduce_sum3A_151 [0, 1] : vector<5x56x256xf32> to vector<256xf32>
    %broadcast_in_dim3A_153 = vector.shape_cast %reduce_sum3A_152 : vector<256xf32> to vector<1x1x256xf32>
    %div3A = vector.broadcast %broadcast_in_dim3A_153 : vector<1x1x256xf32> to vector<5x56x256xf32>
    %div3A_154 = arith.divf %exp3A, %div3A : vector<5x56x256xf32>
    %get3A_155 = arith.constant 0 : index
    %get3A_156 = arith.constant 0 : index
    %get3A_157 = arith.constant 0 : index
    %get3A_158 = vector.load %arg3[%get3A_155, %get3A_156, %get3A_157] : memref<1x5x256xf32, #tpu.memory_space<vmem>>, vector<1x5x256xf32>
    %get3A_159 = vector.shape_cast %get3A_158 : vector<1x5x256xf32> to vector<5x256xf32>
    %broadcast_in_dim3A_160 = vector.shape_cast %get3A_159 : vector<5x256xf32> to vector<5x1x256xf32>
    %broadcast_in_dim3A_161 = vector.shape_cast %select_n3A : vector<56x256xf32> to vector<1x56x256xf32>
    %add3A_162 = vector.broadcast %broadcast_in_dim3A_160 : vector<5x1x256xf32> to vector<5x56x256xf32>
    %add3A_163 = vector.broadcast %broadcast_in_dim3A_161 : vector<1x56x256xf32> to vector<5x56x256xf32>
    %add3A_164 = arith.addf %add3A_162, %add3A_163 : vector<5x56x256xf32>
    %get3A_165 = arith.constant 0 : index
    %get3A_166 = arith.constant 0 : index
    %get3A_167 = arith.constant 0 : index
    %get3A_168 = vector.load %arg4[%get3A_165, %get3A_166, %get3A_167] : memref<1x1x256xf32, #tpu.memory_space<vmem>>, vector<1x1x256xf32>
    %get3A_169 = vector.shape_cast %get3A_168 : vector<1x1x256xf32> to vector<1x256xf32>
    %broadcast_in_dim3A_170 = vector.shape_cast %get3A_169 : vector<1x256xf32> to vector<1x1x256xf32>
    %add3A_171 = vector.broadcast %broadcast_in_dim3A_170 : vector<1x1x256xf32> to vector<5x56x256xf32>
    %add3A_172 = arith.addf %add3A_164, %add3A_171 : vector<5x56x256xf32>
    %logistic3A_173 = arith.negf %add3A_172 : vector<5x56x256xf32>
    %logistic3A_174 = math.exp %logistic3A_173 : vector<5x56x256xf32>
    %logistic3A_175 = arith.constant 1.000000e+00 : f32
    %logistic3A_176 = vector.broadcast %logistic3A_175 : f32 to vector<5x56x256xf32>
    %logistic3A_177 = arith.addf %logistic3A_176, %logistic3A_174 : vector<5x56x256xf32>
    %logistic3A_178 = arith.divf %logistic3A_176, %logistic3A_177 : vector<5x56x256xf32>
    %mul3A_179 = arith.mulf %div3A_154, %logistic3A_178 : vector<5x56x256xf32>
    %reduce_sum3A_180 = arith.constant dense<0.000000e+00> : vector<256xf32>
    %reduce_sum3A_181 = vector.multi_reduction <add>, %mul3A_179, %reduce_sum3A_180 [0, 1] : vector<5x56x256xf32> to vector<256xf32>
    %broadcast_in_dim3A_182 = vector.shape_cast %reduce_sum3A_181 : vector<256xf32> to vector<1x256xf32>
    %add3A_183 = arith.constant 1 : i32
    %add3A_184 = arith.addi %arg0, %add3A_183 : i32
    %swap3A_185 = arith.index_cast %add3A_184 : i32 to index
    %swap3A_186 = arith.constant 0 : index
    %swap3A_187 = vector.load %arg9[%swap3A_185, %swap3A_186] : memref<50x256xf32, #tpu.memory_space<vmem>>, vector<1x256xf32>
    tpu.vector_store %arg9[%swap3A_185, %swap3A_186], %broadcast_in_dim3A_182 {strides = array<i32>} : memref<50x256xf32, #tpu.memory_space<vmem>>, vector<1x256xf32>,
    return
  }
  func.func @transform_0(%arg0: i32) -> (i32, i32, i32) {
    %c0_i32 = arith.constant 0 : i32
    %c0_i32_0 = arith.constant 0 : i32
    %c0_i32_1 = arith.constant 0 : i32
    return %arg0, %c0_i32, %c0_i32_0 : i32, i32, i32
  }
  func.func @transform_1(%arg0: i32) -> (i32, i32, i32, i32) {
    %add3A = arith.constant 1 : i32
    %add3A_0 = arith.addi %arg0, %add3A : i32
    %c0_i32 = arith.constant 0 : i32
    %c0_i32_1 = arith.constant 0 : i32
    %c0_i32_2 = arith.constant 0 : i32
    %c0_i32_3 = arith.constant 0 : i32
    return %add3A_0, %c0_i32, %c0_i32_1, %c0_i32_2 : i32, i32, i32, i32
  }
  func.func @transform_2(%arg0: i32) -> (i32, i32, i32) {
    %add3A = arith.constant 1 : i32
    %add3A_0 = arith.addi %arg0, %add3A : i32
    %c0_i32 = arith.constant 0 : i32
    %c0_i32_1 = arith.constant 0 : i32
    %c0_i32_2 = arith.constant 0 : i32
    return %add3A_0, %c0_i32, %c0_i32_1 : i32, i32, i32
  }
  func.func @transform_3(%arg0: i32) -> (i32, i32, i32) {
    %add3A = arith.constant 1 : i32
    %add3A_0 = arith.addi %arg0, %add3A : i32
    %c0_i32 = arith.constant 0 : i32
    %c0_i32_1 = arith.constant 0 : i32
    %c0_i32_2 = arith.constant 0 : i32
    return %add3A_0, %c0_i32, %c0_i32_1 : i32, i32, i32
  }
  func.func @transform_4(%arg0: i32) -> (i32, i32) {
    %c0_i32 = arith.constant 0 : i32
    %c0_i32_0 = arith.constant 0 : i32
    %c0_i32_1 = arith.constant 0 : i32
    return %c0_i32, %c0_i32_0 : i32, i32
  }
  func.func @transform_5(%arg0: i32) -> (i32, i32) {
    %c0_i32 = arith.constant 0 : i32
    %c0_i32_0 = arith.constant 0 : i32
    %c0_i32_1 = arith.constant 0 : i32
    return %c0_i32, %c0_i32_0 : i32, i32
  }
  func.func @transform_6(%arg0: i32) -> (i32, i32) {
    %c0_i32 = arith.constant 0 : i32
    %c0_i32_0 = arith.constant 0 : i32
    %c0_i32_1 = arith.constant 0 : i32
    return %c0_i32, %c0_i32_0 : i32, i32
  }
  func.func @transform_7(%arg0: i32) -> (i32, i32) {
    %c0_i32 = arith.constant 0 : i32
    %c0_i32_0 = arith.constant 0 : i32
    %c0_i32_1 = arith.constant 0 : i32
    return %c0_i32, %c0_i32_0 : i32, i32
  }
  func.func @transform_8(%arg0: i32) -> (i32, i32) {
    %c0_i32 = arith.constant 0 : i32
    %c0_i32_0 = arith.constant 0 : i32
    %c0_i32_1 = arith.constant 0 : i32
    return %c0_i32, %c0_i32_0 : i32, i32
  }
}

</mosaic_0001>

<sc_bundles>
// kernel: kernel.7.cloned.1.call-start
scs
__scs_entry_jumppad:
0x0: {  	(pc) =	sbr.rel $0x88, $3  }
0x1: {  	(tag) =	ssettag $0x0;
	lr =	simm.s32 $0x1  }
0x2: {  	[smem:$0x3F88] =	sst lr;
	_ =	strace $0xD0000000  }
0x3: {  	_ = 	snop  }
0x4: {  	_ = 	snop  }
0x5: {  	_ = 	snop  }
0x6: {  	_ = 	snop  }
0x7: {  	_ = 	snop  }
__scs_overlays_trampoline_lowered:
0x8: {  	[smem:$0x3F97] =	sst s0  }
0x9: {  	[smem:$0x3F98] =	sst s1  }
0xa: {  	[smem:$0x3F99] =	sst s2  }
0xb: {  	[smem:$0x3F9A] =	sst s3  }
0xc: {  	[smem:$0x3F9B] =	sst s4  }
0xd: {  	[smem:$0x3F9C] =	sst s5  }
0xe: {  	[smem:$0x3F9D] =	sst s6  }
0xf: {  	[smem:$0x3F9E] =	sst s7  }
0x10: {  	[smem:$0x3F9F] =	sst s8  }
0x11: {  	[smem:$0x3FA0] =	sst s9;
	s0 =	simm.s32 @!p0 $0x0  }
0x12: {  	s1 =	sld [smem:$0x3F86];
	s0 =	simm.s32 @p0 $0x1  }
0x13: {  	[smem:$0x3FA1] =	sst s0;
	s0 =	simm.s32 @!p1 $0x0  }
0x14: {  	s2 =	sld [smem:$0x3F85];
	s0 =	simm.s32 @p1 $0x1  }
0x15: {  	[smem:$0x3FA2] =	sst s0;
	s0 =	simm.s32 @!p2 $0x0  }
0x16: {  	s3 =	sld [smem:$0x3FDB];
	s0 =	simm.s32 @p2 $0x1  }
0x17: {  	s4 =	simm.s32 $0x1BF5;
	[smem:$0x3FA4] =	sst s0  }
0x18: {  	s0 =	sld [smem:$0x3F87];
	_ =	swait.ge [sflag:s4], $0x0  }
0x19: {  	s7 =	sld [smem:$0x3F88]  }
0x1a: {  	s8 =	sadd.s32 $0xFFFFE003, lr  }
0x1b: {  	s9 =	sadd.s32 $0xFFFFFEF7, lr;
	s5 =	simm.s32 $0xFFFFFFFF;
	p2 =	slt.u32 s8, $0xFFFFF086  }
0x1c: {  	p1 =	slt.u32 s9, $0xF7A;
	s5 =	simm.s32 @!p2 $0x0  }
0x1d: {  	s5 =	simm.s32 @p1 $0x1;
	p0 =	seq.s32 s7, s2  }
0x1e: {  	s7 =	smul.u32 @!p0 $0xF7A, s2;
	p2 =	seq.s32 @!p0 s5, $0x0  }
0x1f: {  	s9 =	smul.u32 $0xF7A, s1;
	s8 =	simm.s32 @!p0 $0x1BF5;
	p2 =	por !p2, p0  }
0x20: {  	[sflag:s8] =	ssyncset.s32 @!p0 $0xFFFFF086;
	s6 =	sadd.s32 @!p0 s3, s7;
	s7 =	simm.s32 @!p0 $0x108  }
0x21: {  	s3 =	sadd.s32 s3, s9;
	s6 =	sadd.s32 @!p0 $0x88, s6;
	s7 =	simm.s32 @p2 $0x1082  }
0x22: {  	[simem:s7], [sflag:s8] =	dma.local @!p0 [hbm:s6], $0xF7A  }
0x23: {  	s9 =	sor.u32 $0xD0000000, s2;
	s6 =	simm.s32 $0x108;
	_ =	swait.ge @!p0 [sflag:s8], $0x0  }
0x24: {  	s3 =	sadd.s32 $0x88, s3;
	s6 =	simm.s32 @!p1 $0x1082;
	[sflag:s4] =	ssyncset.s32 $0xFFFFF086  }
0x25: {  	[simem:s6], [sflag:s4] =	dma.local [hbm:s3], $0xF7A  }
0x26: {  	[smem:$0x3F88] =	sst s1;
	(tag) =	ssettag s2;
	_ =	strace s9  }
0x27: {  	s1 =	sld [smem:$0x3F98]  }
0x28: {  	s2 =	sld [smem:$0x3F99]  }
0x29: {  	s4 =	sld [smem:$0x3F9B]  }
0x2a: {  	p0 =	seq.s32 s5, $0x0;
	s5 =	sld [smem:$0x3F9C]  }
0x2b: {  	s6 =	sld [smem:$0x3F9D]  }
0x2c: {  	s7 =	sld [smem:$0x3F9E]  }
0x2d: {  	s3 =	simm.s32 $0x108;
	s8 =	sld [smem:$0x3F9F]  }
0x2e: {  	s3 =	simm.s32 @!p0 $0x1082;
	s9 =	sld [smem:$0x3FA0]  }
0x2f: {  	lr =	sadd.s32 s0, s3;
	s0 =	sld [smem:$0x3F97]  }
0x30: {  	s3 =	sld [smem:$0x3F9A]  }
0x31: {  	[smem:$0x3FA3] =	sst s10  }
0x32: {  	s10 =	sld [smem:$0x3FA1];
	_ =	sdelay $0x3  }
0x33: {  	p0 =	seq.s32 s10, $0x1;
	s10 =	sld [smem:$0x3FA3];
	_ =	sdelay $0x3  }
0x34: {  	[smem:$0x3FA3] =	sst s10  }
0x35: {  	s10 =	sld [smem:$0x3FA2];
	_ =	sdelay $0x3  }
0x36: {  	p1 =	seq.s32 s10, $0x1;
	s10 =	sld [smem:$0x3FA3];
	_ =	sdelay $0x3  }
0x37: {  	[smem:$0x3FA3] =	sst s10  }
0x38: {  	s10 =	sld [smem:$0x3FA4]  }
0x39: {  	_ = 	snop;
	(pc) =	sbr.ind lr, $3  }
0x3a: {  	_ = 	snop  }
0x3b: {  	_ = 	snop  }
0x3c: {  	p2 =	seq.s32 s10, $0x1;
	s10 =	sld [smem:$0x3FA3]  }
0x3d: {  	_ =	shalt  }
0x3e: {  	_ =	shalt  }
0x3f: {  	_ =	shalt  }
0x40: {  	_ =	shalt  }
0x41: {  	_ =	shalt  }
0x42: {  	_ =	shalt  }
0x43: {  	_ =	shalt  }
0x44: {  	_ =	shalt  }
0x45: {  	_ =	shalt  }
0x46: {  	_ =	shalt  }
0x47: {  	_ =	shalt  }
0x48: {  	_ =	shalt  }
0x49: {  	_ =	shalt  }
0x4a: {  	_ =	shalt  }
0x4b: {  	_ =	shalt  }
0x4c: {  	_ =	shalt  }
0x4d: {  	_ =	shalt  }
0x4e: {  	_ =	shalt  }
0x4f: {  	_ =	shalt  }
0x50: {  	_ =	shalt  }
0x51: {  	_ =	shalt  }
0x52: {  	_ =	shalt  }
0x53: {  	_ =	shalt  }
0x54: {  	_ =	shalt  }
0x55: {  	_ =	shalt  }
0x56: {  	_ =	shalt  }
0x57: {  	_ =	shalt  }
0x58: {  	_ =	shalt  }
0x59: {  	_ =	shalt  }
0x5a: {  	_ =	shalt  }
0x5b: {  	_ =	shalt  }
0x5c: {  	_ =	shalt  }
0x5d: {  	_ =	shalt  }
0x5e: {  	_ =	shalt  }
0x5f: {  	_ =	shalt  }
0x60: {  	_ =	shalt  }
0x61: {  	_ =	shalt  }
0x62: {  	_ =	shalt  }
0x63: {  	_ =	shalt  }
0x64: {  	_ =	shalt  }
0x65: {  	_ =	shalt  }
0x66: {  	_ =	shalt  }
0x67: {  	_ =	shalt  }
0x68: {  	_ =	shalt  }
0x69: {  	_ =	shalt  }
0x6a: {  	_ =	shalt  }
0x6b: {  	_ =	shalt  }
0x6c: {  	_ =	shalt  }
0x6d: {  	_ =	shalt  }
0x6e: {  	_ =	shalt  }
0x6f: {  	_ =	shalt  }
0x70: {  	_ =	shalt  }
0x71: {  	_ =	shalt  }
0x72: {  	_ =	shalt  }
0x73: {  	_ =	shalt  }
0x74: {  	_ =	shalt  }
0x75: {  	_ =	shalt  }
0x76: {  	_ =	shalt  }
0x77: {  	_ =	shalt  }
0x78: {  	_ =	shalt  }
0x79: {  	_ =	shalt  }
0x7a: {  	_ =	shalt  }
0x7b: {  	_ =	shalt  }
0x7c: {  	_ =	shalt  }
0x7d: {  	_ =	shalt  }
0x7e: {  	_ =	shalt  }
0x7f: {  	_ =	shalt  }
0x80: {  	_ =	shalt  }
0x81: {  	_ =	shalt  }
0x82: {  	_ =	shalt  }
0x83: {  	_ =	shalt  }
0x84: {  	_ =	shalt  }
0x85: {  	_ =	shalt  }
0x86: {  	_ =	shalt  }
0x87: {  	_ =	shalt  }
.Lfunc_end0:
.L_simem_size_0:
called_computation_lowered:
.L_overlay_start_0:
0x88: {  	s2 =	sld [smem:$0x3FD9]  }
0x89: {  	s3 =	sld [smem:$0x3FFE];
	_ =	sdelay $0x1  }
0x8a: {  	s1 =	srdreg.scid  }
0x8b: {  	s0 =	sand.u32 $0x1, s1  }
0x8c: {  	s17 =	sshll.u32 s0, $0xA;
	s2 =	sadd.s32 s3, s2  }
0x8d: {  	s2 =	sadd.s32 s2, s17  }
0x8e: {  	[smem:$0x3FAF] =	sst s2  }
0x8f: {  	_ = 	snop  }
0x90: {  	s2 =	sld [smem:$0x3FD0];
	(tm) =	ssettm $0x1  }
0x91: {  	s18 =	sld [smem:$0x3FFB];
	_ =	sdelay $0x3  }
0x92: {  	_ =	strace s18  }
0x93: {  	s3 =	sld [smem:$0x3FFC];
	_ =	sdelay $0x3  }
0x94: {  	_ =	strace s3  }
0x95: {  	s3 =	sld [smem:$0x3FFD];
	_ =	sdelay $0x3  }
0x96: {  	_ =	strace s3  }
0x97: {  	_ =	strace $0x8FFFFFFF  }
0x98: {  	s19 =	sld [smem:$0x3FDB];
	_ =	sdelay $0x1  }
0x99: {  	s4 =	simm.s32 $_scs_section_size  }
0x9a: {  	s5 =	simm.s32 $_size__tile_overlayer_lowered;
	s6 =	simm.s32 $_tile_overlayer_lowered  }
0x9b: {  	s22 =	simm.s32 $0x1BFF;
	s21 =	sshll.u32 s6, $0x1;
	s3 =	sadd.s32 s4, s19  }
0x9c: {  	s7 =	simm.s32 $0x0;
	s20 =	sshll.u32 s5, $0x1;
	s5 =	sadd.s32 s21, s3  }
0x9d: {  	[timem:s7], [sflag:s22] =	dma.local [hbm:s5], s20  }
0x9e: {  	_ =	swait.ge [sflag:s22], s20  }
0x9f: {  	s4 =	ssub.s32 $0x0, s20;
	[sflag:s22] =	ssyncset.done $0x0  }
0xa0: {  	[sflag:s22] =	ssyncadd.s32 s4;
	_ =	sdelay $0x1  }
0xa1: {  	s23 =	simm.s32 $0x1B8B  }
0xa2: {  	_ =	swait.ge [sflag:s23], $0x1  }
0xa3: {  	[sflag:s23] =	ssyncset.done $0x0  }
0xa4: {  	s25 =	simm.s32 $0x1B8E;
	s24 =	sld [smem:$0x3FFE];
	[sflag:s23] =	ssyncadd.s32 $0xFFFFFFFF  }
0xa5: {  	s26 =	simm.s32 $execute0_lowered;
	[smem:$0x3FD2] =	sst s25  }
0xa6: {  	s5 =	sshll.u32 s26, $0x1;
	_ =	strace $0x80000046;
	[dreg:$0x1] =	wrdreg $0xFFFFFFFF  }
0xa7: {  	s28 =	simm.s32 $_size_execute0_lowered;
	s3 =	sadd.s32 s3, s5;
	[dreg:$0x0] =	wrdreg $0x0  }
0xa8: {  	s5 =	sshll.u32 s28, $0x1;
	[dreg:$0x2] =	wrdreg s3  }
0xa9: {  	[dreg:$0x3] =	wrdreg s5  }
0xaa: {  	[dreg:$0x4] =	wrdreg $0xC0  }
0xab: {  	_ =	task [dreg:s7], $0x5FFFF  }
0xac: {  	[dreg:$0x1] =	wrdreg $0xFFFFFFFF  }
0xad: {  	[dreg:$0x0] =	wrdreg $0x60  }
0xae: {  	[dreg:$0x2] =	wrdreg s24  }
0xaf: {  	[dreg:$0x3] =	wrdreg s2  }
0xb0: {  	[dreg:$0x4] =	wrdreg $0x9  }
0xb1: {  	_ =	task.clear_ibuf [dreg:s7], $0x5FFFF;
	_ =	strace $0x90000046  }
0xb2: {  	s29 =	simm.s32 $0x9;
	_ =	strace $0x80000048  }
0xb3: {  	_ =	swait.ge [sflag:s29], $0x1  }
0xb4: {  	[sflag:s29] =	ssyncadd.s32 $0xFFFFFFFF  }
0xb5: {  	_ =	strace $0x90000048  }
0xb6: {  	_ =	sfence  }
0xb7: {  	s30 =	sld [smem:$0x0];
	_ =	sdelay $0x2  }
0xb8: {  	s31 =	sshll.u32 s1, $0xD;
	s1 =	sshrl.u32 s1, $0x2  }
0xb9: {  	s3 =	sand.u32 $0x4000, s31;
	s1 =	sadd.s32 s1, s30  }
0xba: {  	s0 =	sor.u32 s3, s0;
	s1 =	sshll.u32 s1, $0x11  }
0xbb: {  	s0 =	sor.u32 s1, s0  }
0xbc: {  	s0 =	sadd.s32 $0x8F2B, s0  }
0xbd: {  	[sflag:s0] =	ssyncadd.remote.s32 $0x1  }
0xbe: {  	_ =	sfence.sel $0xFFFF  }
0xbf: {  	[dreg:$0x0] =	wrdreg $0xFFFFFFFF;
	(pc) =	sbr.abs _section_cstart, $3  }
0xc0: {  	[dreg:$0x1] =	wrdreg $0xFFFFFFFF  }
0xc1: {  	_ =	task.clear_ibuf [dreg:s7], $0x2FFFF;
	_ =	strace $0x9FFFFFFF  }
0xc2: {  	(tm) =	ssettm $0x7FFFFFFF  }
0xc3: {  	_ =	shalt  }
tec
execute0_lowered:
.L_overlay_start_1:
0x0: {  	(tag) =	ssettag $0x1  }
0x1: {  	s1 =	rddreg [dreg:$0x0];
	s2 =	srdreg.scid  }
0x2: {  	s0 =	stileid.u32;
	s3 =	rddreg [dreg:$0x1]  }
0x3: {  	s28 =	simm.s32 $0xFF8;
	s29 =	simm.s32 $0x100;
	s30 =	simm.s32 $0x3  }
0x4: {  	s31 =	simm.s32 $0x1;
	s6 =	sand.u32 $0x1, s2;
	s4 =	sshll.u32 s0, $0x1  }
0x5: {  	s2 =	simm.s32 $0x0;
	s5 =	sadd.s32 $0xE000, s1;
	s7 =	sor.u32 s6, s4  }
0x6: {  	[smem:$0x7FF] =	sst s2;
	s6 =	ssub.s32 $0x2, s6;
	s4 =	smul.u32 $0x190, s7  }
0x7: {  	_ =	strace $0x80000047;
	s8 =	sshll.u32 s7, $0x5;
	[dreg:$0x3] =	wrdreg s5  }
0x8: {  	s13 =	smul.u32 $0xC800, s7;
	s5 =	sadd.s32 $0x9C00, s1;
	s25 =	sshrl.u32 s6, $0x1  }
0x9: {  	s7 =	sshll.u32 s7, $0xC;
	s10 =	sadd.s32 s8, s1;
	s6 =	ssub.s32 s6, s25  }
0xa: {  	s8 =	simm.s32 $0x1A300;
	s4 =	sshrl.u32 s4, $0x3;
	s12 =	sadd.s32 $0xDC00, s10  }
0xb: {  	s3 =	sadd.s32 s3, s4;
	s11 =	sadd.s32 s4, s1;
	[dreg:$0x5] =	wrdreg s12  }
0xc: {  	s25 =	simm.s32 $0xCD8;
	[dreg:$0x4] =	wrdreg s3;
	s14 =	sadd.s32 $0xFA00, s11  }
0xd: {  	s6 =	smax.u32 s6, $0x1;
	s15 =	sadd.s32 $0x10040, s11;
	[dreg:$0x6] =	wrdreg s14  }
0xe: {  	s4 =	sshrl.u32 s13, $0x3;
	s16 =	sadd.s32 $0x10680, s11;
	[dreg:$0x7] =	wrdreg s15  }
0xf: {  	s12 =	simm.s32 $0x400;
	s17 =	sadd.s32 $0x10CC0, s11;
	[dreg:$0x8] =	wrdreg s16  }
0x10: {  	s9 =	sadd.s32 s4, s1;
	s24 =	sadd.s32 $0x31400, s11;
	[dreg:$0x9] =	wrdreg s17  }
0x11: {  	s13 =	simm.s32 $0xA80;
	s18 =	sadd.s32 $0x18A600, s9;
	[dreg:$0x12] =	wrdreg s24  }
0x12: {  	s3 =	sadd.s32 $0x3A00, s1;
	s19 =	sadd.s32 $0x18B280, s9;
	[dreg:$0xa] =	wrdreg s18  }
0x13: {  	s11 =	simm.s32 $0x1100;
	s4 =	sadd.s32 $0x1BC600, s9;
	[dreg:$0xb] =	wrdreg s19  }
0x14: {  	s20 =	sadd.s32 $0x1BD280, s9;
	s10 =	sadd.s32 $0x1EE600, s9;
	[dreg:$0xc] =	wrdreg s4  }
0x15: {  	s21 =	sadd.s32 $0x1EF280, s9;
	s22 =	sadd.s32 $0x220600, s9;
	[dreg:$0xd] =	wrdreg s20  }
0x16: {  	s23 =	sadd.s32 $0x221280, s9;
	s26 =	sadd.s32 $0x31C00, s9;
	[dreg:$0xe] =	wrdreg s10  }
0x17: {  	s9 =	simm.s32 $0x190;
	s14 =	simm.s32 $0x590;
	[dreg:$0xf] =	wrdreg s21  }
0x18: {  	s15 =	simm.s32 $0xC10;
	s16 =	simm.s32 $0x720;
	[dreg:$0x10] =	wrdreg s22  }
0x19: {  	s17 =	simm.s32 $0xDA0;
	s24 =	simm.s32 $0x13F00;
	[dreg:$0x11] =	wrdreg s23  }
0x1a: {  	s4 =	sadd.s32 $0xC7000, s1;
	s1 =	sadd.s32 s7, s1;
	[dreg:$0x13] =	wrdreg s26  }
0x1b: {  	s7 =	simm.s32 $0x5;
	s10 =	simm.s32 $0x1300;
	s18 =	simm.s32 $0x8B0  }
0x1c: {  	s19 =	simm.s32 $0xF30;
	s20 =	simm.s32 $0x4;
	s21 =	simm.s32 $0xC8  }
0x1d: {  	s22 =	simm.s32 $0xDB00;
	s23 =	simm.s32 $0xB48;
	s1 =	sadd.s32 $0x11400, s1  }
0x1e: {  	s26 =	simm.s32 $0xE68;
	[dreg:$0x14] =	wrdreg s1;
	s1 =	simm.s32 $0x2  }
.LBB2_1:
0x1f: {  	s0 =	rddreg [dreg:$0x4]  }
0x20: {  	[tilespmem:s2], [sflag:$0x5] =	stream.linear.gather [hbm4b:s0+s2], $0x190, $0x38;
	[tilespmem:$0x1A400] =	vst v63  }
0x21: {  	_ =	swait.ge [sflag:s7], $0x190  }
0x22: {  	[sflag:s7] =	ssyncset.done $0x0  }
0x23: {  	s0 =	rddreg [dreg:$0x5];
	[sflag:s7] =	ssyncadd.s32 $0xFFFFFE70  }
0x24: {  	[tilespmem:s8], [sflag:$0x5] =	stream.linear.gather [hbm4b:s0+s2], $0x100, $0x38;
	[tilespmem:$0x1A400] =	vst v63  }
0x25: {  	_ =	swait.ge [sflag:s7], $0x100  }
0x26: {  	[sflag:s7] =	ssyncset.done $0x0  }
0x27: {  	[sflag:s7] =	ssyncadd.s32 $0xFFFFFF00  }
0x28: {  	[tilespmem:s10], [sflag:$0x1] =	stream.indirect.gather [hbm4b:s4+s9], $0x80, s2, s9, $0xb8;
	[tilespmem:$0x1A400] =	vst v63  }
0x29: {  	s0 =	rddreg [dreg:$0x3]  }
0x2a: {  	[tilespmem:s11], [sflag:$0x3] =	stream.indirect.gather [hbm4b:s0+s9], $0x1, s2, s9, $0xb8;
	[tilespmem:$0x1A400] =	vst v63  }
0x2b: {  	v0 =	vld [tilespmem:$0x10]  }
0x2c: {  	v1 =	vld [tilespmem:$0x20]  }
0x2d: {  	v2 =	vld [tilespmem:$0x30]  }
0x2e: {  	v3 =	vld [tilespmem:$0x40]  }
0x2f: {  	v4 =	vld [tilespmem:$0x50]  }
0x30: {  	v5 =	vld [tilespmem:$0x60];
	v0 =	vshll.u32 v0, $0x2  }
0x31: {  	v24 =	vld [tilespmem:$0x70];
	v23 =	vshll.u32 v1, $0x2;
	[tilespmem:$0x210] =	vst v0  }
0x32: {  	v26 =	vld [tilespmem:$0x80];
	v25 =	vshll.u32 v2, $0x2;
	[tilespmem:$0x220] =	vst v23  }
0x33: {  	v28 =	vld [tilespmem:$0x90];
	v27 =	vshll.u32 v3, $0x2;
	[tilespmem:$0x230] =	vst v25  }
0x34: {  	v30 =	vld [tilespmem:$0xA0];
	v29 =	vshll.u32 v4, $0x2;
	[tilespmem:$0x240] =	vst v27  }
0x35: {  	v32 =	vld [tilespmem:$0xB0];
	v31 =	vshll.u32 v5, $0x2;
	[tilespmem:$0x250] =	vst v29  }
0x36: {  	v34 =	vld [tilespmem:$0xC0];
	v33 =	vshll.u32 v24, $0x2;
	[tilespmem:$0x260] =	vst v31  }
0x37: {  	v36 =	vld [tilespmem:$0xD0];
	v35 =	vshll.u32 v26, $0x2;
	[tilespmem:$0x270] =	vst v33  }
0x38: {  	v38 =	vld [tilespmem:$0xE0];
	v37 =	vshll.u32 v28, $0x2;
	[tilespmem:$0x280] =	vst v35  }
0x39: {  	v40 =	vld [tilespmem:$0xF0];
	v39 =	vshll.u32 v30, $0x2;
	[tilespmem:$0x290] =	vst v37  }
0x3a: {  	v42 =	vld [tilespmem:$0x100];
	v41 =	vshll.u32 v32, $0x2;
	[tilespmem:$0x2A0] =	vst v39  }
0x3b: {  	v44 =	vld [tilespmem:$0x110];
	v43 =	vshll.u32 v34, $0x2;
	[tilespmem:$0x2B0] =	vst v41  }
0x3c: {  	v46 =	vld [tilespmem:$0x120];
	v45 =	vshll.u32 v36, $0x2;
	[tilespmem:$0x2C0] =	vst v43  }
0x3d: {  	v48 =	vld [tilespmem:$0x130];
	v47 =	vshll.u32 v38, $0x2;
	[tilespmem:$0x2D0] =	vst v45  }
0x3e: {  	v51 =	vld [tilespmem:$0x140];
	v4 =	vshll.u32 v40, $0x2;
	[tilespmem:$0x2E0] =	vst v47  }
0x3f: {  	v54 =	vld [tilespmem:$0x160];
	v50 =	vshll.u32 v42, $0x2;
	[tilespmem:$0x2F0] =	vst v4  }
0x40: {  	v56 =	vld [tilespmem:$0x170];
	v1 =	vshll.u32 v44, $0x2;
	[tilespmem:$0x300] =	vst v50  }
0x41: {  	v49 =	vld [tilespmem:$0x0];
	v53 =	vshll.u32 v46, $0x2;
	[tilespmem:$0x310] =	vst v1  }
0x42: {  	v52 =	vld [tilespmem:$0x150];
	v55 =	vshll.u32 v48, $0x2;
	[tilespmem:$0x320] =	vst v53  }
0x43: {  	v57 =	vld [tilespmem:$0x180];
	v5 =	vshll.u32 v51, $0x2;
	[tilespmem:$0x330] =	vst v55  }
0x44: {  	v2 =	vshll.u32 v54, $0x2;
	[tilespmem:$0x340] =	vst v5  }
0x45: {  	v60 =	vshll.u32 v56, $0x2;
	[tilespmem:$0x360] =	vst v2;
	v58 =	vld [tilespmem:$0x210]  }
0x46: {  	v0 =	vshll.u32 v49, $0x2;
	[tilespmem:$0x370] =	vst v60;
	v59 =	vld [tilespmem:$0x220]  }
0x47: {  	v4 =	vshll.u32 v52, $0x2;
	[tilespmem:$0x200] =	vst v0;
	v61 =	vld [tilespmem:$0x230]  }
0x48: {  	v1 =	vshll.u32 v57, $0x2;
	[tilespmem:$0x350] =	vst v4;
	v62 =	vld [tilespmem:$0x240]  }
0x49: {  	[tilespmem:$0x380] =	vst v1;
	v63 =	vld [tilespmem:$0x250]  }
0x4a: {  	[tilespmem:$0x400] =	vst v0;
	v8 =	vld [tilespmem:$0x260]  }
0x4b: {  	v9 =	vld [tilespmem:$0x270];
	[tilespmem:$0x410] =	vst v58  }
0x4c: {  	v10 =	vld [tilespmem:$0x280];
	[tilespmem:$0x420] =	vst v59  }
0x4d: {  	v11 =	vld [tilespmem:$0x290];
	[tilespmem:$0x430] =	vst v61  }
0x4e: {  	v12 =	vld [tilespmem:$0x2A0];
	[tilespmem:$0x440] =	vst v62  }
0x4f: {  	v13 =	vld [tilespmem:$0x2B0];
	[tilespmem:$0x450] =	vst v63  }
0x50: {  	v14 =	vld [tilespmem:$0x2C0];
	[tilespmem:$0x460] =	vst v8  }
0x51: {  	v15 =	vld [tilespmem:$0x2D0];
	[tilespmem:$0x470] =	vst v9  }
0x52: {  	v16 =	vld [tilespmem:$0x2E0];
	[tilespmem:$0x480] =	vst v10  }
0x53: {  	v17 =	vld [tilespmem:$0x2F0];
	[tilespmem:$0x490] =	vst v11  }
0x54: {  	v18 =	vld [tilespmem:$0x300];
	[tilespmem:$0x4A0] =	vst v12  }
0x55: {  	v19 =	vld [tilespmem:$0x310];
	[tilespmem:$0x4B0] =	vst v13  }
0x56: {  	v20 =	vld [tilespmem:$0x320];
	[tilespmem:$0x4C0] =	vst v14  }
0x57: {  	v21 =	vld [tilespmem:$0x330];
	[tilespmem:$0x4D0] =	vst v15  }
0x58: {  	v22 =	vld [tilespmem:$0x340];
	[tilespmem:$0x4E0] =	vst v16  }
0x59: {  	v24 =	vld [tilespmem:$0x360];
	[tilespmem:$0x4F0] =	vst v17  }
0x5a: {  	v25 =	vld [tilespmem:$0x370];
	[tilespmem:$0x500] =	vst v18  }
0x5b: {  	v28 =	vld [tilespmem:$0x210];
	[tilespmem:$0x510] =	vst v19  }
0x5c: {  	v23 =	vld [tilespmem:$0x350];
	[tilespmem:$0x520] =	vst v20  }
0x5d: {  	v26 =	vld [tilespmem:$0x380];
	[tilespmem:$0x530] =	vst v21  }
0x5e: {  	v29 =	vld [tilespmem:$0x220];
	[tilespmem:$0x540] =	vst v22  }
0x5f: {  	v30 =	vld [tilespmem:$0x230];
	[tilespmem:$0x560] =	vst v24  }
0x60: {  	v31 =	vld [tilespmem:$0x240];
	[tilespmem:$0x570] =	vst v25  }
0x61: {  	v33 =	vld [tilespmem:$0x250];
	[tilespmem:$0x550] =	vst v23  }
0x62: {  	v35 =	vld [tilespmem:$0x260];
	v34 =	vadd.s32 $0x1, v28;
	[tilespmem:$0x580] =	vst v26  }
0x63: {  	v37 =	vld [tilespmem:$0x270];
	v36 =	vadd.s32 $0x1, v29;
	[tilespmem:$0x5A0] =	vst v34  }
0x64: {  	v39 =	vld [tilespmem:$0x280];
	v38 =	vadd.s32 $0x1, v30;
	[tilespmem:$0x5B0] =	vst v36  }
0x65: {  	v41 =	vld [tilespmem:$0x290];
	v40 =	vadd.s32 $0x1, v31;
	[tilespmem:$0x5C0] =	vst v38  }
0x66: {  	v43 =	vld [tilespmem:$0x2A0];
	v42 =	vadd.s32 $0x1, v33;
	[tilespmem:$0x5D0] =	vst v40  }
0x67: {  	v45 =	vld [tilespmem:$0x2B0];
	v44 =	vadd.s32 $0x1, v35;
	[tilespmem:$0x5E0] =	vst v42  }
0x68: {  	v47 =	vld [tilespmem:$0x2C0];
	v46 =	vadd.s32 $0x1, v37;
	[tilespmem:$0x5F0] =	vst v44  }
0x69: {  	v49 =	vld [tilespmem:$0x2D0];
	v48 =	vadd.s32 $0x1, v39;
	[tilespmem:$0x600] =	vst v46  }
0x6a: {  	v51 =	vld [tilespmem:$0x2E0];
	v50 =	vadd.s32 $0x1, v41;
	[tilespmem:$0x610] =	vst v48  }
0x6b: {  	v53 =	vld [tilespmem:$0x2F0];
	v52 =	vadd.s32 $0x1, v43;
	[tilespmem:$0x620] =	vst v50  }
0x6c: {  	v55 =	vld [tilespmem:$0x300];
	v54 =	vadd.s32 $0x1, v45;
	[tilespmem:$0x630] =	vst v52  }
0x6d: {  	v57 =	vld [tilespmem:$0x310];
	v56 =	vadd.s32 $0x1, v47;
	[tilespmem:$0x640] =	vst v54  }
0x6e: {  	v27 =	vld [tilespmem:$0x200];
	v58 =	vadd.s32 $0x1, v49;
	[tilespmem:$0x650] =	vst v56  }
0x6f: {  	v59 =	vld [tilespmem:$0x320];
	v60 =	vadd.s32 $0x1, v51;
	[tilespmem:$0x660] =	vst v58  }
0x70: {  	v61 =	vld [tilespmem:$0x330];
	v62 =	vadd.s32 $0x1, v53;
	[tilespmem:$0x670] =	vst v60  }
0x71: {  	v63 =	vld [tilespmem:$0x340];
	v8 =	vadd.s32 $0x1, v55;
	[tilespmem:$0x680] =	vst v62  }
0x72: {  	v9 =	vld [tilespmem:$0x350];
	v10 =	vadd.s32 $0x1, v57;
	[tilespmem:$0x690] =	vst v8  }
0x73: {  	v11 =	vld [tilespmem:$0x360];
	v32 =	vadd.s32 $0x1, v27;
	[tilespmem:$0x6A0] =	vst v10  }
0x74: {  	v13 =	vld [tilespmem:$0x370];
	[tilespmem:$0x590] =	vst v32;
	v12 =	vadd.s32 $0x1, v59  }
0x75: {  	v15 =	vld [tilespmem:$0x380];
	v14 =	vadd.s32 $0x1, v61;
	[tilespmem:$0x6B0] =	vst v12  }
0x76: {  	v17 =	vld [tilespmem:$0x200];
	v16 =	vadd.s32 $0x1, v63;
	[tilespmem:$0x6C0] =	vst v14  }
0x77: {  	v19 =	vld [tilespmem:$0x210];
	v18 =	vadd.s32 $0x1, v9;
	[tilespmem:$0x6D0] =	vst v16  }
0x78: {  	v21 =	vld [tilespmem:$0x220];
	v20 =	vadd.s32 $0x1, v11;
	[tilespmem:$0x6E0] =	vst v18  }
0x79: {  	v25 =	vld [tilespmem:$0x240];
	v22 =	vadd.s32 $0x1, v13;
	[tilespmem:$0x6F0] =	vst v20  }
0x7a: {  	v29 =	vld [tilespmem:$0x260];
	v24 =	vadd.s32 $0x1, v15;
	[tilespmem:$0x700] =	vst v22  }
0x7b: {  	v31 =	vld [tilespmem:$0x270];
	v26 =	vadd.s32 $0x2, v17;
	[tilespmem:$0x710] =	vst v24  }
0x7c: {  	v33 =	vld [tilespmem:$0x280];
	v28 =	vadd.s32 $0x2, v19;
	[tilespmem:$0x720] =	vst v26  }
0x7d: {  	v35 =	vld [tilespmem:$0x290];
	v30 =	vadd.s32 $0x2, v21;
	[tilespmem:$0x730] =	vst v28  }
0x7e: {  	v37 =	vld [tilespmem:$0x2A0];
	v34 =	vadd.s32 $0x2, v25;
	[tilespmem:$0x740] =	vst v30  }
0x7f: {  	v39 =	vld [tilespmem:$0x2B0];
	v38 =	vadd.s32 $0x2, v29;
	[tilespmem:$0x760] =	vst v34  }
0x80: {  	v41 =	vld [tilespmem:$0x2C0];
	v40 =	vadd.s32 $0x2, v31;
	[tilespmem:$0x780] =	vst v38  }
0x81: {  	v43 =	vld [tilespmem:$0x2D0];
	v42 =	vadd.s32 $0x2, v33;
	[tilespmem:$0x790] =	vst v40  }
0x82: {  	v45 =	vld [tilespmem:$0x2E0];
	v44 =	vadd.s32 $0x2, v35;
	[tilespmem:$0x7A0] =	vst v42  }
0x83: {  	v47 =	vld [tilespmem:$0x2F0];
	v46 =	vadd.s32 $0x2, v37;
	[tilespmem:$0x7B0] =	vst v44  }
0x84: {  	v49 =	vld [tilespmem:$0x300];
	v48 =	vadd.s32 $0x2, v39;
	[tilespmem:$0x7C0] =	vst v46  }
0x85: {  	v51 =	vld [tilespmem:$0x310];
	v50 =	vadd.s32 $0x2, v41;
	[tilespmem:$0x7D0] =	vst v48  }
0x86: {  	v53 =	vld [tilespmem:$0x320];
	v52 =	vadd.s32 $0x2, v43;
	[tilespmem:$0x7E0] =	vst v50  }
0x87: {  	v55 =	vld [tilespmem:$0x330];
	v54 =	vadd.s32 $0x2, v45;
	[tilespmem:$0x7F0] =	vst v52  }
0x88: {  	v57 =	vld [tilespmem:$0x340];
	v56 =	vadd.s32 $0x2, v47;
	[tilespmem:$0x800] =	vst v54  }
0x89: {  	v23 =	vld [tilespmem:$0x230];
	v58 =	vadd.s32 $0x2, v49;
	[tilespmem:$0x810] =	vst v56  }
0x8a: {  	v27 =	vld [tilespmem:$0x250];
	v60 =	vadd.s32 $0x2, v51;
	[tilespmem:$0x820] =	vst v58  }
0x8b: {  	v8 =	vld [tilespmem:$0x380];
	v62 =	vadd.s32 $0x2, v53;
	[tilespmem:$0x830] =	vst v60  }
0x8c: {  	v10 =	vld [tilespmem:$0x200];
	v7 =	vadd.s32 $0x2, v55;
	[tilespmem:$0x840] =	vst v62  }
0x8d: {  	v59 =	vld [tilespmem:$0x350];
	v9 =	vadd.s32 $0x2, v57;
	[tilespmem:$0x850] =	vst v7  }
0x8e: {  	v61 =	vld [tilespmem:$0x360];
	v32 =	vadd.s32 $0x2, v23;
	[tilespmem:$0x860] =	vst v9  }
0x8f: {  	v63 =	vld [tilespmem:$0x370];
	v36 =	vadd.s32 $0x2, v27;
	[tilespmem:$0x750] =	vst v32  }
0x90: {  	v12 =	vld [tilespmem:$0x210];
	v17 =	vadd.s32 $0x2, v8;
	[tilespmem:$0x770] =	vst v36  }
0x91: {  	v14 =	vld [tilespmem:$0x220];
	v19 =	vadd.s32 $0x3, v10;
	[tilespmem:$0x8A0] =	vst v17  }
0x92: {  	v16 =	vld [tilespmem:$0x230];
	[tilespmem:$0x8B0] =	vst v19;
	v11 =	vadd.s32 $0x2, v59  }
0x93: {  	v18 =	vld [tilespmem:$0x240];
	v13 =	vadd.s32 $0x2, v61;
	[tilespmem:$0x870] =	vst v11  }
0x94: {  	v20 =	vld [tilespmem:$0x250];
	v15 =	vadd.s32 $0x2, v63;
	[tilespmem:$0x880] =	vst v13  }
0x95: {  	v22 =	vld [tilespmem:$0x260];
	[tilespmem:$0x890] =	vst v15;
	v21 =	vadd.s32 $0x3, v12  }
0x96: {  	v24 =	vld [tilespmem:$0x270];
	v23 =	vadd.s32 $0x3, v14;
	[tilespmem:$0x8C0] =	vst v21  }
0x97: {  	v26 =	vld [tilespmem:$0x280];
	v25 =	vadd.s32 $0x3, v16;
	[tilespmem:$0x8D0] =	vst v23  }
0x98: {  	v28 =	vld [tilespmem:$0x290];
	v27 =	vadd.s32 $0x3, v18;
	[tilespmem:$0x8E0] =	vst v25  }
0x99: {  	v30 =	vld [tilespmem:$0x2A0];
	v29 =	vadd.s32 $0x3, v20;
	[tilespmem:$0x8F0] =	vst v27  }
0x9a: {  	v34 =	vld [tilespmem:$0x2C0];
	v31 =	vadd.s32 $0x3, v22;
	[tilespmem:$0x900] =	vst v29  }
0x9b: {  	v38 =	vld [tilespmem:$0x2E0];
	v33 =	vadd.s32 $0x3, v24;
	[tilespmem:$0x910] =	vst v31  }
0x9c: {  	v40 =	vld [tilespmem:$0x2F0];
	v35 =	vadd.s32 $0x3, v26;
	[tilespmem:$0x920] =	vst v33  }
0x9d: {  	v42 =	vld [tilespmem:$0x300];
	v37 =	vadd.s32 $0x3, v28;
	[tilespmem:$0x930] =	vst v35  }
0x9e: {  	v44 =	vld [tilespmem:$0x310];
	v39 =	vadd.s32 $0x3, v30;
	[tilespmem:$0x940] =	vst v37  }
0x9f: {  	v46 =	vld [tilespmem:$0x320];
	v43 =	vadd.s32 $0x3, v34;
	[tilespmem:$0x950] =	vst v39  }
0xa0: {  	v48 =	vld [tilespmem:$0x330];
	v47 =	vadd.s32 $0x3, v38;
	[tilespmem:$0x970] =	vst v43  }
0xa1: {  	v50 =	vld [tilespmem:$0x340];
	v49 =	vadd.s32 $0x3, v40;
	[tilespmem:$0x990] =	vst v47  }
0xa2: {  	v52 =	vld [tilespmem:$0x350];
	v51 =	vadd.s32 $0x3, v42;
	[tilespmem:$0x9A0] =	vst v49  }
0xa3: {  	v54 =	vld [tilespmem:$0x360];
	v53 =	vadd.s32 $0x3, v44;
	[tilespmem:$0x9B0] =	vst v51  }
0xa4: {  	v56 =	vld [tilespmem:$0x370];
	v55 =	vadd.s32 $0x3, v46;
	[tilespmem:$0x9C0] =	vst v53  }
0xa5: {  	v58 =	vld [tilespmem:$0x380];
	v57 =	vadd.s32 $0x3, v48;
	[tilespmem:$0x9D0] =	vst v55  }
0xa6: {  	v32 =	vld [tilespmem:$0x2B0];
	v59 =	vadd.s32 $0x3, v50;
	[tilespmem:$0x9E0] =	vst v57  }
0xa7: {  	v36 =	vld [tilespmem:$0x2D0];
	v60 =	vadd.s32 $0x3, v52;
	[tilespmem:$0x9F0] =	vst v59  }
0xa8: {  	v61 =	vadd.s32 $0x3, v54;
	[tilespmem:$0xA00] =	vst v60  }
0xa9: {  	v62 =	vadd.s32 $0x3, v56;
	[tilespmem:$0xA10] =	vst v61  }
0xaa: {  	v63 =	vadd.s32 $0x3, v58;
	[tilespmem:$0xA20] =	vst v62  }
0xab: {  	v41 =	vadd.s32 $0x3, v32;
	[tilespmem:$0xA30] =	vst v63  }
0xac: {  	v45 =	vadd.s32 $0x3, v36;
	[tilespmem:$0x960] =	vst v41  }
0xad: {  	[tilespmem:$0x980] =	vst v45  }
0xae: {  	[tilespmem:s13], [sflag:$0x4] =	stream.indirect.gather [hbm4b:s3+s9], $0x1, s12, s9, $0xb8;
	[tilespmem:$0x1A400] =	vst v63  }
0xaf: {  	_ = 	snop  }
0xb0: {  	[tilespmem:s15], [sflag:$0x4] =	stream.indirect.gather [hbm4b:s3+s9], $0x1, s14, s9, $0xb8;
	[tilespmem:$0x1A400] =	vst v63  }
0xb1: {  	_ = 	snop  }
0xb2: {  	[tilespmem:s17], [sflag:$0x4] =	stream.indirect.gather [hbm4b:s3+s9], $0x1, s16, s9, $0xb8;
	[tilespmem:$0x1A400] =	vst v63  }
0xb3: {  	_ = 	snop  }
0xb4: {  	[tilespmem:s19], [sflag:$0x4] =	stream.indirect.gather [hbm4b:s3+s9], $0x1, s18, s9, $0xb8;
	[tilespmem:$0x1A400] =	vst v63  }
0xb5: {  	_ =	swait.ge [sflag:s20], $0x190  }
0xb6: {  	[sflag:s20] =	ssyncset.done $0x0  }
0xb7: {  	s0 =	rddreg [dreg:$0x6];
	[sflag:s20] =	ssyncadd.s32 $0xFFFFFE70  }
0xb8: {  	[hbm4b:s0+s2] =	stream.linear.scatter [tilespmem:s13], [sflag:$0x5], $0x190, $0x38;
	[tilespmem:$0x1A400] =	vst v63  }
0xb9: {  	_ =	swait.ge [sflag:s7], $0x190  }
0xba: {  	[sflag:s7] =	ssyncset.done $0x0  }
0xbb: {  	[sflag:s7] =	ssyncadd.s32 $0xFFFFFE70  }
0xbc: {  	_ =	swait.ge [sflag:s20], $0x190  }
0xbd: {  	[sflag:s20] =	ssyncset.done $0x0  }
0xbe: {  	s0 =	rddreg [dreg:$0x7];
	[sflag:s20] =	ssyncadd.s32 $0xFFFFFE70  }
0xbf: {  	[hbm4b:s0+s2] =	stream.linear.scatter [tilespmem:s15], [sflag:$0x5], $0x190, $0x38;
	[tilespmem:$0x1A400] =	vst v63  }
0xc0: {  	_ =	swait.ge [sflag:s7], $0x190  }
0xc1: {  	[sflag:s7] =	ssyncset.done $0x0  }
0xc2: {  	[sflag:s7] =	ssyncadd.s32 $0xFFFFFE70  }
0xc3: {  	_ =	swait.ge [sflag:s20], $0x190  }
0xc4: {  	[sflag:s20] =	ssyncset.done $0x0  }
0xc5: {  	s0 =	rddreg [dreg:$0x8];
	[sflag:s20] =	ssyncadd.s32 $0xFFFFFE70  }
0xc6: {  	[hbm4b:s0+s2] =	stream.linear.scatter [tilespmem:s17], [sflag:$0x5], $0x190, $0x38;
	[tilespmem:$0x1A400] =	vst v63  }
0xc7: {  	_ =	swait.ge [sflag:s7], $0x190  }
0xc8: {  	[sflag:s7] =	ssyncset.done $0x0  }
0xc9: {  	[sflag:s7] =	ssyncadd.s32 $0xFFFFFE70  }
0xca: {  	_ =	swait.ge [sflag:s20], $0x190  }
0xcb: {  	[sflag:s20] =	ssyncset.done $0x0  }
0xcc: {  	s0 =	rddreg [dreg:$0x9];
	[sflag:s20] =	ssyncadd.s32 $0xFFFFFE70  }
0xcd: {  	[hbm4b:s0+s2] =	stream.linear.scatter [tilespmem:s19], [sflag:$0x5], $0x190, $0x38;
	[tilespmem:$0x1A400] =	vst v63  }
0xce: {  	_ =	swait.ge [sflag:s7], $0x190  }
0xcf: {  	[sflag:s7] =	ssyncset.done $0x0  }
0xd0: {  	[sflag:s7] =	ssyncadd.s32 $0xFFFFFE70  }
0xd1: {  	[tilespmem:s22], [sflag:$0x4] =	stream.indirect.gather [hbm4b:s5+s21], $0x80, s13, s21, $0xb8;
	[tilespmem:$0x1A400] =	vst v63  }
0xd2: {  	_ = 	snop  }
0xd3: {  	[tilespmem:s24], [sflag:$0x4] =	stream.indirect.gather [hbm4b:s5+s21], $0x80, s23, s21, $0xb8;
	[tilespmem:$0x1A400] =	vst v63  }
0xd4: {  	_ =	swait.ge [sflag:s20], $0x6400  }
0xd5: {  	[sflag:s20] =	ssyncset.done $0x0  }
0xd6: {  	s0 =	rddreg [dreg:$0xa];
	[sflag:s20] =	ssyncadd.s32 $0xFFFF9C00  }
0xd7: {  	[hbm4b:s0+s2] =	stream.linear.scatter [tilespmem:s22], [sflag:$0x5], $0x6400, $0x38;
	[tilespmem:$0x1A400] =	vst v63  }
0xd8: {  	_ =	swait.ge [sflag:s7], $0x6400  }
0xd9: {  	[sflag:s7] =	ssyncset.done $0x0  }
0xda: {  	[sflag:s7] =	ssyncadd.s32 $0xFFFF9C00  }
0xdb: {  	[tilespmem:s22], [sflag:$0x4] =	stream.indirect.gather [hbm4b:s5+s21], $0x80, s15, s21, $0xb8;
	[tilespmem:$0x1A400] =	vst v63  }
0xdc: {  	_ =	swait.ge [sflag:s20], $0x6400  }
0xdd: {  	[sflag:s20] =	ssyncset.done $0x0  }
0xde: {  	s0 =	rddreg [dreg:$0xb];
	[sflag:s20] =	ssyncadd.s32 $0xFFFF9C00  }
0xdf: {  	[hbm4b:s0+s2] =	stream.linear.scatter [tilespmem:s24], [sflag:$0x5], $0x6400, $0x38;
	[tilespmem:$0x1A400] =	vst v63  }
0xe0: {  	_ =	swait.ge [sflag:s7], $0x6400  }
0xe1: {  	[sflag:s7] =	ssyncset.done $0x0  }
0xe2: {  	[sflag:s7] =	ssyncadd.s32 $0xFFFF9C00  }
0xe3: {  	[tilespmem:s24], [sflag:$0x4] =	stream.indirect.gather [hbm4b:s5+s21], $0x80, s25, s21, $0xb8;
	[tilespmem:$0x1A400] =	vst v63  }
0xe4: {  	_ =	swait.ge [sflag:s20], $0x6400  }
0xe5: {  	[sflag:s20] =	ssyncset.done $0x0  }
0xe6: {  	s0 =	rddreg [dreg:$0xc];
	[sflag:s20] =	ssyncadd.s32 $0xFFFF9C00  }
0xe7: {  	[hbm4b:s0+s2] =	stream.linear.scatter [tilespmem:s22], [sflag:$0x5], $0x6400, $0x38;
	[tilespmem:$0x1A400] =	vst v63  }
0xe8: {  	_ =	swait.ge [sflag:s7], $0x6400  }
0xe9: {  	[sflag:s7] =	ssyncset.done $0x0  }
0xea: {  	[sflag:s7] =	ssyncadd.s32 $0xFFFF9C00  }
0xeb: {  	[tilespmem:s22], [sflag:$0x4] =	stream.indirect.gather [hbm4b:s5+s21], $0x80, s17, s21, $0xb8;
	[tilespmem:$0x1A400] =	vst v63  }
0xec: {  	_ =	swait.ge [sflag:s20], $0x6400  }
0xed: {  	[sflag:s20] =	ssyncset.done $0x0  }
0xee: {  	s0 =	rddreg [dreg:$0xd];
	[sflag:s20] =	ssyncadd.s32 $0xFFFF9C00  }
0xef: {  	[hbm4b:s0+s2] =	stream.linear.scatter [tilespmem:s24], [sflag:$0x5], $0x6400, $0x38;
	[tilespmem:$0x1A400] =	vst v63  }
0xf0: {  	_ =	swait.ge [sflag:s7], $0x6400  }
0xf1: {  	[sflag:s7] =	ssyncset.done $0x0  }
0xf2: {  	[sflag:s7] =	ssyncadd.s32 $0xFFFF9C00  }
0xf3: {  	[tilespmem:s24], [sflag:$0x4] =	stream.indirect.gather [hbm4b:s5+s21], $0x80, s26, s21, $0xb8;
	[tilespmem:$0x1A400] =	vst v63  }
0xf4: {  	_ =	swait.ge [sflag:s20], $0x6400  }
0xf5: {  	[sflag:s20] =	ssyncset.done $0x0  }
0xf6: {  	s0 =	rddreg [dreg:$0xe];
	[sflag:s20] =	ssyncadd.s32 $0xFFFF9C00  }
0xf7: {  	[hbm4b:s0+s2] =	stream.linear.scatter [tilespmem:s22], [sflag:$0x5], $0x6400, $0x38;
	[tilespmem:$0x1A400] =	vst v63  }
0xf8: {  	_ =	swait.ge [sflag:s7], $0x6400  }
0xf9: {  	[sflag:s7] =	ssyncset.done $0x0  }
0xfa: {  	[sflag:s7] =	ssyncadd.s32 $0xFFFF9C00  }
0xfb: {  	[tilespmem:s22], [sflag:$0x4] =	stream.indirect.gather [hbm4b:s5+s21], $0x80, s19, s21, $0xb8;
	[tilespmem:$0x1A400] =	vst v63  }
0xfc: {  	_ =	swait.ge [sflag:s20], $0x6400  }
0xfd: {  	[sflag:s20] =	ssyncset.done $0x0  }
0xfe: {  	s0 =	rddreg [dreg:$0xf];
	[sflag:s20] =	ssyncadd.s32 $0xFFFF9C00  }
0xff: {  	[hbm4b:s0+s2] =	stream.linear.scatter [tilespmem:s24], [sflag:$0x5], $0x6400, $0x38;
	[tilespmem:$0x1A400] =	vst v63  }
0x100: {  	_ =	swait.ge [sflag:s7], $0x6400  }
0x101: {  	[sflag:s7] =	ssyncset.done $0x0  }
0x102: {  	[sflag:s7] =	ssyncadd.s32 $0xFFFF9C00  }
0x103: {  	[tilespmem:s24], [sflag:$0x4] =	stream.indirect.gather [hbm4b:s5+s21], $0x80, s28, s21, $0xb8;
	[tilespmem:$0x1A400] =	vst v63  }
0x104: {  	_ =	swait.ge [sflag:s20], $0x6400  }
0x105: {  	[sflag:s20] =	ssyncset.done $0x0  }
0x106: {  	s0 =	rddreg [dreg:$0x10];
	[sflag:s20] =	ssyncadd.s32 $0xFFFF9C00  }
0x107: {  	[hbm4b:s0+s2] =	stream.linear.scatter [tilespmem:s22], [sflag:$0x5], $0x6400, $0x38;
	[tilespmem:$0x1A400] =	vst v63  }
0x108: {  	_ =	swait.ge [sflag:s7], $0x6400  }
0x109: {  	[sflag:s7] =	ssyncset.done $0x0  }
0x10a: {  	[sflag:s7] =	ssyncadd.s32 $0xFFFF9C00  }
0x10b: {  	_ =	swait.ge [sflag:s20], $0x6400  }
0x10c: {  	[sflag:s20] =	ssyncset.done $0x0  }
0x10d: {  	s0 =	rddreg [dreg:$0x11];
	[sflag:s20] =	ssyncadd.s32 $0xFFFF9C00  }
0x10e: {  	[hbm4b:s0+s2] =	stream.linear.scatter [tilespmem:s24], [sflag:$0x5], $0x6400, $0x38;
	[tilespmem:$0x1A400] =	vst v63  }
0x10f: {  	_ =	swait.ge [sflag:s7], $0x6400  }
0x110: {  	[sflag:s7] =	ssyncset.done $0x0  }
0x111: {  	[sflag:s7] =	ssyncadd.s32 $0xFFFF9C00  }
0x112: {  	[tilespmem:s22], [sflag:$0x2] =	stream.indirect.gather [hbm4b:s4+s29], $0x80, s8, s29, $0xb8;
	[tilespmem:$0x1A400] =	vst v63  }
0x113: {  	_ =	swait.ge [sflag:s30], $0x190  }
0x114: {  	[sflag:s30] =	ssyncset.done $0x0  }
0x115: {  	s0 =	rddreg [dreg:$0x12];
	[sflag:s30] =	ssyncadd.s32 $0xFFFFFE70  }
0x116: {  	[hbm4b:s0+s2] =	stream.linear.scatter [tilespmem:s11], [sflag:$0x5], $0x190, $0x38;
	[tilespmem:$0x1A400] =	vst v63  }
0x117: {  	_ =	swait.ge [sflag:s7], $0x190  }
0x118: {  	[sflag:s7] =	ssyncset.done $0x0  }
0x119: {  	[sflag:s7] =	ssyncadd.s32 $0xFFFFFE70  }
0x11a: {  	_ =	swait.ge [sflag:s31], $0xC800  }
0x11b: {  	[sflag:s31] =	ssyncset.done $0x0  }
0x11c: {  	s0 =	rddreg [dreg:$0x13];
	[sflag:s31] =	ssyncadd.s32 $0xFFFF3800  }
0x11d: {  	[hbm4b:s0+s2] =	stream.linear.scatter [tilespmem:s10], [sflag:$0x5], $0xC800, $0x38;
	[tilespmem:$0x1A400] =	vst v63  }
0x11e: {  	_ =	swait.ge [sflag:s7], $0xC800  }
0x11f: {  	[sflag:s7] =	ssyncset.done $0x0  }
0x120: {  	[sflag:s7] =	ssyncadd.s32 $0xFFFF3800  }
0x121: {  	_ =	swait.ge [sflag:s1], $0x8000  }
0x122: {  	p0 =	sne.s32 s6, $0x1;
	[sflag:s1] =	ssyncset.done $0x0  }
.Ltmp0:
0x123: {  	s0 =	rddreg [dreg:$0x14];
	[sflag:s1] =	ssyncadd.s32 $0xFFFF8000;
	(pc) =	sbr.rel @p0 .LBB2_1-.Ltmp0, $4  }
0x124: {  	[hbm4b:s0+s2] =	stream.linear.scatter [tilespmem:s22], [sflag:$0x5], $0x8000, $0x38;
	[tilespmem:$0x1A400] =	vst v63  }
0x125: {  	_ =	swait.ge [sflag:s7], $0x8000  }
0x126: {  	[sflag:s7] =	ssyncset.done $0x0  }
0x127: {  	s6 =	sadd.s32 $0xFFFFFFFF, s6;
	[sflag:s7] =	ssyncadd.s32 $0xFFFF8000  }
0x128: {  	_ =	sfence.sel $0x180000  }
0x129: {  	[bflag:$0x0] =	sbarrier.arrive $0xFFFF  }
0x12a: {  	_ =	strace $0x90000047  }
0x12b: {  	s0 =	stileid.u32;
	[bflag:$0x2] =	sbarrier.arrive $0xFFFF  }
0x12c: {  	p0 =	sne.s32 s0, $0x0;
	s0 =	rddreg [dreg:$0x2]  }
0x12d: {  	s0 =	sadd.s32 @!p0 $0x100000, s0  }
0x12e: {  	[sflag:s0] =	ssyncadd.tile.s32 @!p0 $0x1;
	_ =	shalt  }
.Lfunc_end2:
_tile_overlayer_lowered:
.L_overlay_start_2:
0x12f: {  	(tag) =	ssettag $0x2  }
0x130: {  	s0 =	rddreg [dreg:$0x0];
	s2 =	stileid.u32  }
0x131: {  	s1 =	rddreg [dreg:$0x1];
	p0 =	sne.s32 s2, $0x0  }
0x132: {  	s3 =	rddreg [dreg:$0x2];
	[bflag:$0x3] =	sbarrier.arrive $0xFFFF;
	s2 =	simm.s32 @!p0 $0x1C05  }
0x133: {  	[timem:s3], [sflag:s2] =	dma.local @!p0 [hbm:s0], s1  }
0x134: {  	s0 =	simm.s32 @!p0 $0x5  }
0x135: {  	_ =	swait.ge @!p0 [sflag:s0], s1  }
0x136: {  	s1 =	ssub.s32 @!p0 $0x0, s1;
	[sflag:s0] =	ssyncset.done @!p0 $0x0  }
0x137: {  	[sflag:s0] =	ssyncadd.s32 @!p0 s1  }
0x138: {  	[bflag:$0x3] =	sbarrier.arrive $0xFFFF  }
0x139: {  	_ =	shalt  }

</sc_bundles>
